<compile_context>
chip_gen: v7x
topology: tpu7x:2x2x1
jax: 0.10.2.dev20260603
libtpu: 0.0.44.dev20260713+nightly
codegen_flags: <defaults>
</compile_context>

<pallas_src>
import functools

import jax
import jax.numpy as jnp
from jax import lax
from jax.experimental import pallas as pl
from jax.experimental.pallas import tpu as pltpu
from jax.experimental.pallas import tpu_sc as plsc

_NC, _NS, _LANES = 2, 16, 16

_K = 32
_G = 4
_GK = _G * _K
_N = 10000
_CO = 128
_CW = _CO // 2

_NPW0 = 528
_NPW1 = 112
_NG0 = _NPW0 // _G
_NG1 = _NPW1 // _G
_N_OUT = _NS * (_NPW0 + _NPW1)
_SPLIT_G = _NS * _NG0
_NG_TOT = _SPLIT_G + _NS * _NG1
_N_IDX = _NG_TOT * _G


def _pack_rows(v):
    vb = v.astype(jnp.bfloat16)
    lo = lax.bitcast_convert_type(vb[:, :_CW], jnp.int16).astype(jnp.int32)
    hi = lax.bitcast_convert_type(vb[:, _CW:], jnp.int16).astype(jnp.int32)
    return lax.bitwise_or(lax.bitwise_and(lo, jnp.int32(0xFFFF)),
                          lax.shift_left(hi, 16))


def _table_matmul_kernel(x_ref, w_ref, b_ref, a_ref, bt_ref):
    xb = x_ref[...]
    w = w_ref[...]
    c = xb.shape[0]
    w1 = w[:, :c]
    w2 = w[:, c:]
    dn = (((0,), (1,)), ((), ()))
    a = lax.dot_general(xb, w1 - w2, dn, preferred_element_type=jnp.float32)
    bt = lax.dot_general(xb, w2, dn,
                         preferred_element_type=jnp.float32) + b_ref[...]
    a_ref[...] = _pack_rows(a)
    bt_ref[...] = _pack_rows(bt)


def _build_tables(xs, w, b2d):
    return pl.pallas_call(
        _table_matmul_kernel,
        out_shape=[
            jax.ShapeDtypeStruct((_N, _CW), jnp.int32),
            jax.ShapeDtypeStruct((_N, _CW), jnp.int32),
        ],
    )(xs, w, b2d)


def _sc_body(i1_hbm, i0_hbm, a_hbm, bt_hbm, out_hbm,
             i1_v, i0_v, ra, rb, ov, ta_sh, sa0, sa1, sb0, sb1):
    sid = lax.axis_index("s")
    cid = lax.axis_index("c")

    rpt = _N // _NS
    pltpu.sync_copy(a_hbm.at[pl.ds(sid * rpt, rpt)],
                    ta_sh.at[pl.ds(sid * rpt, rpt)])

    gb = jnp.where(cid == 0, sid * _NG0, _SPLIT_G + sid * _NG1)
    ng = jnp.where(cid == 0, _NG0, _NG1)

    @pl.when(cid == 0)
    def _stage_idx0():
        pltpu.sync_copy(i1_hbm.at[pl.ds(gb, _NG0)], i1_v)
        pltpu.sync_copy(i0_hbm.at[pl.ds(gb, _NG0)], i0_v)

    @pl.when(cid != 0)
    def _stage_idx1():
        pltpu.sync_copy(i1_hbm.at[pl.ds(gb, _NG1)], i1_v.at[pl.ds(0, _NG1)])
        pltpu.sync_copy(i0_hbm.at[pl.ds(gb, _NG1)], i0_v.at[pl.ds(0, _NG1)])

    plsc.subcore_barrier()

    sa = (sa0, sa1)
    sb = (sb0, sb1)

    def start(g, slot):
        pltpu.make_async_copy(ta_sh.at[i1_v.at[g]], ra.at[slot], sa[slot]).start()
        pltpu.make_async_copy(bt_hbm.at[i0_v.at[g]], rb.at[slot], sb[slot]).start()

    def wait(slot):
        pltpu.make_async_copy(a_hbm.at[i1_v.at[0]], ra.at[slot], sa[slot]).wait()
        pltpu.make_async_copy(bt_hbm.at[i0_v.at[0]], rb.at[slot], sb[slot]).wait()

    start(0, 0)
    start(1, 1)

    nb = gb * _G

    @pl.loop(0, ng, step=2)
    def _outer(g):
        for slot in range(2):
            gg = g + slot
            wait(slot)
            himask = jnp.int32(-65536)

            def unpack2(word):
                lo = plsc.bitcast(lax.shift_left(word, 16), jnp.float32)
                hi = plsc.bitcast(lax.bitwise_and(word, himask), jnp.float32)
                return lo, hi

            for gi in range(_G):
                r0 = gi * _K

                def kbody(k, accs, _slot=slot, _r0=r0):
                    row = _r0 + k
                    new = []
                    for ci in range(4):
                        a0, a1 = unpack2(ra[_slot, row, pl.ds(ci * 16, 16)])
                        b0, b1 = unpack2(rb[_slot, row, pl.ds(ci * 16, 16)])
                        new.append(jnp.maximum(accs[2 * ci], a0 + b0))
                        new.append(jnp.maximum(accs[2 * ci + 1], a1 + b1))
                    return tuple(new)

                init = tuple(jnp.full((16,), -jnp.inf, jnp.float32)
                             for _ in range(8))
                accs = lax.fori_loop(0, _K, kbody, init)
                half = jnp.int32(0x8000)
                for ci in range(4):
                    lo = jnp.maximum(accs[2 * ci], 0.0)
                    hi = jnp.maximum(accs[2 * ci + 1], 0.0)
                    lo_i = lax.shift_right_logical(
                        plsc.bitcast(lo, jnp.int32) + half, 16)
                    hi_i = lax.bitwise_and(
                        plsc.bitcast(hi, jnp.int32) + half, himask)
                    ov[gi, pl.ds(ci * 16, 16)] = lax.bitwise_or(lo_i, hi_i)
            pltpu.sync_copy(ov, out_hbm.at[pl.ds(nb + gg * _G, _G)])

            @pl.when(gg + 2 < ng)
            def _refill():
                start(gg + 2, slot)


def _edge_reduce(i1, i0, a_tab, bt_tab):
    mesh = plsc.VectorSubcoreMesh(core_axis_name="c", subcore_axis_name="s",
                                  num_cores=_NC, num_subcores=_NS)
    f = pl.kernel(
        _sc_body,
        out_type=jax.ShapeDtypeStruct((_N_OUT, _CW), jnp.int32),
        mesh=mesh,
        compiler_params=pltpu.CompilerParams(needs_layout_passes=False,
                                             use_tc_tiling_on_sc=False),
        scratch_types=[
            pltpu.VMEM((_NG0, _GK), jnp.int32),
            pltpu.VMEM((_NG0, _GK), jnp.int32),
            pltpu.VMEM((2, _GK, _CW), jnp.int32),
            pltpu.VMEM((2, _GK, _CW), jnp.int32),
            pltpu.VMEM((_G, _CW), jnp.int32),
            pltpu.VMEM_SHARED((_N, _CW), jnp.int32),
            pltpu.SemaphoreType.DMA,
            pltpu.SemaphoreType.DMA,
            pltpu.SemaphoreType.DMA,
            pltpu.SemaphoreType.DMA,
        ],
    )
    return f(i1, i0, a_tab, bt_tab)


def kernel(x, edge_index, W, b):
    n = x.shape[2]
    xs = x[0, :, :, 0]
    idx = edge_index.reshape(2, n, _K).astype(jnp.int32)
    idx = jnp.pad(idx, ((0, 0), (0, _N_IDX - n), (0, 0)))
    idxg = idx.reshape(2, _NG_TOT, _GK)
    b2d = b.reshape(1, _CO)

    a_tab, bt_tab = _build_tables(xs, W, b2d)
    out = _edge_reduce(idxg[1], idxg[0], a_tab, bt_tab)
    v = lax.bitcast_convert_type(out[:n], jnp.bfloat16)
    res = v.transpose(2, 1, 0).reshape(_CO, n)
    return res.astype(jnp.float32)[None, :, :, None]

# --- scband reference (transcript-rebuilt; emitter-appended) ---
"""Pipeline reference for scband-edge-conv2d-45320494907703 (READ-ONLY COPY).

The authoritative reference and input builder live on the scoring server;
editing this copy changes nothing except your own understanding.
"""

import jax, jax.numpy as jnp
import numpy as np

B, C, N, K = 1, 128, 10000, 32
C_OUT = 128

def batched_index_select(x, idx):
    # x: [B, C, Nv, 1], idx: [B, N, k] -> [B, C, N, k]
    Bx, Cx, Nv, _ = x.shape
    _, Nn, k = idx.shape
    xs = x[:, :, :, 0]  # [B, C, Nv]
    idx_e = idx.reshape(Bx, 1, Nn * k)
    idx_e = jnp.broadcast_to(idx_e, (Bx, Cx, Nn * k))
    feat = jnp.take_along_axis(xs, idx_e, axis=2)
    return feat.reshape(Bx, Cx, Nn, k)

def setup_inputs(seed: int = 0) -> dict:
    key = jax.random.key(seed)
    k1, k2, k3, k4 = jax.random.split(key, 4)
    x = jax.random.normal(k1, (B, C, N, 1), dtype=jnp.float32)
    edge_index = jax.random.randint(k2, (2, B, N, K), 0, N, dtype=jnp.int64)
    # BasicConv([2*C, C_OUT]) -> 1x1 Conv2d weight [C_OUT, 2*C], bias [C_OUT]
    W = jax.random.normal(k3, (C_OUT, 2 * C), dtype=jnp.float32) * (1.0 / np.sqrt(2 * C))
    b = jax.random.normal(k4, (C_OUT,), dtype=jnp.float32) * 0.01
    return {"x": x, "edge_index": edge_index, "W": W, "b": b}

def reference(x, edge_index, W, b):
    # EdgeConv2d.forward (y=None path)
    x_i = batched_index_select(x, edge_index[1])          # [B, C, N, k]
    x_j = batched_index_select(x, edge_index[0])          # [B, C, N, k]
    h = jnp.concatenate([x_i, x_j - x_i], axis=1)         # [B, 2C, N, k]
    # 1x1 Conv2d == channel matmul
    out = jnp.einsum('oc,bcnk->bonk', W, h) + b[None, :, None, None]
    out = jax.nn.relu(out)                                # act='relu', norm=None
    max_value = jnp.max(out, axis=-1, keepdims=True)      # [B, C_OUT, N, 1]
    return max_value

if __name__ == "__main__":
    import jax
    _d = setup_inputs()
    print(jax.jit(kernel)(*tuple(_d.values())))

</pallas_src>

<mosaic_0001>
#map = affine_map<(d0, d1) -> (0, 0)>
module attributes {stable_mosaic.version = 14 : i64} {
  func.func @_sc_body(%arg0: i32, %arg1: i32, %arg2: memref<2560x128xi32, #tpu.memory_space<hbm>>, %arg3: memref<2560x128xi32, #tpu.memory_space<hbm>>, %arg4: memref<10000x64xi32, #tpu.memory_space<hbm>>, %arg5: memref<10000x64xi32, #tpu.memory_space<hbm>>, %arg6: memref<10240x64xi32, #tpu.memory_space<hbm>>, %arg7: memref<132x128xi32, #tpu.memory_space<vmem>>, %arg8: memref<132x128xi32, #tpu.memory_space<vmem>>, %arg9: memref<2x128x64xi32, #tpu.memory_space<vmem>>, %arg10: memref<2x128x64xi32, #tpu.memory_space<vmem>>, %arg11: memref<4x64xi32, #tpu.memory_space<vmem>>, %arg12: memref<10000x64xi32, #tpu.memory_space<vmem_shared>>, %arg13: memref<!tpu.dma_semaphore, #tpu.memory_space<semaphore_mem>>, %arg14: memref<!tpu.dma_semaphore, #tpu.memory_space<semaphore_mem>>, %arg15: memref<!tpu.dma_semaphore, #tpu.memory_space<semaphore_mem>>, %arg16: memref<!tpu.dma_semaphore, #tpu.memory_space<semaphore_mem>>) attributes {dimension_semantics = [#tpu.dimension_semantics<core_parallel>, #tpu.dimension_semantics<subcore_parallel>], iteration_bounds = array<i64: 2, 16>, scalar_prefetch = 0 : i64, scratch_operands = 10 : i64, tpu.core_type = #tpu.core_type<sc_vector_subcore>, window_params = [{transform_indices = #map}, {transform_indices = #map}, {transform_indices = #map}, {transform_indices = #map}, {transform_indices = #map}]} {
    %mul3A = arith.constant 625 : i32
    %mul3A_0 = arith.muli %arg1, %mul3A : i32
    %mul3A_1 = arith.constant 625 : i32
    %mul3A_2 = arith.muli %arg1, %mul3A_1 : i32
    "tpu.region"() ({
      %run_scoped3A = tpu.sem_alloc : memref<!tpu.dma_semaphore, #tpu.memory_space<semaphore_mem>>
      %dma_start3A_85 = arith.constant 0 : i32
      %dma_start3A_86 = tpu.memref_slice %arg12[%mul3A_2, %dma_start3A_85] : memref<10000x64xi32, #tpu.memory_space<vmem_shared>> -> memref<625x64xi32, #tpu.memory_space<vmem_shared>>
      %dma_start3A_87 = arith.constant 0 : i32
      %dma_start3A_88 = tpu.memref_slice %arg4[%mul3A_0, %dma_start3A_87] : memref<10000x64xi32, #tpu.memory_space<hbm>> -> memref<625x64xi32, #tpu.memory_space<hbm>>
      tpu.enqueue_dma source(%dma_start3A_88 : memref<625x64xi32, #tpu.memory_space<hbm>>) target(%dma_start3A_86 : memref<625x64xi32, #tpu.memory_space<vmem_shared>>) target_semaphore(%run_scoped3A : memref<!tpu.dma_semaphore, #tpu.memory_space<semaphore_mem>>)
      %dma_wait3A = arith.constant 0 : i32
      %dma_wait3A_89 = tpu.memref_slice %arg12[%mul3A_2, %dma_wait3A] : memref<10000x64xi32, #tpu.memory_space<vmem_shared>> -> memref<625x64xi32, #tpu.memory_space<vmem_shared>>
      %dma_wait3A_90 = arith.constant 0 : i32
      %dma_wait3A_91 = tpu.memref_slice %arg4[%mul3A_0, %dma_wait3A_90] : memref<10000x64xi32, #tpu.memory_space<hbm>> -> memref<625x64xi32, #tpu.memory_space<hbm>>
      tpu.wait_dma2 semaphore(%run_scoped3A : memref<!tpu.dma_semaphore, #tpu.memory_space<semaphore_mem>>) src(%dma_wait3A_91 : memref<625x64xi32, #tpu.memory_space<hbm>>) dst(%dma_wait3A_89 : memref<625x64xi32, #tpu.memory_space<vmem_shared>>)
      tpu.yield
    }) : () -> ()
    %eq3A = arith.constant 0 : i32
    %eq3A_3 = arith.cmpi eq, %arg0, %eq3A : i32
    %mul3A_4 = arith.constant 132 : i32
    %mul3A_5 = arith.muli %arg1, %mul3A_4 : i32
    %mul3A_6 = arith.constant 28 : i32
    %mul3A_7 = arith.muli %arg1, %mul3A_6 : i32
    %add3A = arith.constant 2112 : i32
    %add3A_8 = arith.addi %add3A, %mul3A_7 : i32
    %select_n3A = arith.select %eq3A_3, %mul3A_5, %add3A_8 : i32
    %eq3A_9 = arith.constant 0 : i32
    %eq3A_10 = arith.cmpi eq, %arg0, %eq3A_9 : i32
    %jit3A = arith.constant 132 : i32
    %jit3A_11 = arith.constant 28 : i32
    %select_n3A_12 = arith.select %eq3A_10, %jit3A, %jit3A_11 : i32
    %eq3A_13 = arith.constant 0 : i32
    %eq3A_14 = arith.cmpi eq, %arg0, %eq3A_13 : i32
    %convert_element_type3A = arith.extui %eq3A_14 : i1 to i32
    %cond3A = arith.constant 0 : i32
    %cond3A_15 = arith.cmpi ne, %convert_element_type3A, %cond3A : i32
    scf.if %cond3A_15 {
      "tpu.region"() ({
        %run_scoped3A = tpu.sem_alloc : memref<!tpu.dma_semaphore, #tpu.memory_space<semaphore_mem>>
        %dma_start3A_85 = arith.constant 0 : i32
        %dma_start3A_86 = tpu.memref_slice %arg2[%select_n3A, %dma_start3A_85] : memref<2560x128xi32, #tpu.memory_space<hbm>> -> memref<132x128xi32, #tpu.memory_space<hbm>>
        %dma_start3A_87 = arith.constant 0 : i32
        %dma_start3A_88 = tpu.memref_slice %arg2[%select_n3A, %dma_start3A_87] : memref<2560x128xi32, #tpu.memory_space<hbm>> -> memref<132x128xi32, #tpu.memory_space<hbm>>
        tpu.enqueue_dma source(%dma_start3A_88 : memref<132x128xi32, #tpu.memory_space<hbm>>) target(%arg7 : memref<132x128xi32, #tpu.memory_space<vmem>>) target_semaphore(%run_scoped3A : memref<!tpu.dma_semaphore, #tpu.memory_space<semaphore_mem>>)
        %dma_wait3A = arith.constant 0 : i32
        %dma_wait3A_89 = tpu.memref_slice %arg2[%select_n3A, %dma_wait3A] : memref<2560x128xi32, #tpu.memory_space<hbm>> -> memref<132x128xi32, #tpu.memory_space<hbm>>
        %dma_wait3A_90 = arith.constant 0 : i32
        %dma_wait3A_91 = tpu.memref_slice %arg2[%select_n3A, %dma_wait3A_90] : memref<2560x128xi32, #tpu.memory_space<hbm>> -> memref<132x128xi32, #tpu.memory_space<hbm>>
        tpu.wait_dma2 semaphore(%run_scoped3A : memref<!tpu.dma_semaphore, #tpu.memory_space<semaphore_mem>>) src(%dma_wait3A_91 : memref<132x128xi32, #tpu.memory_space<hbm>>) dst(%arg7 : memref<132x128xi32, #tpu.memory_space<vmem>>)
        tpu.yield
      }) : () -> ()
      "tpu.region"() ({
        %run_scoped3A = tpu.sem_alloc : memref<!tpu.dma_semaphore, #tpu.memory_space<semaphore_mem>>
        %dma_start3A_85 = arith.constant 0 : i32
        %dma_start3A_86 = tpu.memref_slice %arg3[%select_n3A, %dma_start3A_85] : memref<2560x128xi32, #tpu.memory_space<hbm>> -> memref<132x128xi32, #tpu.memory_space<hbm>>
        %dma_start3A_87 = arith.constant 0 : i32
        %dma_start3A_88 = tpu.memref_slice %arg3[%select_n3A, %dma_start3A_87] : memref<2560x128xi32, #tpu.memory_space<hbm>> -> memref<132x128xi32, #tpu.memory_space<hbm>>
        tpu.enqueue_dma source(%dma_start3A_88 : memref<132x128xi32, #tpu.memory_space<hbm>>) target(%arg8 : memref<132x128xi32, #tpu.memory_space<vmem>>) target_semaphore(%run_scoped3A : memref<!tpu.dma_semaphore, #tpu.memory_space<semaphore_mem>>)
        %dma_wait3A = arith.constant 0 : i32
        %dma_wait3A_89 = tpu.memref_slice %arg3[%select_n3A, %dma_wait3A] : memref<2560x128xi32, #tpu.memory_space<hbm>> -> memref<132x128xi32, #tpu.memory_space<hbm>>
        %dma_wait3A_90 = arith.constant 0 : i32
        %dma_wait3A_91 = tpu.memref_slice %arg3[%select_n3A, %dma_wait3A_90] : memref<2560x128xi32, #tpu.memory_space<hbm>> -> memref<132x128xi32, #tpu.memory_space<hbm>>
        tpu.wait_dma2 semaphore(%run_scoped3A : memref<!tpu.dma_semaphore, #tpu.memory_space<semaphore_mem>>) src(%dma_wait3A_91 : memref<132x128xi32, #tpu.memory_space<hbm>>) dst(%arg8 : memref<132x128xi32, #tpu.memory_space<vmem>>)
        tpu.yield
      }) : () -> ()
    } else {
    }
    %ne3A = arith.constant 0 : i32
    %ne3A_16 = arith.cmpi ne, %arg0, %ne3A : i32
    %convert_element_type3A_17 = arith.extui %ne3A_16 : i1 to i32
    %cond3A_18 = arith.constant 0 : i32
    %cond3A_19 = arith.cmpi ne, %convert_element_type3A_17, %cond3A_18 : i32
    scf.if %cond3A_19 {
      "tpu.region"() ({
        %run_scoped3A = tpu.sem_alloc : memref<!tpu.dma_semaphore, #tpu.memory_space<semaphore_mem>>
        %dma_start3A_85 = arith.constant 0 : i32
        %dma_start3A_86 = arith.constant 0 : i32
        %dma_start3A_87 = tpu.memref_slice %arg7[%dma_start3A_85, %dma_start3A_86] : memref<132x128xi32, #tpu.memory_space<vmem>> -> memref<28x128xi32, #tpu.memory_space<vmem>>
        %dma_start3A_88 = arith.constant 0 : i32
        %dma_start3A_89 = tpu.memref_slice %arg2[%select_n3A, %dma_start3A_88] : memref<2560x128xi32, #tpu.memory_space<hbm>> -> memref<28x128xi32, #tpu.memory_space<hbm>>
        %dma_start3A_90 = arith.constant 0 : i32
        %dma_start3A_91 = arith.constant 0 : i32
        %dma_start3A_92 = tpu.memref_slice %arg7[%dma_start3A_90, %dma_start3A_91] : memref<132x128xi32, #tpu.memory_space<vmem>> -> memref<28x128xi32, #tpu.memory_space<vmem>>
        %dma_start3A_93 = arith.constant 0 : i32
        %dma_start3A_94 = tpu.memref_slice %arg2[%select_n3A, %dma_start3A_93] : memref<2560x128xi32, #tpu.memory_space<hbm>> -> memref<28x128xi32, #tpu.memory_space<hbm>>
        tpu.enqueue_dma source(%dma_start3A_94 : memref<28x128xi32, #tpu.memory_space<hbm>>) target(%dma_start3A_92 : memref<28x128xi32, #tpu.memory_space<vmem>>) target_semaphore(%run_scoped3A : memref<!tpu.dma_semaphore, #tpu.memory_space<semaphore_mem>>)
        %dma_wait3A = arith.constant 0 : i32
        %dma_wait3A_95 = arith.constant 0 : i32
        %dma_wait3A_96 = tpu.memref_slice %arg7[%dma_wait3A, %dma_wait3A_95] : memref<132x128xi32, #tpu.memory_space<vmem>> -> memref<28x128xi32, #tpu.memory_space<vmem>>
        %dma_wait3A_97 = arith.constant 0 : i32
        %dma_wait3A_98 = tpu.memref_slice %arg2[%select_n3A, %dma_wait3A_97] : memref<2560x128xi32, #tpu.memory_space<hbm>> -> memref<28x128xi32, #tpu.memory_space<hbm>>
        %dma_wait3A_99 = arith.constant 0 : i32
        %dma_wait3A_100 = arith.constant 0 : i32
        %dma_wait3A_101 = tpu.memref_slice %arg7[%dma_wait3A_99, %dma_wait3A_100] : memref<132x128xi32, #tpu.memory_space<vmem>> -> memref<28x128xi32, #tpu.memory_space<vmem>>
        %dma_wait3A_102 = arith.constant 0 : i32
        %dma_wait3A_103 = tpu.memref_slice %arg2[%select_n3A, %dma_wait3A_102] : memref<2560x128xi32, #tpu.memory_space<hbm>> -> memref<28x128xi32, #tpu.memory_space<hbm>>
        tpu.wait_dma2 semaphore(%run_scoped3A : memref<!tpu.dma_semaphore, #tpu.memory_space<semaphore_mem>>) src(%dma_wait3A_103 : memref<28x128xi32, #tpu.memory_space<hbm>>) dst(%dma_wait3A_101 : memref<28x128xi32, #tpu.memory_space<vmem>>)
        tpu.yield
      }) : () -> ()
      "tpu.region"() ({
        %run_scoped3A = tpu.sem_alloc : memref<!tpu.dma_semaphore, #tpu.memory_space<semaphore_mem>>
        %dma_start3A_85 = arith.constant 0 : i32
        %dma_start3A_86 = arith.constant 0 : i32
        %dma_start3A_87 = tpu.memref_slice %arg8[%dma_start3A_85, %dma_start3A_86] : memref<132x128xi32, #tpu.memory_space<vmem>> -> memref<28x128xi32, #tpu.memory_space<vmem>>
        %dma_start3A_88 = arith.constant 0 : i32
        %dma_start3A_89 = tpu.memref_slice %arg3[%select_n3A, %dma_start3A_88] : memref<2560x128xi32, #tpu.memory_space<hbm>> -> memref<28x128xi32, #tpu.memory_space<hbm>>
        %dma_start3A_90 = arith.constant 0 : i32
        %dma_start3A_91 = arith.constant 0 : i32
        %dma_start3A_92 = tpu.memref_slice %arg8[%dma_start3A_90, %dma_start3A_91] : memref<132x128xi32, #tpu.memory_space<vmem>> -> memref<28x128xi32, #tpu.memory_space<vmem>>
        %dma_start3A_93 = arith.constant 0 : i32
        %dma_start3A_94 = tpu.memref_slice %arg3[%select_n3A, %dma_start3A_93] : memref<2560x128xi32, #tpu.memory_space<hbm>> -> memref<28x128xi32, #tpu.memory_space<hbm>>
        tpu.enqueue_dma source(%dma_start3A_94 : memref<28x128xi32, #tpu.memory_space<hbm>>) target(%dma_start3A_92 : memref<28x128xi32, #tpu.memory_space<vmem>>) target_semaphore(%run_scoped3A : memref<!tpu.dma_semaphore, #tpu.memory_space<semaphore_mem>>)
        %dma_wait3A = arith.constant 0 : i32
        %dma_wait3A_95 = arith.constant 0 : i32
        %dma_wait3A_96 = tpu.memref_slice %arg8[%dma_wait3A, %dma_wait3A_95] : memref<132x128xi32, #tpu.memory_space<vmem>> -> memref<28x128xi32, #tpu.memory_space<vmem>>
        %dma_wait3A_97 = arith.constant 0 : i32
        %dma_wait3A_98 = tpu.memref_slice %arg3[%select_n3A, %dma_wait3A_97] : memref<2560x128xi32, #tpu.memory_space<hbm>> -> memref<28x128xi32, #tpu.memory_space<hbm>>
        %dma_wait3A_99 = arith.constant 0 : i32
        %dma_wait3A_100 = arith.constant 0 : i32
        %dma_wait3A_101 = tpu.memref_slice %arg8[%dma_wait3A_99, %dma_wait3A_100] : memref<132x128xi32, #tpu.memory_space<vmem>> -> memref<28x128xi32, #tpu.memory_space<vmem>>
        %dma_wait3A_102 = arith.constant 0 : i32
        %dma_wait3A_103 = tpu.memref_slice %arg3[%select_n3A, %dma_wait3A_102] : memref<2560x128xi32, #tpu.memory_space<hbm>> -> memref<28x128xi32, #tpu.memory_space<hbm>>
        tpu.wait_dma2 semaphore(%run_scoped3A : memref<!tpu.dma_semaphore, #tpu.memory_space<semaphore_mem>>) src(%dma_wait3A_103 : memref<28x128xi32, #tpu.memory_space<hbm>>) dst(%dma_wait3A_101 : memref<28x128xi32, #tpu.memory_space<vmem>>)
        tpu.yield
      }) : () -> ()
    } else {
    }
    %barrier3A = arith.constant 0 : index
    tpu.barrier barrier_id(%barrier3A)
    %dma_start3A = arith.constant 0 : i32
    %dma_start3A_20 = arith.constant 0 : i32
    %dma_start3A_21 = arith.constant 0 : i32
    %dma_start3A_22 = arith.constant 0 : i32
    %dma_start3A_23 = tpu.memref_slice %arg9[%dma_start3A_20, %dma_start3A_21, %dma_start3A_22] : memref<2x128x64xi32, #tpu.memory_space<vmem>> -> memref<1x128x64xi32, #tpu.memory_space<vmem>>
    %dma_start3A_24 = tpu.memref_squeeze %dma_start3A_23 : memref<1x128x64xi32, #tpu.memory_space<vmem>> -> memref<128x64xi32, #tpu.memory_space<vmem>>
    %dma_start3A_25 = arith.constant 0 : i32
    %dma_start3A_26 = tpu.memref_slice %arg7[%dma_start3A, %dma_start3A_25] : memref<132x128xi32, #tpu.memory_space<vmem>> -> memref<1x128xi32, #tpu.memory_space<vmem>>
    %dma_start3A_27 = tpu.memref_squeeze %dma_start3A_26 : memref<1x128xi32, #tpu.memory_space<vmem>> -> memref<128xi32, #tpu.memory_space<vmem>>
    %dma_start3A_28 = arith.constant 0 : i32
    %dma_start3A_29 = arith.constant 0 : i32
    %dma_start3A_30 = tpu.memref_slice %arg12[%dma_start3A_28, %dma_start3A_29] : memref<10000x64xi32, #tpu.memory_space<vmem_shared>> -> memref<10000x64xi32, #tpu.memory_space<vmem_shared>>
    tpu.enqueue_indirect_dma source(%dma_start3A_30 : memref<10000x64xi32, #tpu.memory_space<vmem_shared>>) target(%dma_start3A_24 : memref<128x64xi32, #tpu.memory_space<vmem>>) offsets(%dma_start3A_27 : memref<128xi32, #tpu.memory_space<vmem>>) semaphore(%arg13 : memref<!tpu.dma_semaphore, #tpu.memory_space<semaphore_mem>>)
    %dma_start3A_31 = arith.constant 0 : i32
    %dma_start3A_32 = arith.constant 0 : i32
    %dma_start3A_33 = arith.constant 0 : i32
    %dma_start3A_34 = arith.constant 0 : i32
    %dma_start3A_35 = tpu.memref_slice %arg10[%dma_start3A_32, %dma_start3A_33, %dma_start3A_34] : memref<2x128x64xi32, #tpu.memory_space<vmem>> -> memref<1x128x64xi32, #tpu.memory_space<vmem>>
    %dma_start3A_36 = tpu.memref_squeeze %dma_start3A_35 : memref<1x128x64xi32, #tpu.memory_space<vmem>> -> memref<128x64xi32, #tpu.memory_space<vmem>>
    %dma_start3A_37 = arith.constant 0 : i32
    %dma_start3A_38 = tpu.memref_slice %arg8[%dma_start3A_31, %dma_start3A_37] : memref<132x128xi32, #tpu.memory_space<vmem>> -> memref<1x128xi32, #tpu.memory_space<vmem>>
    %dma_start3A_39 = tpu.memref_squeeze %dma_start3A_38 : memref<1x128xi32, #tpu.memory_space<vmem>> -> memref<128xi32, #tpu.memory_space<vmem>>
    %dma_start3A_40 = arith.constant 0 : i32
    %dma_start3A_41 = arith.constant 0 : i32
    %dma_start3A_42 = tpu.memref_slice %arg5[%dma_start3A_40, %dma_start3A_41] : memref<10000x64xi32, #tpu.memory_space<hbm>> -> memref<10000x64xi32, #tpu.memory_space<hbm>>
    tpu.enqueue_indirect_dma source(%dma_start3A_42 : memref<10000x64xi32, #tpu.memory_space<hbm>>) target(%dma_start3A_36 : memref<128x64xi32, #tpu.memory_space<vmem>>) offsets(%dma_start3A_39 : memref<128xi32, #tpu.memory_space<vmem>>) semaphore(%arg15 : memref<!tpu.dma_semaphore, #tpu.memory_space<semaphore_mem>>)
    %dma_start3A_43 = arith.constant 1 : i32
    %dma_start3A_44 = arith.constant 1 : i32
    %dma_start3A_45 = arith.constant 0 : i32
    %dma_start3A_46 = arith.constant 0 : i32
    %dma_start3A_47 = tpu.memref_slice %arg9[%dma_start3A_44, %dma_start3A_45, %dma_start3A_46] : memref<2x128x64xi32, #tpu.memory_space<vmem>> -> memref<1x128x64xi32, #tpu.memory_space<vmem>>
    %dma_start3A_48 = tpu.memref_squeeze %dma_start3A_47 : memref<1x128x64xi32, #tpu.memory_space<vmem>> -> memref<128x64xi32, #tpu.memory_space<vmem>>
    %dma_start3A_49 = arith.constant 0 : i32
    %dma_start3A_50 = tpu.memref_slice %arg7[%dma_start3A_43, %dma_start3A_49] : memref<132x128xi32, #tpu.memory_space<vmem>> -> memref<1x128xi32, #tpu.memory_space<vmem>>
    %dma_start3A_51 = tpu.memref_squeeze %dma_start3A_50 : memref<1x128xi32, #tpu.memory_space<vmem>> -> memref<128xi32, #tpu.memory_space<vmem>>
    %dma_start3A_52 = arith.constant 0 : i32
    %dma_start3A_53 = arith.constant 0 : i32
    %dma_start3A_54 = tpu.memref_slice %arg12[%dma_start3A_52, %dma_start3A_53] : memref<10000x64xi32, #tpu.memory_space<vmem_shared>> -> memref<10000x64xi32, #tpu.memory_space<vmem_shared>>
    tpu.enqueue_indirect_dma source(%dma_start3A_54 : memref<10000x64xi32, #tpu.memory_space<vmem_shared>>) target(%dma_start3A_48 : memref<128x64xi32, #tpu.memory_space<vmem>>) offsets(%dma_start3A_51 : memref<128xi32, #tpu.memory_space<vmem>>) semaphore(%arg14 : memref<!tpu.dma_semaphore, #tpu.memory_space<semaphore_mem>>)
    %dma_start3A_55 = arith.constant 1 : i32
    %dma_start3A_56 = arith.constant 1 : i32
    %dma_start3A_57 = arith.constant 0 : i32
    %dma_start3A_58 = arith.constant 0 : i32
    %dma_start3A_59 = tpu.memref_slice %arg10[%dma_start3A_56, %dma_start3A_57, %dma_start3A_58] : memref<2x128x64xi32, #tpu.memory_space<vmem>> -> memref<1x128x64xi32, #tpu.memory_space<vmem>>
    %dma_start3A_60 = tpu.memref_squeeze %dma_start3A_59 : memref<1x128x64xi32, #tpu.memory_space<vmem>> -> memref<128x64xi32, #tpu.memory_space<vmem>>
    %dma_start3A_61 = arith.constant 0 : i32
    %dma_start3A_62 = tpu.memref_slice %arg8[%dma_start3A_55, %dma_start3A_61] : memref<132x128xi32, #tpu.memory_space<vmem>> -> memref<1x128xi32, #tpu.memory_space<vmem>>
    %dma_start3A_63 = tpu.memref_squeeze %dma_start3A_62 : memref<1x128xi32, #tpu.memory_space<vmem>> -> memref<128xi32, #tpu.memory_space<vmem>>
    %dma_start3A_64 = arith.constant 0 : i32
    %dma_start3A_65 = arith.constant 0 : i32
    %dma_start3A_66 = tpu.memref_slice %arg5[%dma_start3A_64, %dma_start3A_65] : memref<10000x64xi32, #tpu.memory_space<hbm>> -> memref<10000x64xi32, #tpu.memory_space<hbm>>
    tpu.enqueue_indirect_dma source(%dma_start3A_66 : memref<10000x64xi32, #tpu.memory_space<hbm>>) target(%dma_start3A_60 : memref<128x64xi32, #tpu.memory_space<vmem>>) offsets(%dma_start3A_63 : memref<128xi32, #tpu.memory_space<vmem>>) semaphore(%arg16 : memref<!tpu.dma_semaphore, #tpu.memory_space<semaphore_mem>>)
    %mul3A_67 = arith.constant 4 : i32
    %mul3A_68 = arith.muli %select_n3A, %mul3A_67 : i32
    %sub3A = arith.constant 0 : i32
    %sub3A_69 = arith.subi %select_n3A_12, %sub3A : i32
    %sub3A_70 = arith.constant 2 : i32
    %sub3A_71 = arith.constant 1 : i32
    %sub3A_72 = arith.subi %sub3A_70, %sub3A_71 : i32
    %add3A_73 = arith.addi %sub3A_69, %sub3A_72 : i32
    %div3A = arith.constant 2 : i32
    %div3A_74 = arith.divsi %add3A_73, %div3A : i32
    %while3A = arith.constant 2 : i32
    %while3A_75 = arith.constant 0 : i32
    %while3A_76 = arith.constant 0 : i32
    %while3A_77 = arith.subi %div3A_74, %while3A_76 : i32
    %while3A_78 = arith.addi %while3A_76, %while3A_77 : i32
    %while3A_79 = arith.constant 1 : i32
    %while3A_80 = arith.divsi %while3A_77, %while3A_79 : i32
    %while3A_81 = arith.muli %while3A_80, %while3A_79 : i32
    %while3A_82 = arith.addi %while3A_76, %while3A_81 : i32
    %while3A_83 = arith.constant 1 : i32
    scf.for %while3A_85 = %while3A_76 to %while3A_82 step %while3A_83  : i32 {
      %mul3A_86 = arith.muli %while3A_85, %while3A : i32
      %add3A_87 = arith.addi %while3A_75, %mul3A_86 : i32
      %add3A_88 = arith.constant 0 : i32
      %add3A_89 = arith.addi %add3A_87, %add3A_88 : i32
      %dma_wait3A = arith.constant 0 : i32
      %dma_wait3A_90 = arith.constant 0 : i32
      %dma_wait3A_91 = arith.constant 0 : i32
      %dma_wait3A_92 = arith.constant 0 : i32
      %dma_wait3A_93 = tpu.memref_slice %arg9[%dma_wait3A_90, %dma_wait3A_91, %dma_wait3A_92] : memref<2x128x64xi32, #tpu.memory_space<vmem>> -> memref<1x128x64xi32, #tpu.memory_space<vmem>>
      %dma_wait3A_94 = tpu.memref_squeeze %dma_wait3A_93 : memref<1x128x64xi32, #tpu.memory_space<vmem>> -> memref<128x64xi32, #tpu.memory_space<vmem>>
      %dma_wait3A_95 = arith.constant 0 : i32
      %dma_wait3A_96 = tpu.memref_slice %arg7[%dma_wait3A, %dma_wait3A_95] : memref<132x128xi32, #tpu.memory_space<vmem>> -> memref<1x128xi32, #tpu.memory_space<vmem>>
      %dma_wait3A_97 = tpu.memref_squeeze %dma_wait3A_96 : memref<1x128xi32, #tpu.memory_space<vmem>> -> memref<128xi32, #tpu.memory_space<vmem>>
      %dma_wait3A_98 = arith.constant 0 : i32
      %dma_wait3A_99 = arith.constant 0 : i32
      %dma_wait3A_100 = tpu.memref_slice %arg4[%dma_wait3A_98, %dma_wait3A_99] : memref<10000x64xi32, #tpu.memory_space<hbm>> -> memref<10000x64xi32, #tpu.memory_space<hbm>>
      tpu.wait_indirect_dma semaphore(%arg13 : memref<!tpu.dma_semaphore, #tpu.memory_space<semaphore_mem>>) src(%dma_wait3A_100 : memref<10000x64xi32, #tpu.memory_space<hbm>>) dst(%dma_wait3A_94 : memref<128x64xi32, #tpu.memory_space<vmem>>)
      %dma_wait3A_101 = arith.constant 0 : i32
      %dma_wait3A_102 = arith.constant 0 : i32
      %dma_wait3A_103 = arith.constant 0 : i32
      %dma_wait3A_104 = arith.constant 0 : i32
      %dma_wait3A_105 = tpu.memref_slice %arg10[%dma_wait3A_102, %dma_wait3A_103, %dma_wait3A_104] : memref<2x128x64xi32, #tpu.memory_space<vmem>> -> memref<1x128x64xi32, #tpu.memory_space<vmem>>
      %dma_wait3A_106 = tpu.memref_squeeze %dma_wait3A_105 : memref<1x128x64xi32, #tpu.memory_space<vmem>> -> memref<128x64xi32, #tpu.memory_space<vmem>>
      %dma_wait3A_107 = arith.constant 0 : i32
      %dma_wait3A_108 = tpu.memref_slice %arg8[%dma_wait3A_101, %dma_wait3A_107] : memref<132x128xi32, #tpu.memory_space<vmem>> -> memref<1x128xi32, #tpu.memory_space<vmem>>
      %dma_wait3A_109 = tpu.memref_squeeze %dma_wait3A_108 : memref<1x128xi32, #tpu.memory_space<vmem>> -> memref<128xi32, #tpu.memory_space<vmem>>
      %dma_wait3A_110 = arith.constant 0 : i32
      %dma_wait3A_111 = arith.constant 0 : i32
      %dma_wait3A_112 = tpu.memref_slice %arg5[%dma_wait3A_110, %dma_wait3A_111] : memref<10000x64xi32, #tpu.memory_space<hbm>> -> memref<10000x64xi32, #tpu.memory_space<hbm>>
      tpu.wait_indirect_dma semaphore(%arg15 : memref<!tpu.dma_semaphore, #tpu.memory_space<semaphore_mem>>) src(%dma_wait3A_112 : memref<10000x64xi32, #tpu.memory_space<hbm>>) dst(%dma_wait3A_106 : memref<128x64xi32, #tpu.memory_space<vmem>>)
      %broadcast_in_dim3A = arith.constant 0xFF800000 : f32
      %broadcast_in_dim3A_113 = vector.broadcast %broadcast_in_dim3A : f32 to vector<16xf32>
      %broadcast_in_dim3A_114 = arith.constant 0xFF800000 : f32
      %broadcast_in_dim3A_115 = vector.broadcast %broadcast_in_dim3A_114 : f32 to vector<16xf32>
      %broadcast_in_dim3A_116 = arith.constant 0xFF800000 : f32
      %broadcast_in_dim3A_117 = vector.broadcast %broadcast_in_dim3A_116 : f32 to vector<16xf32>
      %broadcast_in_dim3A_118 = arith.constant 0xFF800000 : f32
      %broadcast_in_dim3A_119 = vector.broadcast %broadcast_in_dim3A_118 : f32 to vector<16xf32>
      %broadcast_in_dim3A_120 = arith.constant 0xFF800000 : f32
      %broadcast_in_dim3A_121 = vector.broadcast %broadcast_in_dim3A_120 : f32 to vector<16xf32>
      %broadcast_in_dim3A_122 = arith.constant 0xFF800000 : f32
      %broadcast_in_dim3A_123 = vector.broadcast %broadcast_in_dim3A_122 : f32 to vector<16xf32>
      %broadcast_in_dim3A_124 = arith.constant 0xFF800000 : f32
      %broadcast_in_dim3A_125 = vector.broadcast %broadcast_in_dim3A_124 : f32 to vector<16xf32>
      %broadcast_in_dim3A_126 = arith.constant 0xFF800000 : f32
      %broadcast_in_dim3A_127 = vector.broadcast %broadcast_in_dim3A_126 : f32 to vector<16xf32>
      %scan3A = arith.constant -65536 : i32
      %scan3A_128 = arith.constant 0 : i32
      %scan3A_129 = arith.constant 32 : i32
      %scan3A_130 = arith.addi %scan3A_128, %scan3A_129 : i32
      %scan3A_131 = arith.constant 1 : i32
      %scan3A_132:8 = scf.for %scan3A_1132 = %scan3A_128 to %scan3A_130 step %scan3A_131 iter_args(%scan3A_1133 = %broadcast_in_dim3A_113, %scan3A_1134 = %broadcast_in_dim3A_115, %scan3A_1135 = %broadcast_in_dim3A_117, %scan3A_1136 = %broadcast_in_dim3A_119, %scan3A_1137 = %broadcast_in_dim3A_121, %scan3A_1138 = %broadcast_in_dim3A_123, %scan3A_1139 = %broadcast_in_dim3A_125, %scan3A_1140 = %broadcast_in_dim3A_127) -> (vector<16xf32>, vector<16xf32>, vector<16xf32>, vector<16xf32>, vector<16xf32>, vector<16xf32>, vector<16xf32>, vector<16xf32>)  : i32 {
        %add3A_1141 = arith.constant 0 : i32
        %add3A_1142 = arith.addi %add3A_1141, %scan3A_1132 : i32
        %get3A = arith.constant 0 : i32
        %get3A_1143 = arith.index_cast %get3A : i32 to index
        %get3A_1144 = arith.index_cast %add3A_1142 : i32 to index
        %get3A_1145 = arith.constant 0 : index
        %get3A_1146 = tpu.vector_load %arg9[%get3A_1143, %get3A_1144, %get3A_1145] {strides = array<i32>} : memref<2x128x64xi32, #tpu.memory_space<vmem>>, vector<16xi32>,
        %shift_left3A = arith.constant 16 : i32
        %shift_left3A_1147 = vector.broadcast %shift_left3A : i32 to vector<16xi32>
        %shift_left3A_1148 = arith.shli %get3A_1146, %shift_left3A_1147 : vector<16xi32>
        %bitcast3A_1149 = vector.bitcast %shift_left3A_1148 : vector<16xi32> to vector<16xf32>
        %and3A_1150 = vector.broadcast %scan3A : i32 to vector<16xi32>
        %and3A_1151 = arith.andi %get3A_1146, %and3A_1150 : vector<16xi32>
        %bitcast3A_1152 = vector.bitcast %and3A_1151 : vector<16xi32> to vector<16xf32>
        %get3A_1153 = arith.constant 0 : i32
        %get3A_1154 = arith.index_cast %get3A_1153 : i32 to index
        %get3A_1155 = arith.index_cast %add3A_1142 : i32 to index
        %get3A_1156 = arith.constant 0 : index
        %get3A_1157 = tpu.vector_load %arg10[%get3A_1154, %get3A_1155, %get3A_1156] {strides = array<i32>} : memref<2x128x64xi32, #tpu.memory_space<vmem>>, vector<16xi32>,
        %shift_left3A_1158 = arith.constant 16 : i32
        %shift_left3A_1159 = vector.broadcast %shift_left3A_1158 : i32 to vector<16xi32>
        %shift_left3A_1160 = arith.shli %get3A_1157, %shift_left3A_1159 : vector<16xi32>
        %bitcast3A_1161 = vector.bitcast %shift_left3A_1160 : vector<16xi32> to vector<16xf32>
        %and3A_1162 = vector.broadcast %scan3A : i32 to vector<16xi32>
        %and3A_1163 = arith.andi %get3A_1157, %and3A_1162 : vector<16xi32>
        %bitcast3A_1164 = vector.bitcast %and3A_1163 : vector<16xi32> to vector<16xf32>
        %add3A_1165 = arith.addf %bitcast3A_1149, %bitcast3A_1161 : vector<16xf32>
        %max3A_1166 = arith.maximumf %scan3A_1133, %add3A_1165 : vector<16xf32>
        %add3A_1167 = arith.addf %bitcast3A_1152, %bitcast3A_1164 : vector<16xf32>
        %max3A_1168 = arith.maximumf %scan3A_1134, %add3A_1167 : vector<16xf32>
        %get3A_1169 = arith.constant 0 : i32
        %get3A_1170 = arith.index_cast %get3A_1169 : i32 to index
        %get3A_1171 = arith.index_cast %add3A_1142 : i32 to index
        %get3A_1172 = arith.constant 16 : index
        %get3A_1173 = tpu.vector_load %arg9[%get3A_1170, %get3A_1171, %get3A_1172] {strides = array<i32>} : memref<2x128x64xi32, #tpu.memory_space<vmem>>, vector<16xi32>,
        %shift_left3A_1174 = arith.constant 16 : i32
        %shift_left3A_1175 = vector.broadcast %shift_left3A_1174 : i32 to vector<16xi32>
        %shift_left3A_1176 = arith.shli %get3A_1173, %shift_left3A_1175 : vector<16xi32>
        %bitcast3A_1177 = vector.bitcast %shift_left3A_1176 : vector<16xi32> to vector<16xf32>
        %and3A_1178 = vector.broadcast %scan3A : i32 to vector<16xi32>
        %and3A_1179 = arith.andi %get3A_1173, %and3A_1178 : vector<16xi32>
        %bitcast3A_1180 = vector.bitcast %and3A_1179 : vector<16xi32> to vector<16xf32>
        %get3A_1181 = arith.constant 0 : i32
        %get3A_1182 = arith.index_cast %get3A_1181 : i32 to index
        %get3A_1183 = arith.index_cast %add3A_1142 : i32 to index
        %get3A_1184 = arith.constant 16 : index
        %get3A_1185 = tpu.vector_load %arg10[%get3A_1182, %get3A_1183, %get3A_1184] {strides = array<i32>} : memref<2x128x64xi32, #tpu.memory_space<vmem>>, vector<16xi32>,
        %shift_left3A_1186 = arith.constant 16 : i32
        %shift_left3A_1187 = vector.broadcast %shift_left3A_1186 : i32 to vector<16xi32>
        %shift_left3A_1188 = arith.shli %get3A_1185, %shift_left3A_1187 : vector<16xi32>
        %bitcast3A_1189 = vector.bitcast %shift_left3A_1188 : vector<16xi32> to vector<16xf32>
        %and3A_1190 = vector.broadcast %scan3A : i32 to vector<16xi32>
        %and3A_1191 = arith.andi %get3A_1185, %and3A_1190 : vector<16xi32>
        %bitcast3A_1192 = vector.bitcast %and3A_1191 : vector<16xi32> to vector<16xf32>
        %add3A_1193 = arith.addf %bitcast3A_1177, %bitcast3A_1189 : vector<16xf32>
        %max3A_1194 = arith.maximumf %scan3A_1135, %add3A_1193 : vector<16xf32>
        %add3A_1195 = arith.addf %bitcast3A_1180, %bitcast3A_1192 : vector<16xf32>
        %max3A_1196 = arith.maximumf %scan3A_1136, %add3A_1195 : vector<16xf32>
        %get3A_1197 = arith.constant 0 : i32
        %get3A_1198 = arith.index_cast %get3A_1197 : i32 to index
        %get3A_1199 = arith.index_cast %add3A_1142 : i32 to index
        %get3A_1200 = arith.constant 32 : index
        %get3A_1201 = tpu.vector_load %arg9[%get3A_1198, %get3A_1199, %get3A_1200] {strides = array<i32>} : memref<2x128x64xi32, #tpu.memory_space<vmem>>, vector<16xi32>,
        %shift_left3A_1202 = arith.constant 16 : i32
        %shift_left3A_1203 = vector.broadcast %shift_left3A_1202 : i32 to vector<16xi32>
        %shift_left3A_1204 = arith.shli %get3A_1201, %shift_left3A_1203 : vector<16xi32>
        %bitcast3A_1205 = vector.bitcast %shift_left3A_1204 : vector<16xi32> to vector<16xf32>
        %and3A_1206 = vector.broadcast %scan3A : i32 to vector<16xi32>
        %and3A_1207 = arith.andi %get3A_1201, %and3A_1206 : vector<16xi32>
        %bitcast3A_1208 = vector.bitcast %and3A_1207 : vector<16xi32> to vector<16xf32>
        %get3A_1209 = arith.constant 0 : i32
        %get3A_1210 = arith.index_cast %get3A_1209 : i32 to index
        %get3A_1211 = arith.index_cast %add3A_1142 : i32 to index
        %get3A_1212 = arith.constant 32 : index
        %get3A_1213 = tpu.vector_load %arg10[%get3A_1210, %get3A_1211, %get3A_1212] {strides = array<i32>} : memref<2x128x64xi32, #tpu.memory_space<vmem>>, vector<16xi32>,
        %shift_left3A_1214 = arith.constant 16 : i32
        %shift_left3A_1215 = vector.broadcast %shift_left3A_1214 : i32 to vector<16xi32>
        %shift_left3A_1216 = arith.shli %get3A_1213, %shift_left3A_1215 : vector<16xi32>
        %bitcast3A_1217 = vector.bitcast %shift_left3A_1216 : vector<16xi32> to vector<16xf32>
        %and3A_1218 = vector.broadcast %scan3A : i32 to vector<16xi32>
        %and3A_1219 = arith.andi %get3A_1213, %and3A_1218 : vector<16xi32>
        %bitcast3A_1220 = vector.bitcast %and3A_1219 : vector<16xi32> to vector<16xf32>
        %add3A_1221 = arith.addf %bitcast3A_1205, %bitcast3A_1217 : vector<16xf32>
        %max3A_1222 = arith.maximumf %scan3A_1137, %add3A_1221 : vector<16xf32>
        %add3A_1223 = arith.addf %bitcast3A_1208, %bitcast3A_1220 : vector<16xf32>
        %max3A_1224 = arith.maximumf %scan3A_1138, %add3A_1223 : vector<16xf32>
        %get3A_1225 = arith.constant 0 : i32
        %get3A_1226 = arith.index_cast %get3A_1225 : i32 to index
        %get3A_1227 = arith.index_cast %add3A_1142 : i32 to index
        %get3A_1228 = arith.constant 48 : index
        %get3A_1229 = tpu.vector_load %arg9[%get3A_1226, %get3A_1227, %get3A_1228] {strides = array<i32>} : memref<2x128x64xi32, #tpu.memory_space<vmem>>, vector<16xi32>,
        %shift_left3A_1230 = arith.constant 16 : i32
        %shift_left3A_1231 = vector.broadcast %shift_left3A_1230 : i32 to vector<16xi32>
        %shift_left3A_1232 = arith.shli %get3A_1229, %shift_left3A_1231 : vector<16xi32>
        %bitcast3A_1233 = vector.bitcast %shift_left3A_1232 : vector<16xi32> to vector<16xf32>
        %and3A_1234 = vector.broadcast %scan3A : i32 to vector<16xi32>
        %and3A_1235 = arith.andi %get3A_1229, %and3A_1234 : vector<16xi32>
        %bitcast3A_1236 = vector.bitcast %and3A_1235 : vector<16xi32> to vector<16xf32>
        %get3A_1237 = arith.constant 0 : i32
        %get3A_1238 = arith.index_cast %get3A_1237 : i32 to index
        %get3A_1239 = arith.index_cast %add3A_1142 : i32 to index
        %get3A_1240 = arith.constant 48 : index
        %get3A_1241 = tpu.vector_load %arg10[%get3A_1238, %get3A_1239, %get3A_1240] {strides = array<i32>} : memref<2x128x64xi32, #tpu.memory_space<vmem>>, vector<16xi32>,
        %shift_left3A_1242 = arith.constant 16 : i32
        %shift_left3A_1243 = vector.broadcast %shift_left3A_1242 : i32 to vector<16xi32>
        %shift_left3A_1244 = arith.shli %get3A_1241, %shift_left3A_1243 : vector<16xi32>
        %bitcast3A_1245 = vector.bitcast %shift_left3A_1244 : vector<16xi32> to vector<16xf32>
        %and3A_1246 = vector.broadcast %scan3A : i32 to vector<16xi32>
        %and3A_1247 = arith.andi %get3A_1241, %and3A_1246 : vector<16xi32>
        %bitcast3A_1248 = vector.bitcast %and3A_1247 : vector<16xi32> to vector<16xf32>
        %add3A_1249 = arith.addf %bitcast3A_1233, %bitcast3A_1245 : vector<16xf32>
        %max3A_1250 = arith.maximumf %scan3A_1139, %add3A_1249 : vector<16xf32>
        %add3A_1251 = arith.addf %bitcast3A_1236, %bitcast3A_1248 : vector<16xf32>
        %max3A_1252 = arith.maximumf %scan3A_1140, %add3A_1251 : vector<16xf32>
        scf.yield %max3A_1166, %max3A_1168, %max3A_1194, %max3A_1196, %max3A_1222, %max3A_1224, %max3A_1250, %max3A_1252 : vector<16xf32>, vector<16xf32>, vector<16xf32>, vector<16xf32>, vector<16xf32>, vector<16xf32>, vector<16xf32>, vector<16xf32>
      }
      %scan3A_133 = arith.constant 32 : i32
      %max3A = arith.constant 0.000000e+00 : f32
      %max3A_134 = vector.broadcast %max3A : f32 to vector<16xf32>
      %max3A_135 = arith.maximumf %scan3A_132#0, %max3A_134 : vector<16xf32>
      %max3A_136 = arith.constant 0.000000e+00 : f32
      %max3A_137 = vector.broadcast %max3A_136 : f32 to vector<16xf32>
      %max3A_138 = arith.maximumf %scan3A_132#1, %max3A_137 : vector<16xf32>
      %bitcast3A = vector.bitcast %max3A_135 : vector<16xf32> to vector<16xi32>
      %add3A_139 = arith.constant 32768 : i32
      %add3A_140 = vector.broadcast %add3A_139 : i32 to vector<16xi32>
      %add3A_141 = arith.addi %bitcast3A, %add3A_140 : vector<16xi32>
      %shift_right_logical3A = arith.constant 16 : i32
      %shift_right_logical3A_142 = vector.broadcast %shift_right_logical3A : i32 to vector<16xi32>
      %shift_right_logical3A_143 = arith.shrui %add3A_141, %shift_right_logical3A_142 : vector<16xi32>
      %bitcast3A_144 = vector.bitcast %max3A_138 : vector<16xf32> to vector<16xi32>
      %add3A_145 = arith.constant 32768 : i32
      %add3A_146 = vector.broadcast %add3A_145 : i32 to vector<16xi32>
      %add3A_147 = arith.addi %bitcast3A_144, %add3A_146 : vector<16xi32>
      %and3A = arith.constant -65536 : i32
      %and3A_148 = vector.broadcast %and3A : i32 to vector<16xi32>
      %and3A_149 = arith.andi %add3A_147, %and3A_148 : vector<16xi32>
      %or3A = arith.ori %shift_right_logical3A_143, %and3A_149 : vector<16xi32>
      %swap3A = arith.constant 0 : i32
      %swap3A_150 = arith.index_cast %swap3A : i32 to index
      %swap3A_151 = arith.constant 0 : index
      %swap3A_152 = tpu.vector_load %arg11[%swap3A_150, %swap3A_151] {strides = array<i32>} : memref<4x64xi32, #tpu.memory_space<vmem>>, vector<16xi32>,
      tpu.vector_store %arg11[%swap3A_150, %swap3A_151], %or3A {strides = array<i32>} : memref<4x64xi32, #tpu.memory_space<vmem>>, vector<16xi32>,
      %max3A_153 = arith.constant 0.000000e+00 : f32
      %max3A_154 = vector.broadcast %max3A_153 : f32 to vector<16xf32>
      %max3A_155 = arith.maximumf %scan3A_132#2, %max3A_154 : vector<16xf32>
      %max3A_156 = arith.constant 0.000000e+00 : f32
      %max3A_157 = vector.broadcast %max3A_156 : f32 to vector<16xf32>
      %max3A_158 = arith.maximumf %scan3A_132#3, %max3A_157 : vector<16xf32>
      %bitcast3A_159 = vector.bitcast %max3A_155 : vector<16xf32> to vector<16xi32>
      %add3A_160 = arith.constant 32768 : i32
      %add3A_161 = vector.broadcast %add3A_160 : i32 to vector<16xi32>
      %add3A_162 = arith.addi %bitcast3A_159, %add3A_161 : vector<16xi32>
      %shift_right_logical3A_163 = arith.constant 16 : i32
      %shift_right_logical3A_164 = vector.broadcast %shift_right_logical3A_163 : i32 to vector<16xi32>
      %shift_right_logical3A_165 = arith.shrui %add3A_162, %shift_right_logical3A_164 : vector<16xi32>
      %bitcast3A_166 = vector.bitcast %max3A_158 : vector<16xf32> to vector<16xi32>
      %add3A_167 = arith.constant 32768 : i32
      %add3A_168 = vector.broadcast %add3A_167 : i32 to vector<16xi32>
      %add3A_169 = arith.addi %bitcast3A_166, %add3A_168 : vector<16xi32>
      %and3A_170 = arith.constant -65536 : i32
      %and3A_171 = vector.broadcast %and3A_170 : i32 to vector<16xi32>
      %and3A_172 = arith.andi %add3A_169, %and3A_171 : vector<16xi32>
      %or3A_173 = arith.ori %shift_right_logical3A_165, %and3A_172 : vector<16xi32>
      %swap3A_174 = arith.constant 0 : i32
      %swap3A_175 = arith.index_cast %swap3A_174 : i32 to index
      %swap3A_176 = arith.constant 16 : index
      %swap3A_177 = tpu.vector_load %arg11[%swap3A_175, %swap3A_176] {strides = array<i32>} : memref<4x64xi32, #tpu.memory_space<vmem>>, vector<16xi32>,
      tpu.vector_store %arg11[%swap3A_175, %swap3A_176], %or3A_173 {strides = array<i32>} : memref<4x64xi32, #tpu.memory_space<vmem>>, vector<16xi32>,
      %max3A_178 = arith.constant 0.000000e+00 : f32
      %max3A_179 = vector.broadcast %max3A_178 : f32 to vector<16xf32>
      %max3A_180 = arith.maximumf %scan3A_132#4, %max3A_179 : vector<16xf32>
      %max3A_181 = arith.constant 0.000000e+00 : f32
      %max3A_182 = vector.broadcast %max3A_181 : f32 to vector<16xf32>
      %max3A_183 = arith.maximumf %scan3A_132#5, %max3A_182 : vector<16xf32>
      %bitcast3A_184 = vector.bitcast %max3A_180 : vector<16xf32> to vector<16xi32>
      %add3A_185 = arith.constant 32768 : i32
      %add3A_186 = vector.broadcast %add3A_185 : i32 to vector<16xi32>
      %add3A_187 = arith.addi %bitcast3A_184, %add3A_186 : vector<16xi32>
      %shift_right_logical3A_188 = arith.constant 16 : i32
      %shift_right_logical3A_189 = vector.broadcast %shift_right_logical3A_188 : i32 to vector<16xi32>
      %shift_right_logical3A_190 = arith.shrui %add3A_187, %shift_right_logical3A_189 : vector<16xi32>
      %bitcast3A_191 = vector.bitcast %max3A_183 : vector<16xf32> to vector<16xi32>
      %add3A_192 = arith.constant 32768 : i32
      %add3A_193 = vector.broadcast %add3A_192 : i32 to vector<16xi32>
      %add3A_194 = arith.addi %bitcast3A_191, %add3A_193 : vector<16xi32>
      %and3A_195 = arith.constant -65536 : i32
      %and3A_196 = vector.broadcast %and3A_195 : i32 to vector<16xi32>
      %and3A_197 = arith.andi %add3A_194, %and3A_196 : vector<16xi32>
      %or3A_198 = arith.ori %shift_right_logical3A_190, %and3A_197 : vector<16xi32>
      %swap3A_199 = arith.constant 0 : i32
      %swap3A_200 = arith.index_cast %swap3A_199 : i32 to index
      %swap3A_201 = arith.constant 32 : index
      %swap3A_202 = tpu.vector_load %arg11[%swap3A_200, %swap3A_201] {strides = array<i32>} : memref<4x64xi32, #tpu.memory_space<vmem>>, vector<16xi32>,
      tpu.vector_store %arg11[%swap3A_200, %swap3A_201], %or3A_198 {strides = array<i32>} : memref<4x64xi32, #tpu.memory_space<vmem>>, vector<16xi32>,
      %max3A_203 = arith.constant 0.000000e+00 : f32
      %max3A_204 = vector.broadcast %max3A_203 : f32 to vector<16xf32>
      %max3A_205 = arith.maximumf %scan3A_132#6, %max3A_204 : vector<16xf32>
      %max3A_206 = arith.constant 0.000000e+00 : f32
      %max3A_207 = vector.broadcast %max3A_206 : f32 to vector<16xf32>
      %max3A_208 = arith.maximumf %scan3A_132#7, %max3A_207 : vector<16xf32>
      %bitcast3A_209 = vector.bitcast %max3A_205 : vector<16xf32> to vector<16xi32>
      %add3A_210 = arith.constant 32768 : i32
      %add3A_211 = vector.broadcast %add3A_210 : i32 to vector<16xi32>
      %add3A_212 = arith.addi %bitcast3A_209, %add3A_211 : vector<16xi32>
      %shift_right_logical3A_213 = arith.constant 16 : i32
      %shift_right_logical3A_214 = vector.broadcast %shift_right_logical3A_213 : i32 to vector<16xi32>
      %shift_right_logical3A_215 = arith.shrui %add3A_212, %shift_right_logical3A_214 : vector<16xi32>
      %bitcast3A_216 = vector.bitcast %max3A_208 : vector<16xf32> to vector<16xi32>
      %add3A_217 = arith.constant 32768 : i32
      %add3A_218 = vector.broadcast %add3A_217 : i32 to vector<16xi32>
      %add3A_219 = arith.addi %bitcast3A_216, %add3A_218 : vector<16xi32>
      %and3A_220 = arith.constant -65536 : i32
      %and3A_221 = vector.broadcast %and3A_220 : i32 to vector<16xi32>
      %and3A_222 = arith.andi %add3A_219, %and3A_221 : vector<16xi32>
      %or3A_223 = arith.ori %shift_right_logical3A_215, %and3A_222 : vector<16xi32>
      %swap3A_224 = arith.constant 0 : i32
      %swap3A_225 = arith.index_cast %swap3A_224 : i32 to index
      %swap3A_226 = arith.constant 48 : index
      %swap3A_227 = tpu.vector_load %arg11[%swap3A_225, %swap3A_226] {strides = array<i32>} : memref<4x64xi32, #tpu.memory_space<vmem>>, vector<16xi32>,
      tpu.vector_store %arg11[%swap3A_225, %swap3A_226], %or3A_223 {strides = array<i32>} : memref<4x64xi32, #tpu.memory_space<vmem>>, vector<16xi32>,
      %broadcast_in_dim3A_228 = arith.constant 0xFF800000 : f32
      %broadcast_in_dim3A_229 = vector.broadcast %broadcast_in_dim3A_228 : f32 to vector<16xf32>
      %broadcast_in_dim3A_230 = arith.constant 0xFF800000 : f32
      %broadcast_in_dim3A_231 = vector.broadcast %broadcast_in_dim3A_230 : f32 to vector<16xf32>
      %broadcast_in_dim3A_232 = arith.constant 0xFF800000 : f32
      %broadcast_in_dim3A_233 = vector.broadcast %broadcast_in_dim3A_232 : f32 to vector<16xf32>
      %broadcast_in_dim3A_234 = arith.constant 0xFF800000 : f32
      %broadcast_in_dim3A_235 = vector.broadcast %broadcast_in_dim3A_234 : f32 to vector<16xf32>
      %broadcast_in_dim3A_236 = arith.constant 0xFF800000 : f32
      %broadcast_in_dim3A_237 = vector.broadcast %broadcast_in_dim3A_236 : f32 to vector<16xf32>
      %broadcast_in_dim3A_238 = arith.constant 0xFF800000 : f32
      %broadcast_in_dim3A_239 = vector.broadcast %broadcast_in_dim3A_238 : f32 to vector<16xf32>
      %broadcast_in_dim3A_240 = arith.constant 0xFF800000 : f32
      %broadcast_in_dim3A_241 = vector.broadcast %broadcast_in_dim3A_240 : f32 to vector<16xf32>
      %broadcast_in_dim3A_242 = arith.constant 0xFF800000 : f32
      %broadcast_in_dim3A_243 = vector.broadcast %broadcast_in_dim3A_242 : f32 to vector<16xf32>
      %scan3A_244 = arith.constant -65536 : i32
      %scan3A_245 = arith.constant 0 : i32
      %scan3A_246 = arith.constant 32 : i32
      %scan3A_247 = arith.addi %scan3A_245, %scan3A_246 : i32
      %scan3A_248 = arith.constant 1 : i32
      %scan3A_249:8 = scf.for %scan3A_1132 = %scan3A_245 to %scan3A_247 step %scan3A_248 iter_args(%scan3A_1133 = %broadcast_in_dim3A_229, %scan3A_1134 = %broadcast_in_dim3A_231, %scan3A_1135 = %broadcast_in_dim3A_233, %scan3A_1136 = %broadcast_in_dim3A_235, %scan3A_1137 = %broadcast_in_dim3A_237, %scan3A_1138 = %broadcast_in_dim3A_239, %scan3A_1139 = %broadcast_in_dim3A_241, %scan3A_1140 = %broadcast_in_dim3A_243) -> (vector<16xf32>, vector<16xf32>, vector<16xf32>, vector<16xf32>, vector<16xf32>, vector<16xf32>, vector<16xf32>, vector<16xf32>)  : i32 {
        %add3A_1141 = arith.constant 32 : i32
        %add3A_1142 = arith.addi %add3A_1141, %scan3A_1132 : i32
        %get3A = arith.constant 0 : i32
        %get3A_1143 = arith.index_cast %get3A : i32 to index
        %get3A_1144 = arith.index_cast %add3A_1142 : i32 to index
        %get3A_1145 = arith.constant 0 : index
        %get3A_1146 = tpu.vector_load %arg9[%get3A_1143, %get3A_1144, %get3A_1145] {strides = array<i32>} : memref<2x128x64xi32, #tpu.memory_space<vmem>>, vector<16xi32>,
        %shift_left3A = arith.constant 16 : i32
        %shift_left3A_1147 = vector.broadcast %shift_left3A : i32 to vector<16xi32>
        %shift_left3A_1148 = arith.shli %get3A_1146, %shift_left3A_1147 : vector<16xi32>
        %bitcast3A_1149 = vector.bitcast %shift_left3A_1148 : vector<16xi32> to vector<16xf32>
        %and3A_1150 = vector.broadcast %scan3A_244 : i32 to vector<16xi32>
        %and3A_1151 = arith.andi %get3A_1146, %and3A_1150 : vector<16xi32>
        %bitcast3A_1152 = vector.bitcast %and3A_1151 : vector<16xi32> to vector<16xf32>
        %get3A_1153 = arith.constant 0 : i32
        %get3A_1154 = arith.index_cast %get3A_1153 : i32 to index
        %get3A_1155 = arith.index_cast %add3A_1142 : i32 to index
        %get3A_1156 = arith.constant 0 : index
        %get3A_1157 = tpu.vector_load %arg10[%get3A_1154, %get3A_1155, %get3A_1156] {strides = array<i32>} : memref<2x128x64xi32, #tpu.memory_space<vmem>>, vector<16xi32>,
        %shift_left3A_1158 = arith.constant 16 : i32
        %shift_left3A_1159 = vector.broadcast %shift_left3A_1158 : i32 to vector<16xi32>
        %shift_left3A_1160 = arith.shli %get3A_1157, %shift_left3A_1159 : vector<16xi32>
        %bitcast3A_1161 = vector.bitcast %shift_left3A_1160 : vector<16xi32> to vector<16xf32>
        %and3A_1162 = vector.broadcast %scan3A_244 : i32 to vector<16xi32>
        %and3A_1163 = arith.andi %get3A_1157, %and3A_1162 : vector<16xi32>
        %bitcast3A_1164 = vector.bitcast %and3A_1163 : vector<16xi32> to vector<16xf32>
        %add3A_1165 = arith.addf %bitcast3A_1149, %bitcast3A_1161 : vector<16xf32>
        %max3A_1166 = arith.maximumf %scan3A_1133, %add3A_1165 : vector<16xf32>
        %add3A_1167 = arith.addf %bitcast3A_1152, %bitcast3A_1164 : vector<16xf32>
        %max3A_1168 = arith.maximumf %scan3A_1134, %add3A_1167 : vector<16xf32>
        %get3A_1169 = arith.constant 0 : i32
        %get3A_1170 = arith.index_cast %get3A_1169 : i32 to index
        %get3A_1171 = arith.index_cast %add3A_1142 : i32 to index
        %get3A_1172 = arith.constant 16 : index
        %get3A_1173 = tpu.vector_load %arg9[%get3A_1170, %get3A_1171, %get3A_1172] {strides = array<i32>} : memref<2x128x64xi32, #tpu.memory_space<vmem>>, vector<16xi32>,
        %shift_left3A_1174 = arith.constant 16 : i32
        %shift_left3A_1175 = vector.broadcast %shift_left3A_1174 : i32 to vector<16xi32>
        %shift_left3A_1176 = arith.shli %get3A_1173, %shift_left3A_1175 : vector<16xi32>
        %bitcast3A_1177 = vector.bitcast %shift_left3A_1176 : vector<16xi32> to vector<16xf32>
        %and3A_1178 = vector.broadcast %scan3A_244 : i32 to vector<16xi32>
        %and3A_1179 = arith.andi %get3A_1173, %and3A_1178 : vector<16xi32>
        %bitcast3A_1180 = vector.bitcast %and3A_1179 : vector<16xi32> to vector<16xf32>
        %get3A_1181 = arith.constant 0 : i32
        %get3A_1182 = arith.index_cast %get3A_1181 : i32 to index
        %get3A_1183 = arith.index_cast %add3A_1142 : i32 to index
        %get3A_1184 = arith.constant 16 : index
        %get3A_1185 = tpu.vector_load %arg10[%get3A_1182, %get3A_1183, %get3A_1184] {strides = array<i32>} : memref<2x128x64xi32, #tpu.memory_space<vmem>>, vector<16xi32>,
        %shift_left3A_1186 = arith.constant 16 : i32
        %shift_left3A_1187 = vector.broadcast %shift_left3A_1186 : i32 to vector<16xi32>
        %shift_left3A_1188 = arith.shli %get3A_1185, %shift_left3A_1187 : vector<16xi32>
        %bitcast3A_1189 = vector.bitcast %shift_left3A_1188 : vector<16xi32> to vector<16xf32>
        %and3A_1190 = vector.broadcast %scan3A_244 : i32 to vector<16xi32>
        %and3A_1191 = arith.andi %get3A_1185, %and3A_1190 : vector<16xi32>
        %bitcast3A_1192 = vector.bitcast %and3A_1191 : vector<16xi32> to vector<16xf32>
        %add3A_1193 = arith.addf %bitcast3A_1177, %bitcast3A_1189 : vector<16xf32>
        %max3A_1194 = arith.maximumf %scan3A_1135, %add3A_1193 : vector<16xf32>
        %add3A_1195 = arith.addf %bitcast3A_1180, %bitcast3A_1192 : vector<16xf32>
        %max3A_1196 = arith.maximumf %scan3A_1136, %add3A_1195 : vector<16xf32>
        %get3A_1197 = arith.constant 0 : i32
        %get3A_1198 = arith.index_cast %get3A_1197 : i32 to index
        %get3A_1199 = arith.index_cast %add3A_1142 : i32 to index
        %get3A_1200 = arith.constant 32 : index
        %get3A_1201 = tpu.vector_load %arg9[%get3A_1198, %get3A_1199, %get3A_1200] {strides = array<i32>} : memref<2x128x64xi32, #tpu.memory_space<vmem>>, vector<16xi32>,
        %shift_left3A_1202 = arith.constant 16 : i32
        %shift_left3A_1203 = vector.broadcast %shift_left3A_1202 : i32 to vector<16xi32>
        %shift_left3A_1204 = arith.shli %get3A_1201, %shift_left3A_1203 : vector<16xi32>
        %bitcast3A_1205 = vector.bitcast %shift_left3A_1204 : vector<16xi32> to vector<16xf32>
        %and3A_1206 = vector.broadcast %scan3A_244 : i32 to vector<16xi32>
        %and3A_1207 = arith.andi %get3A_1201, %and3A_1206 : vector<16xi32>
        %bitcast3A_1208 = vector.bitcast %and3A_1207 : vector<16xi32> to vector<16xf32>
        %get3A_1209 = arith.constant 0 : i32
        %get3A_1210 = arith.index_cast %get3A_1209 : i32 to index
        %get3A_1211 = arith.index_cast %add3A_1142 : i32 to index
        %get3A_1212 = arith.constant 32 : index
        %get3A_1213 = tpu.vector_load %arg10[%get3A_1210, %get3A_1211, %get3A_1212] {strides = array<i32>} : memref<2x128x64xi32, #tpu.memory_space<vmem>>, vector<16xi32>,
        %shift_left3A_1214 = arith.constant 16 : i32
        %shift_left3A_1215 = vector.broadcast %shift_left3A_1214 : i32 to vector<16xi32>
        %shift_left3A_1216 = arith.shli %get3A_1213, %shift_left3A_1215 : vector<16xi32>
        %bitcast3A_1217 = vector.bitcast %shift_left3A_1216 : vector<16xi32> to vector<16xf32>
        %and3A_1218 = vector.broadcast %scan3A_244 : i32 to vector<16xi32>
        %and3A_1219 = arith.andi %get3A_1213, %and3A_1218 : vector<16xi32>
        %bitcast3A_1220 = vector.bitcast %and3A_1219 : vector<16xi32> to vector<16xf32>
        %add3A_1221 = arith.addf %bitcast3A_1205, %bitcast3A_1217 : vector<16xf32>
        %max3A_1222 = arith.maximumf %scan3A_1137, %add3A_1221 : vector<16xf32>
        %add3A_1223 = arith.addf %bitcast3A_1208, %bitcast3A_1220 : vector<16xf32>
        %max3A_1224 = arith.maximumf %scan3A_1138, %add3A_1223 : vector<16xf32>
        %get3A_1225 = arith.constant 0 : i32
        %get3A_1226 = arith.index_cast %get3A_1225 : i32 to index
        %get3A_1227 = arith.index_cast %add3A_1142 : i32 to index
        %get3A_1228 = arith.constant 48 : index
        %get3A_1229 = tpu.vector_load %arg9[%get3A_1226, %get3A_1227, %get3A_1228] {strides = array<i32>} : memref<2x128x64xi32, #tpu.memory_space<vmem>>, vector<16xi32>,
        %shift_left3A_1230 = arith.constant 16 : i32
        %shift_left3A_1231 = vector.broadcast %shift_left3A_1230 : i32 to vector<16xi32>
        %shift_left3A_1232 = arith.shli %get3A_1229, %shift_left3A_1231 : vector<16xi32>
        %bitcast3A_1233 = vector.bitcast %shift_left3A_1232 : vector<16xi32> to vector<16xf32>
        %and3A_1234 = vector.broadcast %scan3A_244 : i32 to vector<16xi32>
        %and3A_1235 = arith.andi %get3A_1229, %and3A_1234 : vector<16xi32>
        %bitcast3A_1236 = vector.bitcast %and3A_1235 : vector<16xi32> to vector<16xf32>
        %get3A_1237 = arith.constant 0 : i32
        %get3A_1238 = arith.index_cast %get3A_1237 : i32 to index
        %get3A_1239 = arith.index_cast %add3A_1142 : i32 to index
        %get3A_1240 = arith.constant 48 : index
        %get3A_1241 = tpu.vector_load %arg10[%get3A_1238, %get3A_1239, %get3A_1240] {strides = array<i32>} : memref<2x128x64xi32, #tpu.memory_space<vmem>>, vector<16xi32>,
        %shift_left3A_1242 = arith.constant 16 : i32
        %shift_left3A_1243 = vector.broadcast %shift_left3A_1242 : i32 to vector<16xi32>
        %shift_left3A_1244 = arith.shli %get3A_1241, %shift_left3A_1243 : vector<16xi32>
        %bitcast3A_1245 = vector.bitcast %shift_left3A_1244 : vector<16xi32> to vector<16xf32>
        %and3A_1246 = vector.broadcast %scan3A_244 : i32 to vector<16xi32>
        %and3A_1247 = arith.andi %get3A_1241, %and3A_1246 : vector<16xi32>
        %bitcast3A_1248 = vector.bitcast %and3A_1247 : vector<16xi32> to vector<16xf32>
        %add3A_1249 = arith.addf %bitcast3A_1233, %bitcast3A_1245 : vector<16xf32>
        %max3A_1250 = arith.maximumf %scan3A_1139, %add3A_1249 : vector<16xf32>
        %add3A_1251 = arith.addf %bitcast3A_1236, %bitcast3A_1248 : vector<16xf32>
        %max3A_1252 = arith.maximumf %scan3A_1140, %add3A_1251 : vector<16xf32>
        scf.yield %max3A_1166, %max3A_1168, %max3A_1194, %max3A_1196, %max3A_1222, %max3A_1224, %max3A_1250, %max3A_1252 : vector<16xf32>, vector<16xf32>, vector<16xf32>, vector<16xf32>, vector<16xf32>, vector<16xf32>, vector<16xf32>, vector<16xf32>
      }
      %scan3A_250 = arith.constant 32 : i32
      %max3A_251 = arith.constant 0.000000e+00 : f32
      %max3A_252 = vector.broadcast %max3A_251 : f32 to vector<16xf32>
      %max3A_253 = arith.maximumf %scan3A_249#0, %max3A_252 : vector<16xf32>
      %max3A_254 = arith.constant 0.000000e+00 : f32
      %max3A_255 = vector.broadcast %max3A_254 : f32 to vector<16xf32>
      %max3A_256 = arith.maximumf %scan3A_249#1, %max3A_255 : vector<16xf32>
      %bitcast3A_257 = vector.bitcast %max3A_253 : vector<16xf32> to vector<16xi32>
      %add3A_258 = arith.constant 32768 : i32
      %add3A_259 = vector.broadcast %add3A_258 : i32 to vector<16xi32>
      %add3A_260 = arith.addi %bitcast3A_257, %add3A_259 : vector<16xi32>
      %shift_right_logical3A_261 = arith.constant 16 : i32
      %shift_right_logical3A_262 = vector.broadcast %shift_right_logical3A_261 : i32 to vector<16xi32>
      %shift_right_logical3A_263 = arith.shrui %add3A_260, %shift_right_logical3A_262 : vector<16xi32>
      %bitcast3A_264 = vector.bitcast %max3A_256 : vector<16xf32> to vector<16xi32>
      %add3A_265 = arith.constant 32768 : i32
      %add3A_266 = vector.broadcast %add3A_265 : i32 to vector<16xi32>
      %add3A_267 = arith.addi %bitcast3A_264, %add3A_266 : vector<16xi32>
      %and3A_268 = arith.constant -65536 : i32
      %and3A_269 = vector.broadcast %and3A_268 : i32 to vector<16xi32>
      %and3A_270 = arith.andi %add3A_267, %and3A_269 : vector<16xi32>
      %or3A_271 = arith.ori %shift_right_logical3A_263, %and3A_270 : vector<16xi32>
      %swap3A_272 = arith.constant 1 : i32
      %swap3A_273 = arith.index_cast %swap3A_272 : i32 to index
      %swap3A_274 = arith.constant 0 : index
      %swap3A_275 = tpu.vector_load %arg11[%swap3A_273, %swap3A_274] {strides = array<i32>} : memref<4x64xi32, #tpu.memory_space<vmem>>, vector<16xi32>,
      tpu.vector_store %arg11[%swap3A_273, %swap3A_274], %or3A_271 {strides = array<i32>} : memref<4x64xi32, #tpu.memory_space<vmem>>, vector<16xi32>,
      %max3A_276 = arith.constant 0.000000e+00 : f32
      %max3A_277 = vector.broadcast %max3A_276 : f32 to vector<16xf32>
      %max3A_278 = arith.maximumf %scan3A_249#2, %max3A_277 : vector<16xf32>
      %max3A_279 = arith.constant 0.000000e+00 : f32
      %max3A_280 = vector.broadcast %max3A_279 : f32 to vector<16xf32>
      %max3A_281 = arith.maximumf %scan3A_249#3, %max3A_280 : vector<16xf32>
      %bitcast3A_282 = vector.bitcast %max3A_278 : vector<16xf32> to vector<16xi32>
      %add3A_283 = arith.constant 32768 : i32
      %add3A_284 = vector.broadcast %add3A_283 : i32 to vector<16xi32>
      %add3A_285 = arith.addi %bitcast3A_282, %add3A_284 : vector<16xi32>
      %shift_right_logical3A_286 = arith.constant 16 : i32
      %shift_right_logical3A_287 = vector.broadcast %shift_right_logical3A_286 : i32 to vector<16xi32>
      %shift_right_logical3A_288 = arith.shrui %add3A_285, %shift_right_logical3A_287 : vector<16xi32>
      %bitcast3A_289 = vector.bitcast %max3A_281 : vector<16xf32> to vector<16xi32>
      %add3A_290 = arith.constant 32768 : i32
      %add3A_291 = vector.broadcast %add3A_290 : i32 to vector<16xi32>
      %add3A_292 = arith.addi %bitcast3A_289, %add3A_291 : vector<16xi32>
      %and3A_293 = arith.constant -65536 : i32
      %and3A_294 = vector.broadcast %and3A_293 : i32 to vector<16xi32>
      %and3A_295 = arith.andi %add3A_292, %and3A_294 : vector<16xi32>
      %or3A_296 = arith.ori %shift_right_logical3A_288, %and3A_295 : vector<16xi32>
      %swap3A_297 = arith.constant 1 : i32
      %swap3A_298 = arith.index_cast %swap3A_297 : i32 to index
      %swap3A_299 = arith.constant 16 : index
      %swap3A_300 = tpu.vector_load %arg11[%swap3A_298, %swap3A_299] {strides = array<i32>} : memref<4x64xi32, #tpu.memory_space<vmem>>, vector<16xi32>,
      tpu.vector_store %arg11[%swap3A_298, %swap3A_299], %or3A_296 {strides = array<i32>} : memref<4x64xi32, #tpu.memory_space<vmem>>, vector<16xi32>,
      %max3A_301 = arith.constant 0.000000e+00 : f32
      %max3A_302 = vector.broadcast %max3A_301 : f32 to vector<16xf32>
      %max3A_303 = arith.maximumf %scan3A_249#4, %max3A_302 : vector<16xf32>
      %max3A_304 = arith.constant 0.000000e+00 : f32
      %max3A_305 = vector.broadcast %max3A_304 : f32 to vector<16xf32>
      %max3A_306 = arith.maximumf %scan3A_249#5, %max3A_305 : vector<16xf32>
      %bitcast3A_307 = vector.bitcast %max3A_303 : vector<16xf32> to vector<16xi32>
      %add3A_308 = arith.constant 32768 : i32
      %add3A_309 = vector.broadcast %add3A_308 : i32 to vector<16xi32>
      %add3A_310 = arith.addi %bitcast3A_307, %add3A_309 : vector<16xi32>
      %shift_right_logical3A_311 = arith.constant 16 : i32
      %shift_right_logical3A_312 = vector.broadcast %shift_right_logical3A_311 : i32 to vector<16xi32>
      %shift_right_logical3A_313 = arith.shrui %add3A_310, %shift_right_logical3A_312 : vector<16xi32>
      %bitcast3A_314 = vector.bitcast %max3A_306 : vector<16xf32> to vector<16xi32>
      %add3A_315 = arith.constant 32768 : i32
      %add3A_316 = vector.broadcast %add3A_315 : i32 to vector<16xi32>
      %add3A_317 = arith.addi %bitcast3A_314, %add3A_316 : vector<16xi32>
      %and3A_318 = arith.constant -65536 : i32
      %and3A_319 = vector.broadcast %and3A_318 : i32 to vector<16xi32>
      %and3A_320 = arith.andi %add3A_317, %and3A_319 : vector<16xi32>
      %or3A_321 = arith.ori %shift_right_logical3A_313, %and3A_320 : vector<16xi32>
      %swap3A_322 = arith.constant 1 : i32
      %swap3A_323 = arith.index_cast %swap3A_322 : i32 to index
      %swap3A_324 = arith.constant 32 : index
      %swap3A_325 = tpu.vector_load %arg11[%swap3A_323, %swap3A_324] {strides = array<i32>} : memref<4x64xi32, #tpu.memory_space<vmem>>, vector<16xi32>,
      tpu.vector_store %arg11[%swap3A_323, %swap3A_324], %or3A_321 {strides = array<i32>} : memref<4x64xi32, #tpu.memory_space<vmem>>, vector<16xi32>,
      %max3A_326 = arith.constant 0.000000e+00 : f32
      %max3A_327 = vector.broadcast %max3A_326 : f32 to vector<16xf32>
      %max3A_328 = arith.maximumf %scan3A_249#6, %max3A_327 : vector<16xf32>
      %max3A_329 = arith.constant 0.000000e+00 : f32
      %max3A_330 = vector.broadcast %max3A_329 : f32 to vector<16xf32>
      %max3A_331 = arith.maximumf %scan3A_249#7, %max3A_330 : vector<16xf32>
      %bitcast3A_332 = vector.bitcast %max3A_328 : vector<16xf32> to vector<16xi32>
      %add3A_333 = arith.constant 32768 : i32
      %add3A_334 = vector.broadcast %add3A_333 : i32 to vector<16xi32>
      %add3A_335 = arith.addi %bitcast3A_332, %add3A_334 : vector<16xi32>
      %shift_right_logical3A_336 = arith.constant 16 : i32
      %shift_right_logical3A_337 = vector.broadcast %shift_right_logical3A_336 : i32 to vector<16xi32>
      %shift_right_logical3A_338 = arith.shrui %add3A_335, %shift_right_logical3A_337 : vector<16xi32>
      %bitcast3A_339 = vector.bitcast %max3A_331 : vector<16xf32> to vector<16xi32>
      %add3A_340 = arith.constant 32768 : i32
      %add3A_341 = vector.broadcast %add3A_340 : i32 to vector<16xi32>
      %add3A_342 = arith.addi %bitcast3A_339, %add3A_341 : vector<16xi32>
      %and3A_343 = arith.constant -65536 : i32
      %and3A_344 = vector.broadcast %and3A_343 : i32 to vector<16xi32>
      %and3A_345 = arith.andi %add3A_342, %and3A_344 : vector<16xi32>
      %or3A_346 = arith.ori %shift_right_logical3A_338, %and3A_345 : vector<16xi32>
      %swap3A_347 = arith.constant 1 : i32
      %swap3A_348 = arith.index_cast %swap3A_347 : i32 to index
      %swap3A_349 = arith.constant 48 : index
      %swap3A_350 = tpu.vector_load %arg11[%swap3A_348, %swap3A_349] {strides = array<i32>} : memref<4x64xi32, #tpu.memory_space<vmem>>, vector<16xi32>,
      tpu.vector_store %arg11[%swap3A_348, %swap3A_349], %or3A_346 {strides = array<i32>} : memref<4x64xi32, #tpu.memory_space<vmem>>, vector<16xi32>,
      %broadcast_in_dim3A_351 = arith.constant 0xFF800000 : f32
      %broadcast_in_dim3A_352 = vector.broadcast %broadcast_in_dim3A_351 : f32 to vector<16xf32>
      %broadcast_in_dim3A_353 = arith.constant 0xFF800000 : f32
      %broadcast_in_dim3A_354 = vector.broadcast %broadcast_in_dim3A_353 : f32 to vector<16xf32>
      %broadcast_in_dim3A_355 = arith.constant 0xFF800000 : f32
      %broadcast_in_dim3A_356 = vector.broadcast %broadcast_in_dim3A_355 : f32 to vector<16xf32>
      %broadcast_in_dim3A_357 = arith.constant 0xFF800000 : f32
      %broadcast_in_dim3A_358 = vector.broadcast %broadcast_in_dim3A_357 : f32 to vector<16xf32>
      %broadcast_in_dim3A_359 = arith.constant 0xFF800000 : f32
      %broadcast_in_dim3A_360 = vector.broadcast %broadcast_in_dim3A_359 : f32 to vector<16xf32>
      %broadcast_in_dim3A_361 = arith.constant 0xFF800000 : f32
      %broadcast_in_dim3A_362 = vector.broadcast %broadcast_in_dim3A_361 : f32 to vector<16xf32>
      %broadcast_in_dim3A_363 = arith.constant 0xFF800000 : f32
      %broadcast_in_dim3A_364 = vector.broadcast %broadcast_in_dim3A_363 : f32 to vector<16xf32>
      %broadcast_in_dim3A_365 = arith.constant 0xFF800000 : f32
      %broadcast_in_dim3A_366 = vector.broadcast %broadcast_in_dim3A_365 : f32 to vector<16xf32>
      %scan3A_367 = arith.constant -65536 : i32
      %scan3A_368 = arith.constant 0 : i32
      %scan3A_369 = arith.constant 32 : i32
      %scan3A_370 = arith.addi %scan3A_368, %scan3A_369 : i32
      %scan3A_371 = arith.constant 1 : i32
      %scan3A_372:8 = scf.for %scan3A_1132 = %scan3A_368 to %scan3A_370 step %scan3A_371 iter_args(%scan3A_1133 = %broadcast_in_dim3A_352, %scan3A_1134 = %broadcast_in_dim3A_354, %scan3A_1135 = %broadcast_in_dim3A_356, %scan3A_1136 = %broadcast_in_dim3A_358, %scan3A_1137 = %broadcast_in_dim3A_360, %scan3A_1138 = %broadcast_in_dim3A_362, %scan3A_1139 = %broadcast_in_dim3A_364, %scan3A_1140 = %broadcast_in_dim3A_366) -> (vector<16xf32>, vector<16xf32>, vector<16xf32>, vector<16xf32>, vector<16xf32>, vector<16xf32>, vector<16xf32>, vector<16xf32>)  : i32 {
        %add3A_1141 = arith.constant 64 : i32
        %add3A_1142 = arith.addi %add3A_1141, %scan3A_1132 : i32
        %get3A = arith.constant 0 : i32
        %get3A_1143 = arith.index_cast %get3A : i32 to index
        %get3A_1144 = arith.index_cast %add3A_1142 : i32 to index
        %get3A_1145 = arith.constant 0 : index
        %get3A_1146 = tpu.vector_load %arg9[%get3A_1143, %get3A_1144, %get3A_1145] {strides = array<i32>} : memref<2x128x64xi32, #tpu.memory_space<vmem>>, vector<16xi32>,
        %shift_left3A = arith.constant 16 : i32
        %shift_left3A_1147 = vector.broadcast %shift_left3A : i32 to vector<16xi32>
        %shift_left3A_1148 = arith.shli %get3A_1146, %shift_left3A_1147 : vector<16xi32>
        %bitcast3A_1149 = vector.bitcast %shift_left3A_1148 : vector<16xi32> to vector<16xf32>
        %and3A_1150 = vector.broadcast %scan3A_367 : i32 to vector<16xi32>
        %and3A_1151 = arith.andi %get3A_1146, %and3A_1150 : vector<16xi32>
        %bitcast3A_1152 = vector.bitcast %and3A_1151 : vector<16xi32> to vector<16xf32>
        %get3A_1153 = arith.constant 0 : i32
        %get3A_1154 = arith.index_cast %get3A_1153 : i32 to index
        %get3A_1155 = arith.index_cast %add3A_1142 : i32 to index
        %get3A_1156 = arith.constant 0 : index
        %get3A_1157 = tpu.vector_load %arg10[%get3A_1154, %get3A_1155, %get3A_1156] {strides = array<i32>} : memref<2x128x64xi32, #tpu.memory_space<vmem>>, vector<16xi32>,
        %shift_left3A_1158 = arith.constant 16 : i32
        %shift_left3A_1159 = vector.broadcast %shift_left3A_1158 : i32 to vector<16xi32>
        %shift_left3A_1160 = arith.shli %get3A_1157, %shift_left3A_1159 : vector<16xi32>
        %bitcast3A_1161 = vector.bitcast %shift_left3A_1160 : vector<16xi32> to vector<16xf32>
        %and3A_1162 = vector.broadcast %scan3A_367 : i32 to vector<16xi32>
        %and3A_1163 = arith.andi %get3A_1157, %and3A_1162 : vector<16xi32>
        %bitcast3A_1164 = vector.bitcast %and3A_1163 : vector<16xi32> to vector<16xf32>
        %add3A_1165 = arith.addf %bitcast3A_1149, %bitcast3A_1161 : vector<16xf32>
        %max3A_1166 = arith.maximumf %scan3A_1133, %add3A_1165 : vector<16xf32>
        %add3A_1167 = arith.addf %bitcast3A_1152, %bitcast3A_1164 : vector<16xf32>
        %max3A_1168 = arith.maximumf %scan3A_1134, %add3A_1167 : vector<16xf32>
        %get3A_1169 = arith.constant 0 : i32
        %get3A_1170 = arith.index_cast %get3A_1169 : i32 to index
        %get3A_1171 = arith.index_cast %add3A_1142 : i32 to index
        %get3A_1172 = arith.constant 16 : index
        %get3A_1173 = tpu.vector_load %arg9[%get3A_1170, %get3A_1171, %get3A_1172] {strides = array<i32>} : memref<2x128x64xi32, #tpu.memory_space<vmem>>, vector<16xi32>,
        %shift_left3A_1174 = arith.constant 16 : i32
        %shift_left3A_1175 = vector.broadcast %shift_left3A_1174 : i32 to vector<16xi32>
        %shift_left3A_1176 = arith.shli %get3A_1173, %shift_left3A_1175 : vector<16xi32>
        %bitcast3A_1177 = vector.bitcast %shift_left3A_1176 : vector<16xi32> to vector<16xf32>
        %and3A_1178 = vector.broadcast %scan3A_367 : i32 to vector<16xi32>
        %and3A_1179 = arith.andi %get3A_1173, %and3A_1178 : vector<16xi32>
        %bitcast3A_1180 = vector.bitcast %and3A_1179 : vector<16xi32> to vector<16xf32>
        %get3A_1181 = arith.constant 0 : i32
        %get3A_1182 = arith.index_cast %get3A_1181 : i32 to index
        %get3A_1183 = arith.index_cast %add3A_1142 : i32 to index
        %get3A_1184 = arith.constant 16 : index
        %get3A_1185 = tpu.vector_load %arg10[%get3A_1182, %get3A_1183, %get3A_1184] {strides = array<i32>} : memref<2x128x64xi32, #tpu.memory_space<vmem>>, vector<16xi32>,
        %shift_left3A_1186 = arith.constant 16 : i32
        %shift_left3A_1187 = vector.broadcast %shift_left3A_1186 : i32 to vector<16xi32>
        %shift_left3A_1188 = arith.shli %get3A_1185, %shift_left3A_1187 : vector<16xi32>
        %bitcast3A_1189 = vector.bitcast %shift_left3A_1188 : vector<16xi32> to vector<16xf32>
        %and3A_1190 = vector.broadcast %scan3A_367 : i32 to vector<16xi32>
        %and3A_1191 = arith.andi %get3A_1185, %and3A_1190 : vector<16xi32>
        %bitcast3A_1192 = vector.bitcast %and3A_1191 : vector<16xi32> to vector<16xf32>
        %add3A_1193 = arith.addf %bitcast3A_1177, %bitcast3A_1189 : vector<16xf32>
        %max3A_1194 = arith.maximumf %scan3A_1135, %add3A_1193 : vector<16xf32>
        %add3A_1195 = arith.addf %bitcast3A_1180, %bitcast3A_1192 : vector<16xf32>
        %max3A_1196 = arith.maximumf %scan3A_1136, %add3A_1195 : vector<16xf32>
        %get3A_1197 = arith.constant 0 : i32
        %get3A_1198 = arith.index_cast %get3A_1197 : i32 to index
        %get3A_1199 = arith.index_cast %add3A_1142 : i32 to index
        %get3A_1200 = arith.constant 32 : index
        %get3A_1201 = tpu.vector_load %arg9[%get3A_1198, %get3A_1199, %get3A_1200] {strides = array<i32>} : memref<2x128x64xi32, #tpu.memory_space<vmem>>, vector<16xi32>,
        %shift_left3A_1202 = arith.constant 16 : i32
        %shift_left3A_1203 = vector.broadcast %shift_left3A_1202 : i32 to vector<16xi32>
        %shift_left3A_1204 = arith.shli %get3A_1201, %shift_left3A_1203 : vector<16xi32>
        %bitcast3A_1205 = vector.bitcast %shift_left3A_1204 : vector<16xi32> to vector<16xf32>
        %and3A_1206 = vector.broadcast %scan3A_367 : i32 to vector<16xi32>
        %and3A_1207 = arith.andi %get3A_1201, %and3A_1206 : vector<16xi32>
        %bitcast3A_1208 = vector.bitcast %and3A_1207 : vector<16xi32> to vector<16xf32>
        %get3A_1209 = arith.constant 0 : i32
        %get3A_1210 = arith.index_cast %get3A_1209 : i32 to index
        %get3A_1211 = arith.index_cast %add3A_1142 : i32 to index
        %get3A_1212 = arith.constant 32 : index
        %get3A_1213 = tpu.vector_load %arg10[%get3A_1210, %get3A_1211, %get3A_1212] {strides = array<i32>} : memref<2x128x64xi32, #tpu.memory_space<vmem>>, vector<16xi32>,
        %shift_left3A_1214 = arith.constant 16 : i32
        %shift_left3A_1215 = vector.broadcast %shift_left3A_1214 : i32 to vector<16xi32>
        %shift_left3A_1216 = arith.shli %get3A_1213, %shift_left3A_1215 : vector<16xi32>
        %bitcast3A_1217 = vector.bitcast %shift_left3A_1216 : vector<16xi32> to vector<16xf32>
        %and3A_1218 = vector.broadcast %scan3A_367 : i32 to vector<16xi32>
        %and3A_1219 = arith.andi %get3A_1213, %and3A_1218 : vector<16xi32>
        %bitcast3A_1220 = vector.bitcast %and3A_1219 : vector<16xi32> to vector<16xf32>
        %add3A_1221 = arith.addf %bitcast3A_1205, %bitcast3A_1217 : vector<16xf32>
        %max3A_1222 = arith.maximumf %scan3A_1137, %add3A_1221 : vector<16xf32>
        %add3A_1223 = arith.addf %bitcast3A_1208, %bitcast3A_1220 : vector<16xf32>
        %max3A_1224 = arith.maximumf %scan3A_1138, %add3A_1223 : vector<16xf32>
        %get3A_1225 = arith.constant 0 : i32
        %get3A_1226 = arith.index_cast %get3A_1225 : i32 to index
        %get3A_1227 = arith.index_cast %add3A_1142 : i32 to index
        %get3A_1228 = arith.constant 48 : index
        %get3A_1229 = tpu.vector_load %arg9[%get3A_1226, %get3A_1227, %get3A_1228] {strides = array<i32>} : memref<2x128x64xi32, #tpu.memory_space<vmem>>, vector<16xi32>,
        %shift_left3A_1230 = arith.constant 16 : i32
        %shift_left3A_1231 = vector.broadcast %shift_left3A_1230 : i32 to vector<16xi32>
        %shift_left3A_1232 = arith.shli %get3A_1229, %shift_left3A_1231 : vector<16xi32>
        %bitcast3A_1233 = vector.bitcast %shift_left3A_1232 : vector<16xi32> to vector<16xf32>
        %and3A_1234 = vector.broadcast %scan3A_367 : i32 to vector<16xi32>
        %and3A_1235 = arith.andi %get3A_1229, %and3A_1234 : vector<16xi32>
        %bitcast3A_1236 = vector.bitcast %and3A_1235 : vector<16xi32> to vector<16xf32>
        %get3A_1237 = arith.constant 0 : i32
        %get3A_1238 = arith.index_cast %get3A_1237 : i32 to index
        %get3A_1239 = arith.index_cast %add3A_1142 : i32 to index
        %get3A_1240 = arith.constant 48 : index
        %get3A_1241 = tpu.vector_load %arg10[%get3A_1238, %get3A_1239, %get3A_1240] {strides = array<i32>} : memref<2x128x64xi32, #tpu.memory_space<vmem>>, vector<16xi32>,
        %shift_left3A_1242 = arith.constant 16 : i32
        %shift_left3A_1243 = vector.broadcast %shift_left3A_1242 : i32 to vector<16xi32>
        %shift_left3A_1244 = arith.shli %get3A_1241, %shift_left3A_1243 : vector<16xi32>
        %bitcast3A_1245 = vector.bitcast %shift_left3A_1244 : vector<16xi32> to vector<16xf32>
        %and3A_1246 = vector.broadcast %scan3A_367 : i32 to vector<16xi32>
        %and3A_1247 = arith.andi %get3A_1241, %and3A_1246 : vector<16xi32>
        %bitcast3A_1248 = vector.bitcast %and3A_1247 : vector<16xi32> to vector<16xf32>
        %add3A_1249 = arith.addf %bitcast3A_1233, %bitcast3A_1245 : vector<16xf32>
        %max3A_1250 = arith.maximumf %scan3A_1139, %add3A_1249 : vector<16xf32>
        %add3A_1251 = arith.addf %bitcast3A_1236, %bitcast3A_1248 : vector<16xf32>
        %max3A_1252 = arith.maximumf %scan3A_1140, %add3A_1251 : vector<16xf32>
        scf.yield %max3A_1166, %max3A_1168, %max3A_1194, %max3A_1196, %max3A_1222, %max3A_1224, %max3A_1250, %max3A_1252 : vector<16xf32>, vector<16xf32>, vector<16xf32>, vector<16xf32>, vector<16xf32>, vector<16xf32>, vector<16xf32>, vector<16xf32>
      }
      %scan3A_373 = arith.constant 32 : i32
      %max3A_374 = arith.constant 0.000000e+00 : f32
      %max3A_375 = vector.broadcast %max3A_374 : f32 to vector<16xf32>
      %max3A_376 = arith.maximumf %scan3A_372#0, %max3A_375 : vector<16xf32>
      %max3A_377 = arith.constant 0.000000e+00 : f32
      %max3A_378 = vector.broadcast %max3A_377 : f32 to vector<16xf32>
      %max3A_379 = arith.maximumf %scan3A_372#1, %max3A_378 : vector<16xf32>
      %bitcast3A_380 = vector.bitcast %max3A_376 : vector<16xf32> to vector<16xi32>
      %add3A_381 = arith.constant 32768 : i32
      %add3A_382 = vector.broadcast %add3A_381 : i32 to vector<16xi32>
      %add3A_383 = arith.addi %bitcast3A_380, %add3A_382 : vector<16xi32>
      %shift_right_logical3A_384 = arith.constant 16 : i32
      %shift_right_logical3A_385 = vector.broadcast %shift_right_logical3A_384 : i32 to vector<16xi32>
      %shift_right_logical3A_386 = arith.shrui %add3A_383, %shift_right_logical3A_385 : vector<16xi32>
      %bitcast3A_387 = vector.bitcast %max3A_379 : vector<16xf32> to vector<16xi32>
      %add3A_388 = arith.constant 32768 : i32
      %add3A_389 = vector.broadcast %add3A_388 : i32 to vector<16xi32>
      %add3A_390 = arith.addi %bitcast3A_387, %add3A_389 : vector<16xi32>
      %and3A_391 = arith.constant -65536 : i32
      %and3A_392 = vector.broadcast %and3A_391 : i32 to vector<16xi32>
      %and3A_393 = arith.andi %add3A_390, %and3A_392 : vector<16xi32>
      %or3A_394 = arith.ori %shift_right_logical3A_386, %and3A_393 : vector<16xi32>
      %swap3A_395 = arith.constant 2 : i32
      %swap3A_396 = arith.index_cast %swap3A_395 : i32 to index
      %swap3A_397 = arith.constant 0 : index
      %swap3A_398 = tpu.vector_load %arg11[%swap3A_396, %swap3A_397] {strides = array<i32>} : memref<4x64xi32, #tpu.memory_space<vmem>>, vector<16xi32>,
      tpu.vector_store %arg11[%swap3A_396, %swap3A_397], %or3A_394 {strides = array<i32>} : memref<4x64xi32, #tpu.memory_space<vmem>>, vector<16xi32>,
      %max3A_399 = arith.constant 0.000000e+00 : f32
      %max3A_400 = vector.broadcast %max3A_399 : f32 to vector<16xf32>
      %max3A_401 = arith.maximumf %scan3A_372#2, %max3A_400 : vector<16xf32>
      %max3A_402 = arith.constant 0.000000e+00 : f32
      %max3A_403 = vector.broadcast %max3A_402 : f32 to vector<16xf32>
      %max3A_404 = arith.maximumf %scan3A_372#3, %max3A_403 : vector<16xf32>
      %bitcast3A_405 = vector.bitcast %max3A_401 : vector<16xf32> to vector<16xi32>
      %add3A_406 = arith.constant 32768 : i32
      %add3A_407 = vector.broadcast %add3A_406 : i32 to vector<16xi32>
      %add3A_408 = arith.addi %bitcast3A_405, %add3A_407 : vector<16xi32>
      %shift_right_logical3A_409 = arith.constant 16 : i32
      %shift_right_logical3A_410 = vector.broadcast %shift_right_logical3A_409 : i32 to vector<16xi32>
      %shift_right_logical3A_411 = arith.shrui %add3A_408, %shift_right_logical3A_410 : vector<16xi32>
      %bitcast3A_412 = vector.bitcast %max3A_404 : vector<16xf32> to vector<16xi32>
      %add3A_413 = arith.constant 32768 : i32
      %add3A_414 = vector.broadcast %add3A_413 : i32 to vector<16xi32>
      %add3A_415 = arith.addi %bitcast3A_412, %add3A_414 : vector<16xi32>
      %and3A_416 = arith.constant -65536 : i32
      %and3A_417 = vector.broadcast %and3A_416 : i32 to vector<16xi32>
      %and3A_418 = arith.andi %add3A_415, %and3A_417 : vector<16xi32>
      %or3A_419 = arith.ori %shift_right_logical3A_411, %and3A_418 : vector<16xi32>
      %swap3A_420 = arith.constant 2 : i32
      %swap3A_421 = arith.index_cast %swap3A_420 : i32 to index
      %swap3A_422 = arith.constant 16 : index
      %swap3A_423 = tpu.vector_load %arg11[%swap3A_421, %swap3A_422] {strides = array<i32>} : memref<4x64xi32, #tpu.memory_space<vmem>>, vector<16xi32>,
      tpu.vector_store %arg11[%swap3A_421, %swap3A_422], %or3A_419 {strides = array<i32>} : memref<4x64xi32, #tpu.memory_space<vmem>>, vector<16xi32>,
      %max3A_424 = arith.constant 0.000000e+00 : f32
      %max3A_425 = vector.broadcast %max3A_424 : f32 to vector<16xf32>
      %max3A_426 = arith.maximumf %scan3A_372#4, %max3A_425 : vector<16xf32>
      %max3A_427 = arith.constant 0.000000e+00 : f32
      %max3A_428 = vector.broadcast %max3A_427 : f32 to vector<16xf32>
      %max3A_429 = arith.maximumf %scan3A_372#5, %max3A_428 : vector<16xf32>
      %bitcast3A_430 = vector.bitcast %max3A_426 : vector<16xf32> to vector<16xi32>
      %add3A_431 = arith.constant 32768 : i32
      %add3A_432 = vector.broadcast %add3A_431 : i32 to vector<16xi32>
      %add3A_433 = arith.addi %bitcast3A_430, %add3A_432 : vector<16xi32>
      %shift_right_logical3A_434 = arith.constant 16 : i32
      %shift_right_logical3A_435 = vector.broadcast %shift_right_logical3A_434 : i32 to vector<16xi32>
      %shift_right_logical3A_436 = arith.shrui %add3A_433, %shift_right_logical3A_435 : vector<16xi32>
      %bitcast3A_437 = vector.bitcast %max3A_429 : vector<16xf32> to vector<16xi32>
      %add3A_438 = arith.constant 32768 : i32
      %add3A_439 = vector.broadcast %add3A_438 : i32 to vector<16xi32>
      %add3A_440 = arith.addi %bitcast3A_437, %add3A_439 : vector<16xi32>
      %and3A_441 = arith.constant -65536 : i32
      %and3A_442 = vector.broadcast %and3A_441 : i32 to vector<16xi32>
      %and3A_443 = arith.andi %add3A_440, %and3A_442 : vector<16xi32>
      %or3A_444 = arith.ori %shift_right_logical3A_436, %and3A_443 : vector<16xi32>
      %swap3A_445 = arith.constant 2 : i32
      %swap3A_446 = arith.index_cast %swap3A_445 : i32 to index
      %swap3A_447 = arith.constant 32 : index
      %swap3A_448 = tpu.vector_load %arg11[%swap3A_446, %swap3A_447] {strides = array<i32>} : memref<4x64xi32, #tpu.memory_space<vmem>>, vector<16xi32>,
      tpu.vector_store %arg11[%swap3A_446, %swap3A_447], %or3A_444 {strides = array<i32>} : memref<4x64xi32, #tpu.memory_space<vmem>>, vector<16xi32>,
      %max3A_449 = arith.constant 0.000000e+00 : f32
      %max3A_450 = vector.broadcast %max3A_449 : f32 to vector<16xf32>
      %max3A_451 = arith.maximumf %scan3A_372#6, %max3A_450 : vector<16xf32>
      %max3A_452 = arith.constant 0.000000e+00 : f32
      %max3A_453 = vector.broadcast %max3A_452 : f32 to vector<16xf32>
      %max3A_454 = arith.maximumf %scan3A_372#7, %max3A_453 : vector<16xf32>
      %bitcast3A_455 = vector.bitcast %max3A_451 : vector<16xf32> to vector<16xi32>
      %add3A_456 = arith.constant 32768 : i32
      %add3A_457 = vector.broadcast %add3A_456 : i32 to vector<16xi32>
      %add3A_458 = arith.addi %bitcast3A_455, %add3A_457 : vector<16xi32>
      %shift_right_logical3A_459 = arith.constant 16 : i32
      %shift_right_logical3A_460 = vector.broadcast %shift_right_logical3A_459 : i32 to vector<16xi32>
      %shift_right_logical3A_461 = arith.shrui %add3A_458, %shift_right_logical3A_460 : vector<16xi32>
      %bitcast3A_462 = vector.bitcast %max3A_454 : vector<16xf32> to vector<16xi32>
      %add3A_463 = arith.constant 32768 : i32
      %add3A_464 = vector.broadcast %add3A_463 : i32 to vector<16xi32>
      %add3A_465 = arith.addi %bitcast3A_462, %add3A_464 : vector<16xi32>
      %and3A_466 = arith.constant -65536 : i32
      %and3A_467 = vector.broadcast %and3A_466 : i32 to vector<16xi32>
      %and3A_468 = arith.andi %add3A_465, %and3A_467 : vector<16xi32>
      %or3A_469 = arith.ori %shift_right_logical3A_461, %and3A_468 : vector<16xi32>
      %swap3A_470 = arith.constant 2 : i32
      %swap3A_471 = arith.index_cast %swap3A_470 : i32 to index
      %swap3A_472 = arith.constant 48 : index
      %swap3A_473 = tpu.vector_load %arg11[%swap3A_471, %swap3A_472] {strides = array<i32>} : memref<4x64xi32, #tpu.memory_space<vmem>>, vector<16xi32>,
      tpu.vector_store %arg11[%swap3A_471, %swap3A_472], %or3A_469 {strides = array<i32>} : memref<4x64xi32, #tpu.memory_space<vmem>>, vector<16xi32>,
      %broadcast_in_dim3A_474 = arith.constant 0xFF800000 : f32
      %broadcast_in_dim3A_475 = vector.broadcast %broadcast_in_dim3A_474 : f32 to vector<16xf32>
      %broadcast_in_dim3A_476 = arith.constant 0xFF800000 : f32
      %broadcast_in_dim3A_477 = vector.broadcast %broadcast_in_dim3A_476 : f32 to vector<16xf32>
      %broadcast_in_dim3A_478 = arith.constant 0xFF800000 : f32
      %broadcast_in_dim3A_479 = vector.broadcast %broadcast_in_dim3A_478 : f32 to vector<16xf32>
      %broadcast_in_dim3A_480 = arith.constant 0xFF800000 : f32
      %broadcast_in_dim3A_481 = vector.broadcast %broadcast_in_dim3A_480 : f32 to vector<16xf32>
      %broadcast_in_dim3A_482 = arith.constant 0xFF800000 : f32
      %broadcast_in_dim3A_483 = vector.broadcast %broadcast_in_dim3A_482 : f32 to vector<16xf32>
      %broadcast_in_dim3A_484 = arith.constant 0xFF800000 : f32
      %broadcast_in_dim3A_485 = vector.broadcast %broadcast_in_dim3A_484 : f32 to vector<16xf32>
      %broadcast_in_dim3A_486 = arith.constant 0xFF800000 : f32
      %broadcast_in_dim3A_487 = vector.broadcast %broadcast_in_dim3A_486 : f32 to vector<16xf32>
      %broadcast_in_dim3A_488 = arith.constant 0xFF800000 : f32
      %broadcast_in_dim3A_489 = vector.broadcast %broadcast_in_dim3A_488 : f32 to vector<16xf32>
      %scan3A_490 = arith.constant -65536 : i32
      %scan3A_491 = arith.constant 0 : i32
      %scan3A_492 = arith.constant 32 : i32
      %scan3A_493 = arith.addi %scan3A_491, %scan3A_492 : i32
      %scan3A_494 = arith.constant 1 : i32
      %scan3A_495:8 = scf.for %scan3A_1132 = %scan3A_491 to %scan3A_493 step %scan3A_494 iter_args(%scan3A_1133 = %broadcast_in_dim3A_475, %scan3A_1134 = %broadcast_in_dim3A_477, %scan3A_1135 = %broadcast_in_dim3A_479, %scan3A_1136 = %broadcast_in_dim3A_481, %scan3A_1137 = %broadcast_in_dim3A_483, %scan3A_1138 = %broadcast_in_dim3A_485, %scan3A_1139 = %broadcast_in_dim3A_487, %scan3A_1140 = %broadcast_in_dim3A_489) -> (vector<16xf32>, vector<16xf32>, vector<16xf32>, vector<16xf32>, vector<16xf32>, vector<16xf32>, vector<16xf32>, vector<16xf32>)  : i32 {
        %add3A_1141 = arith.constant 96 : i32
        %add3A_1142 = arith.addi %add3A_1141, %scan3A_1132 : i32
        %get3A = arith.constant 0 : i32
        %get3A_1143 = arith.index_cast %get3A : i32 to index
        %get3A_1144 = arith.index_cast %add3A_1142 : i32 to index
        %get3A_1145 = arith.constant 0 : index
        %get3A_1146 = tpu.vector_load %arg9[%get3A_1143, %get3A_1144, %get3A_1145] {strides = array<i32>} : memref<2x128x64xi32, #tpu.memory_space<vmem>>, vector<16xi32>,
        %shift_left3A = arith.constant 16 : i32
        %shift_left3A_1147 = vector.broadcast %shift_left3A : i32 to vector<16xi32>
        %shift_left3A_1148 = arith.shli %get3A_1146, %shift_left3A_1147 : vector<16xi32>
        %bitcast3A_1149 = vector.bitcast %shift_left3A_1148 : vector<16xi32> to vector<16xf32>
        %and3A_1150 = vector.broadcast %scan3A_490 : i32 to vector<16xi32>
        %and3A_1151 = arith.andi %get3A_1146, %and3A_1150 : vector<16xi32>
        %bitcast3A_1152 = vector.bitcast %and3A_1151 : vector<16xi32> to vector<16xf32>
        %get3A_1153 = arith.constant 0 : i32
        %get3A_1154 = arith.index_cast %get3A_1153 : i32 to index
        %get3A_1155 = arith.index_cast %add3A_1142 : i32 to index
        %get3A_1156 = arith.constant 0 : index
        %get3A_1157 = tpu.vector_load %arg10[%get3A_1154, %get3A_1155, %get3A_1156] {strides = array<i32>} : memref<2x128x64xi32, #tpu.memory_space<vmem>>, vector<16xi32>,
        %shift_left3A_1158 = arith.constant 16 : i32
        %shift_left3A_1159 = vector.broadcast %shift_left3A_1158 : i32 to vector<16xi32>
        %shift_left3A_1160 = arith.shli %get3A_1157, %shift_left3A_1159 : vector<16xi32>
        %bitcast3A_1161 = vector.bitcast %shift_left3A_1160 : vector<16xi32> to vector<16xf32>
        %and3A_1162 = vector.broadcast %scan3A_490 : i32 to vector<16xi32>
        %and3A_1163 = arith.andi %get3A_1157, %and3A_1162 : vector<16xi32>
        %bitcast3A_1164 = vector.bitcast %and3A_1163 : vector<16xi32> to vector<16xf32>
        %add3A_1165 = arith.addf %bitcast3A_1149, %bitcast3A_1161 : vector<16xf32>
        %max3A_1166 = arith.maximumf %scan3A_1133, %add3A_1165 : vector<16xf32>
        %add3A_1167 = arith.addf %bitcast3A_1152, %bitcast3A_1164 : vector<16xf32>
        %max3A_1168 = arith.maximumf %scan3A_1134, %add3A_1167 : vector<16xf32>
        %get3A_1169 = arith.constant 0 : i32
        %get3A_1170 = arith.index_cast %get3A_1169 : i32 to index
        %get3A_1171 = arith.index_cast %add3A_1142 : i32 to index
        %get3A_1172 = arith.constant 16 : index
        %get3A_1173 = tpu.vector_load %arg9[%get3A_1170, %get3A_1171, %get3A_1172] {strides = array<i32>} : memref<2x128x64xi32, #tpu.memory_space<vmem>>, vector<16xi32>,
        %shift_left3A_1174 = arith.constant 16 : i32
        %shift_left3A_1175 = vector.broadcast %shift_left3A_1174 : i32 to vector<16xi32>
        %shift_left3A_1176 = arith.shli %get3A_1173, %shift_left3A_1175 : vector<16xi32>
        %bitcast3A_1177 = vector.bitcast %shift_left3A_1176 : vector<16xi32> to vector<16xf32>
        %and3A_1178 = vector.broadcast %scan3A_490 : i32 to vector<16xi32>
        %and3A_1179 = arith.andi %get3A_1173, %and3A_1178 : vector<16xi32>
        %bitcast3A_1180 = vector.bitcast %and3A_1179 : vector<16xi32> to vector<16xf32>
        %get3A_1181 = arith.constant 0 : i32
        %get3A_1182 = arith.index_cast %get3A_1181 : i32 to index
        %get3A_1183 = arith.index_cast %add3A_1142 : i32 to index
        %get3A_1184 = arith.constant 16 : index
        %get3A_1185 = tpu.vector_load %arg10[%get3A_1182, %get3A_1183, %get3A_1184] {strides = array<i32>} : memref<2x128x64xi32, #tpu.memory_space<vmem>>, vector<16xi32>,
        %shift_left3A_1186 = arith.constant 16 : i32
        %shift_left3A_1187 = vector.broadcast %shift_left3A_1186 : i32 to vector<16xi32>
        %shift_left3A_1188 = arith.shli %get3A_1185, %shift_left3A_1187 : vector<16xi32>
        %bitcast3A_1189 = vector.bitcast %shift_left3A_1188 : vector<16xi32> to vector<16xf32>
        %and3A_1190 = vector.broadcast %scan3A_490 : i32 to vector<16xi32>
        %and3A_1191 = arith.andi %get3A_1185, %and3A_1190 : vector<16xi32>
        %bitcast3A_1192 = vector.bitcast %and3A_1191 : vector<16xi32> to vector<16xf32>
        %add3A_1193 = arith.addf %bitcast3A_1177, %bitcast3A_1189 : vector<16xf32>
        %max3A_1194 = arith.maximumf %scan3A_1135, %add3A_1193 : vector<16xf32>
        %add3A_1195 = arith.addf %bitcast3A_1180, %bitcast3A_1192 : vector<16xf32>
        %max3A_1196 = arith.maximumf %scan3A_1136, %add3A_1195 : vector<16xf32>
        %get3A_1197 = arith.constant 0 : i32
        %get3A_1198 = arith.index_cast %get3A_1197 : i32 to index
        %get3A_1199 = arith.index_cast %add3A_1142 : i32 to index
        %get3A_1200 = arith.constant 32 : index
        %get3A_1201 = tpu.vector_load %arg9[%get3A_1198, %get3A_1199, %get3A_1200] {strides = array<i32>} : memref<2x128x64xi32, #tpu.memory_space<vmem>>, vector<16xi32>,
        %shift_left3A_1202 = arith.constant 16 : i32
        %shift_left3A_1203 = vector.broadcast %shift_left3A_1202 : i32 to vector<16xi32>
        %shift_left3A_1204 = arith.shli %get3A_1201, %shift_left3A_1203 : vector<16xi32>
        %bitcast3A_1205 = vector.bitcast %shift_left3A_1204 : vector<16xi32> to vector<16xf32>
        %and3A_1206 = vector.broadcast %scan3A_490 : i32 to vector<16xi32>
        %and3A_1207 = arith.andi %get3A_1201, %and3A_1206 : vector<16xi32>
        %bitcast3A_1208 = vector.bitcast %and3A_1207 : vector<16xi32> to vector<16xf32>
        %get3A_1209 = arith.constant 0 : i32
        %get3A_1210 = arith.index_cast %get3A_1209 : i32 to index
        %get3A_1211 = arith.index_cast %add3A_1142 : i32 to index
        %get3A_1212 = arith.constant 32 : index
        %get3A_1213 = tpu.vector_load %arg10[%get3A_1210, %get3A_1211, %get3A_1212] {strides = array<i32>} : memref<2x128x64xi32, #tpu.memory_space<vmem>>, vector<16xi32>,
        %shift_left3A_1214 = arith.constant 16 : i32
        %shift_left3A_1215 = vector.broadcast %shift_left3A_1214 : i32 to vector<16xi32>
        %shift_left3A_1216 = arith.shli %get3A_1213, %shift_left3A_1215 : vector<16xi32>
        %bitcast3A_1217 = vector.bitcast %shift_left3A_1216 : vector<16xi32> to vector<16xf32>
        %and3A_1218 = vector.broadcast %scan3A_490 : i32 to vector<16xi32>
        %and3A_1219 = arith.andi %get3A_1213, %and3A_1218 : vector<16xi32>
        %bitcast3A_1220 = vector.bitcast %and3A_1219 : vector<16xi32> to vector<16xf32>
        %add3A_1221 = arith.addf %bitcast3A_1205, %bitcast3A_1217 : vector<16xf32>
        %max3A_1222 = arith.maximumf %scan3A_1137, %add3A_1221 : vector<16xf32>
        %add3A_1223 = arith.addf %bitcast3A_1208, %bitcast3A_1220 : vector<16xf32>
        %max3A_1224 = arith.maximumf %scan3A_1138, %add3A_1223 : vector<16xf32>
        %get3A_1225 = arith.constant 0 : i32
        %get3A_1226 = arith.index_cast %get3A_1225 : i32 to index
        %get3A_1227 = arith.index_cast %add3A_1142 : i32 to index
        %get3A_1228 = arith.constant 48 : index
        %get3A_1229 = tpu.vector_load %arg9[%get3A_1226, %get3A_1227, %get3A_1228] {strides = array<i32>} : memref<2x128x64xi32, #tpu.memory_space<vmem>>, vector<16xi32>,
        %shift_left3A_1230 = arith.constant 16 : i32
        %shift_left3A_1231 = vector.broadcast %shift_left3A_1230 : i32 to vector<16xi32>
        %shift_left3A_1232 = arith.shli %get3A_1229, %shift_left3A_1231 : vector<16xi32>
        %bitcast3A_1233 = vector.bitcast %shift_left3A_1232 : vector<16xi32> to vector<16xf32>
        %and3A_1234 = vector.broadcast %scan3A_490 : i32 to vector<16xi32>
        %and3A_1235 = arith.andi %get3A_1229, %and3A_1234 : vector<16xi32>
        %bitcast3A_1236 = vector.bitcast %and3A_1235 : vector<16xi32> to vector<16xf32>
        %get3A_1237 = arith.constant 0 : i32
        %get3A_1238 = arith.index_cast %get3A_1237 : i32 to index
        %get3A_1239 = arith.index_cast %add3A_1142 : i32 to index
        %get3A_1240 = arith.constant 48 : index
        %get3A_1241 = tpu.vector_load %arg10[%get3A_1238, %get3A_1239, %get3A_1240] {strides = array<i32>} : memref<2x128x64xi32, #tpu.memory_space<vmem>>, vector<16xi32>,
        %shift_left3A_1242 = arith.constant 16 : i32
        %shift_left3A_1243 = vector.broadcast %shift_left3A_1242 : i32 to vector<16xi32>
        %shift_left3A_1244 = arith.shli %get3A_1241, %shift_left3A_1243 : vector<16xi32>
        %bitcast3A_1245 = vector.bitcast %shift_left3A_1244 : vector<16xi32> to vector<16xf32>
        %and3A_1246 = vector.broadcast %scan3A_490 : i32 to vector<16xi32>
        %and3A_1247 = arith.andi %get3A_1241, %and3A_1246 : vector<16xi32>
        %bitcast3A_1248 = vector.bitcast %and3A_1247 : vector<16xi32> to vector<16xf32>
        %add3A_1249 = arith.addf %bitcast3A_1233, %bitcast3A_1245 : vector<16xf32>
        %max3A_1250 = arith.maximumf %scan3A_1139, %add3A_1249 : vector<16xf32>
        %add3A_1251 = arith.addf %bitcast3A_1236, %bitcast3A_1248 : vector<16xf32>
        %max3A_1252 = arith.maximumf %scan3A_1140, %add3A_1251 : vector<16xf32>
        scf.yield %max3A_1166, %max3A_1168, %max3A_1194, %max3A_1196, %max3A_1222, %max3A_1224, %max3A_1250, %max3A_1252 : vector<16xf32>, vector<16xf32>, vector<16xf32>, vector<16xf32>, vector<16xf32>, vector<16xf32>, vector<16xf32>, vector<16xf32>
      }
      %scan3A_496 = arith.constant 32 : i32
      %max3A_497 = arith.constant 0.000000e+00 : f32
      %max3A_498 = vector.broadcast %max3A_497 : f32 to vector<16xf32>
      %max3A_499 = arith.maximumf %scan3A_495#0, %max3A_498 : vector<16xf32>
      %max3A_500 = arith.constant 0.000000e+00 : f32
      %max3A_501 = vector.broadcast %max3A_500 : f32 to vector<16xf32>
      %max3A_502 = arith.maximumf %scan3A_495#1, %max3A_501 : vector<16xf32>
      %bitcast3A_503 = vector.bitcast %max3A_499 : vector<16xf32> to vector<16xi32>
      %add3A_504 = arith.constant 32768 : i32
      %add3A_505 = vector.broadcast %add3A_504 : i32 to vector<16xi32>
      %add3A_506 = arith.addi %bitcast3A_503, %add3A_505 : vector<16xi32>
      %shift_right_logical3A_507 = arith.constant 16 : i32
      %shift_right_logical3A_508 = vector.broadcast %shift_right_logical3A_507 : i32 to vector<16xi32>
      %shift_right_logical3A_509 = arith.shrui %add3A_506, %shift_right_logical3A_508 : vector<16xi32>
      %bitcast3A_510 = vector.bitcast %max3A_502 : vector<16xf32> to vector<16xi32>
      %add3A_511 = arith.constant 32768 : i32
      %add3A_512 = vector.broadcast %add3A_511 : i32 to vector<16xi32>
      %add3A_513 = arith.addi %bitcast3A_510, %add3A_512 : vector<16xi32>
      %and3A_514 = arith.constant -65536 : i32
      %and3A_515 = vector.broadcast %and3A_514 : i32 to vector<16xi32>
      %and3A_516 = arith.andi %add3A_513, %and3A_515 : vector<16xi32>
      %or3A_517 = arith.ori %shift_right_logical3A_509, %and3A_516 : vector<16xi32>
      %swap3A_518 = arith.constant 3 : i32
      %swap3A_519 = arith.index_cast %swap3A_518 : i32 to index
      %swap3A_520 = arith.constant 0 : index
      %swap3A_521 = tpu.vector_load %arg11[%swap3A_519, %swap3A_520] {strides = array<i32>} : memref<4x64xi32, #tpu.memory_space<vmem>>, vector<16xi32>,
      tpu.vector_store %arg11[%swap3A_519, %swap3A_520], %or3A_517 {strides = array<i32>} : memref<4x64xi32, #tpu.memory_space<vmem>>, vector<16xi32>,
      %max3A_522 = arith.constant 0.000000e+00 : f32
      %max3A_523 = vector.broadcast %max3A_522 : f32 to vector<16xf32>
      %max3A_524 = arith.maximumf %scan3A_495#2, %max3A_523 : vector<16xf32>
      %max3A_525 = arith.constant 0.000000e+00 : f32
      %max3A_526 = vector.broadcast %max3A_525 : f32 to vector<16xf32>
      %max3A_527 = arith.maximumf %scan3A_495#3, %max3A_526 : vector<16xf32>
      %bitcast3A_528 = vector.bitcast %max3A_524 : vector<16xf32> to vector<16xi32>
      %add3A_529 = arith.constant 32768 : i32
      %add3A_530 = vector.broadcast %add3A_529 : i32 to vector<16xi32>
      %add3A_531 = arith.addi %bitcast3A_528, %add3A_530 : vector<16xi32>
      %shift_right_logical3A_532 = arith.constant 16 : i32
      %shift_right_logical3A_533 = vector.broadcast %shift_right_logical3A_532 : i32 to vector<16xi32>
      %shift_right_logical3A_534 = arith.shrui %add3A_531, %shift_right_logical3A_533 : vector<16xi32>
      %bitcast3A_535 = vector.bitcast %max3A_527 : vector<16xf32> to vector<16xi32>
      %add3A_536 = arith.constant 32768 : i32
      %add3A_537 = vector.broadcast %add3A_536 : i32 to vector<16xi32>
      %add3A_538 = arith.addi %bitcast3A_535, %add3A_537 : vector<16xi32>
      %and3A_539 = arith.constant -65536 : i32
      %and3A_540 = vector.broadcast %and3A_539 : i32 to vector<16xi32>
      %and3A_541 = arith.andi %add3A_538, %and3A_540 : vector<16xi32>
      %or3A_542 = arith.ori %shift_right_logical3A_534, %and3A_541 : vector<16xi32>
      %swap3A_543 = arith.constant 3 : i32
      %swap3A_544 = arith.index_cast %swap3A_543 : i32 to index
      %swap3A_545 = arith.constant 16 : index
      %swap3A_546 = tpu.vector_load %arg11[%swap3A_544, %swap3A_545] {strides = array<i32>} : memref<4x64xi32, #tpu.memory_space<vmem>>, vector<16xi32>,
      tpu.vector_store %arg11[%swap3A_544, %swap3A_545], %or3A_542 {strides = array<i32>} : memref<4x64xi32, #tpu.memory_space<vmem>>, vector<16xi32>,
      %max3A_547 = arith.constant 0.000000e+00 : f32
      %max3A_548 = vector.broadcast %max3A_547 : f32 to vector<16xf32>
      %max3A_549 = arith.maximumf %scan3A_495#4, %max3A_548 : vector<16xf32>
      %max3A_550 = arith.constant 0.000000e+00 : f32
      %max3A_551 = vector.broadcast %max3A_550 : f32 to vector<16xf32>
      %max3A_552 = arith.maximumf %scan3A_495#5, %max3A_551 : vector<16xf32>
      %bitcast3A_553 = vector.bitcast %max3A_549 : vector<16xf32> to vector<16xi32>
      %add3A_554 = arith.constant 32768 : i32
      %add3A_555 = vector.broadcast %add3A_554 : i32 to vector<16xi32>
      %add3A_556 = arith.addi %bitcast3A_553, %add3A_555 : vector<16xi32>
      %shift_right_logical3A_557 = arith.constant 16 : i32
      %shift_right_logical3A_558 = vector.broadcast %shift_right_logical3A_557 : i32 to vector<16xi32>
      %shift_right_logical3A_559 = arith.shrui %add3A_556, %shift_right_logical3A_558 : vector<16xi32>
      %bitcast3A_560 = vector.bitcast %max3A_552 : vector<16xf32> to vector<16xi32>
      %add3A_561 = arith.constant 32768 : i32
      %add3A_562 = vector.broadcast %add3A_561 : i32 to vector<16xi32>
      %add3A_563 = arith.addi %bitcast3A_560, %add3A_562 : vector<16xi32>
      %and3A_564 = arith.constant -65536 : i32
      %and3A_565 = vector.broadcast %and3A_564 : i32 to vector<16xi32>
      %and3A_566 = arith.andi %add3A_563, %and3A_565 : vector<16xi32>
      %or3A_567 = arith.ori %shift_right_logical3A_559, %and3A_566 : vector<16xi32>
      %swap3A_568 = arith.constant 3 : i32
      %swap3A_569 = arith.index_cast %swap3A_568 : i32 to index
      %swap3A_570 = arith.constant 32 : index
      %swap3A_571 = tpu.vector_load %arg11[%swap3A_569, %swap3A_570] {strides = array<i32>} : memref<4x64xi32, #tpu.memory_space<vmem>>, vector<16xi32>,
      tpu.vector_store %arg11[%swap3A_569, %swap3A_570], %or3A_567 {strides = array<i32>} : memref<4x64xi32, #tpu.memory_space<vmem>>, vector<16xi32>,
      %max3A_572 = arith.constant 0.000000e+00 : f32
      %max3A_573 = vector.broadcast %max3A_572 : f32 to vector<16xf32>
      %max3A_574 = arith.maximumf %scan3A_495#6, %max3A_573 : vector<16xf32>
      %max3A_575 = arith.constant 0.000000e+00 : f32
      %max3A_576 = vector.broadcast %max3A_575 : f32 to vector<16xf32>
      %max3A_577 = arith.maximumf %scan3A_495#7, %max3A_576 : vector<16xf32>
      %bitcast3A_578 = vector.bitcast %max3A_574 : vector<16xf32> to vector<16xi32>
      %add3A_579 = arith.constant 32768 : i32
      %add3A_580 = vector.broadcast %add3A_579 : i32 to vector<16xi32>
      %add3A_581 = arith.addi %bitcast3A_578, %add3A_580 : vector<16xi32>
      %shift_right_logical3A_582 = arith.constant 16 : i32
      %shift_right_logical3A_583 = vector.broadcast %shift_right_logical3A_582 : i32 to vector<16xi32>
      %shift_right_logical3A_584 = arith.shrui %add3A_581, %shift_right_logical3A_583 : vector<16xi32>
      %bitcast3A_585 = vector.bitcast %max3A_577 : vector<16xf32> to vector<16xi32>
      %add3A_586 = arith.constant 32768 : i32
      %add3A_587 = vector.broadcast %add3A_586 : i32 to vector<16xi32>
      %add3A_588 = arith.addi %bitcast3A_585, %add3A_587 : vector<16xi32>
      %and3A_589 = arith.constant -65536 : i32
      %and3A_590 = vector.broadcast %and3A_589 : i32 to vector<16xi32>
      %and3A_591 = arith.andi %add3A_588, %and3A_590 : vector<16xi32>
      %or3A_592 = arith.ori %shift_right_logical3A_584, %and3A_591 : vector<16xi32>
      %swap3A_593 = arith.constant 3 : i32
      %swap3A_594 = arith.index_cast %swap3A_593 : i32 to index
      %swap3A_595 = arith.constant 48 : index
      %swap3A_596 = tpu.vector_load %arg11[%swap3A_594, %swap3A_595] {strides = array<i32>} : memref<4x64xi32, #tpu.memory_space<vmem>>, vector<16xi32>,
      tpu.vector_store %arg11[%swap3A_594, %swap3A_595], %or3A_592 {strides = array<i32>} : memref<4x64xi32, #tpu.memory_space<vmem>>, vector<16xi32>,
      %mul3A_597 = arith.constant 4 : i32
      %mul3A_598 = arith.muli %add3A_89, %mul3A_597 : i32
      %add3A_599 = arith.addi %mul3A_68, %mul3A_598 : i32
      "tpu.region"() ({
        %run_scoped3A = tpu.sem_alloc : memref<!tpu.dma_semaphore, #tpu.memory_space<semaphore_mem>>
        %dma_start3A_1132 = arith.constant 0 : i32
        %dma_start3A_1133 = tpu.memref_slice %arg6[%add3A_599, %dma_start3A_1132] : memref<10240x64xi32, #tpu.memory_space<hbm>> -> memref<4x64xi32, #tpu.memory_space<hbm>>
        %dma_start3A_1134 = arith.constant 0 : i32
        %dma_start3A_1135 = tpu.memref_slice %arg6[%add3A_599, %dma_start3A_1134] : memref<10240x64xi32, #tpu.memory_space<hbm>> -> memref<4x64xi32, #tpu.memory_space<hbm>>
        tpu.enqueue_dma source(%arg11 : memref<4x64xi32, #tpu.memory_space<vmem>>) target(%dma_start3A_1135 : memref<4x64xi32, #tpu.memory_space<hbm>>) target_semaphore(%run_scoped3A : memref<!tpu.dma_semaphore, #tpu.memory_space<semaphore_mem>>)
        %dma_wait3A_1136 = arith.constant 0 : i32
        %dma_wait3A_1137 = tpu.memref_slice %arg6[%add3A_599, %dma_wait3A_1136] : memref<10240x64xi32, #tpu.memory_space<hbm>> -> memref<4x64xi32, #tpu.memory_space<hbm>>
        %dma_wait3A_1138 = arith.constant 0 : i32
        %dma_wait3A_1139 = tpu.memref_slice %arg6[%add3A_599, %dma_wait3A_1138] : memref<10240x64xi32, #tpu.memory_space<hbm>> -> memref<4x64xi32, #tpu.memory_space<hbm>>
        tpu.wait_dma2 semaphore(%run_scoped3A : memref<!tpu.dma_semaphore, #tpu.memory_space<semaphore_mem>>) src(%arg11 : memref<4x64xi32, #tpu.memory_space<vmem>>) dst(%dma_wait3A_1139 : memref<4x64xi32, #tpu.memory_space<hbm>>)
        tpu.yield
      }) : () -> ()
      %add3A_600 = arith.constant 2 : i32
      %add3A_601 = arith.addi %add3A_89, %add3A_600 : i32
      %lt3A = arith.cmpi slt, %add3A_601, %select_n3A_12 : i32
      %convert_element_type3A_602 = arith.extui %lt3A : i1 to i32
      %cond3A_603 = arith.constant 0 : i32
      %cond3A_604 = arith.cmpi ne, %convert_element_type3A_602, %cond3A_603 : i32
      scf.if %cond3A_604 {
        %add3A_1132 = arith.constant 2 : i32
        %add3A_1133 = arith.addi %add3A_89, %add3A_1132 : i32
        %dma_start3A_1134 = arith.constant 0 : i32
        %dma_start3A_1135 = arith.constant 0 : i32
        %dma_start3A_1136 = arith.constant 0 : i32
        %dma_start3A_1137 = tpu.memref_slice %arg9[%dma_start3A_1134, %dma_start3A_1135, %dma_start3A_1136] : memref<2x128x64xi32, #tpu.memory_space<vmem>> -> memref<1x128x64xi32, #tpu.memory_space<vmem>>
        %dma_start3A_1138 = tpu.memref_squeeze %dma_start3A_1137 : memref<1x128x64xi32, #tpu.memory_space<vmem>> -> memref<128x64xi32, #tpu.memory_space<vmem>>
        %dma_start3A_1139 = arith.constant 0 : i32
        %dma_start3A_1140 = tpu.memref_slice %arg7[%add3A_1133, %dma_start3A_1139] : memref<132x128xi32, #tpu.memory_space<vmem>> -> memref<1x128xi32, #tpu.memory_space<vmem>>
        %dma_start3A_1141 = tpu.memref_squeeze %dma_start3A_1140 : memref<1x128xi32, #tpu.memory_space<vmem>> -> memref<128xi32, #tpu.memory_space<vmem>>
        %dma_start3A_1142 = arith.constant 0 : i32
        %dma_start3A_1143 = arith.constant 0 : i32
        %dma_start3A_1144 = tpu.memref_slice %arg12[%dma_start3A_1142, %dma_start3A_1143] : memref<10000x64xi32, #tpu.memory_space<vmem_shared>> -> memref<10000x64xi32, #tpu.memory_space<vmem_shared>>
        tpu.enqueue_indirect_dma source(%dma_start3A_1144 : memref<10000x64xi32, #tpu.memory_space<vmem_shared>>) target(%dma_start3A_1138 : memref<128x64xi32, #tpu.memory_space<vmem>>) offsets(%dma_start3A_1141 : memref<128xi32, #tpu.memory_space<vmem>>) semaphore(%arg13 : memref<!tpu.dma_semaphore, #tpu.memory_space<semaphore_mem>>)
        %dma_start3A_1145 = arith.constant 0 : i32
        %dma_start3A_1146 = arith.constant 0 : i32
        %dma_start3A_1147 = arith.constant 0 : i32
        %dma_start3A_1148 = tpu.memref_slice %arg10[%dma_start3A_1145, %dma_start3A_1146, %dma_start3A_1147] : memref<2x128x64xi32, #tpu.memory_space<vmem>> -> memref<1x128x64xi32, #tpu.memory_space<vmem>>
        %dma_start3A_1149 = tpu.memref_squeeze %dma_start3A_1148 : memref<1x128x64xi32, #tpu.memory_space<vmem>> -> memref<128x64xi32, #tpu.memory_space<vmem>>
        %dma_start3A_1150 = arith.constant 0 : i32
        %dma_start3A_1151 = tpu.memref_slice %arg8[%add3A_1133, %dma_start3A_1150] : memref<132x128xi32, #tpu.memory_space<vmem>> -> memref<1x128xi32, #tpu.memory_space<vmem>>
        %dma_start3A_1152 = tpu.memref_squeeze %dma_start3A_1151 : memref<1x128xi32, #tpu.memory_space<vmem>> -> memref<128xi32, #tpu.memory_space<vmem>>
        %dma_start3A_1153 = arith.constant 0 : i32
        %dma_start3A_1154 = arith.constant 0 : i32
        %dma_start3A_1155 = tpu.memref_slice %arg5[%dma_start3A_1153, %dma_start3A_1154] : memref<10000x64xi32, #tpu.memory_space<hbm>> -> memref<10000x64xi32, #tpu.memory_space<hbm>>
        tpu.enqueue_indirect_dma source(%dma_start3A_1155 : memref<10000x64xi32, #tpu.memory_space<hbm>>) target(%dma_start3A_1149 : memref<128x64xi32, #tpu.memory_space<vmem>>) offsets(%dma_start3A_1152 : memref<128xi32, #tpu.memory_space<vmem>>) semaphore(%arg15 : memref<!tpu.dma_semaphore, #tpu.memory_space<semaphore_mem>>)
      } else {
      }
      %add3A_605 = arith.constant 1 : i32
      %add3A_606 = arith.addi %add3A_87, %add3A_605 : i32
      %dma_wait3A_607 = arith.constant 0 : i32
      %dma_wait3A_608 = arith.constant 1 : i32
      %dma_wait3A_609 = arith.constant 0 : i32
      %dma_wait3A_610 = arith.constant 0 : i32
      %dma_wait3A_611 = tpu.memref_slice %arg9[%dma_wait3A_608, %dma_wait3A_609, %dma_wait3A_610] : memref<2x128x64xi32, #tpu.memory_space<vmem>> -> memref<1x128x64xi32, #tpu.memory_space<vmem>>
      %dma_wait3A_612 = tpu.memref_squeeze %dma_wait3A_611 : memref<1x128x64xi32, #tpu.memory_space<vmem>> -> memref<128x64xi32, #tpu.memory_space<vmem>>
      %dma_wait3A_613 = arith.constant 0 : i32
      %dma_wait3A_614 = tpu.memref_slice %arg7[%dma_wait3A_607, %dma_wait3A_613] : memref<132x128xi32, #tpu.memory_space<vmem>> -> memref<1x128xi32, #tpu.memory_space<vmem>>
      %dma_wait3A_615 = tpu.memref_squeeze %dma_wait3A_614 : memref<1x128xi32, #tpu.memory_space<vmem>> -> memref<128xi32, #tpu.memory_space<vmem>>
      %dma_wait3A_616 = arith.constant 0 : i32
      %dma_wait3A_617 = arith.constant 0 : i32
      %dma_wait3A_618 = tpu.memref_slice %arg4[%dma_wait3A_616, %dma_wait3A_617] : memref<10000x64xi32, #tpu.memory_space<hbm>> -> memref<10000x64xi32, #tpu.memory_space<hbm>>
      tpu.wait_indirect_dma semaphore(%arg14 : memref<!tpu.dma_semaphore, #tpu.memory_space<semaphore_mem>>) src(%dma_wait3A_618 : memref<10000x64xi32, #tpu.memory_space<hbm>>) dst(%dma_wait3A_612 : memref<128x64xi32, #tpu.memory_space<vmem>>)
      %dma_wait3A_619 = arith.constant 0 : i32
      %dma_wait3A_620 = arith.constant 1 : i32
      %dma_wait3A_621 = arith.constant 0 : i32
      %dma_wait3A_622 = arith.constant 0 : i32
      %dma_wait3A_623 = tpu.memref_slice %arg10[%dma_wait3A_620, %dma_wait3A_621, %dma_wait3A_622] : memref<2x128x64xi32, #tpu.memory_space<vmem>> -> memref<1x128x64xi32, #tpu.memory_space<vmem>>
      %dma_wait3A_624 = tpu.memref_squeeze %dma_wait3A_623 : memref<1x128x64xi32, #tpu.memory_space<vmem>> -> memref<128x64xi32, #tpu.memory_space<vmem>>
      %dma_wait3A_625 = arith.constant 0 : i32
      %dma_wait3A_626 = tpu.memref_slice %arg8[%dma_wait3A_619, %dma_wait3A_625] : memref<132x128xi32, #tpu.memory_space<vmem>> -> memref<1x128xi32, #tpu.memory_space<vmem>>
      %dma_wait3A_627 = tpu.memref_squeeze %dma_wait3A_626 : memref<1x128xi32, #tpu.memory_space<vmem>> -> memref<128xi32, #tpu.memory_space<vmem>>
      %dma_wait3A_628 = arith.constant 0 : i32
      %dma_wait3A_629 = arith.constant 0 : i32
      %dma_wait3A_630 = tpu.memref_slice %arg5[%dma_wait3A_628, %dma_wait3A_629] : memref<10000x64xi32, #tpu.memory_space<hbm>> -> memref<10000x64xi32, #tpu.memory_space<hbm>>
      tpu.wait_indirect_dma semaphore(%arg16 : memref<!tpu.dma_semaphore, #tpu.memory_space<semaphore_mem>>) src(%dma_wait3A_630 : memref<10000x64xi32, #tpu.memory_space<hbm>>) dst(%dma_wait3A_624 : memref<128x64xi32, #tpu.memory_space<vmem>>)
      %broadcast_in_dim3A_631 = arith.constant 0xFF800000 : f32
      %broadcast_in_dim3A_632 = vector.broadcast %broadcast_in_dim3A_631 : f32 to vector<16xf32>
      %broadcast_in_dim3A_633 = arith.constant 0xFF800000 : f32
      %broadcast_in_dim3A_634 = vector.broadcast %broadcast_in_dim3A_633 : f32 to vector<16xf32>
      %broadcast_in_dim3A_635 = arith.constant 0xFF800000 : f32
      %broadcast_in_dim3A_636 = vector.broadcast %broadcast_in_dim3A_635 : f32 to vector<16xf32>
      %broadcast_in_dim3A_637 = arith.constant 0xFF800000 : f32
      %broadcast_in_dim3A_638 = vector.broadcast %broadcast_in_dim3A_637 : f32 to vector<16xf32>
      %broadcast_in_dim3A_639 = arith.constant 0xFF800000 : f32
      %broadcast_in_dim3A_640 = vector.broadcast %broadcast_in_dim3A_639 : f32 to vector<16xf32>
      %broadcast_in_dim3A_641 = arith.constant 0xFF800000 : f32
      %broadcast_in_dim3A_642 = vector.broadcast %broadcast_in_dim3A_641 : f32 to vector<16xf32>
      %broadcast_in_dim3A_643 = arith.constant 0xFF800000 : f32
      %broadcast_in_dim3A_644 = vector.broadcast %broadcast_in_dim3A_643 : f32 to vector<16xf32>
      %broadcast_in_dim3A_645 = arith.constant 0xFF800000 : f32
      %broadcast_in_dim3A_646 = vector.broadcast %broadcast_in_dim3A_645 : f32 to vector<16xf32>
      %scan3A_647 = arith.constant -65536 : i32
      %scan3A_648 = arith.constant 0 : i32
      %scan3A_649 = arith.constant 32 : i32
      %scan3A_650 = arith.addi %scan3A_648, %scan3A_649 : i32
      %scan3A_651 = arith.constant 1 : i32
      %scan3A_652:8 = scf.for %scan3A_1132 = %scan3A_648 to %scan3A_650 step %scan3A_651 iter_args(%scan3A_1133 = %broadcast_in_dim3A_632, %scan3A_1134 = %broadcast_in_dim3A_634, %scan3A_1135 = %broadcast_in_dim3A_636, %scan3A_1136 = %broadcast_in_dim3A_638, %scan3A_1137 = %broadcast_in_dim3A_640, %scan3A_1138 = %broadcast_in_dim3A_642, %scan3A_1139 = %broadcast_in_dim3A_644, %scan3A_1140 = %broadcast_in_dim3A_646) -> (vector<16xf32>, vector<16xf32>, vector<16xf32>, vector<16xf32>, vector<16xf32>, vector<16xf32>, vector<16xf32>, vector<16xf32>)  : i32 {
        %add3A_1141 = arith.constant 0 : i32
        %add3A_1142 = arith.addi %add3A_1141, %scan3A_1132 : i32
        %get3A = arith.constant 1 : i32
        %get3A_1143 = arith.index_cast %get3A : i32 to index
        %get3A_1144 = arith.index_cast %add3A_1142 : i32 to index
        %get3A_1145 = arith.constant 0 : index
        %get3A_1146 = tpu.vector_load %arg9[%get3A_1143, %get3A_1144, %get3A_1145] {strides = array<i32>} : memref<2x128x64xi32, #tpu.memory_space<vmem>>, vector<16xi32>,
        %shift_left3A = arith.constant 16 : i32
        %shift_left3A_1147 = vector.broadcast %shift_left3A : i32 to vector<16xi32>
        %shift_left3A_1148 = arith.shli %get3A_1146, %shift_left3A_1147 : vector<16xi32>
        %bitcast3A_1149 = vector.bitcast %shift_left3A_1148 : vector<16xi32> to vector<16xf32>
        %and3A_1150 = vector.broadcast %scan3A_647 : i32 to vector<16xi32>
        %and3A_1151 = arith.andi %get3A_1146, %and3A_1150 : vector<16xi32>
        %bitcast3A_1152 = vector.bitcast %and3A_1151 : vector<16xi32> to vector<16xf32>
        %get3A_1153 = arith.constant 1 : i32
        %get3A_1154 = arith.index_cast %get3A_1153 : i32 to index
        %get3A_1155 = arith.index_cast %add3A_1142 : i32 to index
        %get3A_1156 = arith.constant 0 : index
        %get3A_1157 = tpu.vector_load %arg10[%get3A_1154, %get3A_1155, %get3A_1156] {strides = array<i32>} : memref<2x128x64xi32, #tpu.memory_space<vmem>>, vector<16xi32>,
        %shift_left3A_1158 = arith.constant 16 : i32
        %shift_left3A_1159 = vector.broadcast %shift_left3A_1158 : i32 to vector<16xi32>
        %shift_left3A_1160 = arith.shli %get3A_1157, %shift_left3A_1159 : vector<16xi32>
        %bitcast3A_1161 = vector.bitcast %shift_left3A_1160 : vector<16xi32> to vector<16xf32>
        %and3A_1162 = vector.broadcast %scan3A_647 : i32 to vector<16xi32>
        %and3A_1163 = arith.andi %get3A_1157, %and3A_1162 : vector<16xi32>
        %bitcast3A_1164 = vector.bitcast %and3A_1163 : vector<16xi32> to vector<16xf32>
        %add3A_1165 = arith.addf %bitcast3A_1149, %bitcast3A_1161 : vector<16xf32>
        %max3A_1166 = arith.maximumf %scan3A_1133, %add3A_1165 : vector<16xf32>
        %add3A_1167 = arith.addf %bitcast3A_1152, %bitcast3A_1164 : vector<16xf32>
        %max3A_1168 = arith.maximumf %scan3A_1134, %add3A_1167 : vector<16xf32>
        %get3A_1169 = arith.constant 1 : i32
        %get3A_1170 = arith.index_cast %get3A_1169 : i32 to index
        %get3A_1171 = arith.index_cast %add3A_1142 : i32 to index
        %get3A_1172 = arith.constant 16 : index
        %get3A_1173 = tpu.vector_load %arg9[%get3A_1170, %get3A_1171, %get3A_1172] {strides = array<i32>} : memref<2x128x64xi32, #tpu.memory_space<vmem>>, vector<16xi32>,
        %shift_left3A_1174 = arith.constant 16 : i32
        %shift_left3A_1175 = vector.broadcast %shift_left3A_1174 : i32 to vector<16xi32>
        %shift_left3A_1176 = arith.shli %get3A_1173, %shift_left3A_1175 : vector<16xi32>
        %bitcast3A_1177 = vector.bitcast %shift_left3A_1176 : vector<16xi32> to vector<16xf32>
        %and3A_1178 = vector.broadcast %scan3A_647 : i32 to vector<16xi32>
        %and3A_1179 = arith.andi %get3A_1173, %and3A_1178 : vector<16xi32>
        %bitcast3A_1180 = vector.bitcast %and3A_1179 : vector<16xi32> to vector<16xf32>
        %get3A_1181 = arith.constant 1 : i32
        %get3A_1182 = arith.index_cast %get3A_1181 : i32 to index
        %get3A_1183 = arith.index_cast %add3A_1142 : i32 to index
        %get3A_1184 = arith.constant 16 : index
        %get3A_1185 = tpu.vector_load %arg10[%get3A_1182, %get3A_1183, %get3A_1184] {strides = array<i32>} : memref<2x128x64xi32, #tpu.memory_space<vmem>>, vector<16xi32>,
        %shift_left3A_1186 = arith.constant 16 : i32
        %shift_left3A_1187 = vector.broadcast %shift_left3A_1186 : i32 to vector<16xi32>
        %shift_left3A_1188 = arith.shli %get3A_1185, %shift_left3A_1187 : vector<16xi32>
        %bitcast3A_1189 = vector.bitcast %shift_left3A_1188 : vector<16xi32> to vector<16xf32>
        %and3A_1190 = vector.broadcast %scan3A_647 : i32 to vector<16xi32>
        %and3A_1191 = arith.andi %get3A_1185, %and3A_1190 : vector<16xi32>
        %bitcast3A_1192 = vector.bitcast %and3A_1191 : vector<16xi32> to vector<16xf32>
        %add3A_1193 = arith.addf %bitcast3A_1177, %bitcast3A_1189 : vector<16xf32>
        %max3A_1194 = arith.maximumf %scan3A_1135, %add3A_1193 : vector<16xf32>
        %add3A_1195 = arith.addf %bitcast3A_1180, %bitcast3A_1192 : vector<16xf32>
        %max3A_1196 = arith.maximumf %scan3A_1136, %add3A_1195 : vector<16xf32>
        %get3A_1197 = arith.constant 1 : i32
        %get3A_1198 = arith.index_cast %get3A_1197 : i32 to index
        %get3A_1199 = arith.index_cast %add3A_1142 : i32 to index
        %get3A_1200 = arith.constant 32 : index
        %get3A_1201 = tpu.vector_load %arg9[%get3A_1198, %get3A_1199, %get3A_1200] {strides = array<i32>} : memref<2x128x64xi32, #tpu.memory_space<vmem>>, vector<16xi32>,
        %shift_left3A_1202 = arith.constant 16 : i32
        %shift_left3A_1203 = vector.broadcast %shift_left3A_1202 : i32 to vector<16xi32>
        %shift_left3A_1204 = arith.shli %get3A_1201, %shift_left3A_1203 : vector<16xi32>
        %bitcast3A_1205 = vector.bitcast %shift_left3A_1204 : vector<16xi32> to vector<16xf32>
        %and3A_1206 = vector.broadcast %scan3A_647 : i32 to vector<16xi32>
        %and3A_1207 = arith.andi %get3A_1201, %and3A_1206 : vector<16xi32>
        %bitcast3A_1208 = vector.bitcast %and3A_1207 : vector<16xi32> to vector<16xf32>
        %get3A_1209 = arith.constant 1 : i32
        %get3A_1210 = arith.index_cast %get3A_1209 : i32 to index
        %get3A_1211 = arith.index_cast %add3A_1142 : i32 to index
        %get3A_1212 = arith.constant 32 : index
        %get3A_1213 = tpu.vector_load %arg10[%get3A_1210, %get3A_1211, %get3A_1212] {strides = array<i32>} : memref<2x128x64xi32, #tpu.memory_space<vmem>>, vector<16xi32>,
        %shift_left3A_1214 = arith.constant 16 : i32
        %shift_left3A_1215 = vector.broadcast %shift_left3A_1214 : i32 to vector<16xi32>
        %shift_left3A_1216 = arith.shli %get3A_1213, %shift_left3A_1215 : vector<16xi32>
        %bitcast3A_1217 = vector.bitcast %shift_left3A_1216 : vector<16xi32> to vector<16xf32>
        %and3A_1218 = vector.broadcast %scan3A_647 : i32 to vector<16xi32>
        %and3A_1219 = arith.andi %get3A_1213, %and3A_1218 : vector<16xi32>
        %bitcast3A_1220 = vector.bitcast %and3A_1219 : vector<16xi32> to vector<16xf32>
        %add3A_1221 = arith.addf %bitcast3A_1205, %bitcast3A_1217 : vector<16xf32>
        %max3A_1222 = arith.maximumf %scan3A_1137, %add3A_1221 : vector<16xf32>
        %add3A_1223 = arith.addf %bitcast3A_1208, %bitcast3A_1220 : vector<16xf32>
        %max3A_1224 = arith.maximumf %scan3A_1138, %add3A_1223 : vector<16xf32>
        %get3A_1225 = arith.constant 1 : i32
        %get3A_1226 = arith.index_cast %get3A_1225 : i32 to index
        %get3A_1227 = arith.index_cast %add3A_1142 : i32 to index
        %get3A_1228 = arith.constant 48 : index
        %get3A_1229 = tpu.vector_load %arg9[%get3A_1226, %get3A_1227, %get3A_1228] {strides = array<i32>} : memref<2x128x64xi32, #tpu.memory_space<vmem>>, vector<16xi32>,
        %shift_left3A_1230 = arith.constant 16 : i32
        %shift_left3A_1231 = vector.broadcast %shift_left3A_1230 : i32 to vector<16xi32>
        %shift_left3A_1232 = arith.shli %get3A_1229, %shift_left3A_1231 : vector<16xi32>
        %bitcast3A_1233 = vector.bitcast %shift_left3A_1232 : vector<16xi32> to vector<16xf32>
        %and3A_1234 = vector.broadcast %scan3A_647 : i32 to vector<16xi32>
        %and3A_1235 = arith.andi %get3A_1229, %and3A_1234 : vector<16xi32>
        %bitcast3A_1236 = vector.bitcast %and3A_1235 : vector<16xi32> to vector<16xf32>
        %get3A_1237 = arith.constant 1 : i32
        %get3A_1238 = arith.index_cast %get3A_1237 : i32 to index
        %get3A_1239 = arith.index_cast %add3A_1142 : i32 to index
        %get3A_1240 = arith.constant 48 : index
        %get3A_1241 = tpu.vector_load %arg10[%get3A_1238, %get3A_1239, %get3A_1240] {strides = array<i32>} : memref<2x128x64xi32, #tpu.memory_space<vmem>>, vector<16xi32>,
        %shift_left3A_1242 = arith.constant 16 : i32
        %shift_left3A_1243 = vector.broadcast %shift_left3A_1242 : i32 to vector<16xi32>
        %shift_left3A_1244 = arith.shli %get3A_1241, %shift_left3A_1243 : vector<16xi32>
        %bitcast3A_1245 = vector.bitcast %shift_left3A_1244 : vector<16xi32> to vector<16xf32>
        %and3A_1246 = vector.broadcast %scan3A_647 : i32 to vector<16xi32>
        %and3A_1247 = arith.andi %get3A_1241, %and3A_1246 : vector<16xi32>
        %bitcast3A_1248 = vector.bitcast %and3A_1247 : vector<16xi32> to vector<16xf32>
        %add3A_1249 = arith.addf %bitcast3A_1233, %bitcast3A_1245 : vector<16xf32>
        %max3A_1250 = arith.maximumf %scan3A_1139, %add3A_1249 : vector<16xf32>
        %add3A_1251 = arith.addf %bitcast3A_1236, %bitcast3A_1248 : vector<16xf32>
        %max3A_1252 = arith.maximumf %scan3A_1140, %add3A_1251 : vector<16xf32>
        scf.yield %max3A_1166, %max3A_1168, %max3A_1194, %max3A_1196, %max3A_1222, %max3A_1224, %max3A_1250, %max3A_1252 : vector<16xf32>, vector<16xf32>, vector<16xf32>, vector<16xf32>, vector<16xf32>, vector<16xf32>, vector<16xf32>, vector<16xf32>
      }
      %scan3A_653 = arith.constant 32 : i32
      %max3A_654 = arith.constant 0.000000e+00 : f32
      %max3A_655 = vector.broadcast %max3A_654 : f32 to vector<16xf32>
      %max3A_656 = arith.maximumf %scan3A_652#0, %max3A_655 : vector<16xf32>
      %max3A_657 = arith.constant 0.000000e+00 : f32
      %max3A_658 = vector.broadcast %max3A_657 : f32 to vector<16xf32>
      %max3A_659 = arith.maximumf %scan3A_652#1, %max3A_658 : vector<16xf32>
      %bitcast3A_660 = vector.bitcast %max3A_656 : vector<16xf32> to vector<16xi32>
      %add3A_661 = arith.constant 32768 : i32
      %add3A_662 = vector.broadcast %add3A_661 : i32 to vector<16xi32>
      %add3A_663 = arith.addi %bitcast3A_660, %add3A_662 : vector<16xi32>
      %shift_right_logical3A_664 = arith.constant 16 : i32
      %shift_right_logical3A_665 = vector.broadcast %shift_right_logical3A_664 : i32 to vector<16xi32>
      %shift_right_logical3A_666 = arith.shrui %add3A_663, %shift_right_logical3A_665 : vector<16xi32>
      %bitcast3A_667 = vector.bitcast %max3A_659 : vector<16xf32> to vector<16xi32>
      %add3A_668 = arith.constant 32768 : i32
      %add3A_669 = vector.broadcast %add3A_668 : i32 to vector<16xi32>
      %add3A_670 = arith.addi %bitcast3A_667, %add3A_669 : vector<16xi32>
      %and3A_671 = arith.constant -65536 : i32
      %and3A_672 = vector.broadcast %and3A_671 : i32 to vector<16xi32>
      %and3A_673 = arith.andi %add3A_670, %and3A_672 : vector<16xi32>
      %or3A_674 = arith.ori %shift_right_logical3A_666, %and3A_673 : vector<16xi32>
      %swap3A_675 = arith.constant 0 : i32
      %swap3A_676 = arith.index_cast %swap3A_675 : i32 to index
      %swap3A_677 = arith.constant 0 : index
      %swap3A_678 = tpu.vector_load %arg11[%swap3A_676, %swap3A_677] {strides = array<i32>} : memref<4x64xi32, #tpu.memory_space<vmem>>, vector<16xi32>,
      tpu.vector_store %arg11[%swap3A_676, %swap3A_677], %or3A_674 {strides = array<i32>} : memref<4x64xi32, #tpu.memory_space<vmem>>, vector<16xi32>,
      %max3A_679 = arith.constant 0.000000e+00 : f32
      %max3A_680 = vector.broadcast %max3A_679 : f32 to vector<16xf32>
      %max3A_681 = arith.maximumf %scan3A_652#2, %max3A_680 : vector<16xf32>
      %max3A_682 = arith.constant 0.000000e+00 : f32
      %max3A_683 = vector.broadcast %max3A_682 : f32 to vector<16xf32>
      %max3A_684 = arith.maximumf %scan3A_652#3, %max3A_683 : vector<16xf32>
      %bitcast3A_685 = vector.bitcast %max3A_681 : vector<16xf32> to vector<16xi32>
      %add3A_686 = arith.constant 32768 : i32
      %add3A_687 = vector.broadcast %add3A_686 : i32 to vector<16xi32>
      %add3A_688 = arith.addi %bitcast3A_685, %add3A_687 : vector<16xi32>
      %shift_right_logical3A_689 = arith.constant 16 : i32
      %shift_right_logical3A_690 = vector.broadcast %shift_right_logical3A_689 : i32 to vector<16xi32>
      %shift_right_logical3A_691 = arith.shrui %add3A_688, %shift_right_logical3A_690 : vector<16xi32>
      %bitcast3A_692 = vector.bitcast %max3A_684 : vector<16xf32> to vector<16xi32>
      %add3A_693 = arith.constant 32768 : i32
      %add3A_694 = vector.broadcast %add3A_693 : i32 to vector<16xi32>
      %add3A_695 = arith.addi %bitcast3A_692, %add3A_694 : vector<16xi32>
      %and3A_696 = arith.constant -65536 : i32
      %and3A_697 = vector.broadcast %and3A_696 : i32 to vector<16xi32>
      %and3A_698 = arith.andi %add3A_695, %and3A_697 : vector<16xi32>
      %or3A_699 = arith.ori %shift_right_logical3A_691, %and3A_698 : vector<16xi32>
      %swap3A_700 = arith.constant 0 : i32
      %swap3A_701 = arith.index_cast %swap3A_700 : i32 to index
      %swap3A_702 = arith.constant 16 : index
      %swap3A_703 = tpu.vector_load %arg11[%swap3A_701, %swap3A_702] {strides = array<i32>} : memref<4x64xi32, #tpu.memory_space<vmem>>, vector<16xi32>,
      tpu.vector_store %arg11[%swap3A_701, %swap3A_702], %or3A_699 {strides = array<i32>} : memref<4x64xi32, #tpu.memory_space<vmem>>, vector<16xi32>,
      %max3A_704 = arith.constant 0.000000e+00 : f32
      %max3A_705 = vector.broadcast %max3A_704 : f32 to vector<16xf32>
      %max3A_706 = arith.maximumf %scan3A_652#4, %max3A_705 : vector<16xf32>
      %max3A_707 = arith.constant 0.000000e+00 : f32
      %max3A_708 = vector.broadcast %max3A_707 : f32 to vector<16xf32>
      %max3A_709 = arith.maximumf %scan3A_652#5, %max3A_708 : vector<16xf32>
      %bitcast3A_710 = vector.bitcast %max3A_706 : vector<16xf32> to vector<16xi32>
      %add3A_711 = arith.constant 32768 : i32
      %add3A_712 = vector.broadcast %add3A_711 : i32 to vector<16xi32>
      %add3A_713 = arith.addi %bitcast3A_710, %add3A_712 : vector<16xi32>
      %shift_right_logical3A_714 = arith.constant 16 : i32
      %shift_right_logical3A_715 = vector.broadcast %shift_right_logical3A_714 : i32 to vector<16xi32>
      %shift_right_logical3A_716 = arith.shrui %add3A_713, %shift_right_logical3A_715 : vector<16xi32>
      %bitcast3A_717 = vector.bitcast %max3A_709 : vector<16xf32> to vector<16xi32>
      %add3A_718 = arith.constant 32768 : i32
      %add3A_719 = vector.broadcast %add3A_718 : i32 to vector<16xi32>
      %add3A_720 = arith.addi %bitcast3A_717, %add3A_719 : vector<16xi32>
      %and3A_721 = arith.constant -65536 : i32
      %and3A_722 = vector.broadcast %and3A_721 : i32 to vector<16xi32>
      %and3A_723 = arith.andi %add3A_720, %and3A_722 : vector<16xi32>
      %or3A_724 = arith.ori %shift_right_logical3A_716, %and3A_723 : vector<16xi32>
      %swap3A_725 = arith.constant 0 : i32
      %swap3A_726 = arith.index_cast %swap3A_725 : i32 to index
      %swap3A_727 = arith.constant 32 : index
      %swap3A_728 = tpu.vector_load %arg11[%swap3A_726, %swap3A_727] {strides = array<i32>} : memref<4x64xi32, #tpu.memory_space<vmem>>, vector<16xi32>,
      tpu.vector_store %arg11[%swap3A_726, %swap3A_727], %or3A_724 {strides = array<i32>} : memref<4x64xi32, #tpu.memory_space<vmem>>, vector<16xi32>,
      %max3A_729 = arith.constant 0.000000e+00 : f32
      %max3A_730 = vector.broadcast %max3A_729 : f32 to vector<16xf32>
      %max3A_731 = arith.maximumf %scan3A_652#6, %max3A_730 : vector<16xf32>
      %max3A_732 = arith.constant 0.000000e+00 : f32
      %max3A_733 = vector.broadcast %max3A_732 : f32 to vector<16xf32>
      %max3A_734 = arith.maximumf %scan3A_652#7, %max3A_733 : vector<16xf32>
      %bitcast3A_735 = vector.bitcast %max3A_731 : vector<16xf32> to vector<16xi32>
      %add3A_736 = arith.constant 32768 : i32
      %add3A_737 = vector.broadcast %add3A_736 : i32 to vector<16xi32>
      %add3A_738 = arith.addi %bitcast3A_735, %add3A_737 : vector<16xi32>
      %shift_right_logical3A_739 = arith.constant 16 : i32
      %shift_right_logical3A_740 = vector.broadcast %shift_right_logical3A_739 : i32 to vector<16xi32>
      %shift_right_logical3A_741 = arith.shrui %add3A_738, %shift_right_logical3A_740 : vector<16xi32>
      %bitcast3A_742 = vector.bitcast %max3A_734 : vector<16xf32> to vector<16xi32>
      %add3A_743 = arith.constant 32768 : i32
      %add3A_744 = vector.broadcast %add3A_743 : i32 to vector<16xi32>
      %add3A_745 = arith.addi %bitcast3A_742, %add3A_744 : vector<16xi32>
      %and3A_746 = arith.constant -65536 : i32
      %and3A_747 = vector.broadcast %and3A_746 : i32 to vector<16xi32>
      %and3A_748 = arith.andi %add3A_745, %and3A_747 : vector<16xi32>
      %or3A_749 = arith.ori %shift_right_logical3A_741, %and3A_748 : vector<16xi32>
      %swap3A_750 = arith.constant 0 : i32
      %swap3A_751 = arith.index_cast %swap3A_750 : i32 to index
      %swap3A_752 = arith.constant 48 : index
      %swap3A_753 = tpu.vector_load %arg11[%swap3A_751, %swap3A_752] {strides = array<i32>} : memref<4x64xi32, #tpu.memory_space<vmem>>, vector<16xi32>,
      tpu.vector_store %arg11[%swap3A_751, %swap3A_752], %or3A_749 {strides = array<i32>} : memref<4x64xi32, #tpu.memory_space<vmem>>, vector<16xi32>,
      %broadcast_in_dim3A_754 = arith.constant 0xFF800000 : f32
      %broadcast_in_dim3A_755 = vector.broadcast %broadcast_in_dim3A_754 : f32 to vector<16xf32>
      %broadcast_in_dim3A_756 = arith.constant 0xFF800000 : f32
      %broadcast_in_dim3A_757 = vector.broadcast %broadcast_in_dim3A_756 : f32 to vector<16xf32>
      %broadcast_in_dim3A_758 = arith.constant 0xFF800000 : f32
      %broadcast_in_dim3A_759 = vector.broadcast %broadcast_in_dim3A_758 : f32 to vector<16xf32>
      %broadcast_in_dim3A_760 = arith.constant 0xFF800000 : f32
      %broadcast_in_dim3A_761 = vector.broadcast %broadcast_in_dim3A_760 : f32 to vector<16xf32>
      %broadcast_in_dim3A_762 = arith.constant 0xFF800000 : f32
      %broadcast_in_dim3A_763 = vector.broadcast %broadcast_in_dim3A_762 : f32 to vector<16xf32>
      %broadcast_in_dim3A_764 = arith.constant 0xFF800000 : f32
      %broadcast_in_dim3A_765 = vector.broadcast %broadcast_in_dim3A_764 : f32 to vector<16xf32>
      %broadcast_in_dim3A_766 = arith.constant 0xFF800000 : f32
      %broadcast_in_dim3A_767 = vector.broadcast %broadcast_in_dim3A_766 : f32 to vector<16xf32>
      %broadcast_in_dim3A_768 = arith.constant 0xFF800000 : f32
      %broadcast_in_dim3A_769 = vector.broadcast %broadcast_in_dim3A_768 : f32 to vector<16xf32>
      %scan3A_770 = arith.constant -65536 : i32
      %scan3A_771 = arith.constant 0 : i32
      %scan3A_772 = arith.constant 32 : i32
      %scan3A_773 = arith.addi %scan3A_771, %scan3A_772 : i32
      %scan3A_774 = arith.constant 1 : i32
      %scan3A_775:8 = scf.for %scan3A_1132 = %scan3A_771 to %scan3A_773 step %scan3A_774 iter_args(%scan3A_1133 = %broadcast_in_dim3A_755, %scan3A_1134 = %broadcast_in_dim3A_757, %scan3A_1135 = %broadcast_in_dim3A_759, %scan3A_1136 = %broadcast_in_dim3A_761, %scan3A_1137 = %broadcast_in_dim3A_763, %scan3A_1138 = %broadcast_in_dim3A_765, %scan3A_1139 = %broadcast_in_dim3A_767, %scan3A_1140 = %broadcast_in_dim3A_769) -> (vector<16xf32>, vector<16xf32>, vector<16xf32>, vector<16xf32>, vector<16xf32>, vector<16xf32>, vector<16xf32>, vector<16xf32>)  : i32 {
        %add3A_1141 = arith.constant 32 : i32
        %add3A_1142 = arith.addi %add3A_1141, %scan3A_1132 : i32
        %get3A = arith.constant 1 : i32
        %get3A_1143 = arith.index_cast %get3A : i32 to index
        %get3A_1144 = arith.index_cast %add3A_1142 : i32 to index
        %get3A_1145 = arith.constant 0 : index
        %get3A_1146 = tpu.vector_load %arg9[%get3A_1143, %get3A_1144, %get3A_1145] {strides = array<i32>} : memref<2x128x64xi32, #tpu.memory_space<vmem>>, vector<16xi32>,
        %shift_left3A = arith.constant 16 : i32
        %shift_left3A_1147 = vector.broadcast %shift_left3A : i32 to vector<16xi32>
        %shift_left3A_1148 = arith.shli %get3A_1146, %shift_left3A_1147 : vector<16xi32>
        %bitcast3A_1149 = vector.bitcast %shift_left3A_1148 : vector<16xi32> to vector<16xf32>
        %and3A_1150 = vector.broadcast %scan3A_770 : i32 to vector<16xi32>
        %and3A_1151 = arith.andi %get3A_1146, %and3A_1150 : vector<16xi32>
        %bitcast3A_1152 = vector.bitcast %and3A_1151 : vector<16xi32> to vector<16xf32>
        %get3A_1153 = arith.constant 1 : i32
        %get3A_1154 = arith.index_cast %get3A_1153 : i32 to index
        %get3A_1155 = arith.index_cast %add3A_1142 : i32 to index
        %get3A_1156 = arith.constant 0 : index
        %get3A_1157 = tpu.vector_load %arg10[%get3A_1154, %get3A_1155, %get3A_1156] {strides = array<i32>} : memref<2x128x64xi32, #tpu.memory_space<vmem>>, vector<16xi32>,
        %shift_left3A_1158 = arith.constant 16 : i32
        %shift_left3A_1159 = vector.broadcast %shift_left3A_1158 : i32 to vector<16xi32>
        %shift_left3A_1160 = arith.shli %get3A_1157, %shift_left3A_1159 : vector<16xi32>
        %bitcast3A_1161 = vector.bitcast %shift_left3A_1160 : vector<16xi32> to vector<16xf32>
        %and3A_1162 = vector.broadcast %scan3A_770 : i32 to vector<16xi32>
        %and3A_1163 = arith.andi %get3A_1157, %and3A_1162 : vector<16xi32>
        %bitcast3A_1164 = vector.bitcast %and3A_1163 : vector<16xi32> to vector<16xf32>
        %add3A_1165 = arith.addf %bitcast3A_1149, %bitcast3A_1161 : vector<16xf32>
        %max3A_1166 = arith.maximumf %scan3A_1133, %add3A_1165 : vector<16xf32>
        %add3A_1167 = arith.addf %bitcast3A_1152, %bitcast3A_1164 : vector<16xf32>
        %max3A_1168 = arith.maximumf %scan3A_1134, %add3A_1167 : vector<16xf32>
        %get3A_1169 = arith.constant 1 : i32
        %get3A_1170 = arith.index_cast %get3A_1169 : i32 to index
        %get3A_1171 = arith.index_cast %add3A_1142 : i32 to index
        %get3A_1172 = arith.constant 16 : index
        %get3A_1173 = tpu.vector_load %arg9[%get3A_1170, %get3A_1171, %get3A_1172] {strides = array<i32>} : memref<2x128x64xi32, #tpu.memory_space<vmem>>, vector<16xi32>,
        %shift_left3A_1174 = arith.constant 16 : i32
        %shift_left3A_1175 = vector.broadcast %shift_left3A_1174 : i32 to vector<16xi32>
        %shift_left3A_1176 = arith.shli %get3A_1173, %shift_left3A_1175 : vector<16xi32>
        %bitcast3A_1177 = vector.bitcast %shift_left3A_1176 : vector<16xi32> to vector<16xf32>
        %and3A_1178 = vector.broadcast %scan3A_770 : i32 to vector<16xi32>
        %and3A_1179 = arith.andi %get3A_1173, %and3A_1178 : vector<16xi32>
        %bitcast3A_1180 = vector.bitcast %and3A_1179 : vector<16xi32> to vector<16xf32>
        %get3A_1181 = arith.constant 1 : i32
        %get3A_1182 = arith.index_cast %get3A_1181 : i32 to index
        %get3A_1183 = arith.index_cast %add3A_1142 : i32 to index
        %get3A_1184 = arith.constant 16 : index
        %get3A_1185 = tpu.vector_load %arg10[%get3A_1182, %get3A_1183, %get3A_1184] {strides = array<i32>} : memref<2x128x64xi32, #tpu.memory_space<vmem>>, vector<16xi32>,
        %shift_left3A_1186 = arith.constant 16 : i32
        %shift_left3A_1187 = vector.broadcast %shift_left3A_1186 : i32 to vector<16xi32>
        %shift_left3A_1188 = arith.shli %get3A_1185, %shift_left3A_1187 : vector<16xi32>
        %bitcast3A_1189 = vector.bitcast %shift_left3A_1188 : vector<16xi32> to vector<16xf32>
        %and3A_1190 = vector.broadcast %scan3A_770 : i32 to vector<16xi32>
        %and3A_1191 = arith.andi %get3A_1185, %and3A_1190 : vector<16xi32>
        %bitcast3A_1192 = vector.bitcast %and3A_1191 : vector<16xi32> to vector<16xf32>
        %add3A_1193 = arith.addf %bitcast3A_1177, %bitcast3A_1189 : vector<16xf32>
        %max3A_1194 = arith.maximumf %scan3A_1135, %add3A_1193 : vector<16xf32>
        %add3A_1195 = arith.addf %bitcast3A_1180, %bitcast3A_1192 : vector<16xf32>
        %max3A_1196 = arith.maximumf %scan3A_1136, %add3A_1195 : vector<16xf32>
        %get3A_1197 = arith.constant 1 : i32
        %get3A_1198 = arith.index_cast %get3A_1197 : i32 to index
        %get3A_1199 = arith.index_cast %add3A_1142 : i32 to index
        %get3A_1200 = arith.constant 32 : index
        %get3A_1201 = tpu.vector_load %arg9[%get3A_1198, %get3A_1199, %get3A_1200] {strides = array<i32>} : memref<2x128x64xi32, #tpu.memory_space<vmem>>, vector<16xi32>,
        %shift_left3A_1202 = arith.constant 16 : i32
        %shift_left3A_1203 = vector.broadcast %shift_left3A_1202 : i32 to vector<16xi32>
        %shift_left3A_1204 = arith.shli %get3A_1201, %shift_left3A_1203 : vector<16xi32>
        %bitcast3A_1205 = vector.bitcast %shift_left3A_1204 : vector<16xi32> to vector<16xf32>
        %and3A_1206 = vector.broadcast %scan3A_770 : i32 to vector<16xi32>
        %and3A_1207 = arith.andi %get3A_1201, %and3A_1206 : vector<16xi32>
        %bitcast3A_1208 = vector.bitcast %and3A_1207 : vector<16xi32> to vector<16xf32>
        %get3A_1209 = arith.constant 1 : i32
        %get3A_1210 = arith.index_cast %get3A_1209 : i32 to index
        %get3A_1211 = arith.index_cast %add3A_1142 : i32 to index
        %get3A_1212 = arith.constant 32 : index
        %get3A_1213 = tpu.vector_load %arg10[%get3A_1210, %get3A_1211, %get3A_1212] {strides = array<i32>} : memref<2x128x64xi32, #tpu.memory_space<vmem>>, vector<16xi32>,
        %shift_left3A_1214 = arith.constant 16 : i32
        %shift_left3A_1215 = vector.broadcast %shift_left3A_1214 : i32 to vector<16xi32>
        %shift_left3A_1216 = arith.shli %get3A_1213, %shift_left3A_1215 : vector<16xi32>
        %bitcast3A_1217 = vector.bitcast %shift_left3A_1216 : vector<16xi32> to vector<16xf32>
        %and3A_1218 = vector.broadcast %scan3A_770 : i32 to vector<16xi32>
        %and3A_1219 = arith.andi %get3A_1213, %and3A_1218 : vector<16xi32>
        %bitcast3A_1220 = vector.bitcast %and3A_1219 : vector<16xi32> to vector<16xf32>
        %add3A_1221 = arith.addf %bitcast3A_1205, %bitcast3A_1217 : vector<16xf32>
        %max3A_1222 = arith.maximumf %scan3A_1137, %add3A_1221 : vector<16xf32>
        %add3A_1223 = arith.addf %bitcast3A_1208, %bitcast3A_1220 : vector<16xf32>
        %max3A_1224 = arith.maximumf %scan3A_1138, %add3A_1223 : vector<16xf32>
        %get3A_1225 = arith.constant 1 : i32
        %get3A_1226 = arith.index_cast %get3A_1225 : i32 to index
        %get3A_1227 = arith.index_cast %add3A_1142 : i32 to index
        %get3A_1228 = arith.constant 48 : index
        %get3A_1229 = tpu.vector_load %arg9[%get3A_1226, %get3A_1227, %get3A_1228] {strides = array<i32>} : memref<2x128x64xi32, #tpu.memory_space<vmem>>, vector<16xi32>,
        %shift_left3A_1230 = arith.constant 16 : i32
        %shift_left3A_1231 = vector.broadcast %shift_left3A_1230 : i32 to vector<16xi32>
        %shift_left3A_1232 = arith.shli %get3A_1229, %shift_left3A_1231 : vector<16xi32>
        %bitcast3A_1233 = vector.bitcast %shift_left3A_1232 : vector<16xi32> to vector<16xf32>
        %and3A_1234 = vector.broadcast %scan3A_770 : i32 to vector<16xi32>
        %and3A_1235 = arith.andi %get3A_1229, %and3A_1234 : vector<16xi32>
        %bitcast3A_1236 = vector.bitcast %and3A_1235 : vector<16xi32> to vector<16xf32>
        %get3A_1237 = arith.constant 1 : i32
        %get3A_1238 = arith.index_cast %get3A_1237 : i32 to index
        %get3A_1239 = arith.index_cast %add3A_1142 : i32 to index
        %get3A_1240 = arith.constant 48 : index
        %get3A_1241 = tpu.vector_load %arg10[%get3A_1238, %get3A_1239, %get3A_1240] {strides = array<i32>} : memref<2x128x64xi32, #tpu.memory_space<vmem>>, vector<16xi32>,
        %shift_left3A_1242 = arith.constant 16 : i32
        %shift_left3A_1243 = vector.broadcast %shift_left3A_1242 : i32 to vector<16xi32>
        %shift_left3A_1244 = arith.shli %get3A_1241, %shift_left3A_1243 : vector<16xi32>
        %bitcast3A_1245 = vector.bitcast %shift_left3A_1244 : vector<16xi32> to vector<16xf32>
        %and3A_1246 = vector.broadcast %scan3A_770 : i32 to vector<16xi32>
        %and3A_1247 = arith.andi %get3A_1241, %and3A_1246 : vector<16xi32>
        %bitcast3A_1248 = vector.bitcast %and3A_1247 : vector<16xi32> to vector<16xf32>
        %add3A_1249 = arith.addf %bitcast3A_1233, %bitcast3A_1245 : vector<16xf32>
        %max3A_1250 = arith.maximumf %scan3A_1139, %add3A_1249 : vector<16xf32>
        %add3A_1251 = arith.addf %bitcast3A_1236, %bitcast3A_1248 : vector<16xf32>
        %max3A_1252 = arith.maximumf %scan3A_1140, %add3A_1251 : vector<16xf32>
        scf.yield %max3A_1166, %max3A_1168, %max3A_1194, %max3A_1196, %max3A_1222, %max3A_1224, %max3A_1250, %max3A_1252 : vector<16xf32>, vector<16xf32>, vector<16xf32>, vector<16xf32>, vector<16xf32>, vector<16xf32>, vector<16xf32>, vector<16xf32>
      }
      %scan3A_776 = arith.constant 32 : i32
      %max3A_777 = arith.constant 0.000000e+00 : f32
      %max3A_778 = vector.broadcast %max3A_777 : f32 to vector<16xf32>
      %max3A_779 = arith.maximumf %scan3A_775#0, %max3A_778 : vector<16xf32>
      %max3A_780 = arith.constant 0.000000e+00 : f32
      %max3A_781 = vector.broadcast %max3A_780 : f32 to vector<16xf32>
      %max3A_782 = arith.maximumf %scan3A_775#1, %max3A_781 : vector<16xf32>
      %bitcast3A_783 = vector.bitcast %max3A_779 : vector<16xf32> to vector<16xi32>
      %add3A_784 = arith.constant 32768 : i32
      %add3A_785 = vector.broadcast %add3A_784 : i32 to vector<16xi32>
      %add3A_786 = arith.addi %bitcast3A_783, %add3A_785 : vector<16xi32>
      %shift_right_logical3A_787 = arith.constant 16 : i32
      %shift_right_logical3A_788 = vector.broadcast %shift_right_logical3A_787 : i32 to vector<16xi32>
      %shift_right_logical3A_789 = arith.shrui %add3A_786, %shift_right_logical3A_788 : vector<16xi32>
      %bitcast3A_790 = vector.bitcast %max3A_782 : vector<16xf32> to vector<16xi32>
      %add3A_791 = arith.constant 32768 : i32
      %add3A_792 = vector.broadcast %add3A_791 : i32 to vector<16xi32>
      %add3A_793 = arith.addi %bitcast3A_790, %add3A_792 : vector<16xi32>
      %and3A_794 = arith.constant -65536 : i32
      %and3A_795 = vector.broadcast %and3A_794 : i32 to vector<16xi32>
      %and3A_796 = arith.andi %add3A_793, %and3A_795 : vector<16xi32>
      %or3A_797 = arith.ori %shift_right_logical3A_789, %and3A_796 : vector<16xi32>
      %swap3A_798 = arith.constant 1 : i32
      %swap3A_799 = arith.index_cast %swap3A_798 : i32 to index
      %swap3A_800 = arith.constant 0 : index
      %swap3A_801 = tpu.vector_load %arg11[%swap3A_799, %swap3A_800] {strides = array<i32>} : memref<4x64xi32, #tpu.memory_space<vmem>>, vector<16xi32>,
      tpu.vector_store %arg11[%swap3A_799, %swap3A_800], %or3A_797 {strides = array<i32>} : memref<4x64xi32, #tpu.memory_space<vmem>>, vector<16xi32>,
      %max3A_802 = arith.constant 0.000000e+00 : f32
      %max3A_803 = vector.broadcast %max3A_802 : f32 to vector<16xf32>
      %max3A_804 = arith.maximumf %scan3A_775#2, %max3A_803 : vector<16xf32>
      %max3A_805 = arith.constant 0.000000e+00 : f32
      %max3A_806 = vector.broadcast %max3A_805 : f32 to vector<16xf32>
      %max3A_807 = arith.maximumf %scan3A_775#3, %max3A_806 : vector<16xf32>
      %bitcast3A_808 = vector.bitcast %max3A_804 : vector<16xf32> to vector<16xi32>
      %add3A_809 = arith.constant 32768 : i32
      %add3A_810 = vector.broadcast %add3A_809 : i32 to vector<16xi32>
      %add3A_811 = arith.addi %bitcast3A_808, %add3A_810 : vector<16xi32>
      %shift_right_logical3A_812 = arith.constant 16 : i32
      %shift_right_logical3A_813 = vector.broadcast %shift_right_logical3A_812 : i32 to vector<16xi32>
      %shift_right_logical3A_814 = arith.shrui %add3A_811, %shift_right_logical3A_813 : vector<16xi32>
      %bitcast3A_815 = vector.bitcast %max3A_807 : vector<16xf32> to vector<16xi32>
      %add3A_816 = arith.constant 32768 : i32
      %add3A_817 = vector.broadcast %add3A_816 : i32 to vector<16xi32>
      %add3A_818 = arith.addi %bitcast3A_815, %add3A_817 : vector<16xi32>
      %and3A_819 = arith.constant -65536 : i32
      %and3A_820 = vector.broadcast %and3A_819 : i32 to vector<16xi32>
      %and3A_821 = arith.andi %add3A_818, %and3A_820 : vector<16xi32>
      %or3A_822 = arith.ori %shift_right_logical3A_814, %and3A_821 : vector<16xi32>
      %swap3A_823 = arith.constant 1 : i32
      %swap3A_824 = arith.index_cast %swap3A_823 : i32 to index
      %swap3A_825 = arith.constant 16 : index
      %swap3A_826 = tpu.vector_load %arg11[%swap3A_824, %swap3A_825] {strides = array<i32>} : memref<4x64xi32, #tpu.memory_space<vmem>>, vector<16xi32>,
      tpu.vector_store %arg11[%swap3A_824, %swap3A_825], %or3A_822 {strides = array<i32>} : memref<4x64xi32, #tpu.memory_space<vmem>>, vector<16xi32>,
      %max3A_827 = arith.constant 0.000000e+00 : f32
      %max3A_828 = vector.broadcast %max3A_827 : f32 to vector<16xf32>
      %max3A_829 = arith.maximumf %scan3A_775#4, %max3A_828 : vector<16xf32>
      %max3A_830 = arith.constant 0.000000e+00 : f32
      %max3A_831 = vector.broadcast %max3A_830 : f32 to vector<16xf32>
      %max3A_832 = arith.maximumf %scan3A_775#5, %max3A_831 : vector<16xf32>
      %bitcast3A_833 = vector.bitcast %max3A_829 : vector<16xf32> to vector<16xi32>
      %add3A_834 = arith.constant 32768 : i32
      %add3A_835 = vector.broadcast %add3A_834 : i32 to vector<16xi32>
      %add3A_836 = arith.addi %bitcast3A_833, %add3A_835 : vector<16xi32>
      %shift_right_logical3A_837 = arith.constant 16 : i32
      %shift_right_logical3A_838 = vector.broadcast %shift_right_logical3A_837 : i32 to vector<16xi32>
      %shift_right_logical3A_839 = arith.shrui %add3A_836, %shift_right_logical3A_838 : vector<16xi32>
      %bitcast3A_840 = vector.bitcast %max3A_832 : vector<16xf32> to vector<16xi32>
      %add3A_841 = arith.constant 32768 : i32
      %add3A_842 = vector.broadcast %add3A_841 : i32 to vector<16xi32>
      %add3A_843 = arith.addi %bitcast3A_840, %add3A_842 : vector<16xi32>
      %and3A_844 = arith.constant -65536 : i32
      %and3A_845 = vector.broadcast %and3A_844 : i32 to vector<16xi32>
      %and3A_846 = arith.andi %add3A_843, %and3A_845 : vector<16xi32>
      %or3A_847 = arith.ori %shift_right_logical3A_839, %and3A_846 : vector<16xi32>
      %swap3A_848 = arith.constant 1 : i32
      %swap3A_849 = arith.index_cast %swap3A_848 : i32 to index
      %swap3A_850 = arith.constant 32 : index
      %swap3A_851 = tpu.vector_load %arg11[%swap3A_849, %swap3A_850] {strides = array<i32>} : memref<4x64xi32, #tpu.memory_space<vmem>>, vector<16xi32>,
      tpu.vector_store %arg11[%swap3A_849, %swap3A_850], %or3A_847 {strides = array<i32>} : memref<4x64xi32, #tpu.memory_space<vmem>>, vector<16xi32>,
      %max3A_852 = arith.constant 0.000000e+00 : f32
      %max3A_853 = vector.broadcast %max3A_852 : f32 to vector<16xf32>
      %max3A_854 = arith.maximumf %scan3A_775#6, %max3A_853 : vector<16xf32>
      %max3A_855 = arith.constant 0.000000e+00 : f32
      %max3A_856 = vector.broadcast %max3A_855 : f32 to vector<16xf32>
      %max3A_857 = arith.maximumf %scan3A_775#7, %max3A_856 : vector<16xf32>
      %bitcast3A_858 = vector.bitcast %max3A_854 : vector<16xf32> to vector<16xi32>
      %add3A_859 = arith.constant 32768 : i32
      %add3A_860 = vector.broadcast %add3A_859 : i32 to vector<16xi32>
      %add3A_861 = arith.addi %bitcast3A_858, %add3A_860 : vector<16xi32>
      %shift_right_logical3A_862 = arith.constant 16 : i32
      %shift_right_logical3A_863 = vector.broadcast %shift_right_logical3A_862 : i32 to vector<16xi32>
      %shift_right_logical3A_864 = arith.shrui %add3A_861, %shift_right_logical3A_863 : vector<16xi32>
      %bitcast3A_865 = vector.bitcast %max3A_857 : vector<16xf32> to vector<16xi32>
      %add3A_866 = arith.constant 32768 : i32
      %add3A_867 = vector.broadcast %add3A_866 : i32 to vector<16xi32>
      %add3A_868 = arith.addi %bitcast3A_865, %add3A_867 : vector<16xi32>
      %and3A_869 = arith.constant -65536 : i32
      %and3A_870 = vector.broadcast %and3A_869 : i32 to vector<16xi32>
      %and3A_871 = arith.andi %add3A_868, %and3A_870 : vector<16xi32>
      %or3A_872 = arith.ori %shift_right_logical3A_864, %and3A_871 : vector<16xi32>
      %swap3A_873 = arith.constant 1 : i32
      %swap3A_874 = arith.index_cast %swap3A_873 : i32 to index
      %swap3A_875 = arith.constant 48 : index
      %swap3A_876 = tpu.vector_load %arg11[%swap3A_874, %swap3A_875] {strides = array<i32>} : memref<4x64xi32, #tpu.memory_space<vmem>>, vector<16xi32>,
      tpu.vector_store %arg11[%swap3A_874, %swap3A_875], %or3A_872 {strides = array<i32>} : memref<4x64xi32, #tpu.memory_space<vmem>>, vector<16xi32>,
      %broadcast_in_dim3A_877 = arith.constant 0xFF800000 : f32
      %broadcast_in_dim3A_878 = vector.broadcast %broadcast_in_dim3A_877 : f32 to vector<16xf32>
      %broadcast_in_dim3A_879 = arith.constant 0xFF800000 : f32
      %broadcast_in_dim3A_880 = vector.broadcast %broadcast_in_dim3A_879 : f32 to vector<16xf32>
      %broadcast_in_dim3A_881 = arith.constant 0xFF800000 : f32
      %broadcast_in_dim3A_882 = vector.broadcast %broadcast_in_dim3A_881 : f32 to vector<16xf32>
      %broadcast_in_dim3A_883 = arith.constant 0xFF800000 : f32
      %broadcast_in_dim3A_884 = vector.broadcast %broadcast_in_dim3A_883 : f32 to vector<16xf32>
      %broadcast_in_dim3A_885 = arith.constant 0xFF800000 : f32
      %broadcast_in_dim3A_886 = vector.broadcast %broadcast_in_dim3A_885 : f32 to vector<16xf32>
      %broadcast_in_dim3A_887 = arith.constant 0xFF800000 : f32
      %broadcast_in_dim3A_888 = vector.broadcast %broadcast_in_dim3A_887 : f32 to vector<16xf32>
      %broadcast_in_dim3A_889 = arith.constant 0xFF800000 : f32
      %broadcast_in_dim3A_890 = vector.broadcast %broadcast_in_dim3A_889 : f32 to vector<16xf32>
      %broadcast_in_dim3A_891 = arith.constant 0xFF800000 : f32
      %broadcast_in_dim3A_892 = vector.broadcast %broadcast_in_dim3A_891 : f32 to vector<16xf32>
      %scan3A_893 = arith.constant -65536 : i32
      %scan3A_894 = arith.constant 0 : i32
      %scan3A_895 = arith.constant 32 : i32
      %scan3A_896 = arith.addi %scan3A_894, %scan3A_895 : i32
      %scan3A_897 = arith.constant 1 : i32
      %scan3A_898:8 = scf.for %scan3A_1132 = %scan3A_894 to %scan3A_896 step %scan3A_897 iter_args(%scan3A_1133 = %broadcast_in_dim3A_878, %scan3A_1134 = %broadcast_in_dim3A_880, %scan3A_1135 = %broadcast_in_dim3A_882, %scan3A_1136 = %broadcast_in_dim3A_884, %scan3A_1137 = %broadcast_in_dim3A_886, %scan3A_1138 = %broadcast_in_dim3A_888, %scan3A_1139 = %broadcast_in_dim3A_890, %scan3A_1140 = %broadcast_in_dim3A_892) -> (vector<16xf32>, vector<16xf32>, vector<16xf32>, vector<16xf32>, vector<16xf32>, vector<16xf32>, vector<16xf32>, vector<16xf32>)  : i32 {
        %add3A_1141 = arith.constant 64 : i32
        %add3A_1142 = arith.addi %add3A_1141, %scan3A_1132 : i32
        %get3A = arith.constant 1 : i32
        %get3A_1143 = arith.index_cast %get3A : i32 to index
        %get3A_1144 = arith.index_cast %add3A_1142 : i32 to index
        %get3A_1145 = arith.constant 0 : index
        %get3A_1146 = tpu.vector_load %arg9[%get3A_1143, %get3A_1144, %get3A_1145] {strides = array<i32>} : memref<2x128x64xi32, #tpu.memory_space<vmem>>, vector<16xi32>,
        %shift_left3A = arith.constant 16 : i32
        %shift_left3A_1147 = vector.broadcast %shift_left3A : i32 to vector<16xi32>
        %shift_left3A_1148 = arith.shli %get3A_1146, %shift_left3A_1147 : vector<16xi32>
        %bitcast3A_1149 = vector.bitcast %shift_left3A_1148 : vector<16xi32> to vector<16xf32>
        %and3A_1150 = vector.broadcast %scan3A_893 : i32 to vector<16xi32>
        %and3A_1151 = arith.andi %get3A_1146, %and3A_1150 : vector<16xi32>
        %bitcast3A_1152 = vector.bitcast %and3A_1151 : vector<16xi32> to vector<16xf32>
        %get3A_1153 = arith.constant 1 : i32
        %get3A_1154 = arith.index_cast %get3A_1153 : i32 to index
        %get3A_1155 = arith.index_cast %add3A_1142 : i32 to index
        %get3A_1156 = arith.constant 0 : index
        %get3A_1157 = tpu.vector_load %arg10[%get3A_1154, %get3A_1155, %get3A_1156] {strides = array<i32>} : memref<2x128x64xi32, #tpu.memory_space<vmem>>, vector<16xi32>,
        %shift_left3A_1158 = arith.constant 16 : i32
        %shift_left3A_1159 = vector.broadcast %shift_left3A_1158 : i32 to vector<16xi32>
        %shift_left3A_1160 = arith.shli %get3A_1157, %shift_left3A_1159 : vector<16xi32>
        %bitcast3A_1161 = vector.bitcast %shift_left3A_1160 : vector<16xi32> to vector<16xf32>
        %and3A_1162 = vector.broadcast %scan3A_893 : i32 to vector<16xi32>
        %and3A_1163 = arith.andi %get3A_1157, %and3A_1162 : vector<16xi32>
        %bitcast3A_1164 = vector.bitcast %and3A_1163 : vector<16xi32> to vector<16xf32>
        %add3A_1165 = arith.addf %bitcast3A_1149, %bitcast3A_1161 : vector<16xf32>
        %max3A_1166 = arith.maximumf %scan3A_1133, %add3A_1165 : vector<16xf32>
        %add3A_1167 = arith.addf %bitcast3A_1152, %bitcast3A_1164 : vector<16xf32>
        %max3A_1168 = arith.maximumf %scan3A_1134, %add3A_1167 : vector<16xf32>
        %get3A_1169 = arith.constant 1 : i32
        %get3A_1170 = arith.index_cast %get3A_1169 : i32 to index
        %get3A_1171 = arith.index_cast %add3A_1142 : i32 to index
        %get3A_1172 = arith.constant 16 : index
        %get3A_1173 = tpu.vector_load %arg9[%get3A_1170, %get3A_1171, %get3A_1172] {strides = array<i32>} : memref<2x128x64xi32, #tpu.memory_space<vmem>>, vector<16xi32>,
        %shift_left3A_1174 = arith.constant 16 : i32
        %shift_left3A_1175 = vector.broadcast %shift_left3A_1174 : i32 to vector<16xi32>
        %shift_left3A_1176 = arith.shli %get3A_1173, %shift_left3A_1175 : vector<16xi32>
        %bitcast3A_1177 = vector.bitcast %shift_left3A_1176 : vector<16xi32> to vector<16xf32>
        %and3A_1178 = vector.broadcast %scan3A_893 : i32 to vector<16xi32>
        %and3A_1179 = arith.andi %get3A_1173, %and3A_1178 : vector<16xi32>
        %bitcast3A_1180 = vector.bitcast %and3A_1179 : vector<16xi32> to vector<16xf32>
        %get3A_1181 = arith.constant 1 : i32
        %get3A_1182 = arith.index_cast %get3A_1181 : i32 to index
        %get3A_1183 = arith.index_cast %add3A_1142 : i32 to index
        %get3A_1184 = arith.constant 16 : index
        %get3A_1185 = tpu.vector_load %arg10[%get3A_1182, %get3A_1183, %get3A_1184] {strides = array<i32>} : memref<2x128x64xi32, #tpu.memory_space<vmem>>, vector<16xi32>,
        %shift_left3A_1186 = arith.constant 16 : i32
        %shift_left3A_1187 = vector.broadcast %shift_left3A_1186 : i32 to vector<16xi32>
        %shift_left3A_1188 = arith.shli %get3A_1185, %shift_left3A_1187 : vector<16xi32>
        %bitcast3A_1189 = vector.bitcast %shift_left3A_1188 : vector<16xi32> to vector<16xf32>
        %and3A_1190 = vector.broadcast %scan3A_893 : i32 to vector<16xi32>
        %and3A_1191 = arith.andi %get3A_1185, %and3A_1190 : vector<16xi32>
        %bitcast3A_1192 = vector.bitcast %and3A_1191 : vector<16xi32> to vector<16xf32>
        %add3A_1193 = arith.addf %bitcast3A_1177, %bitcast3A_1189 : vector<16xf32>
        %max3A_1194 = arith.maximumf %scan3A_1135, %add3A_1193 : vector<16xf32>
        %add3A_1195 = arith.addf %bitcast3A_1180, %bitcast3A_1192 : vector<16xf32>
        %max3A_1196 = arith.maximumf %scan3A_1136, %add3A_1195 : vector<16xf32>
        %get3A_1197 = arith.constant 1 : i32
        %get3A_1198 = arith.index_cast %get3A_1197 : i32 to index
        %get3A_1199 = arith.index_cast %add3A_1142 : i32 to index
        %get3A_1200 = arith.constant 32 : index
        %get3A_1201 = tpu.vector_load %arg9[%get3A_1198, %get3A_1199, %get3A_1200] {strides = array<i32>} : memref<2x128x64xi32, #tpu.memory_space<vmem>>, vector<16xi32>,
        %shift_left3A_1202 = arith.constant 16 : i32
        %shift_left3A_1203 = vector.broadcast %shift_left3A_1202 : i32 to vector<16xi32>
        %shift_left3A_1204 = arith.shli %get3A_1201, %shift_left3A_1203 : vector<16xi32>
        %bitcast3A_1205 = vector.bitcast %shift_left3A_1204 : vector<16xi32> to vector<16xf32>
        %and3A_1206 = vector.broadcast %scan3A_893 : i32 to vector<16xi32>
        %and3A_1207 = arith.andi %get3A_1201, %and3A_1206 : vector<16xi32>
        %bitcast3A_1208 = vector.bitcast %and3A_1207 : vector<16xi32> to vector<16xf32>
        %get3A_1209 = arith.constant 1 : i32
        %get3A_1210 = arith.index_cast %get3A_1209 : i32 to index
        %get3A_1211 = arith.index_cast %add3A_1142 : i32 to index
        %get3A_1212 = arith.constant 32 : index
        %get3A_1213 = tpu.vector_load %arg10[%get3A_1210, %get3A_1211, %get3A_1212] {strides = array<i32>} : memref<2x128x64xi32, #tpu.memory_space<vmem>>, vector<16xi32>,
        %shift_left3A_1214 = arith.constant 16 : i32
        %shift_left3A_1215 = vector.broadcast %shift_left3A_1214 : i32 to vector<16xi32>
        %shift_left3A_1216 = arith.shli %get3A_1213, %shift_left3A_1215 : vector<16xi32>
        %bitcast3A_1217 = vector.bitcast %shift_left3A_1216 : vector<16xi32> to vector<16xf32>
        %and3A_1218 = vector.broadcast %scan3A_893 : i32 to vector<16xi32>
        %and3A_1219 = arith.andi %get3A_1213, %and3A_1218 : vector<16xi32>
        %bitcast3A_1220 = vector.bitcast %and3A_1219 : vector<16xi32> to vector<16xf32>
        %add3A_1221 = arith.addf %bitcast3A_1205, %bitcast3A_1217 : vector<16xf32>
        %max3A_1222 = arith.maximumf %scan3A_1137, %add3A_1221 : vector<16xf32>
        %add3A_1223 = arith.addf %bitcast3A_1208, %bitcast3A_1220 : vector<16xf32>
        %max3A_1224 = arith.maximumf %scan3A_1138, %add3A_1223 : vector<16xf32>
        %get3A_1225 = arith.constant 1 : i32
        %get3A_1226 = arith.index_cast %get3A_1225 : i32 to index
        %get3A_1227 = arith.index_cast %add3A_1142 : i32 to index
        %get3A_1228 = arith.constant 48 : index
        %get3A_1229 = tpu.vector_load %arg9[%get3A_1226, %get3A_1227, %get3A_1228] {strides = array<i32>} : memref<2x128x64xi32, #tpu.memory_space<vmem>>, vector<16xi32>,
        %shift_left3A_1230 = arith.constant 16 : i32
        %shift_left3A_1231 = vector.broadcast %shift_left3A_1230 : i32 to vector<16xi32>
        %shift_left3A_1232 = arith.shli %get3A_1229, %shift_left3A_1231 : vector<16xi32>
        %bitcast3A_1233 = vector.bitcast %shift_left3A_1232 : vector<16xi32> to vector<16xf32>
        %and3A_1234 = vector.broadcast %scan3A_893 : i32 to vector<16xi32>
        %and3A_1235 = arith.andi %get3A_1229, %and3A_1234 : vector<16xi32>
        %bitcast3A_1236 = vector.bitcast %and3A_1235 : vector<16xi32> to vector<16xf32>
        %get3A_1237 = arith.constant 1 : i32
        %get3A_1238 = arith.index_cast %get3A_1237 : i32 to index
        %get3A_1239 = arith.index_cast %add3A_1142 : i32 to index
        %get3A_1240 = arith.constant 48 : index
        %get3A_1241 = tpu.vector_load %arg10[%get3A_1238, %get3A_1239, %get3A_1240] {strides = array<i32>} : memref<2x128x64xi32, #tpu.memory_space<vmem>>, vector<16xi32>,
        %shift_left3A_1242 = arith.constant 16 : i32
        %shift_left3A_1243 = vector.broadcast %shift_left3A_1242 : i32 to vector<16xi32>
        %shift_left3A_1244 = arith.shli %get3A_1241, %shift_left3A_1243 : vector<16xi32>
        %bitcast3A_1245 = vector.bitcast %shift_left3A_1244 : vector<16xi32> to vector<16xf32>
        %and3A_1246 = vector.broadcast %scan3A_893 : i32 to vector<16xi32>
        %and3A_1247 = arith.andi %get3A_1241, %and3A_1246 : vector<16xi32>
        %bitcast3A_1248 = vector.bitcast %and3A_1247 : vector<16xi32> to vector<16xf32>
        %add3A_1249 = arith.addf %bitcast3A_1233, %bitcast3A_1245 : vector<16xf32>
        %max3A_1250 = arith.maximumf %scan3A_1139, %add3A_1249 : vector<16xf32>
        %add3A_1251 = arith.addf %bitcast3A_1236, %bitcast3A_1248 : vector<16xf32>
        %max3A_1252 = arith.maximumf %scan3A_1140, %add3A_1251 : vector<16xf32>
        scf.yield %max3A_1166, %max3A_1168, %max3A_1194, %max3A_1196, %max3A_1222, %max3A_1224, %max3A_1250, %max3A_1252 : vector<16xf32>, vector<16xf32>, vector<16xf32>, vector<16xf32>, vector<16xf32>, vector<16xf32>, vector<16xf32>, vector<16xf32>
      }
      %scan3A_899 = arith.constant 32 : i32
      %max3A_900 = arith.constant 0.000000e+00 : f32
      %max3A_901 = vector.broadcast %max3A_900 : f32 to vector<16xf32>
      %max3A_902 = arith.maximumf %scan3A_898#0, %max3A_901 : vector<16xf32>
      %max3A_903 = arith.constant 0.000000e+00 : f32
      %max3A_904 = vector.broadcast %max3A_903 : f32 to vector<16xf32>
      %max3A_905 = arith.maximumf %scan3A_898#1, %max3A_904 : vector<16xf32>
      %bitcast3A_906 = vector.bitcast %max3A_902 : vector<16xf32> to vector<16xi32>
      %add3A_907 = arith.constant 32768 : i32
      %add3A_908 = vector.broadcast %add3A_907 : i32 to vector<16xi32>
      %add3A_909 = arith.addi %bitcast3A_906, %add3A_908 : vector<16xi32>
      %shift_right_logical3A_910 = arith.constant 16 : i32
      %shift_right_logical3A_911 = vector.broadcast %shift_right_logical3A_910 : i32 to vector<16xi32>
      %shift_right_logical3A_912 = arith.shrui %add3A_909, %shift_right_logical3A_911 : vector<16xi32>
      %bitcast3A_913 = vector.bitcast %max3A_905 : vector<16xf32> to vector<16xi32>
      %add3A_914 = arith.constant 32768 : i32
      %add3A_915 = vector.broadcast %add3A_914 : i32 to vector<16xi32>
      %add3A_916 = arith.addi %bitcast3A_913, %add3A_915 : vector<16xi32>
      %and3A_917 = arith.constant -65536 : i32
      %and3A_918 = vector.broadcast %and3A_917 : i32 to vector<16xi32>
      %and3A_919 = arith.andi %add3A_916, %and3A_918 : vector<16xi32>
      %or3A_920 = arith.ori %shift_right_logical3A_912, %and3A_919 : vector<16xi32>
      %swap3A_921 = arith.constant 2 : i32
      %swap3A_922 = arith.index_cast %swap3A_921 : i32 to index
      %swap3A_923 = arith.constant 0 : index
      %swap3A_924 = tpu.vector_load %arg11[%swap3A_922, %swap3A_923] {strides = array<i32>} : memref<4x64xi32, #tpu.memory_space<vmem>>, vector<16xi32>,
      tpu.vector_store %arg11[%swap3A_922, %swap3A_923], %or3A_920 {strides = array<i32>} : memref<4x64xi32, #tpu.memory_space<vmem>>, vector<16xi32>,
      %max3A_925 = arith.constant 0.000000e+00 : f32
      %max3A_926 = vector.broadcast %max3A_925 : f32 to vector<16xf32>
      %max3A_927 = arith.maximumf %scan3A_898#2, %max3A_926 : vector<16xf32>
      %max3A_928 = arith.constant 0.000000e+00 : f32
      %max3A_929 = vector.broadcast %max3A_928 : f32 to vector<16xf32>
      %max3A_930 = arith.maximumf %scan3A_898#3, %max3A_929 : vector<16xf32>
      %bitcast3A_931 = vector.bitcast %max3A_927 : vector<16xf32> to vector<16xi32>
      %add3A_932 = arith.constant 32768 : i32
      %add3A_933 = vector.broadcast %add3A_932 : i32 to vector<16xi32>
      %add3A_934 = arith.addi %bitcast3A_931, %add3A_933 : vector<16xi32>
      %shift_right_logical3A_935 = arith.constant 16 : i32
      %shift_right_logical3A_936 = vector.broadcast %shift_right_logical3A_935 : i32 to vector<16xi32>
      %shift_right_logical3A_937 = arith.shrui %add3A_934, %shift_right_logical3A_936 : vector<16xi32>
      %bitcast3A_938 = vector.bitcast %max3A_930 : vector<16xf32> to vector<16xi32>
      %add3A_939 = arith.constant 32768 : i32
      %add3A_940 = vector.broadcast %add3A_939 : i32 to vector<16xi32>
      %add3A_941 = arith.addi %bitcast3A_938, %add3A_940 : vector<16xi32>
      %and3A_942 = arith.constant -65536 : i32
      %and3A_943 = vector.broadcast %and3A_942 : i32 to vector<16xi32>
      %and3A_944 = arith.andi %add3A_941, %and3A_943 : vector<16xi32>
      %or3A_945 = arith.ori %shift_right_logical3A_937, %and3A_944 : vector<16xi32>
      %swap3A_946 = arith.constant 2 : i32
      %swap3A_947 = arith.index_cast %swap3A_946 : i32 to index
      %swap3A_948 = arith.constant 16 : index
      %swap3A_949 = tpu.vector_load %arg11[%swap3A_947, %swap3A_948] {strides = array<i32>} : memref<4x64xi32, #tpu.memory_space<vmem>>, vector<16xi32>,
      tpu.vector_store %arg11[%swap3A_947, %swap3A_948], %or3A_945 {strides = array<i32>} : memref<4x64xi32, #tpu.memory_space<vmem>>, vector<16xi32>,
      %max3A_950 = arith.constant 0.000000e+00 : f32
      %max3A_951 = vector.broadcast %max3A_950 : f32 to vector<16xf32>
      %max3A_952 = arith.maximumf %scan3A_898#4, %max3A_951 : vector<16xf32>
      %max3A_953 = arith.constant 0.000000e+00 : f32
      %max3A_954 = vector.broadcast %max3A_953 : f32 to vector<16xf32>
      %max3A_955 = arith.maximumf %scan3A_898#5, %max3A_954 : vector<16xf32>
      %bitcast3A_956 = vector.bitcast %max3A_952 : vector<16xf32> to vector<16xi32>
      %add3A_957 = arith.constant 32768 : i32
      %add3A_958 = vector.broadcast %add3A_957 : i32 to vector<16xi32>
      %add3A_959 = arith.addi %bitcast3A_956, %add3A_958 : vector<16xi32>
      %shift_right_logical3A_960 = arith.constant 16 : i32
      %shift_right_logical3A_961 = vector.broadcast %shift_right_logical3A_960 : i32 to vector<16xi32>
      %shift_right_logical3A_962 = arith.shrui %add3A_959, %shift_right_logical3A_961 : vector<16xi32>
      %bitcast3A_963 = vector.bitcast %max3A_955 : vector<16xf32> to vector<16xi32>
      %add3A_964 = arith.constant 32768 : i32
      %add3A_965 = vector.broadcast %add3A_964 : i32 to vector<16xi32>
      %add3A_966 = arith.addi %bitcast3A_963, %add3A_965 : vector<16xi32>
      %and3A_967 = arith.constant -65536 : i32
      %and3A_968 = vector.broadcast %and3A_967 : i32 to vector<16xi32>
      %and3A_969 = arith.andi %add3A_966, %and3A_968 : vector<16xi32>
      %or3A_970 = arith.ori %shift_right_logical3A_962, %and3A_969 : vector<16xi32>
      %swap3A_971 = arith.constant 2 : i32
      %swap3A_972 = arith.index_cast %swap3A_971 : i32 to index
      %swap3A_973 = arith.constant 32 : index
      %swap3A_974 = tpu.vector_load %arg11[%swap3A_972, %swap3A_973] {strides = array<i32>} : memref<4x64xi32, #tpu.memory_space<vmem>>, vector<16xi32>,
      tpu.vector_store %arg11[%swap3A_972, %swap3A_973], %or3A_970 {strides = array<i32>} : memref<4x64xi32, #tpu.memory_space<vmem>>, vector<16xi32>,
      %max3A_975 = arith.constant 0.000000e+00 : f32
      %max3A_976 = vector.broadcast %max3A_975 : f32 to vector<16xf32>
      %max3A_977 = arith.maximumf %scan3A_898#6, %max3A_976 : vector<16xf32>
      %max3A_978 = arith.constant 0.000000e+00 : f32
      %max3A_979 = vector.broadcast %max3A_978 : f32 to vector<16xf32>
      %max3A_980 = arith.maximumf %scan3A_898#7, %max3A_979 : vector<16xf32>
      %bitcast3A_981 = vector.bitcast %max3A_977 : vector<16xf32> to vector<16xi32>
      %add3A_982 = arith.constant 32768 : i32
      %add3A_983 = vector.broadcast %add3A_982 : i32 to vector<16xi32>
      %add3A_984 = arith.addi %bitcast3A_981, %add3A_983 : vector<16xi32>
      %shift_right_logical3A_985 = arith.constant 16 : i32
      %shift_right_logical3A_986 = vector.broadcast %shift_right_logical3A_985 : i32 to vector<16xi32>
      %shift_right_logical3A_987 = arith.shrui %add3A_984, %shift_right_logical3A_986 : vector<16xi32>
      %bitcast3A_988 = vector.bitcast %max3A_980 : vector<16xf32> to vector<16xi32>
      %add3A_989 = arith.constant 32768 : i32
      %add3A_990 = vector.broadcast %add3A_989 : i32 to vector<16xi32>
      %add3A_991 = arith.addi %bitcast3A_988, %add3A_990 : vector<16xi32>
      %and3A_992 = arith.constant -65536 : i32
      %and3A_993 = vector.broadcast %and3A_992 : i32 to vector<16xi32>
      %and3A_994 = arith.andi %add3A_991, %and3A_993 : vector<16xi32>
      %or3A_995 = arith.ori %shift_right_logical3A_987, %and3A_994 : vector<16xi32>
      %swap3A_996 = arith.constant 2 : i32
      %swap3A_997 = arith.index_cast %swap3A_996 : i32 to index
      %swap3A_998 = arith.constant 48 : index
      %swap3A_999 = tpu.vector_load %arg11[%swap3A_997, %swap3A_998] {strides = array<i32>} : memref<4x64xi32, #tpu.memory_space<vmem>>, vector<16xi32>,
      tpu.vector_store %arg11[%swap3A_997, %swap3A_998], %or3A_995 {strides = array<i32>} : memref<4x64xi32, #tpu.memory_space<vmem>>, vector<16xi32>,
      %broadcast_in_dim3A_1000 = arith.constant 0xFF800000 : f32
      %broadcast_in_dim3A_1001 = vector.broadcast %broadcast_in_dim3A_1000 : f32 to vector<16xf32>
      %broadcast_in_dim3A_1002 = arith.constant 0xFF800000 : f32
      %broadcast_in_dim3A_1003 = vector.broadcast %broadcast_in_dim3A_1002 : f32 to vector<16xf32>
      %broadcast_in_dim3A_1004 = arith.constant 0xFF800000 : f32
      %broadcast_in_dim3A_1005 = vector.broadcast %broadcast_in_dim3A_1004 : f32 to vector<16xf32>
      %broadcast_in_dim3A_1006 = arith.constant 0xFF800000 : f32
      %broadcast_in_dim3A_1007 = vector.broadcast %broadcast_in_dim3A_1006 : f32 to vector<16xf32>
      %broadcast_in_dim3A_1008 = arith.constant 0xFF800000 : f32
      %broadcast_in_dim3A_1009 = vector.broadcast %broadcast_in_dim3A_1008 : f32 to vector<16xf32>
      %broadcast_in_dim3A_1010 = arith.constant 0xFF800000 : f32
      %broadcast_in_dim3A_1011 = vector.broadcast %broadcast_in_dim3A_1010 : f32 to vector<16xf32>
      %broadcast_in_dim3A_1012 = arith.constant 0xFF800000 : f32
      %broadcast_in_dim3A_1013 = vector.broadcast %broadcast_in_dim3A_1012 : f32 to vector<16xf32>
      %broadcast_in_dim3A_1014 = arith.constant 0xFF800000 : f32
      %broadcast_in_dim3A_1015 = vector.broadcast %broadcast_in_dim3A_1014 : f32 to vector<16xf32>
      %scan3A_1016 = arith.constant -65536 : i32
      %scan3A_1017 = arith.constant 0 : i32
      %scan3A_1018 = arith.constant 32 : i32
      %scan3A_1019 = arith.addi %scan3A_1017, %scan3A_1018 : i32
      %scan3A_1020 = arith.constant 1 : i32
      %scan3A_1021:8 = scf.for %scan3A_1132 = %scan3A_1017 to %scan3A_1019 step %scan3A_1020 iter_args(%scan3A_1133 = %broadcast_in_dim3A_1001, %scan3A_1134 = %broadcast_in_dim3A_1003, %scan3A_1135 = %broadcast_in_dim3A_1005, %scan3A_1136 = %broadcast_in_dim3A_1007, %scan3A_1137 = %broadcast_in_dim3A_1009, %scan3A_1138 = %broadcast_in_dim3A_1011, %scan3A_1139 = %broadcast_in_dim3A_1013, %scan3A_1140 = %broadcast_in_dim3A_1015) -> (vector<16xf32>, vector<16xf32>, vector<16xf32>, vector<16xf32>, vector<16xf32>, vector<16xf32>, vector<16xf32>, vector<16xf32>)  : i32 {
        %add3A_1141 = arith.constant 96 : i32
        %add3A_1142 = arith.addi %add3A_1141, %scan3A_1132 : i32
        %get3A = arith.constant 1 : i32
        %get3A_1143 = arith.index_cast %get3A : i32 to index
        %get3A_1144 = arith.index_cast %add3A_1142 : i32 to index
        %get3A_1145 = arith.constant 0 : index
        %get3A_1146 = tpu.vector_load %arg9[%get3A_1143, %get3A_1144, %get3A_1145] {strides = array<i32>} : memref<2x128x64xi32, #tpu.memory_space<vmem>>, vector<16xi32>,
        %shift_left3A = arith.constant 16 : i32
        %shift_left3A_1147 = vector.broadcast %shift_left3A : i32 to vector<16xi32>
        %shift_left3A_1148 = arith.shli %get3A_1146, %shift_left3A_1147 : vector<16xi32>
        %bitcast3A_1149 = vector.bitcast %shift_left3A_1148 : vector<16xi32> to vector<16xf32>
        %and3A_1150 = vector.broadcast %scan3A_1016 : i32 to vector<16xi32>
        %and3A_1151 = arith.andi %get3A_1146, %and3A_1150 : vector<16xi32>
        %bitcast3A_1152 = vector.bitcast %and3A_1151 : vector<16xi32> to vector<16xf32>
        %get3A_1153 = arith.constant 1 : i32
        %get3A_1154 = arith.index_cast %get3A_1153 : i32 to index
        %get3A_1155 = arith.index_cast %add3A_1142 : i32 to index
        %get3A_1156 = arith.constant 0 : index
        %get3A_1157 = tpu.vector_load %arg10[%get3A_1154, %get3A_1155, %get3A_1156] {strides = array<i32>} : memref<2x128x64xi32, #tpu.memory_space<vmem>>, vector<16xi32>,
        %shift_left3A_1158 = arith.constant 16 : i32
        %shift_left3A_1159 = vector.broadcast %shift_left3A_1158 : i32 to vector<16xi32>
        %shift_left3A_1160 = arith.shli %get3A_1157, %shift_left3A_1159 : vector<16xi32>
        %bitcast3A_1161 = vector.bitcast %shift_left3A_1160 : vector<16xi32> to vector<16xf32>
        %and3A_1162 = vector.broadcast %scan3A_1016 : i32 to vector<16xi32>
        %and3A_1163 = arith.andi %get3A_1157, %and3A_1162 : vector<16xi32>
        %bitcast3A_1164 = vector.bitcast %and3A_1163 : vector<16xi32> to vector<16xf32>
        %add3A_1165 = arith.addf %bitcast3A_1149, %bitcast3A_1161 : vector<16xf32>
        %max3A_1166 = arith.maximumf %scan3A_1133, %add3A_1165 : vector<16xf32>
        %add3A_1167 = arith.addf %bitcast3A_1152, %bitcast3A_1164 : vector<16xf32>
        %max3A_1168 = arith.maximumf %scan3A_1134, %add3A_1167 : vector<16xf32>
        %get3A_1169 = arith.constant 1 : i32
        %get3A_1170 = arith.index_cast %get3A_1169 : i32 to index
        %get3A_1171 = arith.index_cast %add3A_1142 : i32 to index
        %get3A_1172 = arith.constant 16 : index
        %get3A_1173 = tpu.vector_load %arg9[%get3A_1170, %get3A_1171, %get3A_1172] {strides = array<i32>} : memref<2x128x64xi32, #tpu.memory_space<vmem>>, vector<16xi32>,
        %shift_left3A_1174 = arith.constant 16 : i32
        %shift_left3A_1175 = vector.broadcast %shift_left3A_1174 : i32 to vector<16xi32>
        %shift_left3A_1176 = arith.shli %get3A_1173, %shift_left3A_1175 : vector<16xi32>
        %bitcast3A_1177 = vector.bitcast %shift_left3A_1176 : vector<16xi32> to vector<16xf32>
        %and3A_1178 = vector.broadcast %scan3A_1016 : i32 to vector<16xi32>
        %and3A_1179 = arith.andi %get3A_1173, %and3A_1178 : vector<16xi32>
        %bitcast3A_1180 = vector.bitcast %and3A_1179 : vector<16xi32> to vector<16xf32>
        %get3A_1181 = arith.constant 1 : i32
        %get3A_1182 = arith.index_cast %get3A_1181 : i32 to index
        %get3A_1183 = arith.index_cast %add3A_1142 : i32 to index
        %get3A_1184 = arith.constant 16 : index
        %get3A_1185 = tpu.vector_load %arg10[%get3A_1182, %get3A_1183, %get3A_1184] {strides = array<i32>} : memref<2x128x64xi32, #tpu.memory_space<vmem>>, vector<16xi32>,
        %shift_left3A_1186 = arith.constant 16 : i32
        %shift_left3A_1187 = vector.broadcast %shift_left3A_1186 : i32 to vector<16xi32>
        %shift_left3A_1188 = arith.shli %get3A_1185, %shift_left3A_1187 : vector<16xi32>
        %bitcast3A_1189 = vector.bitcast %shift_left3A_1188 : vector<16xi32> to vector<16xf32>
        %and3A_1190 = vector.broadcast %scan3A_1016 : i32 to vector<16xi32>
        %and3A_1191 = arith.andi %get3A_1185, %and3A_1190 : vector<16xi32>
        %bitcast3A_1192 = vector.bitcast %and3A_1191 : vector<16xi32> to vector<16xf32>
        %add3A_1193 = arith.addf %bitcast3A_1177, %bitcast3A_1189 : vector<16xf32>
        %max3A_1194 = arith.maximumf %scan3A_1135, %add3A_1193 : vector<16xf32>
        %add3A_1195 = arith.addf %bitcast3A_1180, %bitcast3A_1192 : vector<16xf32>
        %max3A_1196 = arith.maximumf %scan3A_1136, %add3A_1195 : vector<16xf32>
        %get3A_1197 = arith.constant 1 : i32
        %get3A_1198 = arith.index_cast %get3A_1197 : i32 to index
        %get3A_1199 = arith.index_cast %add3A_1142 : i32 to index
        %get3A_1200 = arith.constant 32 : index
        %get3A_1201 = tpu.vector_load %arg9[%get3A_1198, %get3A_1199, %get3A_1200] {strides = array<i32>} : memref<2x128x64xi32, #tpu.memory_space<vmem>>, vector<16xi32>,
        %shift_left3A_1202 = arith.constant 16 : i32
        %shift_left3A_1203 = vector.broadcast %shift_left3A_1202 : i32 to vector<16xi32>
        %shift_left3A_1204 = arith.shli %get3A_1201, %shift_left3A_1203 : vector<16xi32>
        %bitcast3A_1205 = vector.bitcast %shift_left3A_1204 : vector<16xi32> to vector<16xf32>
        %and3A_1206 = vector.broadcast %scan3A_1016 : i32 to vector<16xi32>
        %and3A_1207 = arith.andi %get3A_1201, %and3A_1206 : vector<16xi32>
        %bitcast3A_1208 = vector.bitcast %and3A_1207 : vector<16xi32> to vector<16xf32>
        %get3A_1209 = arith.constant 1 : i32
        %get3A_1210 = arith.index_cast %get3A_1209 : i32 to index
        %get3A_1211 = arith.index_cast %add3A_1142 : i32 to index
        %get3A_1212 = arith.constant 32 : index
        %get3A_1213 = tpu.vector_load %arg10[%get3A_1210, %get3A_1211, %get3A_1212] {strides = array<i32>} : memref<2x128x64xi32, #tpu.memory_space<vmem>>, vector<16xi32>,
        %shift_left3A_1214 = arith.constant 16 : i32
        %shift_left3A_1215 = vector.broadcast %shift_left3A_1214 : i32 to vector<16xi32>
        %shift_left3A_1216 = arith.shli %get3A_1213, %shift_left3A_1215 : vector<16xi32>
        %bitcast3A_1217 = vector.bitcast %shift_left3A_1216 : vector<16xi32> to vector<16xf32>
        %and3A_1218 = vector.broadcast %scan3A_1016 : i32 to vector<16xi32>
        %and3A_1219 = arith.andi %get3A_1213, %and3A_1218 : vector<16xi32>
        %bitcast3A_1220 = vector.bitcast %and3A_1219 : vector<16xi32> to vector<16xf32>
        %add3A_1221 = arith.addf %bitcast3A_1205, %bitcast3A_1217 : vector<16xf32>
        %max3A_1222 = arith.maximumf %scan3A_1137, %add3A_1221 : vector<16xf32>
        %add3A_1223 = arith.addf %bitcast3A_1208, %bitcast3A_1220 : vector<16xf32>
        %max3A_1224 = arith.maximumf %scan3A_1138, %add3A_1223 : vector<16xf32>
        %get3A_1225 = arith.constant 1 : i32
        %get3A_1226 = arith.index_cast %get3A_1225 : i32 to index
        %get3A_1227 = arith.index_cast %add3A_1142 : i32 to index
        %get3A_1228 = arith.constant 48 : index
        %get3A_1229 = tpu.vector_load %arg9[%get3A_1226, %get3A_1227, %get3A_1228] {strides = array<i32>} : memref<2x128x64xi32, #tpu.memory_space<vmem>>, vector<16xi32>,
        %shift_left3A_1230 = arith.constant 16 : i32
        %shift_left3A_1231 = vector.broadcast %shift_left3A_1230 : i32 to vector<16xi32>
        %shift_left3A_1232 = arith.shli %get3A_1229, %shift_left3A_1231 : vector<16xi32>
        %bitcast3A_1233 = vector.bitcast %shift_left3A_1232 : vector<16xi32> to vector<16xf32>
        %and3A_1234 = vector.broadcast %scan3A_1016 : i32 to vector<16xi32>
        %and3A_1235 = arith.andi %get3A_1229, %and3A_1234 : vector<16xi32>
        %bitcast3A_1236 = vector.bitcast %and3A_1235 : vector<16xi32> to vector<16xf32>
        %get3A_1237 = arith.constant 1 : i32
        %get3A_1238 = arith.index_cast %get3A_1237 : i32 to index
        %get3A_1239 = arith.index_cast %add3A_1142 : i32 to index
        %get3A_1240 = arith.constant 48 : index
        %get3A_1241 = tpu.vector_load %arg10[%get3A_1238, %get3A_1239, %get3A_1240] {strides = array<i32>} : memref<2x128x64xi32, #tpu.memory_space<vmem>>, vector<16xi32>,
        %shift_left3A_1242 = arith.constant 16 : i32
        %shift_left3A_1243 = vector.broadcast %shift_left3A_1242 : i32 to vector<16xi32>
        %shift_left3A_1244 = arith.shli %get3A_1241, %shift_left3A_1243 : vector<16xi32>
        %bitcast3A_1245 = vector.bitcast %shift_left3A_1244 : vector<16xi32> to vector<16xf32>
        %and3A_1246 = vector.broadcast %scan3A_1016 : i32 to vector<16xi32>
        %and3A_1247 = arith.andi %get3A_1241, %and3A_1246 : vector<16xi32>
        %bitcast3A_1248 = vector.bitcast %and3A_1247 : vector<16xi32> to vector<16xf32>
        %add3A_1249 = arith.addf %bitcast3A_1233, %bitcast3A_1245 : vector<16xf32>
        %max3A_1250 = arith.maximumf %scan3A_1139, %add3A_1249 : vector<16xf32>
        %add3A_1251 = arith.addf %bitcast3A_1236, %bitcast3A_1248 : vector<16xf32>
        %max3A_1252 = arith.maximumf %scan3A_1140, %add3A_1251 : vector<16xf32>
        scf.yield %max3A_1166, %max3A_1168, %max3A_1194, %max3A_1196, %max3A_1222, %max3A_1224, %max3A_1250, %max3A_1252 : vector<16xf32>, vector<16xf32>, vector<16xf32>, vector<16xf32>, vector<16xf32>, vector<16xf32>, vector<16xf32>, vector<16xf32>
      }
      %scan3A_1022 = arith.constant 32 : i32
      %max3A_1023 = arith.constant 0.000000e+00 : f32
      %max3A_1024 = vector.broadcast %max3A_1023 : f32 to vector<16xf32>
      %max3A_1025 = arith.maximumf %scan3A_1021#0, %max3A_1024 : vector<16xf32>
      %max3A_1026 = arith.constant 0.000000e+00 : f32
      %max3A_1027 = vector.broadcast %max3A_1026 : f32 to vector<16xf32>
      %max3A_1028 = arith.maximumf %scan3A_1021#1, %max3A_1027 : vector<16xf32>
      %bitcast3A_1029 = vector.bitcast %max3A_1025 : vector<16xf32> to vector<16xi32>
      %add3A_1030 = arith.constant 32768 : i32
      %add3A_1031 = vector.broadcast %add3A_1030 : i32 to vector<16xi32>
      %add3A_1032 = arith.addi %bitcast3A_1029, %add3A_1031 : vector<16xi32>
      %shift_right_logical3A_1033 = arith.constant 16 : i32
      %shift_right_logical3A_1034 = vector.broadcast %shift_right_logical3A_1033 : i32 to vector<16xi32>
      %shift_right_logical3A_1035 = arith.shrui %add3A_1032, %shift_right_logical3A_1034 : vector<16xi32>
      %bitcast3A_1036 = vector.bitcast %max3A_1028 : vector<16xf32> to vector<16xi32>
      %add3A_1037 = arith.constant 32768 : i32
      %add3A_1038 = vector.broadcast %add3A_1037 : i32 to vector<16xi32>
      %add3A_1039 = arith.addi %bitcast3A_1036, %add3A_1038 : vector<16xi32>
      %and3A_1040 = arith.constant -65536 : i32
      %and3A_1041 = vector.broadcast %and3A_1040 : i32 to vector<16xi32>
      %and3A_1042 = arith.andi %add3A_1039, %and3A_1041 : vector<16xi32>
      %or3A_1043 = arith.ori %shift_right_logical3A_1035, %and3A_1042 : vector<16xi32>
      %swap3A_1044 = arith.constant 3 : i32
      %swap3A_1045 = arith.index_cast %swap3A_1044 : i32 to index
      %swap3A_1046 = arith.constant 0 : index
      %swap3A_1047 = tpu.vector_load %arg11[%swap3A_1045, %swap3A_1046] {strides = array<i32>} : memref<4x64xi32, #tpu.memory_space<vmem>>, vector<16xi32>,
      tpu.vector_store %arg11[%swap3A_1045, %swap3A_1046], %or3A_1043 {strides = array<i32>} : memref<4x64xi32, #tpu.memory_space<vmem>>, vector<16xi32>,
      %max3A_1048 = arith.constant 0.000000e+00 : f32
      %max3A_1049 = vector.broadcast %max3A_1048 : f32 to vector<16xf32>
      %max3A_1050 = arith.maximumf %scan3A_1021#2, %max3A_1049 : vector<16xf32>
      %max3A_1051 = arith.constant 0.000000e+00 : f32
      %max3A_1052 = vector.broadcast %max3A_1051 : f32 to vector<16xf32>
      %max3A_1053 = arith.maximumf %scan3A_1021#3, %max3A_1052 : vector<16xf32>
      %bitcast3A_1054 = vector.bitcast %max3A_1050 : vector<16xf32> to vector<16xi32>
      %add3A_1055 = arith.constant 32768 : i32
      %add3A_1056 = vector.broadcast %add3A_1055 : i32 to vector<16xi32>
      %add3A_1057 = arith.addi %bitcast3A_1054, %add3A_1056 : vector<16xi32>
      %shift_right_logical3A_1058 = arith.constant 16 : i32
      %shift_right_logical3A_1059 = vector.broadcast %shift_right_logical3A_1058 : i32 to vector<16xi32>
      %shift_right_logical3A_1060 = arith.shrui %add3A_1057, %shift_right_logical3A_1059 : vector<16xi32>
      %bitcast3A_1061 = vector.bitcast %max3A_1053 : vector<16xf32> to vector<16xi32>
      %add3A_1062 = arith.constant 32768 : i32
      %add3A_1063 = vector.broadcast %add3A_1062 : i32 to vector<16xi32>
      %add3A_1064 = arith.addi %bitcast3A_1061, %add3A_1063 : vector<16xi32>
      %and3A_1065 = arith.constant -65536 : i32
      %and3A_1066 = vector.broadcast %and3A_1065 : i32 to vector<16xi32>
      %and3A_1067 = arith.andi %add3A_1064, %and3A_1066 : vector<16xi32>
      %or3A_1068 = arith.ori %shift_right_logical3A_1060, %and3A_1067 : vector<16xi32>
      %swap3A_1069 = arith.constant 3 : i32
      %swap3A_1070 = arith.index_cast %swap3A_1069 : i32 to index
      %swap3A_1071 = arith.constant 16 : index
      %swap3A_1072 = tpu.vector_load %arg11[%swap3A_1070, %swap3A_1071] {strides = array<i32>} : memref<4x64xi32, #tpu.memory_space<vmem>>, vector<16xi32>,
      tpu.vector_store %arg11[%swap3A_1070, %swap3A_1071], %or3A_1068 {strides = array<i32>} : memref<4x64xi32, #tpu.memory_space<vmem>>, vector<16xi32>,
      %max3A_1073 = arith.constant 0.000000e+00 : f32
      %max3A_1074 = vector.broadcast %max3A_1073 : f32 to vector<16xf32>
      %max3A_1075 = arith.maximumf %scan3A_1021#4, %max3A_1074 : vector<16xf32>
      %max3A_1076 = arith.constant 0.000000e+00 : f32
      %max3A_1077 = vector.broadcast %max3A_1076 : f32 to vector<16xf32>
      %max3A_1078 = arith.maximumf %scan3A_1021#5, %max3A_1077 : vector<16xf32>
      %bitcast3A_1079 = vector.bitcast %max3A_1075 : vector<16xf32> to vector<16xi32>
      %add3A_1080 = arith.constant 32768 : i32
      %add3A_1081 = vector.broadcast %add3A_1080 : i32 to vector<16xi32>
      %add3A_1082 = arith.addi %bitcast3A_1079, %add3A_1081 : vector<16xi32>
      %shift_right_logical3A_1083 = arith.constant 16 : i32
      %shift_right_logical3A_1084 = vector.broadcast %shift_right_logical3A_1083 : i32 to vector<16xi32>
      %shift_right_logical3A_1085 = arith.shrui %add3A_1082, %shift_right_logical3A_1084 : vector<16xi32>
      %bitcast3A_1086 = vector.bitcast %max3A_1078 : vector<16xf32> to vector<16xi32>
      %add3A_1087 = arith.constant 32768 : i32
      %add3A_1088 = vector.broadcast %add3A_1087 : i32 to vector<16xi32>
      %add3A_1089 = arith.addi %bitcast3A_1086, %add3A_1088 : vector<16xi32>
      %and3A_1090 = arith.constant -65536 : i32
      %and3A_1091 = vector.broadcast %and3A_1090 : i32 to vector<16xi32>
      %and3A_1092 = arith.andi %add3A_1089, %and3A_1091 : vector<16xi32>
      %or3A_1093 = arith.ori %shift_right_logical3A_1085, %and3A_1092 : vector<16xi32>
      %swap3A_1094 = arith.constant 3 : i32
      %swap3A_1095 = arith.index_cast %swap3A_1094 : i32 to index
      %swap3A_1096 = arith.constant 32 : index
      %swap3A_1097 = tpu.vector_load %arg11[%swap3A_1095, %swap3A_1096] {strides = array<i32>} : memref<4x64xi32, #tpu.memory_space<vmem>>, vector<16xi32>,
      tpu.vector_store %arg11[%swap3A_1095, %swap3A_1096], %or3A_1093 {strides = array<i32>} : memref<4x64xi32, #tpu.memory_space<vmem>>, vector<16xi32>,
      %max3A_1098 = arith.constant 0.000000e+00 : f32
      %max3A_1099 = vector.broadcast %max3A_1098 : f32 to vector<16xf32>
      %max3A_1100 = arith.maximumf %scan3A_1021#6, %max3A_1099 : vector<16xf32>
      %max3A_1101 = arith.constant 0.000000e+00 : f32
      %max3A_1102 = vector.broadcast %max3A_1101 : f32 to vector<16xf32>
      %max3A_1103 = arith.maximumf %scan3A_1021#7, %max3A_1102 : vector<16xf32>
      %bitcast3A_1104 = vector.bitcast %max3A_1100 : vector<16xf32> to vector<16xi32>
      %add3A_1105 = arith.constant 32768 : i32
      %add3A_1106 = vector.broadcast %add3A_1105 : i32 to vector<16xi32>
      %add3A_1107 = arith.addi %bitcast3A_1104, %add3A_1106 : vector<16xi32>
      %shift_right_logical3A_1108 = arith.constant 16 : i32
      %shift_right_logical3A_1109 = vector.broadcast %shift_right_logical3A_1108 : i32 to vector<16xi32>
      %shift_right_logical3A_1110 = arith.shrui %add3A_1107, %shift_right_logical3A_1109 : vector<16xi32>
      %bitcast3A_1111 = vector.bitcast %max3A_1103 : vector<16xf32> to vector<16xi32>
      %add3A_1112 = arith.constant 32768 : i32
      %add3A_1113 = vector.broadcast %add3A_1112 : i32 to vector<16xi32>
      %add3A_1114 = arith.addi %bitcast3A_1111, %add3A_1113 : vector<16xi32>
      %and3A_1115 = arith.constant -65536 : i32
      %and3A_1116 = vector.broadcast %and3A_1115 : i32 to vector<16xi32>
      %and3A_1117 = arith.andi %add3A_1114, %and3A_1116 : vector<16xi32>
      %or3A_1118 = arith.ori %shift_right_logical3A_1110, %and3A_1117 : vector<16xi32>
      %swap3A_1119 = arith.constant 3 : i32
      %swap3A_1120 = arith.index_cast %swap3A_1119 : i32 to index
      %swap3A_1121 = arith.constant 48 : index
      %swap3A_1122 = tpu.vector_load %arg11[%swap3A_1120, %swap3A_1121] {strides = array<i32>} : memref<4x64xi32, #tpu.memory_space<vmem>>, vector<16xi32>,
      tpu.vector_store %arg11[%swap3A_1120, %swap3A_1121], %or3A_1118 {strides = array<i32>} : memref<4x64xi32, #tpu.memory_space<vmem>>, vector<16xi32>,
      %mul3A_1123 = arith.constant 4 : i32
      %mul3A_1124 = arith.muli %add3A_606, %mul3A_1123 : i32
      %add3A_1125 = arith.addi %mul3A_68, %mul3A_1124 : i32
      "tpu.region"() ({
        %run_scoped3A = tpu.sem_alloc : memref<!tpu.dma_semaphore, #tpu.memory_space<semaphore_mem>>
        %dma_start3A_1132 = arith.constant 0 : i32
        %dma_start3A_1133 = tpu.memref_slice %arg6[%add3A_1125, %dma_start3A_1132] : memref<10240x64xi32, #tpu.memory_space<hbm>> -> memref<4x64xi32, #tpu.memory_space<hbm>>
        %dma_start3A_1134 = arith.constant 0 : i32
        %dma_start3A_1135 = tpu.memref_slice %arg6[%add3A_1125, %dma_start3A_1134] : memref<10240x64xi32, #tpu.memory_space<hbm>> -> memref<4x64xi32, #tpu.memory_space<hbm>>
        tpu.enqueue_dma source(%arg11 : memref<4x64xi32, #tpu.memory_space<vmem>>) target(%dma_start3A_1135 : memref<4x64xi32, #tpu.memory_space<hbm>>) target_semaphore(%run_scoped3A : memref<!tpu.dma_semaphore, #tpu.memory_space<semaphore_mem>>)
        %dma_wait3A_1136 = arith.constant 0 : i32
        %dma_wait3A_1137 = tpu.memref_slice %arg6[%add3A_1125, %dma_wait3A_1136] : memref<10240x64xi32, #tpu.memory_space<hbm>> -> memref<4x64xi32, #tpu.memory_space<hbm>>
        %dma_wait3A_1138 = arith.constant 0 : i32
        %dma_wait3A_1139 = tpu.memref_slice %arg6[%add3A_1125, %dma_wait3A_1138] : memref<10240x64xi32, #tpu.memory_space<hbm>> -> memref<4x64xi32, #tpu.memory_space<hbm>>
        tpu.wait_dma2 semaphore(%run_scoped3A : memref<!tpu.dma_semaphore, #tpu.memory_space<semaphore_mem>>) src(%arg11 : memref<4x64xi32, #tpu.memory_space<vmem>>) dst(%dma_wait3A_1139 : memref<4x64xi32, #tpu.memory_space<hbm>>)
        tpu.yield
      }) : () -> ()
      %add3A_1126 = arith.constant 2 : i32
      %add3A_1127 = arith.addi %add3A_606, %add3A_1126 : i32
      %lt3A_1128 = arith.cmpi slt, %add3A_1127, %select_n3A_12 : i32
      %convert_element_type3A_1129 = arith.extui %lt3A_1128 : i1 to i32
      %cond3A_1130 = arith.constant 0 : i32
      %cond3A_1131 = arith.cmpi ne, %convert_element_type3A_1129, %cond3A_1130 : i32
      scf.if %cond3A_1131 {
        %add3A_1132 = arith.constant 2 : i32
        %add3A_1133 = arith.addi %add3A_606, %add3A_1132 : i32
        %dma_start3A_1134 = arith.constant 1 : i32
        %dma_start3A_1135 = arith.constant 0 : i32
        %dma_start3A_1136 = arith.constant 0 : i32
        %dma_start3A_1137 = tpu.memref_slice %arg9[%dma_start3A_1134, %dma_start3A_1135, %dma_start3A_1136] : memref<2x128x64xi32, #tpu.memory_space<vmem>> -> memref<1x128x64xi32, #tpu.memory_space<vmem>>
        %dma_start3A_1138 = tpu.memref_squeeze %dma_start3A_1137 : memref<1x128x64xi32, #tpu.memory_space<vmem>> -> memref<128x64xi32, #tpu.memory_space<vmem>>
        %dma_start3A_1139 = arith.constant 0 : i32
        %dma_start3A_1140 = tpu.memref_slice %arg7[%add3A_1133, %dma_start3A_1139] : memref<132x128xi32, #tpu.memory_space<vmem>> -> memref<1x128xi32, #tpu.memory_space<vmem>>
        %dma_start3A_1141 = tpu.memref_squeeze %dma_start3A_1140 : memref<1x128xi32, #tpu.memory_space<vmem>> -> memref<128xi32, #tpu.memory_space<vmem>>
        %dma_start3A_1142 = arith.constant 0 : i32
        %dma_start3A_1143 = arith.constant 0 : i32
        %dma_start3A_1144 = tpu.memref_slice %arg12[%dma_start3A_1142, %dma_start3A_1143] : memref<10000x64xi32, #tpu.memory_space<vmem_shared>> -> memref<10000x64xi32, #tpu.memory_space<vmem_shared>>
        tpu.enqueue_indirect_dma source(%dma_start3A_1144 : memref<10000x64xi32, #tpu.memory_space<vmem_shared>>) target(%dma_start3A_1138 : memref<128x64xi32, #tpu.memory_space<vmem>>) offsets(%dma_start3A_1141 : memref<128xi32, #tpu.memory_space<vmem>>) semaphore(%arg14 : memref<!tpu.dma_semaphore, #tpu.memory_space<semaphore_mem>>)
        %dma_start3A_1145 = arith.constant 1 : i32
        %dma_start3A_1146 = arith.constant 0 : i32
        %dma_start3A_1147 = arith.constant 0 : i32
        %dma_start3A_1148 = tpu.memref_slice %arg10[%dma_start3A_1145, %dma_start3A_1146, %dma_start3A_1147] : memref<2x128x64xi32, #tpu.memory_space<vmem>> -> memref<1x128x64xi32, #tpu.memory_space<vmem>>
        %dma_start3A_1149 = tpu.memref_squeeze %dma_start3A_1148 : memref<1x128x64xi32, #tpu.memory_space<vmem>> -> memref<128x64xi32, #tpu.memory_space<vmem>>
        %dma_start3A_1150 = arith.constant 0 : i32
        %dma_start3A_1151 = tpu.memref_slice %arg8[%add3A_1133, %dma_start3A_1150] : memref<132x128xi32, #tpu.memory_space<vmem>> -> memref<1x128xi32, #tpu.memory_space<vmem>>
        %dma_start3A_1152 = tpu.memref_squeeze %dma_start3A_1151 : memref<1x128xi32, #tpu.memory_space<vmem>> -> memref<128xi32, #tpu.memory_space<vmem>>
        %dma_start3A_1153 = arith.constant 0 : i32
        %dma_start3A_1154 = arith.constant 0 : i32
        %dma_start3A_1155 = tpu.memref_slice %arg5[%dma_start3A_1153, %dma_start3A_1154] : memref<10000x64xi32, #tpu.memory_space<hbm>> -> memref<10000x64xi32, #tpu.memory_space<hbm>>
        tpu.enqueue_indirect_dma source(%dma_start3A_1155 : memref<10000x64xi32, #tpu.memory_space<hbm>>) target(%dma_start3A_1149 : memref<128x64xi32, #tpu.memory_space<vmem>>) offsets(%dma_start3A_1152 : memref<128xi32, #tpu.memory_space<vmem>>) semaphore(%arg16 : memref<!tpu.dma_semaphore, #tpu.memory_space<semaphore_mem>>)
      } else {
      }
    }
    %while3A_84 = arith.constant 1 : i32
    scf.for %while3A_85 = %while3A_82 to %while3A_78 step %while3A_84  : i32 {
      %mul3A_86 = arith.muli %while3A_85, %while3A : i32
      %add3A_87 = arith.addi %while3A_75, %mul3A_86 : i32
      %add3A_88 = arith.constant 0 : i32
      %add3A_89 = arith.addi %add3A_87, %add3A_88 : i32
      %dma_wait3A = arith.constant 0 : i32
      %dma_wait3A_90 = arith.constant 0 : i32
      %dma_wait3A_91 = arith.constant 0 : i32
      %dma_wait3A_92 = arith.constant 0 : i32
      %dma_wait3A_93 = tpu.memref_slice %arg9[%dma_wait3A_90, %dma_wait3A_91, %dma_wait3A_92] : memref<2x128x64xi32, #tpu.memory_space<vmem>> -> memref<1x128x64xi32, #tpu.memory_space<vmem>>
      %dma_wait3A_94 = tpu.memref_squeeze %dma_wait3A_93 : memref<1x128x64xi32, #tpu.memory_space<vmem>> -> memref<128x64xi32, #tpu.memory_space<vmem>>
      %dma_wait3A_95 = arith.constant 0 : i32
      %dma_wait3A_96 = tpu.memref_slice %arg7[%dma_wait3A, %dma_wait3A_95] : memref<132x128xi32, #tpu.memory_space<vmem>> -> memref<1x128xi32, #tpu.memory_space<vmem>>
      %dma_wait3A_97 = tpu.memref_squeeze %dma_wait3A_96 : memref<1x128xi32, #tpu.memory_space<vmem>> -> memref<128xi32, #tpu.memory_space<vmem>>
      %dma_wait3A_98 = arith.constant 0 : i32
      %dma_wait3A_99 = arith.constant 0 : i32
      %dma_wait3A_100 = tpu.memref_slice %arg4[%dma_wait3A_98, %dma_wait3A_99] : memref<10000x64xi32, #tpu.memory_space<hbm>> -> memref<10000x64xi32, #tpu.memory_space<hbm>>
      tpu.wait_indirect_dma semaphore(%arg13 : memref<!tpu.dma_semaphore, #tpu.memory_space<semaphore_mem>>) src(%dma_wait3A_100 : memref<10000x64xi32, #tpu.memory_space<hbm>>) dst(%dma_wait3A_94 : memref<128x64xi32, #tpu.memory_space<vmem>>)
      %dma_wait3A_101 = arith.constant 0 : i32
      %dma_wait3A_102 = arith.constant 0 : i32
      %dma_wait3A_103 = arith.constant 0 : i32
      %dma_wait3A_104 = arith.constant 0 : i32
      %dma_wait3A_105 = tpu.memref_slice %arg10[%dma_wait3A_102, %dma_wait3A_103, %dma_wait3A_104] : memref<2x128x64xi32, #tpu.memory_space<vmem>> -> memref<1x128x64xi32, #tpu.memory_space<vmem>>
      %dma_wait3A_106 = tpu.memref_squeeze %dma_wait3A_105 : memref<1x128x64xi32, #tpu.memory_space<vmem>> -> memref<128x64xi32, #tpu.memory_space<vmem>>
      %dma_wait3A_107 = arith.constant 0 : i32
      %dma_wait3A_108 = tpu.memref_slice %arg8[%dma_wait3A_101, %dma_wait3A_107] : memref<132x128xi32, #tpu.memory_space<vmem>> -> memref<1x128xi32, #tpu.memory_space<vmem>>
      %dma_wait3A_109 = tpu.memref_squeeze %dma_wait3A_108 : memref<1x128xi32, #tpu.memory_space<vmem>> -> memref<128xi32, #tpu.memory_space<vmem>>
      %dma_wait3A_110 = arith.constant 0 : i32
      %dma_wait3A_111 = arith.constant 0 : i32
      %dma_wait3A_112 = tpu.memref_slice %arg5[%dma_wait3A_110, %dma_wait3A_111] : memref<10000x64xi32, #tpu.memory_space<hbm>> -> memref<10000x64xi32, #tpu.memory_space<hbm>>
      tpu.wait_indirect_dma semaphore(%arg15 : memref<!tpu.dma_semaphore, #tpu.memory_space<semaphore_mem>>) src(%dma_wait3A_112 : memref<10000x64xi32, #tpu.memory_space<hbm>>) dst(%dma_wait3A_106 : memref<128x64xi32, #tpu.memory_space<vmem>>)
      %broadcast_in_dim3A = arith.constant 0xFF800000 : f32
      %broadcast_in_dim3A_113 = vector.broadcast %broadcast_in_dim3A : f32 to vector<16xf32>
      %broadcast_in_dim3A_114 = arith.constant 0xFF800000 : f32
      %broadcast_in_dim3A_115 = vector.broadcast %broadcast_in_dim3A_114 : f32 to vector<16xf32>
      %broadcast_in_dim3A_116 = arith.constant 0xFF800000 : f32
      %broadcast_in_dim3A_117 = vector.broadcast %broadcast_in_dim3A_116 : f32 to vector<16xf32>
      %broadcast_in_dim3A_118 = arith.constant 0xFF800000 : f32
      %broadcast_in_dim3A_119 = vector.broadcast %broadcast_in_dim3A_118 : f32 to vector<16xf32>
      %broadcast_in_dim3A_120 = arith.constant 0xFF800000 : f32
      %broadcast_in_dim3A_121 = vector.broadcast %broadcast_in_dim3A_120 : f32 to vector<16xf32>
      %broadcast_in_dim3A_122 = arith.constant 0xFF800000 : f32
      %broadcast_in_dim3A_123 = vector.broadcast %broadcast_in_dim3A_122 : f32 to vector<16xf32>
      %broadcast_in_dim3A_124 = arith.constant 0xFF800000 : f32
      %broadcast_in_dim3A_125 = vector.broadcast %broadcast_in_dim3A_124 : f32 to vector<16xf32>
      %broadcast_in_dim3A_126 = arith.constant 0xFF800000 : f32
      %broadcast_in_dim3A_127 = vector.broadcast %broadcast_in_dim3A_126 : f32 to vector<16xf32>
      %scan3A = arith.constant -65536 : i32
      %scan3A_128 = arith.constant 0 : i32
      %scan3A_129 = arith.constant 32 : i32
      %scan3A_130 = arith.addi %scan3A_128, %scan3A_129 : i32
      %scan3A_131 = arith.constant 1 : i32
      %scan3A_132:8 = scf.for %scan3A_1132 = %scan3A_128 to %scan3A_130 step %scan3A_131 iter_args(%scan3A_1133 = %broadcast_in_dim3A_113, %scan3A_1134 = %broadcast_in_dim3A_115, %scan3A_1135 = %broadcast_in_dim3A_117, %scan3A_1136 = %broadcast_in_dim3A_119, %scan3A_1137 = %broadcast_in_dim3A_121, %scan3A_1138 = %broadcast_in_dim3A_123, %scan3A_1139 = %broadcast_in_dim3A_125, %scan3A_1140 = %broadcast_in_dim3A_127) -> (vector<16xf32>, vector<16xf32>, vector<16xf32>, vector<16xf32>, vector<16xf32>, vector<16xf32>, vector<16xf32>, vector<16xf32>)  : i32 {
        %add3A_1141 = arith.constant 0 : i32
        %add3A_1142 = arith.addi %add3A_1141, %scan3A_1132 : i32
        %get3A = arith.constant 0 : i32
        %get3A_1143 = arith.index_cast %get3A : i32 to index
        %get3A_1144 = arith.index_cast %add3A_1142 : i32 to index
        %get3A_1145 = arith.constant 0 : index
        %get3A_1146 = tpu.vector_load %arg9[%get3A_1143, %get3A_1144, %get3A_1145] {strides = array<i32>} : memref<2x128x64xi32, #tpu.memory_space<vmem>>, vector<16xi32>,
        %shift_left3A = arith.constant 16 : i32
        %shift_left3A_1147 = vector.broadcast %shift_left3A : i32 to vector<16xi32>
        %shift_left3A_1148 = arith.shli %get3A_1146, %shift_left3A_1147 : vector<16xi32>
        %bitcast3A_1149 = vector.bitcast %shift_left3A_1148 : vector<16xi32> to vector<16xf32>
        %and3A_1150 = vector.broadcast %scan3A : i32 to vector<16xi32>
        %and3A_1151 = arith.andi %get3A_1146, %and3A_1150 : vector<16xi32>
        %bitcast3A_1152 = vector.bitcast %and3A_1151 : vector<16xi32> to vector<16xf32>
        %get3A_1153 = arith.constant 0 : i32
        %get3A_1154 = arith.index_cast %get3A_1153 : i32 to index
        %get3A_1155 = arith.index_cast %add3A_1142 : i32 to index
        %get3A_1156 = arith.constant 0 : index
        %get3A_1157 = tpu.vector_load %arg10[%get3A_1154, %get3A_1155, %get3A_1156] {strides = array<i32>} : memref<2x128x64xi32, #tpu.memory_space<vmem>>, vector<16xi32>,
        %shift_left3A_1158 = arith.constant 16 : i32
        %shift_left3A_1159 = vector.broadcast %shift_left3A_1158 : i32 to vector<16xi32>
        %shift_left3A_1160 = arith.shli %get3A_1157, %shift_left3A_1159 : vector<16xi32>
        %bitcast3A_1161 = vector.bitcast %shift_left3A_1160 : vector<16xi32> to vector<16xf32>
        %and3A_1162 = vector.broadcast %scan3A : i32 to vector<16xi32>
        %and3A_1163 = arith.andi %get3A_1157, %and3A_1162 : vector<16xi32>
        %bitcast3A_1164 = vector.bitcast %and3A_1163 : vector<16xi32> to vector<16xf32>
        %add3A_1165 = arith.addf %bitcast3A_1149, %bitcast3A_1161 : vector<16xf32>
        %max3A_1166 = arith.maximumf %scan3A_1133, %add3A_1165 : vector<16xf32>
        %add3A_1167 = arith.addf %bitcast3A_1152, %bitcast3A_1164 : vector<16xf32>
        %max3A_1168 = arith.maximumf %scan3A_1134, %add3A_1167 : vector<16xf32>
        %get3A_1169 = arith.constant 0 : i32
        %get3A_1170 = arith.index_cast %get3A_1169 : i32 to index
        %get3A_1171 = arith.index_cast %add3A_1142 : i32 to index
        %get3A_1172 = arith.constant 16 : index
        %get3A_1173 = tpu.vector_load %arg9[%get3A_1170, %get3A_1171, %get3A_1172] {strides = array<i32>} : memref<2x128x64xi32, #tpu.memory_space<vmem>>, vector<16xi32>,
        %shift_left3A_1174 = arith.constant 16 : i32
        %shift_left3A_1175 = vector.broadcast %shift_left3A_1174 : i32 to vector<16xi32>
        %shift_left3A_1176 = arith.shli %get3A_1173, %shift_left3A_1175 : vector<16xi32>
        %bitcast3A_1177 = vector.bitcast %shift_left3A_1176 : vector<16xi32> to vector<16xf32>
        %and3A_1178 = vector.broadcast %scan3A : i32 to vector<16xi32>
        %and3A_1179 = arith.andi %get3A_1173, %and3A_1178 : vector<16xi32>
        %bitcast3A_1180 = vector.bitcast %and3A_1179 : vector<16xi32> to vector<16xf32>
        %get3A_1181 = arith.constant 0 : i32
        %get3A_1182 = arith.index_cast %get3A_1181 : i32 to index
        %get3A_1183 = arith.index_cast %add3A_1142 : i32 to index
        %get3A_1184 = arith.constant 16 : index
        %get3A_1185 = tpu.vector_load %arg10[%get3A_1182, %get3A_1183, %get3A_1184] {strides = array<i32>} : memref<2x128x64xi32, #tpu.memory_space<vmem>>, vector<16xi32>,
        %shift_left3A_1186 = arith.constant 16 : i32
        %shift_left3A_1187 = vector.broadcast %shift_left3A_1186 : i32 to vector<16xi32>
        %shift_left3A_1188 = arith.shli %get3A_1185, %shift_left3A_1187 : vector<16xi32>
        %bitcast3A_1189 = vector.bitcast %shift_left3A_1188 : vector<16xi32> to vector<16xf32>
        %and3A_1190 = vector.broadcast %scan3A : i32 to vector<16xi32>
        %and3A_1191 = arith.andi %get3A_1185, %and3A_1190 : vector<16xi32>
        %bitcast3A_1192 = vector.bitcast %and3A_1191 : vector<16xi32> to vector<16xf32>
        %add3A_1193 = arith.addf %bitcast3A_1177, %bitcast3A_1189 : vector<16xf32>
        %max3A_1194 = arith.maximumf %scan3A_1135, %add3A_1193 : vector<16xf32>
        %add3A_1195 = arith.addf %bitcast3A_1180, %bitcast3A_1192 : vector<16xf32>
        %max3A_1196 = arith.maximumf %scan3A_1136, %add3A_1195 : vector<16xf32>
        %get3A_1197 = arith.constant 0 : i32
        %get3A_1198 = arith.index_cast %get3A_1197 : i32 to index
        %get3A_1199 = arith.index_cast %add3A_1142 : i32 to index
        %get3A_1200 = arith.constant 32 : index
        %get3A_1201 = tpu.vector_load %arg9[%get3A_1198, %get3A_1199, %get3A_1200] {strides = array<i32>} : memref<2x128x64xi32, #tpu.memory_space<vmem>>, vector<16xi32>,
        %shift_left3A_1202 = arith.constant 16 : i32
        %shift_left3A_1203 = vector.broadcast %shift_left3A_1202 : i32 to vector<16xi32>
        %shift_left3A_1204 = arith.shli %get3A_1201, %shift_left3A_1203 : vector<16xi32>
        %bitcast3A_1205 = vector.bitcast %shift_left3A_1204 : vector<16xi32> to vector<16xf32>
        %and3A_1206 = vector.broadcast %scan3A : i32 to vector<16xi32>
        %and3A_1207 = arith.andi %get3A_1201, %and3A_1206 : vector<16xi32>
        %bitcast3A_1208 = vector.bitcast %and3A_1207 : vector<16xi32> to vector<16xf32>
        %get3A_1209 = arith.constant 0 : i32
        %get3A_1210 = arith.index_cast %get3A_1209 : i32 to index
        %get3A_1211 = arith.index_cast %add3A_1142 : i32 to index
        %get3A_1212 = arith.constant 32 : index
        %get3A_1213 = tpu.vector_load %arg10[%get3A_1210, %get3A_1211, %get3A_1212] {strides = array<i32>} : memref<2x128x64xi32, #tpu.memory_space<vmem>>, vector<16xi32>,
        %shift_left3A_1214 = arith.constant 16 : i32
        %shift_left3A_1215 = vector.broadcast %shift_left3A_1214 : i32 to vector<16xi32>
        %shift_left3A_1216 = arith.shli %get3A_1213, %shift_left3A_1215 : vector<16xi32>
        %bitcast3A_1217 = vector.bitcast %shift_left3A_1216 : vector<16xi32> to vector<16xf32>
        %and3A_1218 = vector.broadcast %scan3A : i32 to vector<16xi32>
        %and3A_1219 = arith.andi %get3A_1213, %and3A_1218 : vector<16xi32>
        %bitcast3A_1220 = vector.bitcast %and3A_1219 : vector<16xi32> to vector<16xf32>
        %add3A_1221 = arith.addf %bitcast3A_1205, %bitcast3A_1217 : vector<16xf32>
        %max3A_1222 = arith.maximumf %scan3A_1137, %add3A_1221 : vector<16xf32>
        %add3A_1223 = arith.addf %bitcast3A_1208, %bitcast3A_1220 : vector<16xf32>
        %max3A_1224 = arith.maximumf %scan3A_1138, %add3A_1223 : vector<16xf32>
        %get3A_1225 = arith.constant 0 : i32
        %get3A_1226 = arith.index_cast %get3A_1225 : i32 to index
        %get3A_1227 = arith.index_cast %add3A_1142 : i32 to index
        %get3A_1228 = arith.constant 48 : index
        %get3A_1229 = tpu.vector_load %arg9[%get3A_1226, %get3A_1227, %get3A_1228] {strides = array<i32>} : memref<2x128x64xi32, #tpu.memory_space<vmem>>, vector<16xi32>,
        %shift_left3A_1230 = arith.constant 16 : i32
        %shift_left3A_1231 = vector.broadcast %shift_left3A_1230 : i32 to vector<16xi32>
        %shift_left3A_1232 = arith.shli %get3A_1229, %shift_left3A_1231 : vector<16xi32>
        %bitcast3A_1233 = vector.bitcast %shift_left3A_1232 : vector<16xi32> to vector<16xf32>
        %and3A_1234 = vector.broadcast %scan3A : i32 to vector<16xi32>
        %and3A_1235 = arith.andi %get3A_1229, %and3A_1234 : vector<16xi32>
        %bitcast3A_1236 = vector.bitcast %and3A_1235 : vector<16xi32> to vector<16xf32>
        %get3A_1237 = arith.constant 0 : i32
        %get3A_1238 = arith.index_cast %get3A_1237 : i32 to index
        %get3A_1239 = arith.index_cast %add3A_1142 : i32 to index
        %get3A_1240 = arith.constant 48 : index
        %get3A_1241 = tpu.vector_load %arg10[%get3A_1238, %get3A_1239, %get3A_1240] {strides = array<i32>} : memref<2x128x64xi32, #tpu.memory_space<vmem>>, vector<16xi32>,
        %shift_left3A_1242 = arith.constant 16 : i32
        %shift_left3A_1243 = vector.broadcast %shift_left3A_1242 : i32 to vector<16xi32>
        %shift_left3A_1244 = arith.shli %get3A_1241, %shift_left3A_1243 : vector<16xi32>
        %bitcast3A_1245 = vector.bitcast %shift_left3A_1244 : vector<16xi32> to vector<16xf32>
        %and3A_1246 = vector.broadcast %scan3A : i32 to vector<16xi32>
        %and3A_1247 = arith.andi %get3A_1241, %and3A_1246 : vector<16xi32>
        %bitcast3A_1248 = vector.bitcast %and3A_1247 : vector<16xi32> to vector<16xf32>
        %add3A_1249 = arith.addf %bitcast3A_1233, %bitcast3A_1245 : vector<16xf32>
        %max3A_1250 = arith.maximumf %scan3A_1139, %add3A_1249 : vector<16xf32>
        %add3A_1251 = arith.addf %bitcast3A_1236, %bitcast3A_1248 : vector<16xf32>
        %max3A_1252 = arith.maximumf %scan3A_1140, %add3A_1251 : vector<16xf32>
        scf.yield %max3A_1166, %max3A_1168, %max3A_1194, %max3A_1196, %max3A_1222, %max3A_1224, %max3A_1250, %max3A_1252 : vector<16xf32>, vector<16xf32>, vector<16xf32>, vector<16xf32>, vector<16xf32>, vector<16xf32>, vector<16xf32>, vector<16xf32>
      }
      %scan3A_133 = arith.constant 32 : i32
      %max3A = arith.constant 0.000000e+00 : f32
      %max3A_134 = vector.broadcast %max3A : f32 to vector<16xf32>
      %max3A_135 = arith.maximumf %scan3A_132#0, %max3A_134 : vector<16xf32>
      %max3A_136 = arith.constant 0.000000e+00 : f32
      %max3A_137 = vector.broadcast %max3A_136 : f32 to vector<16xf32>
      %max3A_138 = arith.maximumf %scan3A_132#1, %max3A_137 : vector<16xf32>
      %bitcast3A = vector.bitcast %max3A_135 : vector<16xf32> to vector<16xi32>
      %add3A_139 = arith.constant 32768 : i32
      %add3A_140 = vector.broadcast %add3A_139 : i32 to vector<16xi32>
      %add3A_141 = arith.addi %bitcast3A, %add3A_140 : vector<16xi32>
      %shift_right_logical3A = arith.constant 16 : i32
      %shift_right_logical3A_142 = vector.broadcast %shift_right_logical3A : i32 to vector<16xi32>
      %shift_right_logical3A_143 = arith.shrui %add3A_141, %shift_right_logical3A_142 : vector<16xi32>
      %bitcast3A_144 = vector.bitcast %max3A_138 : vector<16xf32> to vector<16xi32>
      %add3A_145 = arith.constant 32768 : i32
      %add3A_146 = vector.broadcast %add3A_145 : i32 to vector<16xi32>
      %add3A_147 = arith.addi %bitcast3A_144, %add3A_146 : vector<16xi32>
      %and3A = arith.constant -65536 : i32
      %and3A_148 = vector.broadcast %and3A : i32 to vector<16xi32>
      %and3A_149 = arith.andi %add3A_147, %and3A_148 : vector<16xi32>
      %or3A = arith.ori %shift_right_logical3A_143, %and3A_149 : vector<16xi32>
      %swap3A = arith.constant 0 : i32
      %swap3A_150 = arith.index_cast %swap3A : i32 to index
      %swap3A_151 = arith.constant 0 : index
      %swap3A_152 = tpu.vector_load %arg11[%swap3A_150, %swap3A_151] {strides = array<i32>} : memref<4x64xi32, #tpu.memory_space<vmem>>, vector<16xi32>,
      tpu.vector_store %arg11[%swap3A_150, %swap3A_151], %or3A {strides = array<i32>} : memref<4x64xi32, #tpu.memory_space<vmem>>, vector<16xi32>,
      %max3A_153 = arith.constant 0.000000e+00 : f32
      %max3A_154 = vector.broadcast %max3A_153 : f32 to vector<16xf32>
      %max3A_155 = arith.maximumf %scan3A_132#2, %max3A_154 : vector<16xf32>
      %max3A_156 = arith.constant 0.000000e+00 : f32
      %max3A_157 = vector.broadcast %max3A_156 : f32 to vector<16xf32>
      %max3A_158 = arith.maximumf %scan3A_132#3, %max3A_157 : vector<16xf32>
      %bitcast3A_159 = vector.bitcast %max3A_155 : vector<16xf32> to vector<16xi32>
      %add3A_160 = arith.constant 32768 : i32
      %add3A_161 = vector.broadcast %add3A_160 : i32 to vector<16xi32>
      %add3A_162 = arith.addi %bitcast3A_159, %add3A_161 : vector<16xi32>
      %shift_right_logical3A_163 = arith.constant 16 : i32
      %shift_right_logical3A_164 = vector.broadcast %shift_right_logical3A_163 : i32 to vector<16xi32>
      %shift_right_logical3A_165 = arith.shrui %add3A_162, %shift_right_logical3A_164 : vector<16xi32>
      %bitcast3A_166 = vector.bitcast %max3A_158 : vector<16xf32> to vector<16xi32>
      %add3A_167 = arith.constant 32768 : i32
      %add3A_168 = vector.broadcast %add3A_167 : i32 to vector<16xi32>
      %add3A_169 = arith.addi %bitcast3A_166, %add3A_168 : vector<16xi32>
      %and3A_170 = arith.constant -65536 : i32
      %and3A_171 = vector.broadcast %and3A_170 : i32 to vector<16xi32>
      %and3A_172 = arith.andi %add3A_169, %and3A_171 : vector<16xi32>
      %or3A_173 = arith.ori %shift_right_logical3A_165, %and3A_172 : vector<16xi32>
      %swap3A_174 = arith.constant 0 : i32
      %swap3A_175 = arith.index_cast %swap3A_174 : i32 to index
      %swap3A_176 = arith.constant 16 : index
      %swap3A_177 = tpu.vector_load %arg11[%swap3A_175, %swap3A_176] {strides = array<i32>} : memref<4x64xi32, #tpu.memory_space<vmem>>, vector<16xi32>,
      tpu.vector_store %arg11[%swap3A_175, %swap3A_176], %or3A_173 {strides = array<i32>} : memref<4x64xi32, #tpu.memory_space<vmem>>, vector<16xi32>,
      %max3A_178 = arith.constant 0.000000e+00 : f32
      %max3A_179 = vector.broadcast %max3A_178 : f32 to vector<16xf32>
      %max3A_180 = arith.maximumf %scan3A_132#4, %max3A_179 : vector<16xf32>
      %max3A_181 = arith.constant 0.000000e+00 : f32
      %max3A_182 = vector.broadcast %max3A_181 : f32 to vector<16xf32>
      %max3A_183 = arith.maximumf %scan3A_132#5, %max3A_182 : vector<16xf32>
      %bitcast3A_184 = vector.bitcast %max3A_180 : vector<16xf32> to vector<16xi32>
      %add3A_185 = arith.constant 32768 : i32
      %add3A_186 = vector.broadcast %add3A_185 : i32 to vector<16xi32>
      %add3A_187 = arith.addi %bitcast3A_184, %add3A_186 : vector<16xi32>
      %shift_right_logical3A_188 = arith.constant 16 : i32
      %shift_right_logical3A_189 = vector.broadcast %shift_right_logical3A_188 : i32 to vector<16xi32>
      %shift_right_logical3A_190 = arith.shrui %add3A_187, %shift_right_logical3A_189 : vector<16xi32>
      %bitcast3A_191 = vector.bitcast %max3A_183 : vector<16xf32> to vector<16xi32>
      %add3A_192 = arith.constant 32768 : i32
      %add3A_193 = vector.broadcast %add3A_192 : i32 to vector<16xi32>
      %add3A_194 = arith.addi %bitcast3A_191, %add3A_193 : vector<16xi32>
      %and3A_195 = arith.constant -65536 : i32
      %and3A_196 = vector.broadcast %and3A_195 : i32 to vector<16xi32>
      %and3A_197 = arith.andi %add3A_194, %and3A_196 : vector<16xi32>
      %or3A_198 = arith.ori %shift_right_logical3A_190, %and3A_197 : vector<16xi32>
      %swap3A_199 = arith.constant 0 : i32
      %swap3A_200 = arith.index_cast %swap3A_199 : i32 to index
      %swap3A_201 = arith.constant 32 : index
      %swap3A_202 = tpu.vector_load %arg11[%swap3A_200, %swap3A_201] {strides = array<i32>} : memref<4x64xi32, #tpu.memory_space<vmem>>, vector<16xi32>,
      tpu.vector_store %arg11[%swap3A_200, %swap3A_201], %or3A_198 {strides = array<i32>} : memref<4x64xi32, #tpu.memory_space<vmem>>, vector<16xi32>,
      %max3A_203 = arith.constant 0.000000e+00 : f32
      %max3A_204 = vector.broadcast %max3A_203 : f32 to vector<16xf32>
      %max3A_205 = arith.maximumf %scan3A_132#6, %max3A_204 : vector<16xf32>
      %max3A_206 = arith.constant 0.000000e+00 : f32
      %max3A_207 = vector.broadcast %max3A_206 : f32 to vector<16xf32>
      %max3A_208 = arith.maximumf %scan3A_132#7, %max3A_207 : vector<16xf32>
      %bitcast3A_209 = vector.bitcast %max3A_205 : vector<16xf32> to vector<16xi32>
      %add3A_210 = arith.constant 32768 : i32
      %add3A_211 = vector.broadcast %add3A_210 : i32 to vector<16xi32>
      %add3A_212 = arith.addi %bitcast3A_209, %add3A_211 : vector<16xi32>
      %shift_right_logical3A_213 = arith.constant 16 : i32
      %shift_right_logical3A_214 = vector.broadcast %shift_right_logical3A_213 : i32 to vector<16xi32>
      %shift_right_logical3A_215 = arith.shrui %add3A_212, %shift_right_logical3A_214 : vector<16xi32>
      %bitcast3A_216 = vector.bitcast %max3A_208 : vector<16xf32> to vector<16xi32>
      %add3A_217 = arith.constant 32768 : i32
      %add3A_218 = vector.broadcast %add3A_217 : i32 to vector<16xi32>
      %add3A_219 = arith.addi %bitcast3A_216, %add3A_218 : vector<16xi32>
      %and3A_220 = arith.constant -65536 : i32
      %and3A_221 = vector.broadcast %and3A_220 : i32 to vector<16xi32>
      %and3A_222 = arith.andi %add3A_219, %and3A_221 : vector<16xi32>
      %or3A_223 = arith.ori %shift_right_logical3A_215, %and3A_222 : vector<16xi32>
      %swap3A_224 = arith.constant 0 : i32
      %swap3A_225 = arith.index_cast %swap3A_224 : i32 to index
      %swap3A_226 = arith.constant 48 : index
      %swap3A_227 = tpu.vector_load %arg11[%swap3A_225, %swap3A_226] {strides = array<i32>} : memref<4x64xi32, #tpu.memory_space<vmem>>, vector<16xi32>,
      tpu.vector_store %arg11[%swap3A_225, %swap3A_226], %or3A_223 {strides = array<i32>} : memref<4x64xi32, #tpu.memory_space<vmem>>, vector<16xi32>,
      %broadcast_in_dim3A_228 = arith.constant 0xFF800000 : f32
      %broadcast_in_dim3A_229 = vector.broadcast %broadcast_in_dim3A_228 : f32 to vector<16xf32>
      %broadcast_in_dim3A_230 = arith.constant 0xFF800000 : f32
      %broadcast_in_dim3A_231 = vector.broadcast %broadcast_in_dim3A_230 : f32 to vector<16xf32>
      %broadcast_in_dim3A_232 = arith.constant 0xFF800000 : f32
      %broadcast_in_dim3A_233 = vector.broadcast %broadcast_in_dim3A_232 : f32 to vector<16xf32>
      %broadcast_in_dim3A_234 = arith.constant 0xFF800000 : f32
      %broadcast_in_dim3A_235 = vector.broadcast %broadcast_in_dim3A_234 : f32 to vector<16xf32>
      %broadcast_in_dim3A_236 = arith.constant 0xFF800000 : f32
      %broadcast_in_dim3A_237 = vector.broadcast %broadcast_in_dim3A_236 : f32 to vector<16xf32>
      %broadcast_in_dim3A_238 = arith.constant 0xFF800000 : f32
      %broadcast_in_dim3A_239 = vector.broadcast %broadcast_in_dim3A_238 : f32 to vector<16xf32>
      %broadcast_in_dim3A_240 = arith.constant 0xFF800000 : f32
      %broadcast_in_dim3A_241 = vector.broadcast %broadcast_in_dim3A_240 : f32 to vector<16xf32>
      %broadcast_in_dim3A_242 = arith.constant 0xFF800000 : f32
      %broadcast_in_dim3A_243 = vector.broadcast %broadcast_in_dim3A_242 : f32 to vector<16xf32>
      %scan3A_244 = arith.constant -65536 : i32
      %scan3A_245 = arith.constant 0 : i32
      %scan3A_246 = arith.constant 32 : i32
      %scan3A_247 = arith.addi %scan3A_245, %scan3A_246 : i32
      %scan3A_248 = arith.constant 1 : i32
      %scan3A_249:8 = scf.for %scan3A_1132 = %scan3A_245 to %scan3A_247 step %scan3A_248 iter_args(%scan3A_1133 = %broadcast_in_dim3A_229, %scan3A_1134 = %broadcast_in_dim3A_231, %scan3A_1135 = %broadcast_in_dim3A_233, %scan3A_1136 = %broadcast_in_dim3A_235, %scan3A_1137 = %broadcast_in_dim3A_237, %scan3A_1138 = %broadcast_in_dim3A_239, %scan3A_1139 = %broadcast_in_dim3A_241, %scan3A_1140 = %broadcast_in_dim3A_243) -> (vector<16xf32>, vector<16xf32>, vector<16xf32>, vector<16xf32>, vector<16xf32>, vector<16xf32>, vector<16xf32>, vector<16xf32>)  : i32 {
        %add3A_1141 = arith.constant 32 : i32
        %add3A_1142 = arith.addi %add3A_1141, %scan3A_1132 : i32
        %get3A = arith.constant 0 : i32
        %get3A_1143 = arith.index_cast %get3A : i32 to index
        %get3A_1144 = arith.index_cast %add3A_1142 : i32 to index
        %get3A_1145 = arith.constant 0 : index
        %get3A_1146 = tpu.vector_load %arg9[%get3A_1143, %get3A_1144, %get3A_1145] {strides = array<i32>} : memref<2x128x64xi32, #tpu.memory_space<vmem>>, vector<16xi32>,
        %shift_left3A = arith.constant 16 : i32
        %shift_left3A_1147 = vector.broadcast %shift_left3A : i32 to vector<16xi32>
        %shift_left3A_1148 = arith.shli %get3A_1146, %shift_left3A_1147 : vector<16xi32>
        %bitcast3A_1149 = vector.bitcast %shift_left3A_1148 : vector<16xi32> to vector<16xf32>
        %and3A_1150 = vector.broadcast %scan3A_244 : i32 to vector<16xi32>
        %and3A_1151 = arith.andi %get3A_1146, %and3A_1150 : vector<16xi32>
        %bitcast3A_1152 = vector.bitcast %and3A_1151 : vector<16xi32> to vector<16xf32>
        %get3A_1153 = arith.constant 0 : i32
        %get3A_1154 = arith.index_cast %get3A_1153 : i32 to index
        %get3A_1155 = arith.index_cast %add3A_1142 : i32 to index
        %get3A_1156 = arith.constant 0 : index
        %get3A_1157 = tpu.vector_load %arg10[%get3A_1154, %get3A_1155, %get3A_1156] {strides = array<i32>} : memref<2x128x64xi32, #tpu.memory_space<vmem>>, vector<16xi32>,
        %shift_left3A_1158 = arith.constant 16 : i32
        %shift_left3A_1159 = vector.broadcast %shift_left3A_1158 : i32 to vector<16xi32>
        %shift_left3A_1160 = arith.shli %get3A_1157, %shift_left3A_1159 : vector<16xi32>
        %bitcast3A_1161 = vector.bitcast %shift_left3A_1160 : vector<16xi32> to vector<16xf32>
        %and3A_1162 = vector.broadcast %scan3A_244 : i32 to vector<16xi32>
        %and3A_1163 = arith.andi %get3A_1157, %and3A_1162 : vector<16xi32>
        %bitcast3A_1164 = vector.bitcast %and3A_1163 : vector<16xi32> to vector<16xf32>
        %add3A_1165 = arith.addf %bitcast3A_1149, %bitcast3A_1161 : vector<16xf32>
        %max3A_1166 = arith.maximumf %scan3A_1133, %add3A_1165 : vector<16xf32>
        %add3A_1167 = arith.addf %bitcast3A_1152, %bitcast3A_1164 : vector<16xf32>
        %max3A_1168 = arith.maximumf %scan3A_1134, %add3A_1167 : vector<16xf32>
        %get3A_1169 = arith.constant 0 : i32
        %get3A_1170 = arith.index_cast %get3A_1169 : i32 to index
        %get3A_1171 = arith.index_cast %add3A_1142 : i32 to index
        %get3A_1172 = arith.constant 16 : index
        %get3A_1173 = tpu.vector_load %arg9[%get3A_1170, %get3A_1171, %get3A_1172] {strides = array<i32>} : memref<2x128x64xi32, #tpu.memory_space<vmem>>, vector<16xi32>,
        %shift_left3A_1174 = arith.constant 16 : i32
        %shift_left3A_1175 = vector.broadcast %shift_left3A_1174 : i32 to vector<16xi32>
        %shift_left3A_1176 = arith.shli %get3A_1173, %shift_left3A_1175 : vector<16xi32>
        %bitcast3A_1177 = vector.bitcast %shift_left3A_1176 : vector<16xi32> to vector<16xf32>
        %and3A_1178 = vector.broadcast %scan3A_244 : i32 to vector<16xi32>
        %and3A_1179 = arith.andi %get3A_1173, %and3A_1178 : vector<16xi32>
        %bitcast3A_1180 = vector.bitcast %and3A_1179 : vector<16xi32> to vector<16xf32>
        %get3A_1181 = arith.constant 0 : i32
        %get3A_1182 = arith.index_cast %get3A_1181 : i32 to index
        %get3A_1183 = arith.index_cast %add3A_1142 : i32 to index
        %get3A_1184 = arith.constant 16 : index
        %get3A_1185 = tpu.vector_load %arg10[%get3A_1182, %get3A_1183, %get3A_1184] {strides = array<i32>} : memref<2x128x64xi32, #tpu.memory_space<vmem>>, vector<16xi32>,
        %shift_left3A_1186 = arith.constant 16 : i32
        %shift_left3A_1187 = vector.broadcast %shift_left3A_1186 : i32 to vector<16xi32>
        %shift_left3A_1188 = arith.shli %get3A_1185, %shift_left3A_1187 : vector<16xi32>
        %bitcast3A_1189 = vector.bitcast %shift_left3A_1188 : vector<16xi32> to vector<16xf32>
        %and3A_1190 = vector.broadcast %scan3A_244 : i32 to vector<16xi32>
        %and3A_1191 = arith.andi %get3A_1185, %and3A_1190 : vector<16xi32>
        %bitcast3A_1192 = vector.bitcast %and3A_1191 : vector<16xi32> to vector<16xf32>
        %add3A_1193 = arith.addf %bitcast3A_1177, %bitcast3A_1189 : vector<16xf32>
        %max3A_1194 = arith.maximumf %scan3A_1135, %add3A_1193 : vector<16xf32>
        %add3A_1195 = arith.addf %bitcast3A_1180, %bitcast3A_1192 : vector<16xf32>
        %max3A_1196 = arith.maximumf %scan3A_1136, %add3A_1195 : vector<16xf32>
        %get3A_1197 = arith.constant 0 : i32
        %get3A_1198 = arith.index_cast %get3A_1197 : i32 to index
        %get3A_1199 = arith.index_cast %add3A_1142 : i32 to index
        %get3A_1200 = arith.constant 32 : index
        %get3A_1201 = tpu.vector_load %arg9[%get3A_1198, %get3A_1199, %get3A_1200] {strides = array<i32>} : memref<2x128x64xi32, #tpu.memory_space<vmem>>, vector<16xi32>,
        %shift_left3A_1202 = arith.constant 16 : i32
        %shift_left3A_1203 = vector.broadcast %shift_left3A_1202 : i32 to vector<16xi32>
        %shift_left3A_1204 = arith.shli %get3A_1201, %shift_left3A_1203 : vector<16xi32>
        %bitcast3A_1205 = vector.bitcast %shift_left3A_1204 : vector<16xi32> to vector<16xf32>
        %and3A_1206 = vector.broadcast %scan3A_244 : i32 to vector<16xi32>
        %and3A_1207 = arith.andi %get3A_1201, %and3A_1206 : vector<16xi32>
        %bitcast3A_1208 = vector.bitcast %and3A_1207 : vector<16xi32> to vector<16xf32>
        %get3A_1209 = arith.constant 0 : i32
        %get3A_1210 = arith.index_cast %get3A_1209 : i32 to index
        %get3A_1211 = arith.index_cast %add3A_1142 : i32 to index
        %get3A_1212 = arith.constant 32 : index
        %get3A_1213 = tpu.vector_load %arg10[%get3A_1210, %get3A_1211, %get3A_1212] {strides = array<i32>} : memref<2x128x64xi32, #tpu.memory_space<vmem>>, vector<16xi32>,
        %shift_left3A_1214 = arith.constant 16 : i32
        %shift_left3A_1215 = vector.broadcast %shift_left3A_1214 : i32 to vector<16xi32>
        %shift_left3A_1216 = arith.shli %get3A_1213, %shift_left3A_1215 : vector<16xi32>
        %bitcast3A_1217 = vector.bitcast %shift_left3A_1216 : vector<16xi32> to vector<16xf32>
        %and3A_1218 = vector.broadcast %scan3A_244 : i32 to vector<16xi32>
        %and3A_1219 = arith.andi %get3A_1213, %and3A_1218 : vector<16xi32>
        %bitcast3A_1220 = vector.bitcast %and3A_1219 : vector<16xi32> to vector<16xf32>
        %add3A_1221 = arith.addf %bitcast3A_1205, %bitcast3A_1217 : vector<16xf32>
        %max3A_1222 = arith.maximumf %scan3A_1137, %add3A_1221 : vector<16xf32>
        %add3A_1223 = arith.addf %bitcast3A_1208, %bitcast3A_1220 : vector<16xf32>
        %max3A_1224 = arith.maximumf %scan3A_1138, %add3A_1223 : vector<16xf32>
        %get3A_1225 = arith.constant 0 : i32
        %get3A_1226 = arith.index_cast %get3A_1225 : i32 to index
        %get3A_1227 = arith.index_cast %add3A_1142 : i32 to index
        %get3A_1228 = arith.constant 48 : index
        %get3A_1229 = tpu.vector_load %arg9[%get3A_1226, %get3A_1227, %get3A_1228] {strides = array<i32>} : memref<2x128x64xi32, #tpu.memory_space<vmem>>, vector<16xi32>,
        %shift_left3A_1230 = arith.constant 16 : i32
        %shift_left3A_1231 = vector.broadcast %shift_left3A_1230 : i32 to vector<16xi32>
        %shift_left3A_1232 = arith.shli %get3A_1229, %shift_left3A_1231 : vector<16xi32>
        %bitcast3A_1233 = vector.bitcast %shift_left3A_1232 : vector<16xi32> to vector<16xf32>
        %and3A_1234 = vector.broadcast %scan3A_244 : i32 to vector<16xi32>
        %and3A_1235 = arith.andi %get3A_1229, %and3A_1234 : vector<16xi32>
        %bitcast3A_1236 = vector.bitcast %and3A_1235 : vector<16xi32> to vector<16xf32>
        %get3A_1237 = arith.constant 0 : i32
        %get3A_1238 = arith.index_cast %get3A_1237 : i32 to index
        %get3A_1239 = arith.index_cast %add3A_1142 : i32 to index
        %get3A_1240 = arith.constant 48 : index
        %get3A_1241 = tpu.vector_load %arg10[%get3A_1238, %get3A_1239, %get3A_1240] {strides = array<i32>} : memref<2x128x64xi32, #tpu.memory_space<vmem>>, vector<16xi32>,
        %shift_left3A_1242 = arith.constant 16 : i32
        %shift_left3A_1243 = vector.broadcast %shift_left3A_1242 : i32 to vector<16xi32>
        %shift_left3A_1244 = arith.shli %get3A_1241, %shift_left3A_1243 : vector<16xi32>
        %bitcast3A_1245 = vector.bitcast %shift_left3A_1244 : vector<16xi32> to vector<16xf32>
        %and3A_1246 = vector.broadcast %scan3A_244 : i32 to vector<16xi32>
        %and3A_1247 = arith.andi %get3A_1241, %and3A_1246 : vector<16xi32>
        %bitcast3A_1248 = vector.bitcast %and3A_1247 : vector<16xi32> to vector<16xf32>
        %add3A_1249 = arith.addf %bitcast3A_1233, %bitcast3A_1245 : vector<16xf32>
        %max3A_1250 = arith.maximumf %scan3A_1139, %add3A_1249 : vector<16xf32>
        %add3A_1251 = arith.addf %bitcast3A_1236, %bitcast3A_1248 : vector<16xf32>
        %max3A_1252 = arith.maximumf %scan3A_1140, %add3A_1251 : vector<16xf32>
        scf.yield %max3A_1166, %max3A_1168, %max3A_1194, %max3A_1196, %max3A_1222, %max3A_1224, %max3A_1250, %max3A_1252 : vector<16xf32>, vector<16xf32>, vector<16xf32>, vector<16xf32>, vector<16xf32>, vector<16xf32>, vector<16xf32>, vector<16xf32>
      }
      %scan3A_250 = arith.constant 32 : i32
      %max3A_251 = arith.constant 0.000000e+00 : f32
      %max3A_252 = vector.broadcast %max3A_251 : f32 to vector<16xf32>
      %max3A_253 = arith.maximumf %scan3A_249#0, %max3A_252 : vector<16xf32>
      %max3A_254 = arith.constant 0.000000e+00 : f32
      %max3A_255 = vector.broadcast %max3A_254 : f32 to vector<16xf32>
      %max3A_256 = arith.maximumf %scan3A_249#1, %max3A_255 : vector<16xf32>
      %bitcast3A_257 = vector.bitcast %max3A_253 : vector<16xf32> to vector<16xi32>
      %add3A_258 = arith.constant 32768 : i32
      %add3A_259 = vector.broadcast %add3A_258 : i32 to vector<16xi32>
      %add3A_260 = arith.addi %bitcast3A_257, %add3A_259 : vector<16xi32>
      %shift_right_logical3A_261 = arith.constant 16 : i32
      %shift_right_logical3A_262 = vector.broadcast %shift_right_logical3A_261 : i32 to vector<16xi32>
      %shift_right_logical3A_263 = arith.shrui %add3A_260, %shift_right_logical3A_262 : vector<16xi32>
      %bitcast3A_264 = vector.bitcast %max3A_256 : vector<16xf32> to vector<16xi32>
      %add3A_265 = arith.constant 32768 : i32
      %add3A_266 = vector.broadcast %add3A_265 : i32 to vector<16xi32>
      %add3A_267 = arith.addi %bitcast3A_264, %add3A_266 : vector<16xi32>
      %and3A_268 = arith.constant -65536 : i32
      %and3A_269 = vector.broadcast %and3A_268 : i32 to vector<16xi32>
      %and3A_270 = arith.andi %add3A_267, %and3A_269 : vector<16xi32>
      %or3A_271 = arith.ori %shift_right_logical3A_263, %and3A_270 : vector<16xi32>
      %swap3A_272 = arith.constant 1 : i32
      %swap3A_273 = arith.index_cast %swap3A_272 : i32 to index
      %swap3A_274 = arith.constant 0 : index
      %swap3A_275 = tpu.vector_load %arg11[%swap3A_273, %swap3A_274] {strides = array<i32>} : memref<4x64xi32, #tpu.memory_space<vmem>>, vector<16xi32>,
      tpu.vector_store %arg11[%swap3A_273, %swap3A_274], %or3A_271 {strides = array<i32>} : memref<4x64xi32, #tpu.memory_space<vmem>>, vector<16xi32>,
      %max3A_276 = arith.constant 0.000000e+00 : f32
      %max3A_277 = vector.broadcast %max3A_276 : f32 to vector<16xf32>
      %max3A_278 = arith.maximumf %scan3A_249#2, %max3A_277 : vector<16xf32>
      %max3A_279 = arith.constant 0.000000e+00 : f32
      %max3A_280 = vector.broadcast %max3A_279 : f32 to vector<16xf32>
      %max3A_281 = arith.maximumf %scan3A_249#3, %max3A_280 : vector<16xf32>
      %bitcast3A_282 = vector.bitcast %max3A_278 : vector<16xf32> to vector<16xi32>
      %add3A_283 = arith.constant 32768 : i32
      %add3A_284 = vector.broadcast %add3A_283 : i32 to vector<16xi32>
      %add3A_285 = arith.addi %bitcast3A_282, %add3A_284 : vector<16xi32>
      %shift_right_logical3A_286 = arith.constant 16 : i32
      %shift_right_logical3A_287 = vector.broadcast %shift_right_logical3A_286 : i32 to vector<16xi32>
      %shift_right_logical3A_288 = arith.shrui %add3A_285, %shift_right_logical3A_287 : vector<16xi32>
      %bitcast3A_289 = vector.bitcast %max3A_281 : vector<16xf32> to vector<16xi32>
      %add3A_290 = arith.constant 32768 : i32
      %add3A_291 = vector.broadcast %add3A_290 : i32 to vector<16xi32>
      %add3A_292 = arith.addi %bitcast3A_289, %add3A_291 : vector<16xi32>
      %and3A_293 = arith.constant -65536 : i32
      %and3A_294 = vector.broadcast %and3A_293 : i32 to vector<16xi32>
      %and3A_295 = arith.andi %add3A_292, %and3A_294 : vector<16xi32>
      %or3A_296 = arith.ori %shift_right_logical3A_288, %and3A_295 : vector<16xi32>
      %swap3A_297 = arith.constant 1 : i32
      %swap3A_298 = arith.index_cast %swap3A_297 : i32 to index
      %swap3A_299 = arith.constant 16 : index
      %swap3A_300 = tpu.vector_load %arg11[%swap3A_298, %swap3A_299] {strides = array<i32>} : memref<4x64xi32, #tpu.memory_space<vmem>>, vector<16xi32>,
      tpu.vector_store %arg11[%swap3A_298, %swap3A_299], %or3A_296 {strides = array<i32>} : memref<4x64xi32, #tpu.memory_space<vmem>>, vector<16xi32>,
      %max3A_301 = arith.constant 0.000000e+00 : f32
      %max3A_302 = vector.broadcast %max3A_301 : f32 to vector<16xf32>
      %max3A_303 = arith.maximumf %scan3A_249#4, %max3A_302 : vector<16xf32>
      %max3A_304 = arith.constant 0.000000e+00 : f32
      %max3A_305 = vector.broadcast %max3A_304 : f32 to vector<16xf32>
      %max3A_306 = arith.maximumf %scan3A_249#5, %max3A_305 : vector<16xf32>
      %bitcast3A_307 = vector.bitcast %max3A_303 : vector<16xf32> to vector<16xi32>
      %add3A_308 = arith.constant 32768 : i32
      %add3A_309 = vector.broadcast %add3A_308 : i32 to vector<16xi32>
      %add3A_310 = arith.addi %bitcast3A_307, %add3A_309 : vector<16xi32>
      %shift_right_logical3A_311 = arith.constant 16 : i32
      %shift_right_logical3A_312 = vector.broadcast %shift_right_logical3A_311 : i32 to vector<16xi32>
      %shift_right_logical3A_313 = arith.shrui %add3A_310, %shift_right_logical3A_312 : vector<16xi32>
      %bitcast3A_314 = vector.bitcast %max3A_306 : vector<16xf32> to vector<16xi32>
      %add3A_315 = arith.constant 32768 : i32
      %add3A_316 = vector.broadcast %add3A_315 : i32 to vector<16xi32>
      %add3A_317 = arith.addi %bitcast3A_314, %add3A_316 : vector<16xi32>
      %and3A_318 = arith.constant -65536 : i32
      %and3A_319 = vector.broadcast %and3A_318 : i32 to vector<16xi32>
      %and3A_320 = arith.andi %add3A_317, %and3A_319 : vector<16xi32>
      %or3A_321 = arith.ori %shift_right_logical3A_313, %and3A_320 : vector<16xi32>
      %swap3A_322 = arith.constant 1 : i32
      %swap3A_323 = arith.index_cast %swap3A_322 : i32 to index
      %swap3A_324 = arith.constant 32 : index
      %swap3A_325 = tpu.vector_load %arg11[%swap3A_323, %swap3A_324] {strides = array<i32>} : memref<4x64xi32, #tpu.memory_space<vmem>>, vector<16xi32>,
      tpu.vector_store %arg11[%swap3A_323, %swap3A_324], %or3A_321 {strides = array<i32>} : memref<4x64xi32, #tpu.memory_space<vmem>>, vector<16xi32>,
      %max3A_326 = arith.constant 0.000000e+00 : f32
      %max3A_327 = vector.broadcast %max3A_326 : f32 to vector<16xf32>
      %max3A_328 = arith.maximumf %scan3A_249#6, %max3A_327 : vector<16xf32>
      %max3A_329 = arith.constant 0.000000e+00 : f32
      %max3A_330 = vector.broadcast %max3A_329 : f32 to vector<16xf32>
      %max3A_331 = arith.maximumf %scan3A_249#7, %max3A_330 : vector<16xf32>
      %bitcast3A_332 = vector.bitcast %max3A_328 : vector<16xf32> to vector<16xi32>
      %add3A_333 = arith.constant 32768 : i32
      %add3A_334 = vector.broadcast %add3A_333 : i32 to vector<16xi32>
      %add3A_335 = arith.addi %bitcast3A_332, %add3A_334 : vector<16xi32>
      %shift_right_logical3A_336 = arith.constant 16 : i32
      %shift_right_logical3A_337 = vector.broadcast %shift_right_logical3A_336 : i32 to vector<16xi32>
      %shift_right_logical3A_338 = arith.shrui %add3A_335, %shift_right_logical3A_337 : vector<16xi32>
      %bitcast3A_339 = vector.bitcast %max3A_331 : vector<16xf32> to vector<16xi32>
      %add3A_340 = arith.constant 32768 : i32
      %add3A_341 = vector.broadcast %add3A_340 : i32 to vector<16xi32>
      %add3A_342 = arith.addi %bitcast3A_339, %add3A_341 : vector<16xi32>
      %and3A_343 = arith.constant -65536 : i32
      %and3A_344 = vector.broadcast %and3A_343 : i32 to vector<16xi32>
      %and3A_345 = arith.andi %add3A_342, %and3A_344 : vector<16xi32>
      %or3A_346 = arith.ori %shift_right_logical3A_338, %and3A_345 : vector<16xi32>
      %swap3A_347 = arith.constant 1 : i32
      %swap3A_348 = arith.index_cast %swap3A_347 : i32 to index
      %swap3A_349 = arith.constant 48 : index
      %swap3A_350 = tpu.vector_load %arg11[%swap3A_348, %swap3A_349] {strides = array<i32>} : memref<4x64xi32, #tpu.memory_space<vmem>>, vector<16xi32>,
      tpu.vector_store %arg11[%swap3A_348, %swap3A_349], %or3A_346 {strides = array<i32>} : memref<4x64xi32, #tpu.memory_space<vmem>>, vector<16xi32>,
      %broadcast_in_dim3A_351 = arith.constant 0xFF800000 : f32
      %broadcast_in_dim3A_352 = vector.broadcast %broadcast_in_dim3A_351 : f32 to vector<16xf32>
      %broadcast_in_dim3A_353 = arith.constant 0xFF800000 : f32
      %broadcast_in_dim3A_354 = vector.broadcast %broadcast_in_dim3A_353 : f32 to vector<16xf32>
      %broadcast_in_dim3A_355 = arith.constant 0xFF800000 : f32
      %broadcast_in_dim3A_356 = vector.broadcast %broadcast_in_dim3A_355 : f32 to vector<16xf32>
      %broadcast_in_dim3A_357 = arith.constant 0xFF800000 : f32
      %broadcast_in_dim3A_358 = vector.broadcast %broadcast_in_dim3A_357 : f32 to vector<16xf32>
      %broadcast_in_dim3A_359 = arith.constant 0xFF800000 : f32
      %broadcast_in_dim3A_360 = vector.broadcast %broadcast_in_dim3A_359 : f32 to vector<16xf32>
      %broadcast_in_dim3A_361 = arith.constant 0xFF800000 : f32
      %broadcast_in_dim3A_362 = vector.broadcast %broadcast_in_dim3A_361 : f32 to vector<16xf32>
      %broadcast_in_dim3A_363 = arith.constant 0xFF800000 : f32
      %broadcast_in_dim3A_364 = vector.broadcast %broadcast_in_dim3A_363 : f32 to vector<16xf32>
      %broadcast_in_dim3A_365 = arith.constant 0xFF800000 : f32
      %broadcast_in_dim3A_366 = vector.broadcast %broadcast_in_dim3A_365 : f32 to vector<16xf32>
      %scan3A_367 = arith.constant -65536 : i32
      %scan3A_368 = arith.constant 0 : i32
      %scan3A_369 = arith.constant 32 : i32
      %scan3A_370 = arith.addi %scan3A_368, %scan3A_369 : i32
      %scan3A_371 = arith.constant 1 : i32
      %scan3A_372:8 = scf.for %scan3A_1132 = %scan3A_368 to %scan3A_370 step %scan3A_371 iter_args(%scan3A_1133 = %broadcast_in_dim3A_352, %scan3A_1134 = %broadcast_in_dim3A_354, %scan3A_1135 = %broadcast_in_dim3A_356, %scan3A_1136 = %broadcast_in_dim3A_358, %scan3A_1137 = %broadcast_in_dim3A_360, %scan3A_1138 = %broadcast_in_dim3A_362, %scan3A_1139 = %broadcast_in_dim3A_364, %scan3A_1140 = %broadcast_in_dim3A_366) -> (vector<16xf32>, vector<16xf32>, vector<16xf32>, vector<16xf32>, vector<16xf32>, vector<16xf32>, vector<16xf32>, vector<16xf32>)  : i32 {
        %add3A_1141 = arith.constant 64 : i32
        %add3A_1142 = arith.addi %add3A_1141, %scan3A_1132 : i32
        %get3A = arith.constant 0 : i32
        %get3A_1143 = arith.index_cast %get3A : i32 to index
        %get3A_1144 = arith.index_cast %add3A_1142 : i32 to index
        %get3A_1145 = arith.constant 0 : index
        %get3A_1146 = tpu.vector_load %arg9[%get3A_1143, %get3A_1144, %get3A_1145] {strides = array<i32>} : memref<2x128x64xi32, #tpu.memory_space<vmem>>, vector<16xi32>,
        %shift_left3A = arith.constant 16 : i32
        %shift_left3A_1147 = vector.broadcast %shift_left3A : i32 to vector<16xi32>
        %shift_left3A_1148 = arith.shli %get3A_1146, %shift_left3A_1147 : vector<16xi32>
        %bitcast3A_1149 = vector.bitcast %shift_left3A_1148 : vector<16xi32> to vector<16xf32>
        %and3A_1150 = vector.broadcast %scan3A_367 : i32 to vector<16xi32>
        %and3A_1151 = arith.andi %get3A_1146, %and3A_1150 : vector<16xi32>
        %bitcast3A_1152 = vector.bitcast %and3A_1151 : vector<16xi32> to vector<16xf32>
        %get3A_1153 = arith.constant 0 : i32
        %get3A_1154 = arith.index_cast %get3A_1153 : i32 to index
        %get3A_1155 = arith.index_cast %add3A_1142 : i32 to index
        %get3A_1156 = arith.constant 0 : index
        %get3A_1157 = tpu.vector_load %arg10[%get3A_1154, %get3A_1155, %get3A_1156] {strides = array<i32>} : memref<2x128x64xi32, #tpu.memory_space<vmem>>, vector<16xi32>,
        %shift_left3A_1158 = arith.constant 16 : i32
        %shift_left3A_1159 = vector.broadcast %shift_left3A_1158 : i32 to vector<16xi32>
        %shift_left3A_1160 = arith.shli %get3A_1157, %shift_left3A_1159 : vector<16xi32>
        %bitcast3A_1161 = vector.bitcast %shift_left3A_1160 : vector<16xi32> to vector<16xf32>
        %and3A_1162 = vector.broadcast %scan3A_367 : i32 to vector<16xi32>
        %and3A_1163 = arith.andi %get3A_1157, %and3A_1162 : vector<16xi32>
        %bitcast3A_1164 = vector.bitcast %and3A_1163 : vector<16xi32> to vector<16xf32>
        %add3A_1165 = arith.addf %bitcast3A_1149, %bitcast3A_1161 : vector<16xf32>
        %max3A_1166 = arith.maximumf %scan3A_1133, %add3A_1165 : vector<16xf32>
        %add3A_1167 = arith.addf %bitcast3A_1152, %bitcast3A_1164 : vector<16xf32>
        %max3A_1168 = arith.maximumf %scan3A_1134, %add3A_1167 : vector<16xf32>
        %get3A_1169 = arith.constant 0 : i32
        %get3A_1170 = arith.index_cast %get3A_1169 : i32 to index
        %get3A_1171 = arith.index_cast %add3A_1142 : i32 to index
        %get3A_1172 = arith.constant 16 : index
        %get3A_1173 = tpu.vector_load %arg9[%get3A_1170, %get3A_1171, %get3A_1172] {strides = array<i32>} : memref<2x128x64xi32, #tpu.memory_space<vmem>>, vector<16xi32>,
        %shift_left3A_1174 = arith.constant 16 : i32
        %shift_left3A_1175 = vector.broadcast %shift_left3A_1174 : i32 to vector<16xi32>
        %shift_left3A_1176 = arith.shli %get3A_1173, %shift_left3A_1175 : vector<16xi32>
        %bitcast3A_1177 = vector.bitcast %shift_left3A_1176 : vector<16xi32> to vector<16xf32>
        %and3A_1178 = vector.broadcast %scan3A_367 : i32 to vector<16xi32>
        %and3A_1179 = arith.andi %get3A_1173, %and3A_1178 : vector<16xi32>
        %bitcast3A_1180 = vector.bitcast %and3A_1179 : vector<16xi32> to vector<16xf32>
        %get3A_1181 = arith.constant 0 : i32
        %get3A_1182 = arith.index_cast %get3A_1181 : i32 to index
        %get3A_1183 = arith.index_cast %add3A_1142 : i32 to index
        %get3A_1184 = arith.constant 16 : index
        %get3A_1185 = tpu.vector_load %arg10[%get3A_1182, %get3A_1183, %get3A_1184] {strides = array<i32>} : memref<2x128x64xi32, #tpu.memory_space<vmem>>, vector<16xi32>,
        %shift_left3A_1186 = arith.constant 16 : i32
        %shift_left3A_1187 = vector.broadcast %shift_left3A_1186 : i32 to vector<16xi32>
        %shift_left3A_1188 = arith.shli %get3A_1185, %shift_left3A_1187 : vector<16xi32>
        %bitcast3A_1189 = vector.bitcast %shift_left3A_1188 : vector<16xi32> to vector<16xf32>
        %and3A_1190 = vector.broadcast %scan3A_367 : i32 to vector<16xi32>
        %and3A_1191 = arith.andi %get3A_1185, %and3A_1190 : vector<16xi32>
        %bitcast3A_1192 = vector.bitcast %and3A_1191 : vector<16xi32> to vector<16xf32>
        %add3A_1193 = arith.addf %bitcast3A_1177, %bitcast3A_1189 : vector<16xf32>
        %max3A_1194 = arith.maximumf %scan3A_1135, %add3A_1193 : vector<16xf32>
        %add3A_1195 = arith.addf %bitcast3A_1180, %bitcast3A_1192 : vector<16xf32>
        %max3A_1196 = arith.maximumf %scan3A_1136, %add3A_1195 : vector<16xf32>
        %get3A_1197 = arith.constant 0 : i32
        %get3A_1198 = arith.index_cast %get3A_1197 : i32 to index
        %get3A_1199 = arith.index_cast %add3A_1142 : i32 to index
        %get3A_1200 = arith.constant 32 : index
        %get3A_1201 = tpu.vector_load %arg9[%get3A_1198, %get3A_1199, %get3A_1200] {strides = array<i32>} : memref<2x128x64xi32, #tpu.memory_space<vmem>>, vector<16xi32>,
        %shift_left3A_1202 = arith.constant 16 : i32
        %shift_left3A_1203 = vector.broadcast %shift_left3A_1202 : i32 to vector<16xi32>
        %shift_left3A_1204 = arith.shli %get3A_1201, %shift_left3A_1203 : vector<16xi32>
        %bitcast3A_1205 = vector.bitcast %shift_left3A_1204 : vector<16xi32> to vector<16xf32>
        %and3A_1206 = vector.broadcast %scan3A_367 : i32 to vector<16xi32>
        %and3A_1207 = arith.andi %get3A_1201, %and3A_1206 : vector<16xi32>
        %bitcast3A_1208 = vector.bitcast %and3A_1207 : vector<16xi32> to vector<16xf32>
        %get3A_1209 = arith.constant 0 : i32
        %get3A_1210 = arith.index_cast %get3A_1209 : i32 to index
        %get3A_1211 = arith.index_cast %add3A_1142 : i32 to index
        %get3A_1212 = arith.constant 32 : index
        %get3A_1213 = tpu.vector_load %arg10[%get3A_1210, %get3A_1211, %get3A_1212] {strides = array<i32>} : memref<2x128x64xi32, #tpu.memory_space<vmem>>, vector<16xi32>,
        %shift_left3A_1214 = arith.constant 16 : i32
        %shift_left3A_1215 = vector.broadcast %shift_left3A_1214 : i32 to vector<16xi32>
        %shift_left3A_1216 = arith.shli %get3A_1213, %shift_left3A_1215 : vector<16xi32>
        %bitcast3A_1217 = vector.bitcast %shift_left3A_1216 : vector<16xi32> to vector<16xf32>
        %and3A_1218 = vector.broadcast %scan3A_367 : i32 to vector<16xi32>
        %and3A_1219 = arith.andi %get3A_1213, %and3A_1218 : vector<16xi32>
        %bitcast3A_1220 = vector.bitcast %and3A_1219 : vector<16xi32> to vector<16xf32>
        %add3A_1221 = arith.addf %bitcast3A_1205, %bitcast3A_1217 : vector<16xf32>
        %max3A_1222 = arith.maximumf %scan3A_1137, %add3A_1221 : vector<16xf32>
        %add3A_1223 = arith.addf %bitcast3A_1208, %bitcast3A_1220 : vector<16xf32>
        %max3A_1224 = arith.maximumf %scan3A_1138, %add3A_1223 : vector<16xf32>
        %get3A_1225 = arith.constant 0 : i32
        %get3A_1226 = arith.index_cast %get3A_1225 : i32 to index
        %get3A_1227 = arith.index_cast %add3A_1142 : i32 to index
        %get3A_1228 = arith.constant 48 : index
        %get3A_1229 = tpu.vector_load %arg9[%get3A_1226, %get3A_1227, %get3A_1228] {strides = array<i32>} : memref<2x128x64xi32, #tpu.memory_space<vmem>>, vector<16xi32>,
        %shift_left3A_1230 = arith.constant 16 : i32
        %shift_left3A_1231 = vector.broadcast %shift_left3A_1230 : i32 to vector<16xi32>
        %shift_left3A_1232 = arith.shli %get3A_1229, %shift_left3A_1231 : vector<16xi32>
        %bitcast3A_1233 = vector.bitcast %shift_left3A_1232 : vector<16xi32> to vector<16xf32>
        %and3A_1234 = vector.broadcast %scan3A_367 : i32 to vector<16xi32>
        %and3A_1235 = arith.andi %get3A_1229, %and3A_1234 : vector<16xi32>
        %bitcast3A_1236 = vector.bitcast %and3A_1235 : vector<16xi32> to vector<16xf32>
        %get3A_1237 = arith.constant 0 : i32
        %get3A_1238 = arith.index_cast %get3A_1237 : i32 to index
        %get3A_1239 = arith.index_cast %add3A_1142 : i32 to index
        %get3A_1240 = arith.constant 48 : index
        %get3A_1241 = tpu.vector_load %arg10[%get3A_1238, %get3A_1239, %get3A_1240] {strides = array<i32>} : memref<2x128x64xi32, #tpu.memory_space<vmem>>, vector<16xi32>,
        %shift_left3A_1242 = arith.constant 16 : i32
        %shift_left3A_1243 = vector.broadcast %shift_left3A_1242 : i32 to vector<16xi32>
        %shift_left3A_1244 = arith.shli %get3A_1241, %shift_left3A_1243 : vector<16xi32>
        %bitcast3A_1245 = vector.bitcast %shift_left3A_1244 : vector<16xi32> to vector<16xf32>
        %and3A_1246 = vector.broadcast %scan3A_367 : i32 to vector<16xi32>
        %and3A_1247 = arith.andi %get3A_1241, %and3A_1246 : vector<16xi32>
        %bitcast3A_1248 = vector.bitcast %and3A_1247 : vector<16xi32> to vector<16xf32>
        %add3A_1249 = arith.addf %bitcast3A_1233, %bitcast3A_1245 : vector<16xf32>
        %max3A_1250 = arith.maximumf %scan3A_1139, %add3A_1249 : vector<16xf32>
        %add3A_1251 = arith.addf %bitcast3A_1236, %bitcast3A_1248 : vector<16xf32>
        %max3A_1252 = arith.maximumf %scan3A_1140, %add3A_1251 : vector<16xf32>
        scf.yield %max3A_1166, %max3A_1168, %max3A_1194, %max3A_1196, %max3A_1222, %max3A_1224, %max3A_1250, %max3A_1252 : vector<16xf32>, vector<16xf32>, vector<16xf32>, vector<16xf32>, vector<16xf32>, vector<16xf32>, vector<16xf32>, vector<16xf32>
      }
      %scan3A_373 = arith.constant 32 : i32
      %max3A_374 = arith.constant 0.000000e+00 : f32
      %max3A_375 = vector.broadcast %max3A_374 : f32 to vector<16xf32>
      %max3A_376 = arith.maximumf %scan3A_372#0, %max3A_375 : vector<16xf32>
      %max3A_377 = arith.constant 0.000000e+00 : f32
      %max3A_378 = vector.broadcast %max3A_377 : f32 to vector<16xf32>
      %max3A_379 = arith.maximumf %scan3A_372#1, %max3A_378 : vector<16xf32>
      %bitcast3A_380 = vector.bitcast %max3A_376 : vector<16xf32> to vector<16xi32>
      %add3A_381 = arith.constant 32768 : i32
      %add3A_382 = vector.broadcast %add3A_381 : i32 to vector<16xi32>
      %add3A_383 = arith.addi %bitcast3A_380, %add3A_382 : vector<16xi32>
      %shift_right_logical3A_384 = arith.constant 16 : i32
      %shift_right_logical3A_385 = vector.broadcast %shift_right_logical3A_384 : i32 to vector<16xi32>
      %shift_right_logical3A_386 = arith.shrui %add3A_383, %shift_right_logical3A_385 : vector<16xi32>
      %bitcast3A_387 = vector.bitcast %max3A_379 : vector<16xf32> to vector<16xi32>
      %add3A_388 = arith.constant 32768 : i32
      %add3A_389 = vector.broadcast %add3A_388 : i32 to vector<16xi32>
      %add3A_390 = arith.addi %bitcast3A_387, %add3A_389 : vector<16xi32>
      %and3A_391 = arith.constant -65536 : i32
      %and3A_392 = vector.broadcast %and3A_391 : i32 to vector<16xi32>
      %and3A_393 = arith.andi %add3A_390, %and3A_392 : vector<16xi32>
      %or3A_394 = arith.ori %shift_right_logical3A_386, %and3A_393 : vector<16xi32>
      %swap3A_395 = arith.constant 2 : i32
      %swap3A_396 = arith.index_cast %swap3A_395 : i32 to index
      %swap3A_397 = arith.constant 0 : index
      %swap3A_398 = tpu.vector_load %arg11[%swap3A_396, %swap3A_397] {strides = array<i32>} : memref<4x64xi32, #tpu.memory_space<vmem>>, vector<16xi32>,
      tpu.vector_store %arg11[%swap3A_396, %swap3A_397], %or3A_394 {strides = array<i32>} : memref<4x64xi32, #tpu.memory_space<vmem>>, vector<16xi32>,
      %max3A_399 = arith.constant 0.000000e+00 : f32
      %max3A_400 = vector.broadcast %max3A_399 : f32 to vector<16xf32>
      %max3A_401 = arith.maximumf %scan3A_372#2, %max3A_400 : vector<16xf32>
      %max3A_402 = arith.constant 0.000000e+00 : f32
      %max3A_403 = vector.broadcast %max3A_402 : f32 to vector<16xf32>
      %max3A_404 = arith.maximumf %scan3A_372#3, %max3A_403 : vector<16xf32>
      %bitcast3A_405 = vector.bitcast %max3A_401 : vector<16xf32> to vector<16xi32>
      %add3A_406 = arith.constant 32768 : i32
      %add3A_407 = vector.broadcast %add3A_406 : i32 to vector<16xi32>
      %add3A_408 = arith.addi %bitcast3A_405, %add3A_407 : vector<16xi32>
      %shift_right_logical3A_409 = arith.constant 16 : i32
      %shift_right_logical3A_410 = vector.broadcast %shift_right_logical3A_409 : i32 to vector<16xi32>
      %shift_right_logical3A_411 = arith.shrui %add3A_408, %shift_right_logical3A_410 : vector<16xi32>
      %bitcast3A_412 = vector.bitcast %max3A_404 : vector<16xf32> to vector<16xi32>
      %add3A_413 = arith.constant 32768 : i32
      %add3A_414 = vector.broadcast %add3A_413 : i32 to vector<16xi32>
      %add3A_415 = arith.addi %bitcast3A_412, %add3A_414 : vector<16xi32>
      %and3A_416 = arith.constant -65536 : i32
      %and3A_417 = vector.broadcast %and3A_416 : i32 to vector<16xi32>
      %and3A_418 = arith.andi %add3A_415, %and3A_417 : vector<16xi32>
      %or3A_419 = arith.ori %shift_right_logical3A_411, %and3A_418 : vector<16xi32>
      %swap3A_420 = arith.constant 2 : i32
      %swap3A_421 = arith.index_cast %swap3A_420 : i32 to index
      %swap3A_422 = arith.constant 16 : index
      %swap3A_423 = tpu.vector_load %arg11[%swap3A_421, %swap3A_422] {strides = array<i32>} : memref<4x64xi32, #tpu.memory_space<vmem>>, vector<16xi32>,
      tpu.vector_store %arg11[%swap3A_421, %swap3A_422], %or3A_419 {strides = array<i32>} : memref<4x64xi32, #tpu.memory_space<vmem>>, vector<16xi32>,
      %max3A_424 = arith.constant 0.000000e+00 : f32
      %max3A_425 = vector.broadcast %max3A_424 : f32 to vector<16xf32>
      %max3A_426 = arith.maximumf %scan3A_372#4, %max3A_425 : vector<16xf32>
      %max3A_427 = arith.constant 0.000000e+00 : f32
      %max3A_428 = vector.broadcast %max3A_427 : f32 to vector<16xf32>
      %max3A_429 = arith.maximumf %scan3A_372#5, %max3A_428 : vector<16xf32>
      %bitcast3A_430 = vector.bitcast %max3A_426 : vector<16xf32> to vector<16xi32>
      %add3A_431 = arith.constant 32768 : i32
      %add3A_432 = vector.broadcast %add3A_431 : i32 to vector<16xi32>
      %add3A_433 = arith.addi %bitcast3A_430, %add3A_432 : vector<16xi32>
      %shift_right_logical3A_434 = arith.constant 16 : i32
      %shift_right_logical3A_435 = vector.broadcast %shift_right_logical3A_434 : i32 to vector<16xi32>
      %shift_right_logical3A_436 = arith.shrui %add3A_433, %shift_right_logical3A_435 : vector<16xi32>
      %bitcast3A_437 = vector.bitcast %max3A_429 : vector<16xf32> to vector<16xi32>
      %add3A_438 = arith.constant 32768 : i32
      %add3A_439 = vector.broadcast %add3A_438 : i32 to vector<16xi32>
      %add3A_440 = arith.addi %bitcast3A_437, %add3A_439 : vector<16xi32>
      %and3A_441 = arith.constant -65536 : i32
      %and3A_442 = vector.broadcast %and3A_441 : i32 to vector<16xi32>
      %and3A_443 = arith.andi %add3A_440, %and3A_442 : vector<16xi32>
      %or3A_444 = arith.ori %shift_right_logical3A_436, %and3A_443 : vector<16xi32>
      %swap3A_445 = arith.constant 2 : i32
      %swap3A_446 = arith.index_cast %swap3A_445 : i32 to index
      %swap3A_447 = arith.constant 32 : index
      %swap3A_448 = tpu.vector_load %arg11[%swap3A_446, %swap3A_447] {strides = array<i32>} : memref<4x64xi32, #tpu.memory_space<vmem>>, vector<16xi32>,
      tpu.vector_store %arg11[%swap3A_446, %swap3A_447], %or3A_444 {strides = array<i32>} : memref<4x64xi32, #tpu.memory_space<vmem>>, vector<16xi32>,
      %max3A_449 = arith.constant 0.000000e+00 : f32
      %max3A_450 = vector.broadcast %max3A_449 : f32 to vector<16xf32>
      %max3A_451 = arith.maximumf %scan3A_372#6, %max3A_450 : vector<16xf32>
      %max3A_452 = arith.constant 0.000000e+00 : f32
      %max3A_453 = vector.broadcast %max3A_452 : f32 to vector<16xf32>
      %max3A_454 = arith.maximumf %scan3A_372#7, %max3A_453 : vector<16xf32>
      %bitcast3A_455 = vector.bitcast %max3A_451 : vector<16xf32> to vector<16xi32>
      %add3A_456 = arith.constant 32768 : i32
      %add3A_457 = vector.broadcast %add3A_456 : i32 to vector<16xi32>
      %add3A_458 = arith.addi %bitcast3A_455, %add3A_457 : vector<16xi32>
      %shift_right_logical3A_459 = arith.constant 16 : i32
      %shift_right_logical3A_460 = vector.broadcast %shift_right_logical3A_459 : i32 to vector<16xi32>
      %shift_right_logical3A_461 = arith.shrui %add3A_458, %shift_right_logical3A_460 : vector<16xi32>
      %bitcast3A_462 = vector.bitcast %max3A_454 : vector<16xf32> to vector<16xi32>
      %add3A_463 = arith.constant 32768 : i32
      %add3A_464 = vector.broadcast %add3A_463 : i32 to vector<16xi32>
      %add3A_465 = arith.addi %bitcast3A_462, %add3A_464 : vector<16xi32>
      %and3A_466 = arith.constant -65536 : i32
      %and3A_467 = vector.broadcast %and3A_466 : i32 to vector<16xi32>
      %and3A_468 = arith.andi %add3A_465, %and3A_467 : vector<16xi32>
      %or3A_469 = arith.ori %shift_right_logical3A_461, %and3A_468 : vector<16xi32>
      %swap3A_470 = arith.constant 2 : i32
      %swap3A_471 = arith.index_cast %swap3A_470 : i32 to index
      %swap3A_472 = arith.constant 48 : index
      %swap3A_473 = tpu.vector_load %arg11[%swap3A_471, %swap3A_472] {strides = array<i32>} : memref<4x64xi32, #tpu.memory_space<vmem>>, vector<16xi32>,
      tpu.vector_store %arg11[%swap3A_471, %swap3A_472], %or3A_469 {strides = array<i32>} : memref<4x64xi32, #tpu.memory_space<vmem>>, vector<16xi32>,
      %broadcast_in_dim3A_474 = arith.constant 0xFF800000 : f32
      %broadcast_in_dim3A_475 = vector.broadcast %broadcast_in_dim3A_474 : f32 to vector<16xf32>
      %broadcast_in_dim3A_476 = arith.constant 0xFF800000 : f32
      %broadcast_in_dim3A_477 = vector.broadcast %broadcast_in_dim3A_476 : f32 to vector<16xf32>
      %broadcast_in_dim3A_478 = arith.constant 0xFF800000 : f32
      %broadcast_in_dim3A_479 = vector.broadcast %broadcast_in_dim3A_478 : f32 to vector<16xf32>
      %broadcast_in_dim3A_480 = arith.constant 0xFF800000 : f32
      %broadcast_in_dim3A_481 = vector.broadcast %broadcast_in_dim3A_480 : f32 to vector<16xf32>
      %broadcast_in_dim3A_482 = arith.constant 0xFF800000 : f32
      %broadcast_in_dim3A_483 = vector.broadcast %broadcast_in_dim3A_482 : f32 to vector<16xf32>
      %broadcast_in_dim3A_484 = arith.constant 0xFF800000 : f32
      %broadcast_in_dim3A_485 = vector.broadcast %broadcast_in_dim3A_484 : f32 to vector<16xf32>
      %broadcast_in_dim3A_486 = arith.constant 0xFF800000 : f32
      %broadcast_in_dim3A_487 = vector.broadcast %broadcast_in_dim3A_486 : f32 to vector<16xf32>
      %broadcast_in_dim3A_488 = arith.constant 0xFF800000 : f32
      %broadcast_in_dim3A_489 = vector.broadcast %broadcast_in_dim3A_488 : f32 to vector<16xf32>
      %scan3A_490 = arith.constant -65536 : i32
      %scan3A_491 = arith.constant 0 : i32
      %scan3A_492 = arith.constant 32 : i32
      %scan3A_493 = arith.addi %scan3A_491, %scan3A_492 : i32
      %scan3A_494 = arith.constant 1 : i32
      %scan3A_495:8 = scf.for %scan3A_1132 = %scan3A_491 to %scan3A_493 step %scan3A_494 iter_args(%scan3A_1133 = %broadcast_in_dim3A_475, %scan3A_1134 = %broadcast_in_dim3A_477, %scan3A_1135 = %broadcast_in_dim3A_479, %scan3A_1136 = %broadcast_in_dim3A_481, %scan3A_1137 = %broadcast_in_dim3A_483, %scan3A_1138 = %broadcast_in_dim3A_485, %scan3A_1139 = %broadcast_in_dim3A_487, %scan3A_1140 = %broadcast_in_dim3A_489) -> (vector<16xf32>, vector<16xf32>, vector<16xf32>, vector<16xf32>, vector<16xf32>, vector<16xf32>, vector<16xf32>, vector<16xf32>)  : i32 {
        %add3A_1141 = arith.constant 96 : i32
        %add3A_1142 = arith.addi %add3A_1141, %scan3A_1132 : i32
        %get3A = arith.constant 0 : i32
        %get3A_1143 = arith.index_cast %get3A : i32 to index
        %get3A_1144 = arith.index_cast %add3A_1142 : i32 to index
        %get3A_1145 = arith.constant 0 : index
        %get3A_1146 = tpu.vector_load %arg9[%get3A_1143, %get3A_1144, %get3A_1145] {strides = array<i32>} : memref<2x128x64xi32, #tpu.memory_space<vmem>>, vector<16xi32>,
        %shift_left3A = arith.constant 16 : i32
        %shift_left3A_1147 = vector.broadcast %shift_left3A : i32 to vector<16xi32>
        %shift_left3A_1148 = arith.shli %get3A_1146, %shift_left3A_1147 : vector<16xi32>
        %bitcast3A_1149 = vector.bitcast %shift_left3A_1148 : vector<16xi32> to vector<16xf32>
        %and3A_1150 = vector.broadcast %scan3A_490 : i32 to vector<16xi32>
        %and3A_1151 = arith.andi %get3A_1146, %and3A_1150 : vector<16xi32>
        %bitcast3A_1152 = vector.bitcast %and3A_1151 : vector<16xi32> to vector<16xf32>
        %get3A_1153 = arith.constant 0 : i32
        %get3A_1154 = arith.index_cast %get3A_1153 : i32 to index
        %get3A_1155 = arith.index_cast %add3A_1142 : i32 to index
        %get3A_1156 = arith.constant 0 : index
        %get3A_1157 = tpu.vector_load %arg10[%get3A_1154, %get3A_1155, %get3A_1156] {strides = array<i32>} : memref<2x128x64xi32, #tpu.memory_space<vmem>>, vector<16xi32>,
        %shift_left3A_1158 = arith.constant 16 : i32
        %shift_left3A_1159 = vector.broadcast %shift_left3A_1158 : i32 to vector<16xi32>
        %shift_left3A_1160 = arith.shli %get3A_1157, %shift_left3A_1159 : vector<16xi32>
        %bitcast3A_1161 = vector.bitcast %shift_left3A_1160 : vector<16xi32> to vector<16xf32>
        %and3A_1162 = vector.broadcast %scan3A_490 : i32 to vector<16xi32>
        %and3A_1163 = arith.andi %get3A_1157, %and3A_1162 : vector<16xi32>
        %bitcast3A_1164 = vector.bitcast %and3A_1163 : vector<16xi32> to vector<16xf32>
        %add3A_1165 = arith.addf %bitcast3A_1149, %bitcast3A_1161 : vector<16xf32>
        %max3A_1166 = arith.maximumf %scan3A_1133, %add3A_1165 : vector<16xf32>
        %add3A_1167 = arith.addf %bitcast3A_1152, %bitcast3A_1164 : vector<16xf32>
        %max3A_1168 = arith.maximumf %scan3A_1134, %add3A_1167 : vector<16xf32>
        %get3A_1169 = arith.constant 0 : i32
        %get3A_1170 = arith.index_cast %get3A_1169 : i32 to index
        %get3A_1171 = arith.index_cast %add3A_1142 : i32 to index
        %get3A_1172 = arith.constant 16 : index
        %get3A_1173 = tpu.vector_load %arg9[%get3A_1170, %get3A_1171, %get3A_1172] {strides = array<i32>} : memref<2x128x64xi32, #tpu.memory_space<vmem>>, vector<16xi32>,
        %shift_left3A_1174 = arith.constant 16 : i32
        %shift_left3A_1175 = vector.broadcast %shift_left3A_1174 : i32 to vector<16xi32>
        %shift_left3A_1176 = arith.shli %get3A_1173, %shift_left3A_1175 : vector<16xi32>
        %bitcast3A_1177 = vector.bitcast %shift_left3A_1176 : vector<16xi32> to vector<16xf32>
        %and3A_1178 = vector.broadcast %scan3A_490 : i32 to vector<16xi32>
        %and3A_1179 = arith.andi %get3A_1173, %and3A_1178 : vector<16xi32>
        %bitcast3A_1180 = vector.bitcast %and3A_1179 : vector<16xi32> to vector<16xf32>
        %get3A_1181 = arith.constant 0 : i32
        %get3A_1182 = arith.index_cast %get3A_1181 : i32 to index
        %get3A_1183 = arith.index_cast %add3A_1142 : i32 to index
        %get3A_1184 = arith.constant 16 : index
        %get3A_1185 = tpu.vector_load %arg10[%get3A_1182, %get3A_1183, %get3A_1184] {strides = array<i32>} : memref<2x128x64xi32, #tpu.memory_space<vmem>>, vector<16xi32>,
        %shift_left3A_1186 = arith.constant 16 : i32
        %shift_left3A_1187 = vector.broadcast %shift_left3A_1186 : i32 to vector<16xi32>
        %shift_left3A_1188 = arith.shli %get3A_1185, %shift_left3A_1187 : vector<16xi32>
        %bitcast3A_1189 = vector.bitcast %shift_left3A_1188 : vector<16xi32> to vector<16xf32>
        %and3A_1190 = vector.broadcast %scan3A_490 : i32 to vector<16xi32>
        %and3A_1191 = arith.andi %get3A_1185, %and3A_1190 : vector<16xi32>
        %bitcast3A_1192 = vector.bitcast %and3A_1191 : vector<16xi32> to vector<16xf32>
        %add3A_1193 = arith.addf %bitcast3A_1177, %bitcast3A_1189 : vector<16xf32>
        %max3A_1194 = arith.maximumf %scan3A_1135, %add3A_1193 : vector<16xf32>
        %add3A_1195 = arith.addf %bitcast3A_1180, %bitcast3A_1192 : vector<16xf32>
        %max3A_1196 = arith.maximumf %scan3A_1136, %add3A_1195 : vector<16xf32>
        %get3A_1197 = arith.constant 0 : i32
        %get3A_1198 = arith.index_cast %get3A_1197 : i32 to index
        %get3A_1199 = arith.index_cast %add3A_1142 : i32 to index
        %get3A_1200 = arith.constant 32 : index
        %get3A_1201 = tpu.vector_load %arg9[%get3A_1198, %get3A_1199, %get3A_1200] {strides = array<i32>} : memref<2x128x64xi32, #tpu.memory_space<vmem>>, vector<16xi32>,
        %shift_left3A_1202 = arith.constant 16 : i32
        %shift_left3A_1203 = vector.broadcast %shift_left3A_1202 : i32 to vector<16xi32>
        %shift_left3A_1204 = arith.shli %get3A_1201, %shift_left3A_1203 : vector<16xi32>
        %bitcast3A_1205 = vector.bitcast %shift_left3A_1204 : vector<16xi32> to vector<16xf32>
        %and3A_1206 = vector.broadcast %scan3A_490 : i32 to vector<16xi32>
        %and3A_1207 = arith.andi %get3A_1201, %and3A_1206 : vector<16xi32>
        %bitcast3A_1208 = vector.bitcast %and3A_1207 : vector<16xi32> to vector<16xf32>
        %get3A_1209 = arith.constant 0 : i32
        %get3A_1210 = arith.index_cast %get3A_1209 : i32 to index
        %get3A_1211 = arith.index_cast %add3A_1142 : i32 to index
        %get3A_1212 = arith.constant 32 : index
        %get3A_1213 = tpu.vector_load %arg10[%get3A_1210, %get3A_1211, %get3A_1212] {strides = array<i32>} : memref<2x128x64xi32, #tpu.memory_space<vmem>>, vector<16xi32>,
        %shift_left3A_1214 = arith.constant 16 : i32
        %shift_left3A_1215 = vector.broadcast %shift_left3A_1214 : i32 to vector<16xi32>
        %shift_left3A_1216 = arith.shli %get3A_1213, %shift_left3A_1215 : vector<16xi32>
        %bitcast3A_1217 = vector.bitcast %shift_left3A_1216 : vector<16xi32> to vector<16xf32>
        %and3A_1218 = vector.broadcast %scan3A_490 : i32 to vector<16xi32>
        %and3A_1219 = arith.andi %get3A_1213, %and3A_1218 : vector<16xi32>
        %bitcast3A_1220 = vector.bitcast %and3A_1219 : vector<16xi32> to vector<16xf32>
        %add3A_1221 = arith.addf %bitcast3A_1205, %bitcast3A_1217 : vector<16xf32>
        %max3A_1222 = arith.maximumf %scan3A_1137, %add3A_1221 : vector<16xf32>
        %add3A_1223 = arith.addf %bitcast3A_1208, %bitcast3A_1220 : vector<16xf32>
        %max3A_1224 = arith.maximumf %scan3A_1138, %add3A_1223 : vector<16xf32>
        %get3A_1225 = arith.constant 0 : i32
        %get3A_1226 = arith.index_cast %get3A_1225 : i32 to index
        %get3A_1227 = arith.index_cast %add3A_1142 : i32 to index
        %get3A_1228 = arith.constant 48 : index
        %get3A_1229 = tpu.vector_load %arg9[%get3A_1226, %get3A_1227, %get3A_1228] {strides = array<i32>} : memref<2x128x64xi32, #tpu.memory_space<vmem>>, vector<16xi32>,
        %shift_left3A_1230 = arith.constant 16 : i32
        %shift_left3A_1231 = vector.broadcast %shift_left3A_1230 : i32 to vector<16xi32>
        %shift_left3A_1232 = arith.shli %get3A_1229, %shift_left3A_1231 : vector<16xi32>
        %bitcast3A_1233 = vector.bitcast %shift_left3A_1232 : vector<16xi32> to vector<16xf32>
        %and3A_1234 = vector.broadcast %scan3A_490 : i32 to vector<16xi32>
        %and3A_1235 = arith.andi %get3A_1229, %and3A_1234 : vector<16xi32>
        %bitcast3A_1236 = vector.bitcast %and3A_1235 : vector<16xi32> to vector<16xf32>
        %get3A_1237 = arith.constant 0 : i32
        %get3A_1238 = arith.index_cast %get3A_1237 : i32 to index
        %get3A_1239 = arith.index_cast %add3A_1142 : i32 to index
        %get3A_1240 = arith.constant 48 : index
        %get3A_1241 = tpu.vector_load %arg10[%get3A_1238, %get3A_1239, %get3A_1240] {strides = array<i32>} : memref<2x128x64xi32, #tpu.memory_space<vmem>>, vector<16xi32>,
        %shift_left3A_1242 = arith.constant 16 : i32
        %shift_left3A_1243 = vector.broadcast %shift_left3A_1242 : i32 to vector<16xi32>
        %shift_left3A_1244 = arith.shli %get3A_1241, %shift_left3A_1243 : vector<16xi32>
        %bitcast3A_1245 = vector.bitcast %shift_left3A_1244 : vector<16xi32> to vector<16xf32>
        %and3A_1246 = vector.broadcast %scan3A_490 : i32 to vector<16xi32>
        %and3A_1247 = arith.andi %get3A_1241, %and3A_1246 : vector<16xi32>
        %bitcast3A_1248 = vector.bitcast %and3A_1247 : vector<16xi32> to vector<16xf32>
        %add3A_1249 = arith.addf %bitcast3A_1233, %bitcast3A_1245 : vector<16xf32>
        %max3A_1250 = arith.maximumf %scan3A_1139, %add3A_1249 : vector<16xf32>
        %add3A_1251 = arith.addf %bitcast3A_1236, %bitcast3A_1248 : vector<16xf32>
        %max3A_1252 = arith.maximumf %scan3A_1140, %add3A_1251 : vector<16xf32>
        scf.yield %max3A_1166, %max3A_1168, %max3A_1194, %max3A_1196, %max3A_1222, %max3A_1224, %max3A_1250, %max3A_1252 : vector<16xf32>, vector<16xf32>, vector<16xf32>, vector<16xf32>, vector<16xf32>, vector<16xf32>, vector<16xf32>, vector<16xf32>
      }
      %scan3A_496 = arith.constant 32 : i32
      %max3A_497 = arith.constant 0.000000e+00 : f32
      %max3A_498 = vector.broadcast %max3A_497 : f32 to vector<16xf32>
      %max3A_499 = arith.maximumf %scan3A_495#0, %max3A_498 : vector<16xf32>
      %max3A_500 = arith.constant 0.000000e+00 : f32
      %max3A_501 = vector.broadcast %max3A_500 : f32 to vector<16xf32>
      %max3A_502 = arith.maximumf %scan3A_495#1, %max3A_501 : vector<16xf32>
      %bitcast3A_503 = vector.bitcast %max3A_499 : vector<16xf32> to vector<16xi32>
      %add3A_504 = arith.constant 32768 : i32
      %add3A_505 = vector.broadcast %add3A_504 : i32 to vector<16xi32>
      %add3A_506 = arith.addi %bitcast3A_503, %add3A_505 : vector<16xi32>
      %shift_right_logical3A_507 = arith.constant 16 : i32
      %shift_right_logical3A_508 = vector.broadcast %shift_right_logical3A_507 : i32 to vector<16xi32>
      %shift_right_logical3A_509 = arith.shrui %add3A_506, %shift_right_logical3A_508 : vector<16xi32>
      %bitcast3A_510 = vector.bitcast %max3A_502 : vector<16xf32> to vector<16xi32>
      %add3A_511 = arith.constant 32768 : i32
      %add3A_512 = vector.broadcast %add3A_511 : i32 to vector<16xi32>
      %add3A_513 = arith.addi %bitcast3A_510, %add3A_512 : vector<16xi32>
      %and3A_514 = arith.constant -65536 : i32
      %and3A_515 = vector.broadcast %and3A_514 : i32 to vector<16xi32>
      %and3A_516 = arith.andi %add3A_513, %and3A_515 : vector<16xi32>
      %or3A_517 = arith.ori %shift_right_logical3A_509, %and3A_516 : vector<16xi32>
      %swap3A_518 = arith.constant 3 : i32
      %swap3A_519 = arith.index_cast %swap3A_518 : i32 to index
      %swap3A_520 = arith.constant 0 : index
      %swap3A_521 = tpu.vector_load %arg11[%swap3A_519, %swap3A_520] {strides = array<i32>} : memref<4x64xi32, #tpu.memory_space<vmem>>, vector<16xi32>,
      tpu.vector_store %arg11[%swap3A_519, %swap3A_520], %or3A_517 {strides = array<i32>} : memref<4x64xi32, #tpu.memory_space<vmem>>, vector<16xi32>,
      %max3A_522 = arith.constant 0.000000e+00 : f32
      %max3A_523 = vector.broadcast %max3A_522 : f32 to vector<16xf32>
      %max3A_524 = arith.maximumf %scan3A_495#2, %max3A_523 : vector<16xf32>
      %max3A_525 = arith.constant 0.000000e+00 : f32
      %max3A_526 = vector.broadcast %max3A_525 : f32 to vector<16xf32>
      %max3A_527 = arith.maximumf %scan3A_495#3, %max3A_526 : vector<16xf32>
      %bitcast3A_528 = vector.bitcast %max3A_524 : vector<16xf32> to vector<16xi32>
      %add3A_529 = arith.constant 32768 : i32
      %add3A_530 = vector.broadcast %add3A_529 : i32 to vector<16xi32>
      %add3A_531 = arith.addi %bitcast3A_528, %add3A_530 : vector<16xi32>
      %shift_right_logical3A_532 = arith.constant 16 : i32
      %shift_right_logical3A_533 = vector.broadcast %shift_right_logical3A_532 : i32 to vector<16xi32>
      %shift_right_logical3A_534 = arith.shrui %add3A_531, %shift_right_logical3A_533 : vector<16xi32>
      %bitcast3A_535 = vector.bitcast %max3A_527 : vector<16xf32> to vector<16xi32>
      %add3A_536 = arith.constant 32768 : i32
      %add3A_537 = vector.broadcast %add3A_536 : i32 to vector<16xi32>
      %add3A_538 = arith.addi %bitcast3A_535, %add3A_537 : vector<16xi32>
      %and3A_539 = arith.constant -65536 : i32
      %and3A_540 = vector.broadcast %and3A_539 : i32 to vector<16xi32>
      %and3A_541 = arith.andi %add3A_538, %and3A_540 : vector<16xi32>
      %or3A_542 = arith.ori %shift_right_logical3A_534, %and3A_541 : vector<16xi32>
      %swap3A_543 = arith.constant 3 : i32
      %swap3A_544 = arith.index_cast %swap3A_543 : i32 to index
      %swap3A_545 = arith.constant 16 : index
      %swap3A_546 = tpu.vector_load %arg11[%swap3A_544, %swap3A_545] {strides = array<i32>} : memref<4x64xi32, #tpu.memory_space<vmem>>, vector<16xi32>,
      tpu.vector_store %arg11[%swap3A_544, %swap3A_545], %or3A_542 {strides = array<i32>} : memref<4x64xi32, #tpu.memory_space<vmem>>, vector<16xi32>,
      %max3A_547 = arith.constant 0.000000e+00 : f32
      %max3A_548 = vector.broadcast %max3A_547 : f32 to vector<16xf32>
      %max3A_549 = arith.maximumf %scan3A_495#4, %max3A_548 : vector<16xf32>
      %max3A_550 = arith.constant 0.000000e+00 : f32
      %max3A_551 = vector.broadcast %max3A_550 : f32 to vector<16xf32>
      %max3A_552 = arith.maximumf %scan3A_495#5, %max3A_551 : vector<16xf32>
      %bitcast3A_553 = vector.bitcast %max3A_549 : vector<16xf32> to vector<16xi32>
      %add3A_554 = arith.constant 32768 : i32
      %add3A_555 = vector.broadcast %add3A_554 : i32 to vector<16xi32>
      %add3A_556 = arith.addi %bitcast3A_553, %add3A_555 : vector<16xi32>
      %shift_right_logical3A_557 = arith.constant 16 : i32
      %shift_right_logical3A_558 = vector.broadcast %shift_right_logical3A_557 : i32 to vector<16xi32>
      %shift_right_logical3A_559 = arith.shrui %add3A_556, %shift_right_logical3A_558 : vector<16xi32>
      %bitcast3A_560 = vector.bitcast %max3A_552 : vector<16xf32> to vector<16xi32>
      %add3A_561 = arith.constant 32768 : i32
      %add3A_562 = vector.broadcast %add3A_561 : i32 to vector<16xi32>
      %add3A_563 = arith.addi %bitcast3A_560, %add3A_562 : vector<16xi32>
      %and3A_564 = arith.constant -65536 : i32
      %and3A_565 = vector.broadcast %and3A_564 : i32 to vector<16xi32>
      %and3A_566 = arith.andi %add3A_563, %and3A_565 : vector<16xi32>
      %or3A_567 = arith.ori %shift_right_logical3A_559, %and3A_566 : vector<16xi32>
      %swap3A_568 = arith.constant 3 : i32
      %swap3A_569 = arith.index_cast %swap3A_568 : i32 to index
      %swap3A_570 = arith.constant 32 : index
      %swap3A_571 = tpu.vector_load %arg11[%swap3A_569, %swap3A_570] {strides = array<i32>} : memref<4x64xi32, #tpu.memory_space<vmem>>, vector<16xi32>,
      tpu.vector_store %arg11[%swap3A_569, %swap3A_570], %or3A_567 {strides = array<i32>} : memref<4x64xi32, #tpu.memory_space<vmem>>, vector<16xi32>,
      %max3A_572 = arith.constant 0.000000e+00 : f32
      %max3A_573 = vector.broadcast %max3A_572 : f32 to vector<16xf32>
      %max3A_574 = arith.maximumf %scan3A_495#6, %max3A_573 : vector<16xf32>
      %max3A_575 = arith.constant 0.000000e+00 : f32
      %max3A_576 = vector.broadcast %max3A_575 : f32 to vector<16xf32>
      %max3A_577 = arith.maximumf %scan3A_495#7, %max3A_576 : vector<16xf32>
      %bitcast3A_578 = vector.bitcast %max3A_574 : vector<16xf32> to vector<16xi32>
      %add3A_579 = arith.constant 32768 : i32
      %add3A_580 = vector.broadcast %add3A_579 : i32 to vector<16xi32>
      %add3A_581 = arith.addi %bitcast3A_578, %add3A_580 : vector<16xi32>
      %shift_right_logical3A_582 = arith.constant 16 : i32
      %shift_right_logical3A_583 = vector.broadcast %shift_right_logical3A_582 : i32 to vector<16xi32>
      %shift_right_logical3A_584 = arith.shrui %add3A_581, %shift_right_logical3A_583 : vector<16xi32>
      %bitcast3A_585 = vector.bitcast %max3A_577 : vector<16xf32> to vector<16xi32>
      %add3A_586 = arith.constant 32768 : i32
      %add3A_587 = vector.broadcast %add3A_586 : i32 to vector<16xi32>
      %add3A_588 = arith.addi %bitcast3A_585, %add3A_587 : vector<16xi32>
      %and3A_589 = arith.constant -65536 : i32
      %and3A_590 = vector.broadcast %and3A_589 : i32 to vector<16xi32>
      %and3A_591 = arith.andi %add3A_588, %and3A_590 : vector<16xi32>
      %or3A_592 = arith.ori %shift_right_logical3A_584, %and3A_591 : vector<16xi32>
      %swap3A_593 = arith.constant 3 : i32
      %swap3A_594 = arith.index_cast %swap3A_593 : i32 to index
      %swap3A_595 = arith.constant 48 : index
      %swap3A_596 = tpu.vector_load %arg11[%swap3A_594, %swap3A_595] {strides = array<i32>} : memref<4x64xi32, #tpu.memory_space<vmem>>, vector<16xi32>,
      tpu.vector_store %arg11[%swap3A_594, %swap3A_595], %or3A_592 {strides = array<i32>} : memref<4x64xi32, #tpu.memory_space<vmem>>, vector<16xi32>,
      %mul3A_597 = arith.constant 4 : i32
      %mul3A_598 = arith.muli %add3A_89, %mul3A_597 : i32
      %add3A_599 = arith.addi %mul3A_68, %mul3A_598 : i32
      "tpu.region"() ({
        %run_scoped3A = tpu.sem_alloc : memref<!tpu.dma_semaphore, #tpu.memory_space<semaphore_mem>>
        %dma_start3A_1132 = arith.constant 0 : i32
        %dma_start3A_1133 = tpu.memref_slice %arg6[%add3A_599, %dma_start3A_1132] : memref<10240x64xi32, #tpu.memory_space<hbm>> -> memref<4x64xi32, #tpu.memory_space<hbm>>
        %dma_start3A_1134 = arith.constant 0 : i32
        %dma_start3A_1135 = tpu.memref_slice %arg6[%add3A_599, %dma_start3A_1134] : memref<10240x64xi32, #tpu.memory_space<hbm>> -> memref<4x64xi32, #tpu.memory_space<hbm>>
        tpu.enqueue_dma source(%arg11 : memref<4x64xi32, #tpu.memory_space<vmem>>) target(%dma_start3A_1135 : memref<4x64xi32, #tpu.memory_space<hbm>>) target_semaphore(%run_scoped3A : memref<!tpu.dma_semaphore, #tpu.memory_space<semaphore_mem>>)
        %dma_wait3A_1136 = arith.constant 0 : i32
        %dma_wait3A_1137 = tpu.memref_slice %arg6[%add3A_599, %dma_wait3A_1136] : memref<10240x64xi32, #tpu.memory_space<hbm>> -> memref<4x64xi32, #tpu.memory_space<hbm>>
        %dma_wait3A_1138 = arith.constant 0 : i32
        %dma_wait3A_1139 = tpu.memref_slice %arg6[%add3A_599, %dma_wait3A_1138] : memref<10240x64xi32, #tpu.memory_space<hbm>> -> memref<4x64xi32, #tpu.memory_space<hbm>>
        tpu.wait_dma2 semaphore(%run_scoped3A : memref<!tpu.dma_semaphore, #tpu.memory_space<semaphore_mem>>) src(%arg11 : memref<4x64xi32, #tpu.memory_space<vmem>>) dst(%dma_wait3A_1139 : memref<4x64xi32, #tpu.memory_space<hbm>>)
        tpu.yield
      }) : () -> ()
      %add3A_600 = arith.constant 2 : i32
      %add3A_601 = arith.addi %add3A_89, %add3A_600 : i32
      %lt3A = arith.cmpi slt, %add3A_601, %select_n3A_12 : i32
      %convert_element_type3A_602 = arith.extui %lt3A : i1 to i32
      %cond3A_603 = arith.constant 0 : i32
      %cond3A_604 = arith.cmpi ne, %convert_element_type3A_602, %cond3A_603 : i32
      scf.if %cond3A_604 {
        %add3A_1132 = arith.constant 2 : i32
        %add3A_1133 = arith.addi %add3A_89, %add3A_1132 : i32
        %dma_start3A_1134 = arith.constant 0 : i32
        %dma_start3A_1135 = arith.constant 0 : i32
        %dma_start3A_1136 = arith.constant 0 : i32
        %dma_start3A_1137 = tpu.memref_slice %arg9[%dma_start3A_1134, %dma_start3A_1135, %dma_start3A_1136] : memref<2x128x64xi32, #tpu.memory_space<vmem>> -> memref<1x128x64xi32, #tpu.memory_space<vmem>>
        %dma_start3A_1138 = tpu.memref_squeeze %dma_start3A_1137 : memref<1x128x64xi32, #tpu.memory_space<vmem>> -> memref<128x64xi32, #tpu.memory_space<vmem>>
        %dma_start3A_1139 = arith.constant 0 : i32
        %dma_start3A_1140 = tpu.memref_slice %arg7[%add3A_1133, %dma_start3A_1139] : memref<132x128xi32, #tpu.memory_space<vmem>> -> memref<1x128xi32, #tpu.memory_space<vmem>>
        %dma_start3A_1141 = tpu.memref_squeeze %dma_start3A_1140 : memref<1x128xi32, #tpu.memory_space<vmem>> -> memref<128xi32, #tpu.memory_space<vmem>>
        %dma_start3A_1142 = arith.constant 0 : i32
        %dma_start3A_1143 = arith.constant 0 : i32
        %dma_start3A_1144 = tpu.memref_slice %arg12[%dma_start3A_1142, %dma_start3A_1143] : memref<10000x64xi32, #tpu.memory_space<vmem_shared>> -> memref<10000x64xi32, #tpu.memory_space<vmem_shared>>
        tpu.enqueue_indirect_dma source(%dma_start3A_1144 : memref<10000x64xi32, #tpu.memory_space<vmem_shared>>) target(%dma_start3A_1138 : memref<128x64xi32, #tpu.memory_space<vmem>>) offsets(%dma_start3A_1141 : memref<128xi32, #tpu.memory_space<vmem>>) semaphore(%arg13 : memref<!tpu.dma_semaphore, #tpu.memory_space<semaphore_mem>>)
        %dma_start3A_1145 = arith.constant 0 : i32
        %dma_start3A_1146 = arith.constant 0 : i32
        %dma_start3A_1147 = arith.constant 0 : i32
        %dma_start3A_1148 = tpu.memref_slice %arg10[%dma_start3A_1145, %dma_start3A_1146, %dma_start3A_1147] : memref<2x128x64xi32, #tpu.memory_space<vmem>> -> memref<1x128x64xi32, #tpu.memory_space<vmem>>
        %dma_start3A_1149 = tpu.memref_squeeze %dma_start3A_1148 : memref<1x128x64xi32, #tpu.memory_space<vmem>> -> memref<128x64xi32, #tpu.memory_space<vmem>>
        %dma_start3A_1150 = arith.constant 0 : i32
        %dma_start3A_1151 = tpu.memref_slice %arg8[%add3A_1133, %dma_start3A_1150] : memref<132x128xi32, #tpu.memory_space<vmem>> -> memref<1x128xi32, #tpu.memory_space<vmem>>
        %dma_start3A_1152 = tpu.memref_squeeze %dma_start3A_1151 : memref<1x128xi32, #tpu.memory_space<vmem>> -> memref<128xi32, #tpu.memory_space<vmem>>
        %dma_start3A_1153 = arith.constant 0 : i32
        %dma_start3A_1154 = arith.constant 0 : i32
        %dma_start3A_1155 = tpu.memref_slice %arg5[%dma_start3A_1153, %dma_start3A_1154] : memref<10000x64xi32, #tpu.memory_space<hbm>> -> memref<10000x64xi32, #tpu.memory_space<hbm>>
        tpu.enqueue_indirect_dma source(%dma_start3A_1155 : memref<10000x64xi32, #tpu.memory_space<hbm>>) target(%dma_start3A_1149 : memref<128x64xi32, #tpu.memory_space<vmem>>) offsets(%dma_start3A_1152 : memref<128xi32, #tpu.memory_space<vmem>>) semaphore(%arg15 : memref<!tpu.dma_semaphore, #tpu.memory_space<semaphore_mem>>)
      } else {
      }
      %add3A_605 = arith.constant 1 : i32
      %add3A_606 = arith.addi %add3A_87, %add3A_605 : i32
      %dma_wait3A_607 = arith.constant 0 : i32
      %dma_wait3A_608 = arith.constant 1 : i32
      %dma_wait3A_609 = arith.constant 0 : i32
      %dma_wait3A_610 = arith.constant 0 : i32
      %dma_wait3A_611 = tpu.memref_slice %arg9[%dma_wait3A_608, %dma_wait3A_609, %dma_wait3A_610] : memref<2x128x64xi32, #tpu.memory_space<vmem>> -> memref<1x128x64xi32, #tpu.memory_space<vmem>>
      %dma_wait3A_612 = tpu.memref_squeeze %dma_wait3A_611 : memref<1x128x64xi32, #tpu.memory_space<vmem>> -> memref<128x64xi32, #tpu.memory_space<vmem>>
      %dma_wait3A_613 = arith.constant 0 : i32
      %dma_wait3A_614 = tpu.memref_slice %arg7[%dma_wait3A_607, %dma_wait3A_613] : memref<132x128xi32, #tpu.memory_space<vmem>> -> memref<1x128xi32, #tpu.memory_space<vmem>>
      %dma_wait3A_615 = tpu.memref_squeeze %dma_wait3A_614 : memref<1x128xi32, #tpu.memory_space<vmem>> -> memref<128xi32, #tpu.memory_space<vmem>>
      %dma_wait3A_616 = arith.constant 0 : i32
      %dma_wait3A_617 = arith.constant 0 : i32
      %dma_wait3A_618 = tpu.memref_slice %arg4[%dma_wait3A_616, %dma_wait3A_617] : memref<10000x64xi32, #tpu.memory_space<hbm>> -> memref<10000x64xi32, #tpu.memory_space<hbm>>
      tpu.wait_indirect_dma semaphore(%arg14 : memref<!tpu.dma_semaphore, #tpu.memory_space<semaphore_mem>>) src(%dma_wait3A_618 : memref<10000x64xi32, #tpu.memory_space<hbm>>) dst(%dma_wait3A_612 : memref<128x64xi32, #tpu.memory_space<vmem>>)
      %dma_wait3A_619 = arith.constant 0 : i32
      %dma_wait3A_620 = arith.constant 1 : i32
      %dma_wait3A_621 = arith.constant 0 : i32
      %dma_wait3A_622 = arith.constant 0 : i32
      %dma_wait3A_623 = tpu.memref_slice %arg10[%dma_wait3A_620, %dma_wait3A_621, %dma_wait3A_622] : memref<2x128x64xi32, #tpu.memory_space<vmem>> -> memref<1x128x64xi32, #tpu.memory_space<vmem>>
      %dma_wait3A_624 = tpu.memref_squeeze %dma_wait3A_623 : memref<1x128x64xi32, #tpu.memory_space<vmem>> -> memref<128x64xi32, #tpu.memory_space<vmem>>
      %dma_wait3A_625 = arith.constant 0 : i32
      %dma_wait3A_626 = tpu.memref_slice %arg8[%dma_wait3A_619, %dma_wait3A_625] : memref<132x128xi32, #tpu.memory_space<vmem>> -> memref<1x128xi32, #tpu.memory_space<vmem>>
      %dma_wait3A_627 = tpu.memref_squeeze %dma_wait3A_626 : memref<1x128xi32, #tpu.memory_space<vmem>> -> memref<128xi32, #tpu.memory_space<vmem>>
      %dma_wait3A_628 = arith.constant 0 : i32
      %dma_wait3A_629 = arith.constant 0 : i32
      %dma_wait3A_630 = tpu.memref_slice %arg5[%dma_wait3A_628, %dma_wait3A_629] : memref<10000x64xi32, #tpu.memory_space<hbm>> -> memref<10000x64xi32, #tpu.memory_space<hbm>>
      tpu.wait_indirect_dma semaphore(%arg16 : memref<!tpu.dma_semaphore, #tpu.memory_space<semaphore_mem>>) src(%dma_wait3A_630 : memref<10000x64xi32, #tpu.memory_space<hbm>>) dst(%dma_wait3A_624 : memref<128x64xi32, #tpu.memory_space<vmem>>)
      %broadcast_in_dim3A_631 = arith.constant 0xFF800000 : f32
      %broadcast_in_dim3A_632 = vector.broadcast %broadcast_in_dim3A_631 : f32 to vector<16xf32>
      %broadcast_in_dim3A_633 = arith.constant 0xFF800000 : f32
      %broadcast_in_dim3A_634 = vector.broadcast %broadcast_in_dim3A_633 : f32 to vector<16xf32>
      %broadcast_in_dim3A_635 = arith.constant 0xFF800000 : f32
      %broadcast_in_dim3A_636 = vector.broadcast %broadcast_in_dim3A_635 : f32 to vector<16xf32>
      %broadcast_in_dim3A_637 = arith.constant 0xFF800000 : f32
      %broadcast_in_dim3A_638 = vector.broadcast %broadcast_in_dim3A_637 : f32 to vector<16xf32>
      %broadcast_in_dim3A_639 = arith.constant 0xFF800000 : f32
      %broadcast_in_dim3A_640 = vector.broadcast %broadcast_in_dim3A_639 : f32 to vector<16xf32>
      %broadcast_in_dim3A_641 = arith.constant 0xFF800000 : f32
      %broadcast_in_dim3A_642 = vector.broadcast %broadcast_in_dim3A_641 : f32 to vector<16xf32>
      %broadcast_in_dim3A_643 = arith.constant 0xFF800000 : f32
      %broadcast_in_dim3A_644 = vector.broadcast %broadcast_in_dim3A_643 : f32 to vector<16xf32>
      %broadcast_in_dim3A_645 = arith.constant 0xFF800000 : f32
      %broadcast_in_dim3A_646 = vector.broadcast %broadcast_in_dim3A_645 : f32 to vector<16xf32>
      %scan3A_647 = arith.constant -65536 : i32
      %scan3A_648 = arith.constant 0 : i32
      %scan3A_649 = arith.constant 32 : i32
      %scan3A_650 = arith.addi %scan3A_648, %scan3A_649 : i32
      %scan3A_651 = arith.constant 1 : i32
      %scan3A_652:8 = scf.for %scan3A_1132 = %scan3A_648 to %scan3A_650 step %scan3A_651 iter_args(%scan3A_1133 = %broadcast_in_dim3A_632, %scan3A_1134 = %broadcast_in_dim3A_634, %scan3A_1135 = %broadcast_in_dim3A_636, %scan3A_1136 = %broadcast_in_dim3A_638, %scan3A_1137 = %broadcast_in_dim3A_640, %scan3A_1138 = %broadcast_in_dim3A_642, %scan3A_1139 = %broadcast_in_dim3A_644, %scan3A_1140 = %broadcast_in_dim3A_646) -> (vector<16xf32>, vector<16xf32>, vector<16xf32>, vector<16xf32>, vector<16xf32>, vector<16xf32>, vector<16xf32>, vector<16xf32>)  : i32 {
        %add3A_1141 = arith.constant 0 : i32
        %add3A_1142 = arith.addi %add3A_1141, %scan3A_1132 : i32
        %get3A = arith.constant 1 : i32
        %get3A_1143 = arith.index_cast %get3A : i32 to index
        %get3A_1144 = arith.index_cast %add3A_1142 : i32 to index
        %get3A_1145 = arith.constant 0 : index
        %get3A_1146 = tpu.vector_load %arg9[%get3A_1143, %get3A_1144, %get3A_1145] {strides = array<i32>} : memref<2x128x64xi32, #tpu.memory_space<vmem>>, vector<16xi32>,
        %shift_left3A = arith.constant 16 : i32
        %shift_left3A_1147 = vector.broadcast %shift_left3A : i32 to vector<16xi32>
        %shift_left3A_1148 = arith.shli %get3A_1146, %shift_left3A_1147 : vector<16xi32>
        %bitcast3A_1149 = vector.bitcast %shift_left3A_1148 : vector<16xi32> to vector<16xf32>
        %and3A_1150 = vector.broadcast %scan3A_647 : i32 to vector<16xi32>
        %and3A_1151 = arith.andi %get3A_1146, %and3A_1150 : vector<16xi32>
        %bitcast3A_1152 = vector.bitcast %and3A_1151 : vector<16xi32> to vector<16xf32>
        %get3A_1153 = arith.constant 1 : i32
        %get3A_1154 = arith.index_cast %get3A_1153 : i32 to index
        %get3A_1155 = arith.index_cast %add3A_1142 : i32 to index
        %get3A_1156 = arith.constant 0 : index
        %get3A_1157 = tpu.vector_load %arg10[%get3A_1154, %get3A_1155, %get3A_1156] {strides = array<i32>} : memref<2x128x64xi32, #tpu.memory_space<vmem>>, vector<16xi32>,
        %shift_left3A_1158 = arith.constant 16 : i32
        %shift_left3A_1159 = vector.broadcast %shift_left3A_1158 : i32 to vector<16xi32>
        %shift_left3A_1160 = arith.shli %get3A_1157, %shift_left3A_1159 : vector<16xi32>
        %bitcast3A_1161 = vector.bitcast %shift_left3A_1160 : vector<16xi32> to vector<16xf32>
        %and3A_1162 = vector.broadcast %scan3A_647 : i32 to vector<16xi32>
        %and3A_1163 = arith.andi %get3A_1157, %and3A_1162 : vector<16xi32>
        %bitcast3A_1164 = vector.bitcast %and3A_1163 : vector<16xi32> to vector<16xf32>
        %add3A_1165 = arith.addf %bitcast3A_1149, %bitcast3A_1161 : vector<16xf32>
        %max3A_1166 = arith.maximumf %scan3A_1133, %add3A_1165 : vector<16xf32>
        %add3A_1167 = arith.addf %bitcast3A_1152, %bitcast3A_1164 : vector<16xf32>
        %max3A_1168 = arith.maximumf %scan3A_1134, %add3A_1167 : vector<16xf32>
        %get3A_1169 = arith.constant 1 : i32
        %get3A_1170 = arith.index_cast %get3A_1169 : i32 to index
        %get3A_1171 = arith.index_cast %add3A_1142 : i32 to index
        %get3A_1172 = arith.constant 16 : index
        %get3A_1173 = tpu.vector_load %arg9[%get3A_1170, %get3A_1171, %get3A_1172] {strides = array<i32>} : memref<2x128x64xi32, #tpu.memory_space<vmem>>, vector<16xi32>,
        %shift_left3A_1174 = arith.constant 16 : i32
        %shift_left3A_1175 = vector.broadcast %shift_left3A_1174 : i32 to vector<16xi32>
        %shift_left3A_1176 = arith.shli %get3A_1173, %shift_left3A_1175 : vector<16xi32>
        %bitcast3A_1177 = vector.bitcast %shift_left3A_1176 : vector<16xi32> to vector<16xf32>
        %and3A_1178 = vector.broadcast %scan3A_647 : i32 to vector<16xi32>
        %and3A_1179 = arith.andi %get3A_1173, %and3A_1178 : vector<16xi32>
        %bitcast3A_1180 = vector.bitcast %and3A_1179 : vector<16xi32> to vector<16xf32>
        %get3A_1181 = arith.constant 1 : i32
        %get3A_1182 = arith.index_cast %get3A_1181 : i32 to index
        %get3A_1183 = arith.index_cast %add3A_1142 : i32 to index
        %get3A_1184 = arith.constant 16 : index
        %get3A_1185 = tpu.vector_load %arg10[%get3A_1182, %get3A_1183, %get3A_1184] {strides = array<i32>} : memref<2x128x64xi32, #tpu.memory_space<vmem>>, vector<16xi32>,
        %shift_left3A_1186 = arith.constant 16 : i32
        %shift_left3A_1187 = vector.broadcast %shift_left3A_1186 : i32 to vector<16xi32>
        %shift_left3A_1188 = arith.shli %get3A_1185, %shift_left3A_1187 : vector<16xi32>
        %bitcast3A_1189 = vector.bitcast %shift_left3A_1188 : vector<16xi32> to vector<16xf32>
        %and3A_1190 = vector.broadcast %scan3A_647 : i32 to vector<16xi32>
        %and3A_1191 = arith.andi %get3A_1185, %and3A_1190 : vector<16xi32>
        %bitcast3A_1192 = vector.bitcast %and3A_1191 : vector<16xi32> to vector<16xf32>
        %add3A_1193 = arith.addf %bitcast3A_1177, %bitcast3A_1189 : vector<16xf32>
        %max3A_1194 = arith.maximumf %scan3A_1135, %add3A_1193 : vector<16xf32>
        %add3A_1195 = arith.addf %bitcast3A_1180, %bitcast3A_1192 : vector<16xf32>
        %max3A_1196 = arith.maximumf %scan3A_1136, %add3A_1195 : vector<16xf32>
        %get3A_1197 = arith.constant 1 : i32
        %get3A_1198 = arith.index_cast %get3A_1197 : i32 to index
        %get3A_1199 = arith.index_cast %add3A_1142 : i32 to index
        %get3A_1200 = arith.constant 32 : index
        %get3A_1201 = tpu.vector_load %arg9[%get3A_1198, %get3A_1199, %get3A_1200] {strides = array<i32>} : memref<2x128x64xi32, #tpu.memory_space<vmem>>, vector<16xi32>,
        %shift_left3A_1202 = arith.constant 16 : i32
        %shift_left3A_1203 = vector.broadcast %shift_left3A_1202 : i32 to vector<16xi32>
        %shift_left3A_1204 = arith.shli %get3A_1201, %shift_left3A_1203 : vector<16xi32>
        %bitcast3A_1205 = vector.bitcast %shift_left3A_1204 : vector<16xi32> to vector<16xf32>
        %and3A_1206 = vector.broadcast %scan3A_647 : i32 to vector<16xi32>
        %and3A_1207 = arith.andi %get3A_1201, %and3A_1206 : vector<16xi32>
        %bitcast3A_1208 = vector.bitcast %and3A_1207 : vector<16xi32> to vector<16xf32>
        %get3A_1209 = arith.constant 1 : i32
        %get3A_1210 = arith.index_cast %get3A_1209 : i32 to index
        %get3A_1211 = arith.index_cast %add3A_1142 : i32 to index
        %get3A_1212 = arith.constant 32 : index
        %get3A_1213 = tpu.vector_load %arg10[%get3A_1210, %get3A_1211, %get3A_1212] {strides = array<i32>} : memref<2x128x64xi32, #tpu.memory_space<vmem>>, vector<16xi32>,
        %shift_left3A_1214 = arith.constant 16 : i32
        %shift_left3A_1215 = vector.broadcast %shift_left3A_1214 : i32 to vector<16xi32>
        %shift_left3A_1216 = arith.shli %get3A_1213, %shift_left3A_1215 : vector<16xi32>
        %bitcast3A_1217 = vector.bitcast %shift_left3A_1216 : vector<16xi32> to vector<16xf32>
        %and3A_1218 = vector.broadcast %scan3A_647 : i32 to vector<16xi32>
        %and3A_1219 = arith.andi %get3A_1213, %and3A_1218 : vector<16xi32>
        %bitcast3A_1220 = vector.bitcast %and3A_1219 : vector<16xi32> to vector<16xf32>
        %add3A_1221 = arith.addf %bitcast3A_1205, %bitcast3A_1217 : vector<16xf32>
        %max3A_1222 = arith.maximumf %scan3A_1137, %add3A_1221 : vector<16xf32>
        %add3A_1223 = arith.addf %bitcast3A_1208, %bitcast3A_1220 : vector<16xf32>
        %max3A_1224 = arith.maximumf %scan3A_1138, %add3A_1223 : vector<16xf32>
        %get3A_1225 = arith.constant 1 : i32
        %get3A_1226 = arith.index_cast %get3A_1225 : i32 to index
        %get3A_1227 = arith.index_cast %add3A_1142 : i32 to index
        %get3A_1228 = arith.constant 48 : index
        %get3A_1229 = tpu.vector_load %arg9[%get3A_1226, %get3A_1227, %get3A_1228] {strides = array<i32>} : memref<2x128x64xi32, #tpu.memory_space<vmem>>, vector<16xi32>,
        %shift_left3A_1230 = arith.constant 16 : i32
        %shift_left3A_1231 = vector.broadcast %shift_left3A_1230 : i32 to vector<16xi32>
        %shift_left3A_1232 = arith.shli %get3A_1229, %shift_left3A_1231 : vector<16xi32>
        %bitcast3A_1233 = vector.bitcast %shift_left3A_1232 : vector<16xi32> to vector<16xf32>
        %and3A_1234 = vector.broadcast %scan3A_647 : i32 to vector<16xi32>
        %and3A_1235 = arith.andi %get3A_1229, %and3A_1234 : vector<16xi32>
        %bitcast3A_1236 = vector.bitcast %and3A_1235 : vector<16xi32> to vector<16xf32>
        %get3A_1237 = arith.constant 1 : i32
        %get3A_1238 = arith.index_cast %get3A_1237 : i32 to index
        %get3A_1239 = arith.index_cast %add3A_1142 : i32 to index
        %get3A_1240 = arith.constant 48 : index
        %get3A_1241 = tpu.vector_load %arg10[%get3A_1238, %get3A_1239, %get3A_1240] {strides = array<i32>} : memref<2x128x64xi32, #tpu.memory_space<vmem>>, vector<16xi32>,
        %shift_left3A_1242 = arith.constant 16 : i32
        %shift_left3A_1243 = vector.broadcast %shift_left3A_1242 : i32 to vector<16xi32>
        %shift_left3A_1244 = arith.shli %get3A_1241, %shift_left3A_1243 : vector<16xi32>
        %bitcast3A_1245 = vector.bitcast %shift_left3A_1244 : vector<16xi32> to vector<16xf32>
        %and3A_1246 = vector.broadcast %scan3A_647 : i32 to vector<16xi32>
        %and3A_1247 = arith.andi %get3A_1241, %and3A_1246 : vector<16xi32>
        %bitcast3A_1248 = vector.bitcast %and3A_1247 : vector<16xi32> to vector<16xf32>
        %add3A_1249 = arith.addf %bitcast3A_1233, %bitcast3A_1245 : vector<16xf32>
        %max3A_1250 = arith.maximumf %scan3A_1139, %add3A_1249 : vector<16xf32>
        %add3A_1251 = arith.addf %bitcast3A_1236, %bitcast3A_1248 : vector<16xf32>
        %max3A_1252 = arith.maximumf %scan3A_1140, %add3A_1251 : vector<16xf32>
        scf.yield %max3A_1166, %max3A_1168, %max3A_1194, %max3A_1196, %max3A_1222, %max3A_1224, %max3A_1250, %max3A_1252 : vector<16xf32>, vector<16xf32>, vector<16xf32>, vector<16xf32>, vector<16xf32>, vector<16xf32>, vector<16xf32>, vector<16xf32>
      }
      %scan3A_653 = arith.constant 32 : i32
      %max3A_654 = arith.constant 0.000000e+00 : f32
      %max3A_655 = vector.broadcast %max3A_654 : f32 to vector<16xf32>
      %max3A_656 = arith.maximumf %scan3A_652#0, %max3A_655 : vector<16xf32>
      %max3A_657 = arith.constant 0.000000e+00 : f32
      %max3A_658 = vector.broadcast %max3A_657 : f32 to vector<16xf32>
      %max3A_659 = arith.maximumf %scan3A_652#1, %max3A_658 : vector<16xf32>
      %bitcast3A_660 = vector.bitcast %max3A_656 : vector<16xf32> to vector<16xi32>
      %add3A_661 = arith.constant 32768 : i32
      %add3A_662 = vector.broadcast %add3A_661 : i32 to vector<16xi32>
      %add3A_663 = arith.addi %bitcast3A_660, %add3A_662 : vector<16xi32>
      %shift_right_logical3A_664 = arith.constant 16 : i32
      %shift_right_logical3A_665 = vector.broadcast %shift_right_logical3A_664 : i32 to vector<16xi32>
      %shift_right_logical3A_666 = arith.shrui %add3A_663, %shift_right_logical3A_665 : vector<16xi32>
      %bitcast3A_667 = vector.bitcast %max3A_659 : vector<16xf32> to vector<16xi32>
      %add3A_668 = arith.constant 32768 : i32
      %add3A_669 = vector.broadcast %add3A_668 : i32 to vector<16xi32>
      %add3A_670 = arith.addi %bitcast3A_667, %add3A_669 : vector<16xi32>
      %and3A_671 = arith.constant -65536 : i32
      %and3A_672 = vector.broadcast %and3A_671 : i32 to vector<16xi32>
      %and3A_673 = arith.andi %add3A_670, %and3A_672 : vector<16xi32>
      %or3A_674 = arith.ori %shift_right_logical3A_666, %and3A_673 : vector<16xi32>
      %swap3A_675 = arith.constant 0 : i32
      %swap3A_676 = arith.index_cast %swap3A_675 : i32 to index
      %swap3A_677 = arith.constant 0 : index
      %swap3A_678 = tpu.vector_load %arg11[%swap3A_676, %swap3A_677] {strides = array<i32>} : memref<4x64xi32, #tpu.memory_space<vmem>>, vector<16xi32>,
      tpu.vector_store %arg11[%swap3A_676, %swap3A_677], %or3A_674 {strides = array<i32>} : memref<4x64xi32, #tpu.memory_space<vmem>>, vector<16xi32>,
      %max3A_679 = arith.constant 0.000000e+00 : f32
      %max3A_680 = vector.broadcast %max3A_679 : f32 to vector<16xf32>
      %max3A_681 = arith.maximumf %scan3A_652#2, %max3A_680 : vector<16xf32>
      %max3A_682 = arith.constant 0.000000e+00 : f32
      %max3A_683 = vector.broadcast %max3A_682 : f32 to vector<16xf32>
      %max3A_684 = arith.maximumf %scan3A_652#3, %max3A_683 : vector<16xf32>
      %bitcast3A_685 = vector.bitcast %max3A_681 : vector<16xf32> to vector<16xi32>
      %add3A_686 = arith.constant 32768 : i32
      %add3A_687 = vector.broadcast %add3A_686 : i32 to vector<16xi32>
      %add3A_688 = arith.addi %bitcast3A_685, %add3A_687 : vector<16xi32>
      %shift_right_logical3A_689 = arith.constant 16 : i32
      %shift_right_logical3A_690 = vector.broadcast %shift_right_logical3A_689 : i32 to vector<16xi32>
      %shift_right_logical3A_691 = arith.shrui %add3A_688, %shift_right_logical3A_690 : vector<16xi32>
      %bitcast3A_692 = vector.bitcast %max3A_684 : vector<16xf32> to vector<16xi32>
      %add3A_693 = arith.constant 32768 : i32
      %add3A_694 = vector.broadcast %add3A_693 : i32 to vector<16xi32>
      %add3A_695 = arith.addi %bitcast3A_692, %add3A_694 : vector<16xi32>
      %and3A_696 = arith.constant -65536 : i32
      %and3A_697 = vector.broadcast %and3A_696 : i32 to vector<16xi32>
      %and3A_698 = arith.andi %add3A_695, %and3A_697 : vector<16xi32>
      %or3A_699 = arith.ori %shift_right_logical3A_691, %and3A_698 : vector<16xi32>
      %swap3A_700 = arith.constant 0 : i32
      %swap3A_701 = arith.index_cast %swap3A_700 : i32 to index
      %swap3A_702 = arith.constant 16 : index
      %swap3A_703 = tpu.vector_load %arg11[%swap3A_701, %swap3A_702] {strides = array<i32>} : memref<4x64xi32, #tpu.memory_space<vmem>>, vector<16xi32>,
      tpu.vector_store %arg11[%swap3A_701, %swap3A_702], %or3A_699 {strides = array<i32>} : memref<4x64xi32, #tpu.memory_space<vmem>>, vector<16xi32>,
      %max3A_704 = arith.constant 0.000000e+00 : f32
      %max3A_705 = vector.broadcast %max3A_704 : f32 to vector<16xf32>
      %max3A_706 = arith.maximumf %scan3A_652#4, %max3A_705 : vector<16xf32>
      %max3A_707 = arith.constant 0.000000e+00 : f32
      %max3A_708 = vector.broadcast %max3A_707 : f32 to vector<16xf32>
      %max3A_709 = arith.maximumf %scan3A_652#5, %max3A_708 : vector<16xf32>
      %bitcast3A_710 = vector.bitcast %max3A_706 : vector<16xf32> to vector<16xi32>
      %add3A_711 = arith.constant 32768 : i32
      %add3A_712 = vector.broadcast %add3A_711 : i32 to vector<16xi32>
      %add3A_713 = arith.addi %bitcast3A_710, %add3A_712 : vector<16xi32>
      %shift_right_logical3A_714 = arith.constant 16 : i32
      %shift_right_logical3A_715 = vector.broadcast %shift_right_logical3A_714 : i32 to vector<16xi32>
      %shift_right_logical3A_716 = arith.shrui %add3A_713, %shift_right_logical3A_715 : vector<16xi32>
      %bitcast3A_717 = vector.bitcast %max3A_709 : vector<16xf32> to vector<16xi32>
      %add3A_718 = arith.constant 32768 : i32
      %add3A_719 = vector.broadcast %add3A_718 : i32 to vector<16xi32>
      %add3A_720 = arith.addi %bitcast3A_717, %add3A_719 : vector<16xi32>
      %and3A_721 = arith.constant -65536 : i32
      %and3A_722 = vector.broadcast %and3A_721 : i32 to vector<16xi32>
      %and3A_723 = arith.andi %add3A_720, %and3A_722 : vector<16xi32>
      %or3A_724 = arith.ori %shift_right_logical3A_716, %and3A_723 : vector<16xi32>
      %swap3A_725 = arith.constant 0 : i32
      %swap3A_726 = arith.index_cast %swap3A_725 : i32 to index
      %swap3A_727 = arith.constant 32 : index
      %swap3A_728 = tpu.vector_load %arg11[%swap3A_726, %swap3A_727] {strides = array<i32>} : memref<4x64xi32, #tpu.memory_space<vmem>>, vector<16xi32>,
      tpu.vector_store %arg11[%swap3A_726, %swap3A_727], %or3A_724 {strides = array<i32>} : memref<4x64xi32, #tpu.memory_space<vmem>>, vector<16xi32>,
      %max3A_729 = arith.constant 0.000000e+00 : f32
      %max3A_730 = vector.broadcast %max3A_729 : f32 to vector<16xf32>
      %max3A_731 = arith.maximumf %scan3A_652#6, %max3A_730 : vector<16xf32>
      %max3A_732 = arith.constant 0.000000e+00 : f32
      %max3A_733 = vector.broadcast %max3A_732 : f32 to vector<16xf32>
      %max3A_734 = arith.maximumf %scan3A_652#7, %max3A_733 : vector<16xf32>
      %bitcast3A_735 = vector.bitcast %max3A_731 : vector<16xf32> to vector<16xi32>
      %add3A_736 = arith.constant 32768 : i32
      %add3A_737 = vector.broadcast %add3A_736 : i32 to vector<16xi32>
      %add3A_738 = arith.addi %bitcast3A_735, %add3A_737 : vector<16xi32>
      %shift_right_logical3A_739 = arith.constant 16 : i32
      %shift_right_logical3A_740 = vector.broadcast %shift_right_logical3A_739 : i32 to vector<16xi32>
      %shift_right_logical3A_741 = arith.shrui %add3A_738, %shift_right_logical3A_740 : vector<16xi32>
      %bitcast3A_742 = vector.bitcast %max3A_734 : vector<16xf32> to vector<16xi32>
      %add3A_743 = arith.constant 32768 : i32
      %add3A_744 = vector.broadcast %add3A_743 : i32 to vector<16xi32>
      %add3A_745 = arith.addi %bitcast3A_742, %add3A_744 : vector<16xi32>
      %and3A_746 = arith.constant -65536 : i32
      %and3A_747 = vector.broadcast %and3A_746 : i32 to vector<16xi32>
      %and3A_748 = arith.andi %add3A_745, %and3A_747 : vector<16xi32>
      %or3A_749 = arith.ori %shift_right_logical3A_741, %and3A_748 : vector<16xi32>
      %swap3A_750 = arith.constant 0 : i32
      %swap3A_751 = arith.index_cast %swap3A_750 : i32 to index
      %swap3A_752 = arith.constant 48 : index
      %swap3A_753 = tpu.vector_load %arg11[%swap3A_751, %swap3A_752] {strides = array<i32>} : memref<4x64xi32, #tpu.memory_space<vmem>>, vector<16xi32>,
      tpu.vector_store %arg11[%swap3A_751, %swap3A_752], %or3A_749 {strides = array<i32>} : memref<4x64xi32, #tpu.memory_space<vmem>>, vector<16xi32>,
      %broadcast_in_dim3A_754 = arith.constant 0xFF800000 : f32
      %broadcast_in_dim3A_755 = vector.broadcast %broadcast_in_dim3A_754 : f32 to vector<16xf32>
      %broadcast_in_dim3A_756 = arith.constant 0xFF800000 : f32
      %broadcast_in_dim3A_757 = vector.broadcast %broadcast_in_dim3A_756 : f32 to vector<16xf32>
      %broadcast_in_dim3A_758 = arith.constant 0xFF800000 : f32
      %broadcast_in_dim3A_759 = vector.broadcast %broadcast_in_dim3A_758 : f32 to vector<16xf32>
      %broadcast_in_dim3A_760 = arith.constant 0xFF800000 : f32
      %broadcast_in_dim3A_761 = vector.broadcast %broadcast_in_dim3A_760 : f32 to vector<16xf32>
      %broadcast_in_dim3A_762 = arith.constant 0xFF800000 : f32
      %broadcast_in_dim3A_763 = vector.broadcast %broadcast_in_dim3A_762 : f32 to vector<16xf32>
      %broadcast_in_dim3A_764 = arith.constant 0xFF800000 : f32
      %broadcast_in_dim3A_765 = vector.broadcast %broadcast_in_dim3A_764 : f32 to vector<16xf32>
      %broadcast_in_dim3A_766 = arith.constant 0xFF800000 : f32
      %broadcast_in_dim3A_767 = vector.broadcast %broadcast_in_dim3A_766 : f32 to vector<16xf32>
      %broadcast_in_dim3A_768 = arith.constant 0xFF800000 : f32
      %broadcast_in_dim3A_769 = vector.broadcast %broadcast_in_dim3A_768 : f32 to vector<16xf32>
      %scan3A_770 = arith.constant -65536 : i32
      %scan3A_771 = arith.constant 0 : i32
      %scan3A_772 = arith.constant 32 : i32
      %scan3A_773 = arith.addi %scan3A_771, %scan3A_772 : i32
      %scan3A_774 = arith.constant 1 : i32
      %scan3A_775:8 = scf.for %scan3A_1132 = %scan3A_771 to %scan3A_773 step %scan3A_774 iter_args(%scan3A_1133 = %broadcast_in_dim3A_755, %scan3A_1134 = %broadcast_in_dim3A_757, %scan3A_1135 = %broadcast_in_dim3A_759, %scan3A_1136 = %broadcast_in_dim3A_761, %scan3A_1137 = %broadcast_in_dim3A_763, %scan3A_1138 = %broadcast_in_dim3A_765, %scan3A_1139 = %broadcast_in_dim3A_767, %scan3A_1140 = %broadcast_in_dim3A_769) -> (vector<16xf32>, vector<16xf32>, vector<16xf32>, vector<16xf32>, vector<16xf32>, vector<16xf32>, vector<16xf32>, vector<16xf32>)  : i32 {
        %add3A_1141 = arith.constant 32 : i32
        %add3A_1142 = arith.addi %add3A_1141, %scan3A_1132 : i32
        %get3A = arith.constant 1 : i32
        %get3A_1143 = arith.index_cast %get3A : i32 to index
        %get3A_1144 = arith.index_cast %add3A_1142 : i32 to index
        %get3A_1145 = arith.constant 0 : index
        %get3A_1146 = tpu.vector_load %arg9[%get3A_1143, %get3A_1144, %get3A_1145] {strides = array<i32>} : memref<2x128x64xi32, #tpu.memory_space<vmem>>, vector<16xi32>,
        %shift_left3A = arith.constant 16 : i32
        %shift_left3A_1147 = vector.broadcast %shift_left3A : i32 to vector<16xi32>
        %shift_left3A_1148 = arith.shli %get3A_1146, %shift_left3A_1147 : vector<16xi32>
        %bitcast3A_1149 = vector.bitcast %shift_left3A_1148 : vector<16xi32> to vector<16xf32>
        %and3A_1150 = vector.broadcast %scan3A_770 : i32 to vector<16xi32>
        %and3A_1151 = arith.andi %get3A_1146, %and3A_1150 : vector<16xi32>
        %bitcast3A_1152 = vector.bitcast %and3A_1151 : vector<16xi32> to vector<16xf32>
        %get3A_1153 = arith.constant 1 : i32
        %get3A_1154 = arith.index_cast %get3A_1153 : i32 to index
        %get3A_1155 = arith.index_cast %add3A_1142 : i32 to index
        %get3A_1156 = arith.constant 0 : index
        %get3A_1157 = tpu.vector_load %arg10[%get3A_1154, %get3A_1155, %get3A_1156] {strides = array<i32>} : memref<2x128x64xi32, #tpu.memory_space<vmem>>, vector<16xi32>,
        %shift_left3A_1158 = arith.constant 16 : i32
        %shift_left3A_1159 = vector.broadcast %shift_left3A_1158 : i32 to vector<16xi32>
        %shift_left3A_1160 = arith.shli %get3A_1157, %shift_left3A_1159 : vector<16xi32>
        %bitcast3A_1161 = vector.bitcast %shift_left3A_1160 : vector<16xi32> to vector<16xf32>
        %and3A_1162 = vector.broadcast %scan3A_770 : i32 to vector<16xi32>
        %and3A_1163 = arith.andi %get3A_1157, %and3A_1162 : vector<16xi32>
        %bitcast3A_1164 = vector.bitcast %and3A_1163 : vector<16xi32> to vector<16xf32>
        %add3A_1165 = arith.addf %bitcast3A_1149, %bitcast3A_1161 : vector<16xf32>
        %max3A_1166 = arith.maximumf %scan3A_1133, %add3A_1165 : vector<16xf32>
        %add3A_1167 = arith.addf %bitcast3A_1152, %bitcast3A_1164 : vector<16xf32>
        %max3A_1168 = arith.maximumf %scan3A_1134, %add3A_1167 : vector<16xf32>
        %get3A_1169 = arith.constant 1 : i32
        %get3A_1170 = arith.index_cast %get3A_1169 : i32 to index
        %get3A_1171 = arith.index_cast %add3A_1142 : i32 to index
        %get3A_1172 = arith.constant 16 : index
        %get3A_1173 = tpu.vector_load %arg9[%get3A_1170, %get3A_1171, %get3A_1172] {strides = array<i32>} : memref<2x128x64xi32, #tpu.memory_space<vmem>>, vector<16xi32>,
        %shift_left3A_1174 = arith.constant 16 : i32
        %shift_left3A_1175 = vector.broadcast %shift_left3A_1174 : i32 to vector<16xi32>
        %shift_left3A_1176 = arith.shli %get3A_1173, %shift_left3A_1175 : vector<16xi32>
        %bitcast3A_1177 = vector.bitcast %shift_left3A_1176 : vector<16xi32> to vector<16xf32>
        %and3A_1178 = vector.broadcast %scan3A_770 : i32 to vector<16xi32>
        %and3A_1179 = arith.andi %get3A_1173, %and3A_1178 : vector<16xi32>
        %bitcast3A_1180 = vector.bitcast %and3A_1179 : vector<16xi32> to vector<16xf32>
        %get3A_1181 = arith.constant 1 : i32
        %get3A_1182 = arith.index_cast %get3A_1181 : i32 to index
        %get3A_1183 = arith.index_cast %add3A_1142 : i32 to index
        %get3A_1184 = arith.constant 16 : index
        %get3A_1185 = tpu.vector_load %arg10[%get3A_1182, %get3A_1183, %get3A_1184] {strides = array<i32>} : memref<2x128x64xi32, #tpu.memory_space<vmem>>, vector<16xi32>,
        %shift_left3A_1186 = arith.constant 16 : i32
        %shift_left3A_1187 = vector.broadcast %shift_left3A_1186 : i32 to vector<16xi32>
        %shift_left3A_1188 = arith.shli %get3A_1185, %shift_left3A_1187 : vector<16xi32>
        %bitcast3A_1189 = vector.bitcast %shift_left3A_1188 : vector<16xi32> to vector<16xf32>
        %and3A_1190 = vector.broadcast %scan3A_770 : i32 to vector<16xi32>
        %and3A_1191 = arith.andi %get3A_1185, %and3A_1190 : vector<16xi32>
        %bitcast3A_1192 = vector.bitcast %and3A_1191 : vector<16xi32> to vector<16xf32>
        %add3A_1193 = arith.addf %bitcast3A_1177, %bitcast3A_1189 : vector<16xf32>
        %max3A_1194 = arith.maximumf %scan3A_1135, %add3A_1193 : vector<16xf32>
        %add3A_1195 = arith.addf %bitcast3A_1180, %bitcast3A_1192 : vector<16xf32>
        %max3A_1196 = arith.maximumf %scan3A_1136, %add3A_1195 : vector<16xf32>
        %get3A_1197 = arith.constant 1 : i32
        %get3A_1198 = arith.index_cast %get3A_1197 : i32 to index
        %get3A_1199 = arith.index_cast %add3A_1142 : i32 to index
        %get3A_1200 = arith.constant 32 : index
        %get3A_1201 = tpu.vector_load %arg9[%get3A_1198, %get3A_1199, %get3A_1200] {strides = array<i32>} : memref<2x128x64xi32, #tpu.memory_space<vmem>>, vector<16xi32>,
        %shift_left3A_1202 = arith.constant 16 : i32
        %shift_left3A_1203 = vector.broadcast %shift_left3A_1202 : i32 to vector<16xi32>
        %shift_left3A_1204 = arith.shli %get3A_1201, %shift_left3A_1203 : vector<16xi32>
        %bitcast3A_1205 = vector.bitcast %shift_left3A_1204 : vector<16xi32> to vector<16xf32>
        %and3A_1206 = vector.broadcast %scan3A_770 : i32 to vector<16xi32>
        %and3A_1207 = arith.andi %get3A_1201, %and3A_1206 : vector<16xi32>
        %bitcast3A_1208 = vector.bitcast %and3A_1207 : vector<16xi32> to vector<16xf32>
        %get3A_1209 = arith.constant 1 : i32
        %get3A_1210 = arith.index_cast %get3A_1209 : i32 to index
        %get3A_1211 = arith.index_cast %add3A_1142 : i32 to index
        %get3A_1212 = arith.constant 32 : index
        %get3A_1213 = tpu.vector_load %arg10[%get3A_1210, %get3A_1211, %get3A_1212] {strides = array<i32>} : memref<2x128x64xi32, #tpu.memory_space<vmem>>, vector<16xi32>,
        %shift_left3A_1214 = arith.constant 16 : i32
        %shift_left3A_1215 = vector.broadcast %shift_left3A_1214 : i32 to vector<16xi32>
        %shift_left3A_1216 = arith.shli %get3A_1213, %shift_left3A_1215 : vector<16xi32>
        %bitcast3A_1217 = vector.bitcast %shift_left3A_1216 : vector<16xi32> to vector<16xf32>
        %and3A_1218 = vector.broadcast %scan3A_770 : i32 to vector<16xi32>
        %and3A_1219 = arith.andi %get3A_1213, %and3A_1218 : vector<16xi32>
        %bitcast3A_1220 = vector.bitcast %and3A_1219 : vector<16xi32> to vector<16xf32>
        %add3A_1221 = arith.addf %bitcast3A_1205, %bitcast3A_1217 : vector<16xf32>
        %max3A_1222 = arith.maximumf %scan3A_1137, %add3A_1221 : vector<16xf32>
        %add3A_1223 = arith.addf %bitcast3A_1208, %bitcast3A_1220 : vector<16xf32>
        %max3A_1224 = arith.maximumf %scan3A_1138, %add3A_1223 : vector<16xf32>
        %get3A_1225 = arith.constant 1 : i32
        %get3A_1226 = arith.index_cast %get3A_1225 : i32 to index
        %get3A_1227 = arith.index_cast %add3A_1142 : i32 to index
        %get3A_1228 = arith.constant 48 : index
        %get3A_1229 = tpu.vector_load %arg9[%get3A_1226, %get3A_1227, %get3A_1228] {strides = array<i32>} : memref<2x128x64xi32, #tpu.memory_space<vmem>>, vector<16xi32>,
        %shift_left3A_1230 = arith.constant 16 : i32
        %shift_left3A_1231 = vector.broadcast %shift_left3A_1230 : i32 to vector<16xi32>
        %shift_left3A_1232 = arith.shli %get3A_1229, %shift_left3A_1231 : vector<16xi32>
        %bitcast3A_1233 = vector.bitcast %shift_left3A_1232 : vector<16xi32> to vector<16xf32>
        %and3A_1234 = vector.broadcast %scan3A_770 : i32 to vector<16xi32>
        %and3A_1235 = arith.andi %get3A_1229, %and3A_1234 : vector<16xi32>
        %bitcast3A_1236 = vector.bitcast %and3A_1235 : vector<16xi32> to vector<16xf32>
        %get3A_1237 = arith.constant 1 : i32
        %get3A_1238 = arith.index_cast %get3A_1237 : i32 to index
        %get3A_1239 = arith.index_cast %add3A_1142 : i32 to index
        %get3A_1240 = arith.constant 48 : index
        %get3A_1241 = tpu.vector_load %arg10[%get3A_1238, %get3A_1239, %get3A_1240] {strides = array<i32>} : memref<2x128x64xi32, #tpu.memory_space<vmem>>, vector<16xi32>,
        %shift_left3A_1242 = arith.constant 16 : i32
        %shift_left3A_1243 = vector.broadcast %shift_left3A_1242 : i32 to vector<16xi32>
        %shift_left3A_1244 = arith.shli %get3A_1241, %shift_left3A_1243 : vector<16xi32>
        %bitcast3A_1245 = vector.bitcast %shift_left3A_1244 : vector<16xi32> to vector<16xf32>
        %and3A_1246 = vector.broadcast %scan3A_770 : i32 to vector<16xi32>
        %and3A_1247 = arith.andi %get3A_1241, %and3A_1246 : vector<16xi32>
        %bitcast3A_1248 = vector.bitcast %and3A_1247 : vector<16xi32> to vector<16xf32>
        %add3A_1249 = arith.addf %bitcast3A_1233, %bitcast3A_1245 : vector<16xf32>
        %max3A_1250 = arith.maximumf %scan3A_1139, %add3A_1249 : vector<16xf32>
        %add3A_1251 = arith.addf %bitcast3A_1236, %bitcast3A_1248 : vector<16xf32>
        %max3A_1252 = arith.maximumf %scan3A_1140, %add3A_1251 : vector<16xf32>
        scf.yield %max3A_1166, %max3A_1168, %max3A_1194, %max3A_1196, %max3A_1222, %max3A_1224, %max3A_1250, %max3A_1252 : vector<16xf32>, vector<16xf32>, vector<16xf32>, vector<16xf32>, vector<16xf32>, vector<16xf32>, vector<16xf32>, vector<16xf32>
      }
      %scan3A_776 = arith.constant 32 : i32
      %max3A_777 = arith.constant 0.000000e+00 : f32
      %max3A_778 = vector.broadcast %max3A_777 : f32 to vector<16xf32>
      %max3A_779 = arith.maximumf %scan3A_775#0, %max3A_778 : vector<16xf32>
      %max3A_780 = arith.constant 0.000000e+00 : f32
      %max3A_781 = vector.broadcast %max3A_780 : f32 to vector<16xf32>
      %max3A_782 = arith.maximumf %scan3A_775#1, %max3A_781 : vector<16xf32>
      %bitcast3A_783 = vector.bitcast %max3A_779 : vector<16xf32> to vector<16xi32>
      %add3A_784 = arith.constant 32768 : i32
      %add3A_785 = vector.broadcast %add3A_784 : i32 to vector<16xi32>
      %add3A_786 = arith.addi %bitcast3A_783, %add3A_785 : vector<16xi32>
      %shift_right_logical3A_787 = arith.constant 16 : i32
      %shift_right_logical3A_788 = vector.broadcast %shift_right_logical3A_787 : i32 to vector<16xi32>
      %shift_right_logical3A_789 = arith.shrui %add3A_786, %shift_right_logical3A_788 : vector<16xi32>
      %bitcast3A_790 = vector.bitcast %max3A_782 : vector<16xf32> to vector<16xi32>
      %add3A_791 = arith.constant 32768 : i32
      %add3A_792 = vector.broadcast %add3A_791 : i32 to vector<16xi32>
      %add3A_793 = arith.addi %bitcast3A_790, %add3A_792 : vector<16xi32>
      %and3A_794 = arith.constant -65536 : i32
      %and3A_795 = vector.broadcast %and3A_794 : i32 to vector<16xi32>
      %and3A_796 = arith.andi %add3A_793, %and3A_795 : vector<16xi32>
      %or3A_797 = arith.ori %shift_right_logical3A_789, %and3A_796 : vector<16xi32>
      %swap3A_798 = arith.constant 1 : i32
      %swap3A_799 = arith.index_cast %swap3A_798 : i32 to index
      %swap3A_800 = arith.constant 0 : index
      %swap3A_801 = tpu.vector_load %arg11[%swap3A_799, %swap3A_800] {strides = array<i32>} : memref<4x64xi32, #tpu.memory_space<vmem>>, vector<16xi32>,
      tpu.vector_store %arg11[%swap3A_799, %swap3A_800], %or3A_797 {strides = array<i32>} : memref<4x64xi32, #tpu.memory_space<vmem>>, vector<16xi32>,
      %max3A_802 = arith.constant 0.000000e+00 : f32
      %max3A_803 = vector.broadcast %max3A_802 : f32 to vector<16xf32>
      %max3A_804 = arith.maximumf %scan3A_775#2, %max3A_803 : vector<16xf32>
      %max3A_805 = arith.constant 0.000000e+00 : f32
      %max3A_806 = vector.broadcast %max3A_805 : f32 to vector<16xf32>
      %max3A_807 = arith.maximumf %scan3A_775#3, %max3A_806 : vector<16xf32>
      %bitcast3A_808 = vector.bitcast %max3A_804 : vector<16xf32> to vector<16xi32>
      %add3A_809 = arith.constant 32768 : i32
      %add3A_810 = vector.broadcast %add3A_809 : i32 to vector<16xi32>
      %add3A_811 = arith.addi %bitcast3A_808, %add3A_810 : vector<16xi32>
      %shift_right_logical3A_812 = arith.constant 16 : i32
      %shift_right_logical3A_813 = vector.broadcast %shift_right_logical3A_812 : i32 to vector<16xi32>
      %shift_right_logical3A_814 = arith.shrui %add3A_811, %shift_right_logical3A_813 : vector<16xi32>
      %bitcast3A_815 = vector.bitcast %max3A_807 : vector<16xf32> to vector<16xi32>
      %add3A_816 = arith.constant 32768 : i32
      %add3A_817 = vector.broadcast %add3A_816 : i32 to vector<16xi32>
      %add3A_818 = arith.addi %bitcast3A_815, %add3A_817 : vector<16xi32>
      %and3A_819 = arith.constant -65536 : i32
      %and3A_820 = vector.broadcast %and3A_819 : i32 to vector<16xi32>
      %and3A_821 = arith.andi %add3A_818, %and3A_820 : vector<16xi32>
      %or3A_822 = arith.ori %shift_right_logical3A_814, %and3A_821 : vector<16xi32>
      %swap3A_823 = arith.constant 1 : i32
      %swap3A_824 = arith.index_cast %swap3A_823 : i32 to index
      %swap3A_825 = arith.constant 16 : index
      %swap3A_826 = tpu.vector_load %arg11[%swap3A_824, %swap3A_825] {strides = array<i32>} : memref<4x64xi32, #tpu.memory_space<vmem>>, vector<16xi32>,
      tpu.vector_store %arg11[%swap3A_824, %swap3A_825], %or3A_822 {strides = array<i32>} : memref<4x64xi32, #tpu.memory_space<vmem>>, vector<16xi32>,
      %max3A_827 = arith.constant 0.000000e+00 : f32
      %max3A_828 = vector.broadcast %max3A_827 : f32 to vector<16xf32>
      %max3A_829 = arith.maximumf %scan3A_775#4, %max3A_828 : vector<16xf32>
      %max3A_830 = arith.constant 0.000000e+00 : f32
      %max3A_831 = vector.broadcast %max3A_830 : f32 to vector<16xf32>
      %max3A_832 = arith.maximumf %scan3A_775#5, %max3A_831 : vector<16xf32>
      %bitcast3A_833 = vector.bitcast %max3A_829 : vector<16xf32> to vector<16xi32>
      %add3A_834 = arith.constant 32768 : i32
      %add3A_835 = vector.broadcast %add3A_834 : i32 to vector<16xi32>
      %add3A_836 = arith.addi %bitcast3A_833, %add3A_835 : vector<16xi32>
      %shift_right_logical3A_837 = arith.constant 16 : i32
      %shift_right_logical3A_838 = vector.broadcast %shift_right_logical3A_837 : i32 to vector<16xi32>
      %shift_right_logical3A_839 = arith.shrui %add3A_836, %shift_right_logical3A_838 : vector<16xi32>
      %bitcast3A_840 = vector.bitcast %max3A_832 : vector<16xf32> to vector<16xi32>
      %add3A_841 = arith.constant 32768 : i32
      %add3A_842 = vector.broadcast %add3A_841 : i32 to vector<16xi32>
      %add3A_843 = arith.addi %bitcast3A_840, %add3A_842 : vector<16xi32>
      %and3A_844 = arith.constant -65536 : i32
      %and3A_845 = vector.broadcast %and3A_844 : i32 to vector<16xi32>
      %and3A_846 = arith.andi %add3A_843, %and3A_845 : vector<16xi32>
      %or3A_847 = arith.ori %shift_right_logical3A_839, %and3A_846 : vector<16xi32>
      %swap3A_848 = arith.constant 1 : i32
      %swap3A_849 = arith.index_cast %swap3A_848 : i32 to index
      %swap3A_850 = arith.constant 32 : index
      %swap3A_851 = tpu.vector_load %arg11[%swap3A_849, %swap3A_850] {strides = array<i32>} : memref<4x64xi32, #tpu.memory_space<vmem>>, vector<16xi32>,
      tpu.vector_store %arg11[%swap3A_849, %swap3A_850], %or3A_847 {strides = array<i32>} : memref<4x64xi32, #tpu.memory_space<vmem>>, vector<16xi32>,
      %max3A_852 = arith.constant 0.000000e+00 : f32
      %max3A_853 = vector.broadcast %max3A_852 : f32 to vector<16xf32>
      %max3A_854 = arith.maximumf %scan3A_775#6, %max3A_853 : vector<16xf32>
      %max3A_855 = arith.constant 0.000000e+00 : f32
      %max3A_856 = vector.broadcast %max3A_855 : f32 to vector<16xf32>
      %max3A_857 = arith.maximumf %scan3A_775#7, %max3A_856 : vector<16xf32>
      %bitcast3A_858 = vector.bitcast %max3A_854 : vector<16xf32> to vector<16xi32>
      %add3A_859 = arith.constant 32768 : i32
      %add3A_860 = vector.broadcast %add3A_859 : i32 to vector<16xi32>
      %add3A_861 = arith.addi %bitcast3A_858, %add3A_860 : vector<16xi32>
      %shift_right_logical3A_862 = arith.constant 16 : i32
      %shift_right_logical3A_863 = vector.broadcast %shift_right_logical3A_862 : i32 to vector<16xi32>
      %shift_right_logical3A_864 = arith.shrui %add3A_861, %shift_right_logical3A_863 : vector<16xi32>
      %bitcast3A_865 = vector.bitcast %max3A_857 : vector<16xf32> to vector<16xi32>
      %add3A_866 = arith.constant 32768 : i32
      %add3A_867 = vector.broadcast %add3A_866 : i32 to vector<16xi32>
      %add3A_868 = arith.addi %bitcast3A_865, %add3A_867 : vector<16xi32>
      %and3A_869 = arith.constant -65536 : i32
      %and3A_870 = vector.broadcast %and3A_869 : i32 to vector<16xi32>
      %and3A_871 = arith.andi %add3A_868, %and3A_870 : vector<16xi32>
      %or3A_872 = arith.ori %shift_right_logical3A_864, %and3A_871 : vector<16xi32>
      %swap3A_873 = arith.constant 1 : i32
      %swap3A_874 = arith.index_cast %swap3A_873 : i32 to index
      %swap3A_875 = arith.constant 48 : index
      %swap3A_876 = tpu.vector_load %arg11[%swap3A_874, %swap3A_875] {strides = array<i32>} : memref<4x64xi32, #tpu.memory_space<vmem>>, vector<16xi32>,
      tpu.vector_store %arg11[%swap3A_874, %swap3A_875], %or3A_872 {strides = array<i32>} : memref<4x64xi32, #tpu.memory_space<vmem>>, vector<16xi32>,
      %broadcast_in_dim3A_877 = arith.constant 0xFF800000 : f32
      %broadcast_in_dim3A_878 = vector.broadcast %broadcast_in_dim3A_877 : f32 to vector<16xf32>
      %broadcast_in_dim3A_879 = arith.constant 0xFF800000 : f32
      %broadcast_in_dim3A_880 = vector.broadcast %broadcast_in_dim3A_879 : f32 to vector<16xf32>
      %broadcast_in_dim3A_881 = arith.constant 0xFF800000 : f32
      %broadcast_in_dim3A_882 = vector.broadcast %broadcast_in_dim3A_881 : f32 to vector<16xf32>
      %broadcast_in_dim3A_883 = arith.constant 0xFF800000 : f32
      %broadcast_in_dim3A_884 = vector.broadcast %broadcast_in_dim3A_883 : f32 to vector<16xf32>
      %broadcast_in_dim3A_885 = arith.constant 0xFF800000 : f32
      %broadcast_in_dim3A_886 = vector.broadcast %broadcast_in_dim3A_885 : f32 to vector<16xf32>
      %broadcast_in_dim3A_887 = arith.constant 0xFF800000 : f32
      %broadcast_in_dim3A_888 = vector.broadcast %broadcast_in_dim3A_887 : f32 to vector<16xf32>
      %broadcast_in_dim3A_889 = arith.constant 0xFF800000 : f32
      %broadcast_in_dim3A_890 = vector.broadcast %broadcast_in_dim3A_889 : f32 to vector<16xf32>
      %broadcast_in_dim3A_891 = arith.constant 0xFF800000 : f32
      %broadcast_in_dim3A_892 = vector.broadcast %broadcast_in_dim3A_891 : f32 to vector<16xf32>
      %scan3A_893 = arith.constant -65536 : i32
      %scan3A_894 = arith.constant 0 : i32
      %scan3A_895 = arith.constant 32 : i32
      %scan3A_896 = arith.addi %scan3A_894, %scan3A_895 : i32
      %scan3A_897 = arith.constant 1 : i32
      %scan3A_898:8 = scf.for %scan3A_1132 = %scan3A_894 to %scan3A_896 step %scan3A_897 iter_args(%scan3A_1133 = %broadcast_in_dim3A_878, %scan3A_1134 = %broadcast_in_dim3A_880, %scan3A_1135 = %broadcast_in_dim3A_882, %scan3A_1136 = %broadcast_in_dim3A_884, %scan3A_1137 = %broadcast_in_dim3A_886, %scan3A_1138 = %broadcast_in_dim3A_888, %scan3A_1139 = %broadcast_in_dim3A_890, %scan3A_1140 = %broadcast_in_dim3A_892) -> (vector<16xf32>, vector<16xf32>, vector<16xf32>, vector<16xf32>, vector<16xf32>, vector<16xf32>, vector<16xf32>, vector<16xf32>)  : i32 {
        %add3A_1141 = arith.constant 64 : i32
        %add3A_1142 = arith.addi %add3A_1141, %scan3A_1132 : i32
        %get3A = arith.constant 1 : i32
        %get3A_1143 = arith.index_cast %get3A : i32 to index
        %get3A_1144 = arith.index_cast %add3A_1142 : i32 to index
        %get3A_1145 = arith.constant 0 : index
        %get3A_1146 = tpu.vector_load %arg9[%get3A_1143, %get3A_1144, %get3A_1145] {strides = array<i32>} : memref<2x128x64xi32, #tpu.memory_space<vmem>>, vector<16xi32>,
        %shift_left3A = arith.constant 16 : i32
        %shift_left3A_1147 = vector.broadcast %shift_left3A : i32 to vector<16xi32>
        %shift_left3A_1148 = arith.shli %get3A_1146, %shift_left3A_1147 : vector<16xi32>
        %bitcast3A_1149 = vector.bitcast %shift_left3A_1148 : vector<16xi32> to vector<16xf32>
        %and3A_1150 = vector.broadcast %scan3A_893 : i32 to vector<16xi32>
        %and3A_1151 = arith.andi %get3A_1146, %and3A_1150 : vector<16xi32>
        %bitcast3A_1152 = vector.bitcast %and3A_1151 : vector<16xi32> to vector<16xf32>
        %get3A_1153 = arith.constant 1 : i32
        %get3A_1154 = arith.index_cast %get3A_1153 : i32 to index
        %get3A_1155 = arith.index_cast %add3A_1142 : i32 to index
        %get3A_1156 = arith.constant 0 : index
        %get3A_1157 = tpu.vector_load %arg10[%get3A_1154, %get3A_1155, %get3A_1156] {strides = array<i32>} : memref<2x128x64xi32, #tpu.memory_space<vmem>>, vector<16xi32>,
        %shift_left3A_1158 = arith.constant 16 : i32
        %shift_left3A_1159 = vector.broadcast %shift_left3A_1158 : i32 to vector<16xi32>
        %shift_left3A_1160 = arith.shli %get3A_1157, %shift_left3A_1159 : vector<16xi32>
        %bitcast3A_1161 = vector.bitcast %shift_left3A_1160 : vector<16xi32> to vector<16xf32>
        %and3A_1162 = vector.broadcast %scan3A_893 : i32 to vector<16xi32>
        %and3A_1163 = arith.andi %get3A_1157, %and3A_1162 : vector<16xi32>
        %bitcast3A_1164 = vector.bitcast %and3A_1163 : vector<16xi32> to vector<16xf32>
        %add3A_1165 = arith.addf %bitcast3A_1149, %bitcast3A_1161 : vector<16xf32>
        %max3A_1166 = arith.maximumf %scan3A_1133, %add3A_1165 : vector<16xf32>
        %add3A_1167 = arith.addf %bitcast3A_1152, %bitcast3A_1164 : vector<16xf32>
        %max3A_1168 = arith.maximumf %scan3A_1134, %add3A_1167 : vector<16xf32>
        %get3A_1169 = arith.constant 1 : i32
        %get3A_1170 = arith.index_cast %get3A_1169 : i32 to index
        %get3A_1171 = arith.index_cast %add3A_1142 : i32 to index
        %get3A_1172 = arith.constant 16 : index
        %get3A_1173 = tpu.vector_load %arg9[%get3A_1170, %get3A_1171, %get3A_1172] {strides = array<i32>} : memref<2x128x64xi32, #tpu.memory_space<vmem>>, vector<16xi32>,
        %shift_left3A_1174 = arith.constant 16 : i32
        %shift_left3A_1175 = vector.broadcast %shift_left3A_1174 : i32 to vector<16xi32>
        %shift_left3A_1176 = arith.shli %get3A_1173, %shift_left3A_1175 : vector<16xi32>
        %bitcast3A_1177 = vector.bitcast %shift_left3A_1176 : vector<16xi32> to vector<16xf32>
        %and3A_1178 = vector.broadcast %scan3A_893 : i32 to vector<16xi32>
        %and3A_1179 = arith.andi %get3A_1173, %and3A_1178 : vector<16xi32>
        %bitcast3A_1180 = vector.bitcast %and3A_1179 : vector<16xi32> to vector<16xf32>
        %get3A_1181 = arith.constant 1 : i32
        %get3A_1182 = arith.index_cast %get3A_1181 : i32 to index
        %get3A_1183 = arith.index_cast %add3A_1142 : i32 to index
        %get3A_1184 = arith.constant 16 : index
        %get3A_1185 = tpu.vector_load %arg10[%get3A_1182, %get3A_1183, %get3A_1184] {strides = array<i32>} : memref<2x128x64xi32, #tpu.memory_space<vmem>>, vector<16xi32>,
        %shift_left3A_1186 = arith.constant 16 : i32
        %shift_left3A_1187 = vector.broadcast %shift_left3A_1186 : i32 to vector<16xi32>
        %shift_left3A_1188 = arith.shli %get3A_1185, %shift_left3A_1187 : vector<16xi32>
        %bitcast3A_1189 = vector.bitcast %shift_left3A_1188 : vector<16xi32> to vector<16xf32>
        %and3A_1190 = vector.broadcast %scan3A_893 : i32 to vector<16xi32>
        %and3A_1191 = arith.andi %get3A_1185, %and3A_1190 : vector<16xi32>
        %bitcast3A_1192 = vector.bitcast %and3A_1191 : vector<16xi32> to vector<16xf32>
        %add3A_1193 = arith.addf %bitcast3A_1177, %bitcast3A_1189 : vector<16xf32>
        %max3A_1194 = arith.maximumf %scan3A_1135, %add3A_1193 : vector<16xf32>
        %add3A_1195 = arith.addf %bitcast3A_1180, %bitcast3A_1192 : vector<16xf32>
        %max3A_1196 = arith.maximumf %scan3A_1136, %add3A_1195 : vector<16xf32>
        %get3A_1197 = arith.constant 1 : i32
        %get3A_1198 = arith.index_cast %get3A_1197 : i32 to index
        %get3A_1199 = arith.index_cast %add3A_1142 : i32 to index
        %get3A_1200 = arith.constant 32 : index
        %get3A_1201 = tpu.vector_load %arg9[%get3A_1198, %get3A_1199, %get3A_1200] {strides = array<i32>} : memref<2x128x64xi32, #tpu.memory_space<vmem>>, vector<16xi32>,
        %shift_left3A_1202 = arith.constant 16 : i32
        %shift_left3A_1203 = vector.broadcast %shift_left3A_1202 : i32 to vector<16xi32>
        %shift_left3A_1204 = arith.shli %get3A_1201, %shift_left3A_1203 : vector<16xi32>
        %bitcast3A_1205 = vector.bitcast %shift_left3A_1204 : vector<16xi32> to vector<16xf32>
        %and3A_1206 = vector.broadcast %scan3A_893 : i32 to vector<16xi32>
        %and3A_1207 = arith.andi %get3A_1201, %and3A_1206 : vector<16xi32>
        %bitcast3A_1208 = vector.bitcast %and3A_1207 : vector<16xi32> to vector<16xf32>
        %get3A_1209 = arith.constant 1 : i32
        %get3A_1210 = arith.index_cast %get3A_1209 : i32 to index
        %get3A_1211 = arith.index_cast %add3A_1142 : i32 to index
        %get3A_1212 = arith.constant 32 : index
        %get3A_1213 = tpu.vector_load %arg10[%get3A_1210, %get3A_1211, %get3A_1212] {strides = array<i32>} : memref<2x128x64xi32, #tpu.memory_space<vmem>>, vector<16xi32>,
        %shift_left3A_1214 = arith.constant 16 : i32
        %shift_left3A_1215 = vector.broadcast %shift_left3A_1214 : i32 to vector<16xi32>
        %shift_left3A_1216 = arith.shli %get3A_1213, %shift_left3A_1215 : vector<16xi32>
        %bitcast3A_1217 = vector.bitcast %shift_left3A_1216 : vector<16xi32> to vector<16xf32>
        %and3A_1218 = vector.broadcast %scan3A_893 : i32 to vector<16xi32>
        %and3A_1219 = arith.andi %get3A_1213, %and3A_1218 : vector<16xi32>
        %bitcast3A_1220 = vector.bitcast %and3A_1219 : vector<16xi32> to vector<16xf32>
        %add3A_1221 = arith.addf %bitcast3A_1205, %bitcast3A_1217 : vector<16xf32>
        %max3A_1222 = arith.maximumf %scan3A_1137, %add3A_1221 : vector<16xf32>
        %add3A_1223 = arith.addf %bitcast3A_1208, %bitcast3A_1220 : vector<16xf32>
        %max3A_1224 = arith.maximumf %scan3A_1138, %add3A_1223 : vector<16xf32>
        %get3A_1225 = arith.constant 1 : i32
        %get3A_1226 = arith.index_cast %get3A_1225 : i32 to index
        %get3A_1227 = arith.index_cast %add3A_1142 : i32 to index
        %get3A_1228 = arith.constant 48 : index
        %get3A_1229 = tpu.vector_load %arg9[%get3A_1226, %get3A_1227, %get3A_1228] {strides = array<i32>} : memref<2x128x64xi32, #tpu.memory_space<vmem>>, vector<16xi32>,
        %shift_left3A_1230 = arith.constant 16 : i32
        %shift_left3A_1231 = vector.broadcast %shift_left3A_1230 : i32 to vector<16xi32>
        %shift_left3A_1232 = arith.shli %get3A_1229, %shift_left3A_1231 : vector<16xi32>
        %bitcast3A_1233 = vector.bitcast %shift_left3A_1232 : vector<16xi32> to vector<16xf32>
        %and3A_1234 = vector.broadcast %scan3A_893 : i32 to vector<16xi32>
        %and3A_1235 = arith.andi %get3A_1229, %and3A_1234 : vector<16xi32>
        %bitcast3A_1236 = vector.bitcast %and3A_1235 : vector<16xi32> to vector<16xf32>
        %get3A_1237 = arith.constant 1 : i32
        %get3A_1238 = arith.index_cast %get3A_1237 : i32 to index
        %get3A_1239 = arith.index_cast %add3A_1142 : i32 to index
        %get3A_1240 = arith.constant 48 : index
        %get3A_1241 = tpu.vector_load %arg10[%get3A_1238, %get3A_1239, %get3A_1240] {strides = array<i32>} : memref<2x128x64xi32, #tpu.memory_space<vmem>>, vector<16xi32>,
        %shift_left3A_1242 = arith.constant 16 : i32
        %shift_left3A_1243 = vector.broadcast %shift_left3A_1242 : i32 to vector<16xi32>
        %shift_left3A_1244 = arith.shli %get3A_1241, %shift_left3A_1243 : vector<16xi32>
        %bitcast3A_1245 = vector.bitcast %shift_left3A_1244 : vector<16xi32> to vector<16xf32>
        %and3A_1246 = vector.broadcast %scan3A_893 : i32 to vector<16xi32>
        %and3A_1247 = arith.andi %get3A_1241, %and3A_1246 : vector<16xi32>
        %bitcast3A_1248 = vector.bitcast %and3A_1247 : vector<16xi32> to vector<16xf32>
        %add3A_1249 = arith.addf %bitcast3A_1233, %bitcast3A_1245 : vector<16xf32>
        %max3A_1250 = arith.maximumf %scan3A_1139, %add3A_1249 : vector<16xf32>
        %add3A_1251 = arith.addf %bitcast3A_1236, %bitcast3A_1248 : vector<16xf32>
        %max3A_1252 = arith.maximumf %scan3A_1140, %add3A_1251 : vector<16xf32>
        scf.yield %max3A_1166, %max3A_1168, %max3A_1194, %max3A_1196, %max3A_1222, %max3A_1224, %max3A_1250, %max3A_1252 : vector<16xf32>, vector<16xf32>, vector<16xf32>, vector<16xf32>, vector<16xf32>, vector<16xf32>, vector<16xf32>, vector<16xf32>
      }
      %scan3A_899 = arith.constant 32 : i32
      %max3A_900 = arith.constant 0.000000e+00 : f32
      %max3A_901 = vector.broadcast %max3A_900 : f32 to vector<16xf32>
      %max3A_902 = arith.maximumf %scan3A_898#0, %max3A_901 : vector<16xf32>
      %max3A_903 = arith.constant 0.000000e+00 : f32
      %max3A_904 = vector.broadcast %max3A_903 : f32 to vector<16xf32>
      %max3A_905 = arith.maximumf %scan3A_898#1, %max3A_904 : vector<16xf32>
      %bitcast3A_906 = vector.bitcast %max3A_902 : vector<16xf32> to vector<16xi32>
      %add3A_907 = arith.constant 32768 : i32
      %add3A_908 = vector.broadcast %add3A_907 : i32 to vector<16xi32>
      %add3A_909 = arith.addi %bitcast3A_906, %add3A_908 : vector<16xi32>
      %shift_right_logical3A_910 = arith.constant 16 : i32
      %shift_right_logical3A_911 = vector.broadcast %shift_right_logical3A_910 : i32 to vector<16xi32>
      %shift_right_logical3A_912 = arith.shrui %add3A_909, %shift_right_logical3A_911 : vector<16xi32>
      %bitcast3A_913 = vector.bitcast %max3A_905 : vector<16xf32> to vector<16xi32>
      %add3A_914 = arith.constant 32768 : i32
      %add3A_915 = vector.broadcast %add3A_914 : i32 to vector<16xi32>
      %add3A_916 = arith.addi %bitcast3A_913, %add3A_915 : vector<16xi32>
      %and3A_917 = arith.constant -65536 : i32
      %and3A_918 = vector.broadcast %and3A_917 : i32 to vector<16xi32>
      %and3A_919 = arith.andi %add3A_916, %and3A_918 : vector<16xi32>
      %or3A_920 = arith.ori %shift_right_logical3A_912, %and3A_919 : vector<16xi32>
      %swap3A_921 = arith.constant 2 : i32
      %swap3A_922 = arith.index_cast %swap3A_921 : i32 to index
      %swap3A_923 = arith.constant 0 : index
      %swap3A_924 = tpu.vector_load %arg11[%swap3A_922, %swap3A_923] {strides = array<i32>} : memref<4x64xi32, #tpu.memory_space<vmem>>, vector<16xi32>,
      tpu.vector_store %arg11[%swap3A_922, %swap3A_923], %or3A_920 {strides = array<i32>} : memref<4x64xi32, #tpu.memory_space<vmem>>, vector<16xi32>,
      %max3A_925 = arith.constant 0.000000e+00 : f32
      %max3A_926 = vector.broadcast %max3A_925 : f32 to vector<16xf32>
      %max3A_927 = arith.maximumf %scan3A_898#2, %max3A_926 : vector<16xf32>
      %max3A_928 = arith.constant 0.000000e+00 : f32
      %max3A_929 = vector.broadcast %max3A_928 : f32 to vector<16xf32>
      %max3A_930 = arith.maximumf %scan3A_898#3, %max3A_929 : vector<16xf32>
      %bitcast3A_931 = vector.bitcast %max3A_927 : vector<16xf32> to vector<16xi32>
      %add3A_932 = arith.constant 32768 : i32
      %add3A_933 = vector.broadcast %add3A_932 : i32 to vector<16xi32>
      %add3A_934 = arith.addi %bitcast3A_931, %add3A_933 : vector<16xi32>
      %shift_right_logical3A_935 = arith.constant 16 : i32
      %shift_right_logical3A_936 = vector.broadcast %shift_right_logical3A_935 : i32 to vector<16xi32>
      %shift_right_logical3A_937 = arith.shrui %add3A_934, %shift_right_logical3A_936 : vector<16xi32>
      %bitcast3A_938 = vector.bitcast %max3A_930 : vector<16xf32> to vector<16xi32>
      %add3A_939 = arith.constant 32768 : i32
      %add3A_940 = vector.broadcast %add3A_939 : i32 to vector<16xi32>
      %add3A_941 = arith.addi %bitcast3A_938, %add3A_940 : vector<16xi32>
      %and3A_942 = arith.constant -65536 : i32
      %and3A_943 = vector.broadcast %and3A_942 : i32 to vector<16xi32>
      %and3A_944 = arith.andi %add3A_941, %and3A_943 : vector<16xi32>
      %or3A_945 = arith.ori %shift_right_logical3A_937, %and3A_944 : vector<16xi32>
      %swap3A_946 = arith.constant 2 : i32
      %swap3A_947 = arith.index_cast %swap3A_946 : i32 to index
      %swap3A_948 = arith.constant 16 : index
      %swap3A_949 = tpu.vector_load %arg11[%swap3A_947, %swap3A_948] {strides = array<i32>} : memref<4x64xi32, #tpu.memory_space<vmem>>, vector<16xi32>,
      tpu.vector_store %arg11[%swap3A_947, %swap3A_948], %or3A_945 {strides = array<i32>} : memref<4x64xi32, #tpu.memory_space<vmem>>, vector<16xi32>,
      %max3A_950 = arith.constant 0.000000e+00 : f32
      %max3A_951 = vector.broadcast %max3A_950 : f32 to vector<16xf32>
      %max3A_952 = arith.maximumf %scan3A_898#4, %max3A_951 : vector<16xf32>
      %max3A_953 = arith.constant 0.000000e+00 : f32
      %max3A_954 = vector.broadcast %max3A_953 : f32 to vector<16xf32>
      %max3A_955 = arith.maximumf %scan3A_898#5, %max3A_954 : vector<16xf32>
      %bitcast3A_956 = vector.bitcast %max3A_952 : vector<16xf32> to vector<16xi32>
      %add3A_957 = arith.constant 32768 : i32
      %add3A_958 = vector.broadcast %add3A_957 : i32 to vector<16xi32>
      %add3A_959 = arith.addi %bitcast3A_956, %add3A_958 : vector<16xi32>
      %shift_right_logical3A_960 = arith.constant 16 : i32
      %shift_right_logical3A_961 = vector.broadcast %shift_right_logical3A_960 : i32 to vector<16xi32>
      %shift_right_logical3A_962 = arith.shrui %add3A_959, %shift_right_logical3A_961 : vector<16xi32>
      %bitcast3A_963 = vector.bitcast %max3A_955 : vector<16xf32> to vector<16xi32>
      %add3A_964 = arith.constant 32768 : i32
      %add3A_965 = vector.broadcast %add3A_964 : i32 to vector<16xi32>
      %add3A_966 = arith.addi %bitcast3A_963, %add3A_965 : vector<16xi32>
      %and3A_967 = arith.constant -65536 : i32
      %and3A_968 = vector.broadcast %and3A_967 : i32 to vector<16xi32>
      %and3A_969 = arith.andi %add3A_966, %and3A_968 : vector<16xi32>
      %or3A_970 = arith.ori %shift_right_logical3A_962, %and3A_969 : vector<16xi32>
      %swap3A_971 = arith.constant 2 : i32
      %swap3A_972 = arith.index_cast %swap3A_971 : i32 to index
      %swap3A_973 = arith.constant 32 : index
      %swap3A_974 = tpu.vector_load %arg11[%swap3A_972, %swap3A_973] {strides = array<i32>} : memref<4x64xi32, #tpu.memory_space<vmem>>, vector<16xi32>,
      tpu.vector_store %arg11[%swap3A_972, %swap3A_973], %or3A_970 {strides = array<i32>} : memref<4x64xi32, #tpu.memory_space<vmem>>, vector<16xi32>,
      %max3A_975 = arith.constant 0.000000e+00 : f32
      %max3A_976 = vector.broadcast %max3A_975 : f32 to vector<16xf32>
      %max3A_977 = arith.maximumf %scan3A_898#6, %max3A_976 : vector<16xf32>
      %max3A_978 = arith.constant 0.000000e+00 : f32
      %max3A_979 = vector.broadcast %max3A_978 : f32 to vector<16xf32>
      %max3A_980 = arith.maximumf %scan3A_898#7, %max3A_979 : vector<16xf32>
      %bitcast3A_981 = vector.bitcast %max3A_977 : vector<16xf32> to vector<16xi32>
      %add3A_982 = arith.constant 32768 : i32
      %add3A_983 = vector.broadcast %add3A_982 : i32 to vector<16xi32>
      %add3A_984 = arith.addi %bitcast3A_981, %add3A_983 : vector<16xi32>
      %shift_right_logical3A_985 = arith.constant 16 : i32
      %shift_right_logical3A_986 = vector.broadcast %shift_right_logical3A_985 : i32 to vector<16xi32>
      %shift_right_logical3A_987 = arith.shrui %add3A_984, %shift_right_logical3A_986 : vector<16xi32>
      %bitcast3A_988 = vector.bitcast %max3A_980 : vector<16xf32> to vector<16xi32>
      %add3A_989 = arith.constant 32768 : i32
      %add3A_990 = vector.broadcast %add3A_989 : i32 to vector<16xi32>
      %add3A_991 = arith.addi %bitcast3A_988, %add3A_990 : vector<16xi32>
      %and3A_992 = arith.constant -65536 : i32
      %and3A_993 = vector.broadcast %and3A_992 : i32 to vector<16xi32>
      %and3A_994 = arith.andi %add3A_991, %and3A_993 : vector<16xi32>
      %or3A_995 = arith.ori %shift_right_logical3A_987, %and3A_994 : vector<16xi32>
      %swap3A_996 = arith.constant 2 : i32
      %swap3A_997 = arith.index_cast %swap3A_996 : i32 to index
      %swap3A_998 = arith.constant 48 : index
      %swap3A_999 = tpu.vector_load %arg11[%swap3A_997, %swap3A_998] {strides = array<i32>} : memref<4x64xi32, #tpu.memory_space<vmem>>, vector<16xi32>,
      tpu.vector_store %arg11[%swap3A_997, %swap3A_998], %or3A_995 {strides = array<i32>} : memref<4x64xi32, #tpu.memory_space<vmem>>, vector<16xi32>,
      %broadcast_in_dim3A_1000 = arith.constant 0xFF800000 : f32
      %broadcast_in_dim3A_1001 = vector.broadcast %broadcast_in_dim3A_1000 : f32 to vector<16xf32>
      %broadcast_in_dim3A_1002 = arith.constant 0xFF800000 : f32
      %broadcast_in_dim3A_1003 = vector.broadcast %broadcast_in_dim3A_1002 : f32 to vector<16xf32>
      %broadcast_in_dim3A_1004 = arith.constant 0xFF800000 : f32
      %broadcast_in_dim3A_1005 = vector.broadcast %broadcast_in_dim3A_1004 : f32 to vector<16xf32>
      %broadcast_in_dim3A_1006 = arith.constant 0xFF800000 : f32
      %broadcast_in_dim3A_1007 = vector.broadcast %broadcast_in_dim3A_1006 : f32 to vector<16xf32>
      %broadcast_in_dim3A_1008 = arith.constant 0xFF800000 : f32
      %broadcast_in_dim3A_1009 = vector.broadcast %broadcast_in_dim3A_1008 : f32 to vector<16xf32>
      %broadcast_in_dim3A_1010 = arith.constant 0xFF800000 : f32
      %broadcast_in_dim3A_1011 = vector.broadcast %broadcast_in_dim3A_1010 : f32 to vector<16xf32>
      %broadcast_in_dim3A_1012 = arith.constant 0xFF800000 : f32
      %broadcast_in_dim3A_1013 = vector.broadcast %broadcast_in_dim3A_1012 : f32 to vector<16xf32>
      %broadcast_in_dim3A_1014 = arith.constant 0xFF800000 : f32
      %broadcast_in_dim3A_1015 = vector.broadcast %broadcast_in_dim3A_1014 : f32 to vector<16xf32>
      %scan3A_1016 = arith.constant -65536 : i32
      %scan3A_1017 = arith.constant 0 : i32
      %scan3A_1018 = arith.constant 32 : i32
      %scan3A_1019 = arith.addi %scan3A_1017, %scan3A_1018 : i32
      %scan3A_1020 = arith.constant 1 : i32
      %scan3A_1021:8 = scf.for %scan3A_1132 = %scan3A_1017 to %scan3A_1019 step %scan3A_1020 iter_args(%scan3A_1133 = %broadcast_in_dim3A_1001, %scan3A_1134 = %broadcast_in_dim3A_1003, %scan3A_1135 = %broadcast_in_dim3A_1005, %scan3A_1136 = %broadcast_in_dim3A_1007, %scan3A_1137 = %broadcast_in_dim3A_1009, %scan3A_1138 = %broadcast_in_dim3A_1011, %scan3A_1139 = %broadcast_in_dim3A_1013, %scan3A_1140 = %broadcast_in_dim3A_1015) -> (vector<16xf32>, vector<16xf32>, vector<16xf32>, vector<16xf32>, vector<16xf32>, vector<16xf32>, vector<16xf32>, vector<16xf32>)  : i32 {
        %add3A_1141 = arith.constant 96 : i32
        %add3A_1142 = arith.addi %add3A_1141, %scan3A_1132 : i32
        %get3A = arith.constant 1 : i32
        %get3A_1143 = arith.index_cast %get3A : i32 to index
        %get3A_1144 = arith.index_cast %add3A_1142 : i32 to index
        %get3A_1145 = arith.constant 0 : index
        %get3A_1146 = tpu.vector_load %arg9[%get3A_1143, %get3A_1144, %get3A_1145] {strides = array<i32>} : memref<2x128x64xi32, #tpu.memory_space<vmem>>, vector<16xi32>,
        %shift_left3A = arith.constant 16 : i32
        %shift_left3A_1147 = vector.broadcast %shift_left3A : i32 to vector<16xi32>
        %shift_left3A_1148 = arith.shli %get3A_1146, %shift_left3A_1147 : vector<16xi32>
        %bitcast3A_1149 = vector.bitcast %shift_left3A_1148 : vector<16xi32> to vector<16xf32>
        %and3A_1150 = vector.broadcast %scan3A_1016 : i32 to vector<16xi32>
        %and3A_1151 = arith.andi %get3A_1146, %and3A_1150 : vector<16xi32>
        %bitcast3A_1152 = vector.bitcast %and3A_1151 : vector<16xi32> to vector<16xf32>
        %get3A_1153 = arith.constant 1 : i32
        %get3A_1154 = arith.index_cast %get3A_1153 : i32 to index
        %get3A_1155 = arith.index_cast %add3A_1142 : i32 to index
        %get3A_1156 = arith.constant 0 : index
        %get3A_1157 = tpu.vector_load %arg10[%get3A_1154, %get3A_1155, %get3A_1156] {strides = array<i32>} : memref<2x128x64xi32, #tpu.memory_space<vmem>>, vector<16xi32>,
        %shift_left3A_1158 = arith.constant 16 : i32
        %shift_left3A_1159 = vector.broadcast %shift_left3A_1158 : i32 to vector<16xi32>
        %shift_left3A_1160 = arith.shli %get3A_1157, %shift_left3A_1159 : vector<16xi32>
        %bitcast3A_1161 = vector.bitcast %shift_left3A_1160 : vector<16xi32> to vector<16xf32>
        %and3A_1162 = vector.broadcast %scan3A_1016 : i32 to vector<16xi32>
        %and3A_1163 = arith.andi %get3A_1157, %and3A_1162 : vector<16xi32>
        %bitcast3A_1164 = vector.bitcast %and3A_1163 : vector<16xi32> to vector<16xf32>
        %add3A_1165 = arith.addf %bitcast3A_1149, %bitcast3A_1161 : vector<16xf32>
        %max3A_1166 = arith.maximumf %scan3A_1133, %add3A_1165 : vector<16xf32>
        %add3A_1167 = arith.addf %bitcast3A_1152, %bitcast3A_1164 : vector<16xf32>
        %max3A_1168 = arith.maximumf %scan3A_1134, %add3A_1167 : vector<16xf32>
        %get3A_1169 = arith.constant 1 : i32
        %get3A_1170 = arith.index_cast %get3A_1169 : i32 to index
        %get3A_1171 = arith.index_cast %add3A_1142 : i32 to index
        %get3A_1172 = arith.constant 16 : index
        %get3A_1173 = tpu.vector_load %arg9[%get3A_1170, %get3A_1171, %get3A_1172] {strides = array<i32>} : memref<2x128x64xi32, #tpu.memory_space<vmem>>, vector<16xi32>,
        %shift_left3A_1174 = arith.constant 16 : i32
        %shift_left3A_1175 = vector.broadcast %shift_left3A_1174 : i32 to vector<16xi32>
        %shift_left3A_1176 = arith.shli %get3A_1173, %shift_left3A_1175 : vector<16xi32>
        %bitcast3A_1177 = vector.bitcast %shift_left3A_1176 : vector<16xi32> to vector<16xf32>
        %and3A_1178 = vector.broadcast %scan3A_1016 : i32 to vector<16xi32>
        %and3A_1179 = arith.andi %get3A_1173, %and3A_1178 : vector<16xi32>
        %bitcast3A_1180 = vector.bitcast %and3A_1179 : vector<16xi32> to vector<16xf32>
        %get3A_1181 = arith.constant 1 : i32
        %get3A_1182 = arith.index_cast %get3A_1181 : i32 to index
        %get3A_1183 = arith.index_cast %add3A_1142 : i32 to index
        %get3A_1184 = arith.constant 16 : index
        %get3A_1185 = tpu.vector_load %arg10[%get3A_1182, %get3A_1183, %get3A_1184] {strides = array<i32>} : memref<2x128x64xi32, #tpu.memory_space<vmem>>, vector<16xi32>,
        %shift_left3A_1186 = arith.constant 16 : i32
        %shift_left3A_1187 = vector.broadcast %shift_left3A_1186 : i32 to vector<16xi32>
        %shift_left3A_1188 = arith.shli %get3A_1185, %shift_left3A_1187 : vector<16xi32>
        %bitcast3A_1189 = vector.bitcast %shift_left3A_1188 : vector<16xi32> to vector<16xf32>
        %and3A_1190 = vector.broadcast %scan3A_1016 : i32 to vector<16xi32>
        %and3A_1191 = arith.andi %get3A_1185, %and3A_1190 : vector<16xi32>
        %bitcast3A_1192 = vector.bitcast %and3A_1191 : vector<16xi32> to vector<16xf32>
        %add3A_1193 = arith.addf %bitcast3A_1177, %bitcast3A_1189 : vector<16xf32>
        %max3A_1194 = arith.maximumf %scan3A_1135, %add3A_1193 : vector<16xf32>
        %add3A_1195 = arith.addf %bitcast3A_1180, %bitcast3A_1192 : vector<16xf32>
        %max3A_1196 = arith.maximumf %scan3A_1136, %add3A_1195 : vector<16xf32>
        %get3A_1197 = arith.constant 1 : i32
        %get3A_1198 = arith.index_cast %get3A_1197 : i32 to index
        %get3A_1199 = arith.index_cast %add3A_1142 : i32 to index
        %get3A_1200 = arith.constant 32 : index
        %get3A_1201 = tpu.vector_load %arg9[%get3A_1198, %get3A_1199, %get3A_1200] {strides = array<i32>} : memref<2x128x64xi32, #tpu.memory_space<vmem>>, vector<16xi32>,
        %shift_left3A_1202 = arith.constant 16 : i32
        %shift_left3A_1203 = vector.broadcast %shift_left3A_1202 : i32 to vector<16xi32>
        %shift_left3A_1204 = arith.shli %get3A_1201, %shift_left3A_1203 : vector<16xi32>
        %bitcast3A_1205 = vector.bitcast %shift_left3A_1204 : vector<16xi32> to vector<16xf32>
        %and3A_1206 = vector.broadcast %scan3A_1016 : i32 to vector<16xi32>
        %and3A_1207 = arith.andi %get3A_1201, %and3A_1206 : vector<16xi32>
        %bitcast3A_1208 = vector.bitcast %and3A_1207 : vector<16xi32> to vector<16xf32>
        %get3A_1209 = arith.constant 1 : i32
        %get3A_1210 = arith.index_cast %get3A_1209 : i32 to index
        %get3A_1211 = arith.index_cast %add3A_1142 : i32 to index
        %get3A_1212 = arith.constant 32 : index
        %get3A_1213 = tpu.vector_load %arg10[%get3A_1210, %get3A_1211, %get3A_1212] {strides = array<i32>} : memref<2x128x64xi32, #tpu.memory_space<vmem>>, vector<16xi32>,
        %shift_left3A_1214 = arith.constant 16 : i32
        %shift_left3A_1215 = vector.broadcast %shift_left3A_1214 : i32 to vector<16xi32>
        %shift_left3A_1216 = arith.shli %get3A_1213, %shift_left3A_1215 : vector<16xi32>
        %bitcast3A_1217 = vector.bitcast %shift_left3A_1216 : vector<16xi32> to vector<16xf32>
        %and3A_1218 = vector.broadcast %scan3A_1016 : i32 to vector<16xi32>
        %and3A_1219 = arith.andi %get3A_1213, %and3A_1218 : vector<16xi32>
        %bitcast3A_1220 = vector.bitcast %and3A_1219 : vector<16xi32> to vector<16xf32>
        %add3A_1221 = arith.addf %bitcast3A_1205, %bitcast3A_1217 : vector<16xf32>
        %max3A_1222 = arith.maximumf %scan3A_1137, %add3A_1221 : vector<16xf32>
        %add3A_1223 = arith.addf %bitcast3A_1208, %bitcast3A_1220 : vector<16xf32>
        %max3A_1224 = arith.maximumf %scan3A_1138, %add3A_1223 : vector<16xf32>
        %get3A_1225 = arith.constant 1 : i32
        %get3A_1226 = arith.index_cast %get3A_1225 : i32 to index
        %get3A_1227 = arith.index_cast %add3A_1142 : i32 to index
        %get3A_1228 = arith.constant 48 : index
        %get3A_1229 = tpu.vector_load %arg9[%get3A_1226, %get3A_1227, %get3A_1228] {strides = array<i32>} : memref<2x128x64xi32, #tpu.memory_space<vmem>>, vector<16xi32>,
        %shift_left3A_1230 = arith.constant 16 : i32
        %shift_left3A_1231 = vector.broadcast %shift_left3A_1230 : i32 to vector<16xi32>
        %shift_left3A_1232 = arith.shli %get3A_1229, %shift_left3A_1231 : vector<16xi32>
        %bitcast3A_1233 = vector.bitcast %shift_left3A_1232 : vector<16xi32> to vector<16xf32>
        %and3A_1234 = vector.broadcast %scan3A_1016 : i32 to vector<16xi32>
        %and3A_1235 = arith.andi %get3A_1229, %and3A_1234 : vector<16xi32>
        %bitcast3A_1236 = vector.bitcast %and3A_1235 : vector<16xi32> to vector<16xf32>
        %get3A_1237 = arith.constant 1 : i32
        %get3A_1238 = arith.index_cast %get3A_1237 : i32 to index
        %get3A_1239 = arith.index_cast %add3A_1142 : i32 to index
        %get3A_1240 = arith.constant 48 : index
        %get3A_1241 = tpu.vector_load %arg10[%get3A_1238, %get3A_1239, %get3A_1240] {strides = array<i32>} : memref<2x128x64xi32, #tpu.memory_space<vmem>>, vector<16xi32>,
        %shift_left3A_1242 = arith.constant 16 : i32
        %shift_left3A_1243 = vector.broadcast %shift_left3A_1242 : i32 to vector<16xi32>
        %shift_left3A_1244 = arith.shli %get3A_1241, %shift_left3A_1243 : vector<16xi32>
        %bitcast3A_1245 = vector.bitcast %shift_left3A_1244 : vector<16xi32> to vector<16xf32>
        %and3A_1246 = vector.broadcast %scan3A_1016 : i32 to vector<16xi32>
        %and3A_1247 = arith.andi %get3A_1241, %and3A_1246 : vector<16xi32>
        %bitcast3A_1248 = vector.bitcast %and3A_1247 : vector<16xi32> to vector<16xf32>
        %add3A_1249 = arith.addf %bitcast3A_1233, %bitcast3A_1245 : vector<16xf32>
        %max3A_1250 = arith.maximumf %scan3A_1139, %add3A_1249 : vector<16xf32>
        %add3A_1251 = arith.addf %bitcast3A_1236, %bitcast3A_1248 : vector<16xf32>
        %max3A_1252 = arith.maximumf %scan3A_1140, %add3A_1251 : vector<16xf32>
        scf.yield %max3A_1166, %max3A_1168, %max3A_1194, %max3A_1196, %max3A_1222, %max3A_1224, %max3A_1250, %max3A_1252 : vector<16xf32>, vector<16xf32>, vector<16xf32>, vector<16xf32>, vector<16xf32>, vector<16xf32>, vector<16xf32>, vector<16xf32>
      }
      %scan3A_1022 = arith.constant 32 : i32
      %max3A_1023 = arith.constant 0.000000e+00 : f32
      %max3A_1024 = vector.broadcast %max3A_1023 : f32 to vector<16xf32>
      %max3A_1025 = arith.maximumf %scan3A_1021#0, %max3A_1024 : vector<16xf32>
      %max3A_1026 = arith.constant 0.000000e+00 : f32
      %max3A_1027 = vector.broadcast %max3A_1026 : f32 to vector<16xf32>
      %max3A_1028 = arith.maximumf %scan3A_1021#1, %max3A_1027 : vector<16xf32>
      %bitcast3A_1029 = vector.bitcast %max3A_1025 : vector<16xf32> to vector<16xi32>
      %add3A_1030 = arith.constant 32768 : i32
      %add3A_1031 = vector.broadcast %add3A_1030 : i32 to vector<16xi32>
      %add3A_1032 = arith.addi %bitcast3A_1029, %add3A_1031 : vector<16xi32>
      %shift_right_logical3A_1033 = arith.constant 16 : i32
      %shift_right_logical3A_1034 = vector.broadcast %shift_right_logical3A_1033 : i32 to vector<16xi32>
      %shift_right_logical3A_1035 = arith.shrui %add3A_1032, %shift_right_logical3A_1034 : vector<16xi32>
      %bitcast3A_1036 = vector.bitcast %max3A_1028 : vector<16xf32> to vector<16xi32>
      %add3A_1037 = arith.constant 32768 : i32
      %add3A_1038 = vector.broadcast %add3A_1037 : i32 to vector<16xi32>
      %add3A_1039 = arith.addi %bitcast3A_1036, %add3A_1038 : vector<16xi32>
      %and3A_1040 = arith.constant -65536 : i32
      %and3A_1041 = vector.broadcast %and3A_1040 : i32 to vector<16xi32>
      %and3A_1042 = arith.andi %add3A_1039, %and3A_1041 : vector<16xi32>
      %or3A_1043 = arith.ori %shift_right_logical3A_1035, %and3A_1042 : vector<16xi32>
      %swap3A_1044 = arith.constant 3 : i32
      %swap3A_1045 = arith.index_cast %swap3A_1044 : i32 to index
      %swap3A_1046 = arith.constant 0 : index
      %swap3A_1047 = tpu.vector_load %arg11[%swap3A_1045, %swap3A_1046] {strides = array<i32>} : memref<4x64xi32, #tpu.memory_space<vmem>>, vector<16xi32>,
      tpu.vector_store %arg11[%swap3A_1045, %swap3A_1046], %or3A_1043 {strides = array<i32>} : memref<4x64xi32, #tpu.memory_space<vmem>>, vector<16xi32>,
      %max3A_1048 = arith.constant 0.000000e+00 : f32
      %max3A_1049 = vector.broadcast %max3A_1048 : f32 to vector<16xf32>
      %max3A_1050 = arith.maximumf %scan3A_1021#2, %max3A_1049 : vector<16xf32>
      %max3A_1051 = arith.constant 0.000000e+00 : f32
      %max3A_1052 = vector.broadcast %max3A_1051 : f32 to vector<16xf32>
      %max3A_1053 = arith.maximumf %scan3A_1021#3, %max3A_1052 : vector<16xf32>
      %bitcast3A_1054 = vector.bitcast %max3A_1050 : vector<16xf32> to vector<16xi32>
      %add3A_1055 = arith.constant 32768 : i32
      %add3A_1056 = vector.broadcast %add3A_1055 : i32 to vector<16xi32>
      %add3A_1057 = arith.addi %bitcast3A_1054, %add3A_1056 : vector<16xi32>
      %shift_right_logical3A_1058 = arith.constant 16 : i32
      %shift_right_logical3A_1059 = vector.broadcast %shift_right_logical3A_1058 : i32 to vector<16xi32>
      %shift_right_logical3A_1060 = arith.shrui %add3A_1057, %shift_right_logical3A_1059 : vector<16xi32>
      %bitcast3A_1061 = vector.bitcast %max3A_1053 : vector<16xf32> to vector<16xi32>
      %add3A_1062 = arith.constant 32768 : i32
      %add3A_1063 = vector.broadcast %add3A_1062 : i32 to vector<16xi32>
      %add3A_1064 = arith.addi %bitcast3A_1061, %add3A_1063 : vector<16xi32>
      %and3A_1065 = arith.constant -65536 : i32
      %and3A_1066 = vector.broadcast %and3A_1065 : i32 to vector<16xi32>
      %and3A_1067 = arith.andi %add3A_1064, %and3A_1066 : vector<16xi32>
      %or3A_1068 = arith.ori %shift_right_logical3A_1060, %and3A_1067 : vector<16xi32>
      %swap3A_1069 = arith.constant 3 : i32
      %swap3A_1070 = arith.index_cast %swap3A_1069 : i32 to index
      %swap3A_1071 = arith.constant 16 : index
      %swap3A_1072 = tpu.vector_load %arg11[%swap3A_1070, %swap3A_1071] {strides = array<i32>} : memref<4x64xi32, #tpu.memory_space<vmem>>, vector<16xi32>,
      tpu.vector_store %arg11[%swap3A_1070, %swap3A_1071], %or3A_1068 {strides = array<i32>} : memref<4x64xi32, #tpu.memory_space<vmem>>, vector<16xi32>,
      %max3A_1073 = arith.constant 0.000000e+00 : f32
      %max3A_1074 = vector.broadcast %max3A_1073 : f32 to vector<16xf32>
      %max3A_1075 = arith.maximumf %scan3A_1021#4, %max3A_1074 : vector<16xf32>
      %max3A_1076 = arith.constant 0.000000e+00 : f32
      %max3A_1077 = vector.broadcast %max3A_1076 : f32 to vector<16xf32>
      %max3A_1078 = arith.maximumf %scan3A_1021#5, %max3A_1077 : vector<16xf32>
      %bitcast3A_1079 = vector.bitcast %max3A_1075 : vector<16xf32> to vector<16xi32>
      %add3A_1080 = arith.constant 32768 : i32
      %add3A_1081 = vector.broadcast %add3A_1080 : i32 to vector<16xi32>
      %add3A_1082 = arith.addi %bitcast3A_1079, %add3A_1081 : vector<16xi32>
      %shift_right_logical3A_1083 = arith.constant 16 : i32
      %shift_right_logical3A_1084 = vector.broadcast %shift_right_logical3A_1083 : i32 to vector<16xi32>
      %shift_right_logical3A_1085 = arith.shrui %add3A_1082, %shift_right_logical3A_1084 : vector<16xi32>
      %bitcast3A_1086 = vector.bitcast %max3A_1078 : vector<16xf32> to vector<16xi32>
      %add3A_1087 = arith.constant 32768 : i32
      %add3A_1088 = vector.broadcast %add3A_1087 : i32 to vector<16xi32>
      %add3A_1089 = arith.addi %bitcast3A_1086, %add3A_1088 : vector<16xi32>
      %and3A_1090 = arith.constant -65536 : i32
      %and3A_1091 = vector.broadcast %and3A_1090 : i32 to vector<16xi32>
      %and3A_1092 = arith.andi %add3A_1089, %and3A_1091 : vector<16xi32>
      %or3A_1093 = arith.ori %shift_right_logical3A_1085, %and3A_1092 : vector<16xi32>
      %swap3A_1094 = arith.constant 3 : i32
      %swap3A_1095 = arith.index_cast %swap3A_1094 : i32 to index
      %swap3A_1096 = arith.constant 32 : index
      %swap3A_1097 = tpu.vector_load %arg11[%swap3A_1095, %swap3A_1096] {strides = array<i32>} : memref<4x64xi32, #tpu.memory_space<vmem>>, vector<16xi32>,
      tpu.vector_store %arg11[%swap3A_1095, %swap3A_1096], %or3A_1093 {strides = array<i32>} : memref<4x64xi32, #tpu.memory_space<vmem>>, vector<16xi32>,
      %max3A_1098 = arith.constant 0.000000e+00 : f32
      %max3A_1099 = vector.broadcast %max3A_1098 : f32 to vector<16xf32>
      %max3A_1100 = arith.maximumf %scan3A_1021#6, %max3A_1099 : vector<16xf32>
      %max3A_1101 = arith.constant 0.000000e+00 : f32
      %max3A_1102 = vector.broadcast %max3A_1101 : f32 to vector<16xf32>
      %max3A_1103 = arith.maximumf %scan3A_1021#7, %max3A_1102 : vector<16xf32>
      %bitcast3A_1104 = vector.bitcast %max3A_1100 : vector<16xf32> to vector<16xi32>
      %add3A_1105 = arith.constant 32768 : i32
      %add3A_1106 = vector.broadcast %add3A_1105 : i32 to vector<16xi32>
      %add3A_1107 = arith.addi %bitcast3A_1104, %add3A_1106 : vector<16xi32>
      %shift_right_logical3A_1108 = arith.constant 16 : i32
      %shift_right_logical3A_1109 = vector.broadcast %shift_right_logical3A_1108 : i32 to vector<16xi32>
      %shift_right_logical3A_1110 = arith.shrui %add3A_1107, %shift_right_logical3A_1109 : vector<16xi32>
      %bitcast3A_1111 = vector.bitcast %max3A_1103 : vector<16xf32> to vector<16xi32>
      %add3A_1112 = arith.constant 32768 : i32
      %add3A_1113 = vector.broadcast %add3A_1112 : i32 to vector<16xi32>
      %add3A_1114 = arith.addi %bitcast3A_1111, %add3A_1113 : vector<16xi32>
      %and3A_1115 = arith.constant -65536 : i32
      %and3A_1116 = vector.broadcast %and3A_1115 : i32 to vector<16xi32>
      %and3A_1117 = arith.andi %add3A_1114, %and3A_1116 : vector<16xi32>
      %or3A_1118 = arith.ori %shift_right_logical3A_1110, %and3A_1117 : vector<16xi32>
      %swap3A_1119 = arith.constant 3 : i32
      %swap3A_1120 = arith.index_cast %swap3A_1119 : i32 to index
      %swap3A_1121 = arith.constant 48 : index
      %swap3A_1122 = tpu.vector_load %arg11[%swap3A_1120, %swap3A_1121] {strides = array<i32>} : memref<4x64xi32, #tpu.memory_space<vmem>>, vector<16xi32>,
      tpu.vector_store %arg11[%swap3A_1120, %swap3A_1121], %or3A_1118 {strides = array<i32>} : memref<4x64xi32, #tpu.memory_space<vmem>>, vector<16xi32>,
      %mul3A_1123 = arith.constant 4 : i32
      %mul3A_1124 = arith.muli %add3A_606, %mul3A_1123 : i32
      %add3A_1125 = arith.addi %mul3A_68, %mul3A_1124 : i32
      "tpu.region"() ({
        %run_scoped3A = tpu.sem_alloc : memref<!tpu.dma_semaphore, #tpu.memory_space<semaphore_mem>>
        %dma_start3A_1132 = arith.constant 0 : i32
        %dma_start3A_1133 = tpu.memref_slice %arg6[%add3A_1125, %dma_start3A_1132] : memref<10240x64xi32, #tpu.memory_space<hbm>> -> memref<4x64xi32, #tpu.memory_space<hbm>>
        %dma_start3A_1134 = arith.constant 0 : i32
        %dma_start3A_1135 = tpu.memref_slice %arg6[%add3A_1125, %dma_start3A_1134] : memref<10240x64xi32, #tpu.memory_space<hbm>> -> memref<4x64xi32, #tpu.memory_space<hbm>>
        tpu.enqueue_dma source(%arg11 : memref<4x64xi32, #tpu.memory_space<vmem>>) target(%dma_start3A_1135 : memref<4x64xi32, #tpu.memory_space<hbm>>) target_semaphore(%run_scoped3A : memref<!tpu.dma_semaphore, #tpu.memory_space<semaphore_mem>>)
        %dma_wait3A_1136 = arith.constant 0 : i32
        %dma_wait3A_1137 = tpu.memref_slice %arg6[%add3A_1125, %dma_wait3A_1136] : memref<10240x64xi32, #tpu.memory_space<hbm>> -> memref<4x64xi32, #tpu.memory_space<hbm>>
        %dma_wait3A_1138 = arith.constant 0 : i32
        %dma_wait3A_1139 = tpu.memref_slice %arg6[%add3A_1125, %dma_wait3A_1138] : memref<10240x64xi32, #tpu.memory_space<hbm>> -> memref<4x64xi32, #tpu.memory_space<hbm>>
        tpu.wait_dma2 semaphore(%run_scoped3A : memref<!tpu.dma_semaphore, #tpu.memory_space<semaphore_mem>>) src(%arg11 : memref<4x64xi32, #tpu.memory_space<vmem>>) dst(%dma_wait3A_1139 : memref<4x64xi32, #tpu.memory_space<hbm>>)
        tpu.yield
      }) : () -> ()
      %add3A_1126 = arith.constant 2 : i32
      %add3A_1127 = arith.addi %add3A_606, %add3A_1126 : i32
      %lt3A_1128 = arith.cmpi slt, %add3A_1127, %select_n3A_12 : i32
      %convert_element_type3A_1129 = arith.extui %lt3A_1128 : i1 to i32
      %cond3A_1130 = arith.constant 0 : i32
      %cond3A_1131 = arith.cmpi ne, %convert_element_type3A_1129, %cond3A_1130 : i32
      scf.if %cond3A_1131 {
        %add3A_1132 = arith.constant 2 : i32
        %add3A_1133 = arith.addi %add3A_606, %add3A_1132 : i32
        %dma_start3A_1134 = arith.constant 1 : i32
        %dma_start3A_1135 = arith.constant 0 : i32
        %dma_start3A_1136 = arith.constant 0 : i32
        %dma_start3A_1137 = tpu.memref_slice %arg9[%dma_start3A_1134, %dma_start3A_1135, %dma_start3A_1136] : memref<2x128x64xi32, #tpu.memory_space<vmem>> -> memref<1x128x64xi32, #tpu.memory_space<vmem>>
        %dma_start3A_1138 = tpu.memref_squeeze %dma_start3A_1137 : memref<1x128x64xi32, #tpu.memory_space<vmem>> -> memref<128x64xi32, #tpu.memory_space<vmem>>
        %dma_start3A_1139 = arith.constant 0 : i32
        %dma_start3A_1140 = tpu.memref_slice %arg7[%add3A_1133, %dma_start3A_1139] : memref<132x128xi32, #tpu.memory_space<vmem>> -> memref<1x128xi32, #tpu.memory_space<vmem>>
        %dma_start3A_1141 = tpu.memref_squeeze %dma_start3A_1140 : memref<1x128xi32, #tpu.memory_space<vmem>> -> memref<128xi32, #tpu.memory_space<vmem>>
        %dma_start3A_1142 = arith.constant 0 : i32
        %dma_start3A_1143 = arith.constant 0 : i32
        %dma_start3A_1144 = tpu.memref_slice %arg12[%dma_start3A_1142, %dma_start3A_1143] : memref<10000x64xi32, #tpu.memory_space<vmem_shared>> -> memref<10000x64xi32, #tpu.memory_space<vmem_shared>>
        tpu.enqueue_indirect_dma source(%dma_start3A_1144 : memref<10000x64xi32, #tpu.memory_space<vmem_shared>>) target(%dma_start3A_1138 : memref<128x64xi32, #tpu.memory_space<vmem>>) offsets(%dma_start3A_1141 : memref<128xi32, #tpu.memory_space<vmem>>) semaphore(%arg14 : memref<!tpu.dma_semaphore, #tpu.memory_space<semaphore_mem>>)
        %dma_start3A_1145 = arith.constant 1 : i32
        %dma_start3A_1146 = arith.constant 0 : i32
        %dma_start3A_1147 = arith.constant 0 : i32
        %dma_start3A_1148 = tpu.memref_slice %arg10[%dma_start3A_1145, %dma_start3A_1146, %dma_start3A_1147] : memref<2x128x64xi32, #tpu.memory_space<vmem>> -> memref<1x128x64xi32, #tpu.memory_space<vmem>>
        %dma_start3A_1149 = tpu.memref_squeeze %dma_start3A_1148 : memref<1x128x64xi32, #tpu.memory_space<vmem>> -> memref<128x64xi32, #tpu.memory_space<vmem>>
        %dma_start3A_1150 = arith.constant 0 : i32
        %dma_start3A_1151 = tpu.memref_slice %arg8[%add3A_1133, %dma_start3A_1150] : memref<132x128xi32, #tpu.memory_space<vmem>> -> memref<1x128xi32, #tpu.memory_space<vmem>>
        %dma_start3A_1152 = tpu.memref_squeeze %dma_start3A_1151 : memref<1x128xi32, #tpu.memory_space<vmem>> -> memref<128xi32, #tpu.memory_space<vmem>>
        %dma_start3A_1153 = arith.constant 0 : i32
        %dma_start3A_1154 = arith.constant 0 : i32
        %dma_start3A_1155 = tpu.memref_slice %arg5[%dma_start3A_1153, %dma_start3A_1154] : memref<10000x64xi32, #tpu.memory_space<hbm>> -> memref<10000x64xi32, #tpu.memory_space<hbm>>
        tpu.enqueue_indirect_dma source(%dma_start3A_1155 : memref<10000x64xi32, #tpu.memory_space<hbm>>) target(%dma_start3A_1149 : memref<128x64xi32, #tpu.memory_space<vmem>>) offsets(%dma_start3A_1152 : memref<128xi32, #tpu.memory_space<vmem>>) semaphore(%arg16 : memref<!tpu.dma_semaphore, #tpu.memory_space<semaphore_mem>>)
      } else {
      }
    }
    return
  }
}

module attributes {stable_mosaic.version = 14 : i64} {
  func.func @_table_matmul_kernel(%arg0: memref<128x10000xf32, #tpu.memory_space<vmem>>, %arg1: memref<128x256xf32, #tpu.memory_space<vmem>>, %arg2: memref<1x128xf32, #tpu.memory_space<vmem>>, %arg3: memref<10000x64xi32, #tpu.memory_space<vmem>>, %arg4: memref<10000x64xi32, #tpu.memory_space<vmem>>) attributes {dimension_semantics = [], scalar_prefetch = 0 : i64, scratch_operands = 0 : i64, tpu.core_type = #tpu.core_type<tc>} {
    %get3A = arith.constant 0 : index
    %get3A_0 = arith.constant 0 : index
    %get3A_1 = vector.load %arg0[%get3A, %get3A_0] : memref<128x10000xf32, #tpu.memory_space<vmem>>, vector<128x10000xf32>
    %get3A_2 = arith.constant 0 : index
    %get3A_3 = arith.constant 0 : index
    %get3A_4 = vector.load %arg1[%get3A_2, %get3A_3] : memref<128x256xf32, #tpu.memory_space<vmem>>, vector<128x256xf32>
    %slice3A = vector.extract_strided_slice %get3A_4 {offsets = [0, 0], sizes = [128, 128], strides = [1, 1]} : vector<128x256xf32> to vector<128x128xf32>
    %slice3A_5 = vector.extract_strided_slice %get3A_4 {offsets = [0, 128], sizes = [128, 128], strides = [1, 1]} : vector<128x256xf32> to vector<128x128xf32>
    %sub3A = arith.subf %slice3A, %slice3A_5 : vector<128x128xf32>
    %dot_general3A = arith.constant dense<0.000000e+00> : vector<10000x128xf32>
    %dot_general3A_6 = tpu.matmul %get3A_1, %sub3A, %dot_general3A {dimension_numbers = #tpu.dot_dimension_numbers<[0], [1], [1], [0], [0, 1, 1, 0], [], []>, transpose_lhs_hint = false} : vector<128x10000xf32>, vector<128x128xf32>, vector<10000x128xf32> -> vector<10000x128xf32>
    %dot_general3A_7 = arith.constant dense<0.000000e+00> : vector<10000x128xf32>
    %dot_general3A_8 = tpu.matmul %get3A_1, %slice3A_5, %dot_general3A_7 {dimension_numbers = #tpu.dot_dimension_numbers<[0], [1], [1], [0], [0, 1, 1, 0], [], []>, transpose_lhs_hint = false} : vector<128x10000xf32>, vector<128x128xf32>, vector<10000x128xf32> -> vector<10000x128xf32>
    %get3A_9 = arith.constant 0 : index
    %get3A_10 = arith.constant 0 : index
    %get3A_11 = vector.load %arg2[%get3A_9, %get3A_10] : memref<1x128xf32, #tpu.memory_space<vmem>>, vector<1x128xf32>
    %add3A = vector.broadcast %get3A_11 : vector<1x128xf32> to vector<10000x128xf32>
    %add3A_12 = arith.addf %dot_general3A_8, %add3A : vector<10000x128xf32>
    %convert_element_type3A = arith.truncf %dot_general3A_6 : vector<10000x128xf32> to vector<10000x128xbf16>
    %slice3A_13 = vector.extract_strided_slice %convert_element_type3A {offsets = [0, 0], sizes = [10000, 64], strides = [1, 1]} : vector<10000x128xbf16> to vector<10000x64xbf16>
    %bitcast_convert_type3A = tpu.bitcast %slice3A_13 : vector<10000x64xbf16> -> vector<10000x64xi16>
    %convert_element_type3A_14 = arith.extsi %bitcast_convert_type3A : vector<10000x64xi16> to vector<10000x64xi32>
    %slice3A_15 = vector.extract_strided_slice %convert_element_type3A {offsets = [0, 64], sizes = [10000, 64], strides = [1, 1]} : vector<10000x128xbf16> to vector<10000x64xbf16>
    %bitcast_convert_type3A_16 = tpu.bitcast %slice3A_15 : vector<10000x64xbf16> -> vector<10000x64xi16>
    %convert_element_type3A_17 = arith.extsi %bitcast_convert_type3A_16 : vector<10000x64xi16> to vector<10000x64xi32>
    %and3A = arith.constant 65535 : i32
    %and3A_18 = vector.broadcast %and3A : i32 to vector<10000x64xi32>
    %and3A_19 = arith.andi %convert_element_type3A_14, %and3A_18 : vector<10000x64xi32>
    %shift_left3A = arith.constant 16 : i32
    %shift_left3A_20 = vector.broadcast %shift_left3A : i32 to vector<10000x64xi32>
    %shift_left3A_21 = arith.shli %convert_element_type3A_17, %shift_left3A_20 : vector<10000x64xi32>
    %or3A = arith.ori %and3A_19, %shift_left3A_21 : vector<10000x64xi32>
    %swap3A = arith.constant 0 : index
    %swap3A_22 = arith.constant 0 : index
    %swap3A_23 = vector.load %arg3[%swap3A, %swap3A_22] : memref<10000x64xi32, #tpu.memory_space<vmem>>, vector<10000x64xi32>
    tpu.vector_store %arg3[%swap3A, %swap3A_22], %or3A {strides = array<i32>} : memref<10000x64xi32, #tpu.memory_space<vmem>>, vector<10000x64xi32>,
    %convert_element_type3A_24 = arith.truncf %add3A_12 : vector<10000x128xf32> to vector<10000x128xbf16>
    %slice3A_25 = vector.extract_strided_slice %convert_element_type3A_24 {offsets = [0, 0], sizes = [10000, 64], strides = [1, 1]} : vector<10000x128xbf16> to vector<10000x64xbf16>
    %bitcast_convert_type3A_26 = tpu.bitcast %slice3A_25 : vector<10000x64xbf16> -> vector<10000x64xi16>
    %convert_element_type3A_27 = arith.extsi %bitcast_convert_type3A_26 : vector<10000x64xi16> to vector<10000x64xi32>
    %slice3A_28 = vector.extract_strided_slice %convert_element_type3A_24 {offsets = [0, 64], sizes = [10000, 64], strides = [1, 1]} : vector<10000x128xbf16> to vector<10000x64xbf16>
    %bitcast_convert_type3A_29 = tpu.bitcast %slice3A_28 : vector<10000x64xbf16> -> vector<10000x64xi16>
    %convert_element_type3A_30 = arith.extsi %bitcast_convert_type3A_29 : vector<10000x64xi16> to vector<10000x64xi32>
    %and3A_31 = arith.constant 65535 : i32
    %and3A_32 = vector.broadcast %and3A_31 : i32 to vector<10000x64xi32>
    %and3A_33 = arith.andi %convert_element_type3A_27, %and3A_32 : vector<10000x64xi32>
    %shift_left3A_34 = arith.constant 16 : i32
    %shift_left3A_35 = vector.broadcast %shift_left3A_34 : i32 to vector<10000x64xi32>
    %shift_left3A_36 = arith.shli %convert_element_type3A_30, %shift_left3A_35 : vector<10000x64xi32>
    %or3A_37 = arith.ori %and3A_33, %shift_left3A_36 : vector<10000x64xi32>
    %swap3A_38 = arith.constant 0 : index
    %swap3A_39 = arith.constant 0 : index
    %swap3A_40 = vector.load %arg4[%swap3A_38, %swap3A_39] : memref<10000x64xi32, #tpu.memory_space<vmem>>, vector<10000x64xi32>
    tpu.vector_store %arg4[%swap3A_38, %swap3A_39], %or3A_37 {strides = array<i32>} : memref<10000x64xi32, #tpu.memory_space<vmem>>, vector<10000x64xi32>,
    return
  }
}

</mosaic_0001>

<sc_bundles>
// kernel: kernel.4.cloned.1.call-start
scs
__scs_entry_jumppad:
0x0: {  	(pc) =	sbr.rel $0x88, $3  }
0x1: {  	(tag) =	ssettag $0x0;
	lr =	simm.s32 $0x1  }
0x2: {  	[smem:$0x3F9D] =	sst lr;
	_ =	strace $0xD0000000  }
0x3: {  	_ = 	snop  }
0x4: {  	_ = 	snop  }
0x5: {  	_ = 	snop  }
0x6: {  	_ = 	snop  }
0x7: {  	_ = 	snop  }
__scs_overlays_trampoline_lowered:
0x8: {  	[smem:$0x3FAC] =	sst s0  }
0x9: {  	[smem:$0x3FAD] =	sst s1  }
0xa: {  	[smem:$0x3FAE] =	sst s2  }
0xb: {  	[smem:$0x3FAF] =	sst s3  }
0xc: {  	[smem:$0x3FB0] =	sst s4  }
0xd: {  	[smem:$0x3FB1] =	sst s5  }
0xe: {  	[smem:$0x3FB2] =	sst s6  }
0xf: {  	[smem:$0x3FB3] =	sst s7  }
0x10: {  	[smem:$0x3FB4] =	sst s8  }
0x11: {  	[smem:$0x3FB5] =	sst s9;
	s0 =	simm.s32 @!p0 $0x0  }
0x12: {  	s1 =	sld [smem:$0x3F9B];
	s0 =	simm.s32 @p0 $0x1  }
0x13: {  	[smem:$0x3FB6] =	sst s0;
	s0 =	simm.s32 @!p1 $0x0  }
0x14: {  	s2 =	sld [smem:$0x3F9A];
	s0 =	simm.s32 @p1 $0x1  }
0x15: {  	[smem:$0x3FB7] =	sst s0;
	s0 =	simm.s32 @!p2 $0x0  }
0x16: {  	s3 =	sld [smem:$0x3FDB];
	s0 =	simm.s32 @p2 $0x1  }
0x17: {  	s4 =	simm.s32 $0x1BF5;
	[smem:$0x3FB9] =	sst s0  }
0x18: {  	s0 =	sld [smem:$0x3F9C];
	_ =	swait.ge [sflag:s4], $0x0  }
0x19: {  	s7 =	sld [smem:$0x3F9D]  }
0x1a: {  	s8 =	sadd.s32 $0xFFFFE003, lr  }
0x1b: {  	s9 =	sadd.s32 $0xFFFFFEF7, lr;
	s5 =	simm.s32 $0xFFFFFFFF;
	p2 =	slt.u32 s8, $0xFFFFF086  }
0x1c: {  	p1 =	slt.u32 s9, $0xF7A;
	s5 =	simm.s32 @!p2 $0x0  }
0x1d: {  	s5 =	simm.s32 @p1 $0x1;
	p0 =	seq.s32 s7, s2  }
0x1e: {  	s7 =	smul.u32 @!p0 $0xF7A, s2;
	p2 =	seq.s32 @!p0 s5, $0x0  }
0x1f: {  	s9 =	smul.u32 $0xF7A, s1;
	s8 =	simm.s32 @!p0 $0x1BF5;
	p2 =	por !p2, p0  }
0x20: {  	[sflag:s8] =	ssyncset.s32 @!p0 $0xFFFFF086;
	s6 =	sadd.s32 @!p0 s3, s7;
	s7 =	simm.s32 @!p0 $0x108  }
0x21: {  	s3 =	sadd.s32 s3, s9;
	s6 =	sadd.s32 @!p0 $0x88, s6;
	s7 =	simm.s32 @p2 $0x1082  }
0x22: {  	[simem:s7], [sflag:s8] =	dma.local @!p0 [hbm:s6], $0xF7A  }
0x23: {  	s9 =	sor.u32 $0xD0000000, s2;
	s6 =	simm.s32 $0x108;
	_ =	swait.ge @!p0 [sflag:s8], $0x0  }
0x24: {  	s3 =	sadd.s32 $0x88, s3;
	s6 =	simm.s32 @!p1 $0x1082;
	[sflag:s4] =	ssyncset.s32 $0xFFFFF086  }
0x25: {  	[simem:s6], [sflag:s4] =	dma.local [hbm:s3], $0xF7A  }
0x26: {  	[smem:$0x3F9D] =	sst s1;
	(tag) =	ssettag s2;
	_ =	strace s9  }
0x27: {  	s1 =	sld [smem:$0x3FAD]  }
0x28: {  	s2 =	sld [smem:$0x3FAE]  }
0x29: {  	s4 =	sld [smem:$0x3FB0]  }
0x2a: {  	p0 =	seq.s32 s5, $0x0;
	s5 =	sld [smem:$0x3FB1]  }
0x2b: {  	s6 =	sld [smem:$0x3FB2]  }
0x2c: {  	s7 =	sld [smem:$0x3FB3]  }
0x2d: {  	s3 =	simm.s32 $0x108;
	s8 =	sld [smem:$0x3FB4]  }
0x2e: {  	s3 =	simm.s32 @!p0 $0x1082;
	s9 =	sld [smem:$0x3FB5]  }
0x2f: {  	lr =	sadd.s32 s0, s3;
	s0 =	sld [smem:$0x3FAC]  }
0x30: {  	s3 =	sld [smem:$0x3FAF]  }
0x31: {  	[smem:$0x3FB8] =	sst s10  }
0x32: {  	s10 =	sld [smem:$0x3FB6];
	_ =	sdelay $0x3  }
0x33: {  	p0 =	seq.s32 s10, $0x1;
	s10 =	sld [smem:$0x3FB8];
	_ =	sdelay $0x3  }
0x34: {  	[smem:$0x3FB8] =	sst s10  }
0x35: {  	s10 =	sld [smem:$0x3FB7];
	_ =	sdelay $0x3  }
0x36: {  	p1 =	seq.s32 s10, $0x1;
	s10 =	sld [smem:$0x3FB8];
	_ =	sdelay $0x3  }
0x37: {  	[smem:$0x3FB8] =	sst s10  }
0x38: {  	s10 =	sld [smem:$0x3FB9]  }
0x39: {  	_ = 	snop;
	(pc) =	sbr.ind lr, $3  }
0x3a: {  	_ = 	snop  }
0x3b: {  	_ = 	snop  }
0x3c: {  	p2 =	seq.s32 s10, $0x1;
	s10 =	sld [smem:$0x3FB8]  }
0x3d: {  	_ =	shalt  }
0x3e: {  	_ =	shalt  }
0x3f: {  	_ =	shalt  }
0x40: {  	_ =	shalt  }
0x41: {  	_ =	shalt  }
0x42: {  	_ =	shalt  }
0x43: {  	_ =	shalt  }
0x44: {  	_ =	shalt  }
0x45: {  	_ =	shalt  }
0x46: {  	_ =	shalt  }
0x47: {  	_ =	shalt  }
0x48: {  	_ =	shalt  }
0x49: {  	_ =	shalt  }
0x4a: {  	_ =	shalt  }
0x4b: {  	_ =	shalt  }
0x4c: {  	_ =	shalt  }
0x4d: {  	_ =	shalt  }
0x4e: {  	_ =	shalt  }
0x4f: {  	_ =	shalt  }
0x50: {  	_ =	shalt  }
0x51: {  	_ =	shalt  }
0x52: {  	_ =	shalt  }
0x53: {  	_ =	shalt  }
0x54: {  	_ =	shalt  }
0x55: {  	_ =	shalt  }
0x56: {  	_ =	shalt  }
0x57: {  	_ =	shalt  }
0x58: {  	_ =	shalt  }
0x59: {  	_ =	shalt  }
0x5a: {  	_ =	shalt  }
0x5b: {  	_ =	shalt  }
0x5c: {  	_ =	shalt  }
0x5d: {  	_ =	shalt  }
0x5e: {  	_ =	shalt  }
0x5f: {  	_ =	shalt  }
0x60: {  	_ =	shalt  }
0x61: {  	_ =	shalt  }
0x62: {  	_ =	shalt  }
0x63: {  	_ =	shalt  }
0x64: {  	_ =	shalt  }
0x65: {  	_ =	shalt  }
0x66: {  	_ =	shalt  }
0x67: {  	_ =	shalt  }
0x68: {  	_ =	shalt  }
0x69: {  	_ =	shalt  }
0x6a: {  	_ =	shalt  }
0x6b: {  	_ =	shalt  }
0x6c: {  	_ =	shalt  }
0x6d: {  	_ =	shalt  }
0x6e: {  	_ =	shalt  }
0x6f: {  	_ =	shalt  }
0x70: {  	_ =	shalt  }
0x71: {  	_ =	shalt  }
0x72: {  	_ =	shalt  }
0x73: {  	_ =	shalt  }
0x74: {  	_ =	shalt  }
0x75: {  	_ =	shalt  }
0x76: {  	_ =	shalt  }
0x77: {  	_ =	shalt  }
0x78: {  	_ =	shalt  }
0x79: {  	_ =	shalt  }
0x7a: {  	_ =	shalt  }
0x7b: {  	_ =	shalt  }
0x7c: {  	_ =	shalt  }
0x7d: {  	_ =	shalt  }
0x7e: {  	_ =	shalt  }
0x7f: {  	_ =	shalt  }
0x80: {  	_ =	shalt  }
0x81: {  	_ =	shalt  }
0x82: {  	_ =	shalt  }
0x83: {  	_ =	shalt  }
0x84: {  	_ =	shalt  }
0x85: {  	_ =	shalt  }
0x86: {  	_ =	shalt  }
0x87: {  	_ =	shalt  }
.Lfunc_end0:
.L_simem_size_0:
called_computation_lowered:
.L_overlay_start_0:
0x88: {  	s2 =	sld [smem:$0x3FD9]  }
0x89: {  	s3 =	sld [smem:$0x3FFE];
	_ =	sdelay $0x1  }
0x8a: {  	s1 =	srdreg.scid  }
0x8b: {  	s0 =	sand.u32 $0x1, s1  }
0x8c: {  	s17 =	sshll.u32 s0, $0xA;
	s2 =	sadd.s32 s3, s2  }
0x8d: {  	s2 =	sadd.s32 s2, s17  }
0x8e: {  	[smem:$0x3FC4] =	sst s2  }
0x8f: {  	_ = 	snop  }
0x90: {  	s2 =	sld [smem:$0x3FD0];
	(tm) =	ssettm $0x1  }
0x91: {  	s18 =	sld [smem:$0x3FFB];
	_ =	sdelay $0x3  }
0x92: {  	_ =	strace s18  }
0x93: {  	s3 =	sld [smem:$0x3FFC];
	_ =	sdelay $0x3  }
0x94: {  	_ =	strace s3  }
0x95: {  	s3 =	sld [smem:$0x3FFD];
	_ =	sdelay $0x3  }
0x96: {  	_ =	strace s3  }
0x97: {  	_ =	strace $0x8FFFFFFF  }
0x98: {  	s19 =	sld [smem:$0x3FDB];
	_ =	sdelay $0x1  }
0x99: {  	s4 =	simm.s32 $_scs_section_size  }
0x9a: {  	s5 =	simm.s32 $_size__tile_overlayer_lowered;
	s6 =	simm.s32 $_tile_overlayer_lowered  }
0x9b: {  	s22 =	simm.s32 $0x1BFF;
	s21 =	sshll.u32 s6, $0x1;
	s3 =	sadd.s32 s4, s19  }
0x9c: {  	s7 =	simm.s32 $0x0;
	s20 =	sshll.u32 s5, $0x1;
	s5 =	sadd.s32 s21, s3  }
0x9d: {  	[timem:s7], [sflag:s22] =	dma.local [hbm:s5], s20  }
0x9e: {  	_ =	swait.ge [sflag:s22], s20  }
0x9f: {  	s4 =	ssub.s32 $0x0, s20;
	[sflag:s22] =	ssyncset.done $0x0  }
0xa0: {  	[sflag:s22] =	ssyncadd.s32 s4;
	_ =	sdelay $0x1  }
0xa1: {  	s23 =	simm.s32 $0x1B8B  }
0xa2: {  	_ =	swait.ge [sflag:s23], $0x1  }
0xa3: {  	[sflag:s23] =	ssyncset.done $0x0  }
0xa4: {  	s25 =	simm.s32 $0x1B8E;
	s24 =	sld [smem:$0x3FFE];
	[sflag:s23] =	ssyncadd.s32 $0xFFFFFFFF  }
0xa5: {  	s26 =	simm.s32 $execute0_lowered;
	[smem:$0x3FD2] =	sst s25  }
0xa6: {  	s5 =	sshll.u32 s26, $0x1;
	_ =	strace $0x80000046;
	[dreg:$0x1] =	wrdreg $0xFFFFFFFF  }
0xa7: {  	s28 =	simm.s32 $_size_execute0_lowered;
	s3 =	sadd.s32 s3, s5;
	[dreg:$0x0] =	wrdreg $0x0  }
0xa8: {  	s5 =	sshll.u32 s28, $0x1;
	[dreg:$0x2] =	wrdreg s3  }
0xa9: {  	[dreg:$0x3] =	wrdreg s5  }
0xaa: {  	[dreg:$0x4] =	wrdreg $0xC0  }
0xab: {  	_ =	task [dreg:s7], $0x5FFFF  }
0xac: {  	[dreg:$0x1] =	wrdreg $0xFFFFFFFF  }
0xad: {  	[dreg:$0x0] =	wrdreg $0x60  }
0xae: {  	[dreg:$0x2] =	wrdreg s24  }
0xaf: {  	[dreg:$0x3] =	wrdreg s2  }
0xb0: {  	[dreg:$0x4] =	wrdreg $0x105000  }
0xb1: {  	[dreg:$0x5] =	wrdreg $0x9  }
0xb2: {  	_ =	task.clear_ibuf [dreg:s7], $0x6FFFF;
	_ =	strace $0x90000046  }
0xb3: {  	s29 =	simm.s32 $0x9;
	_ =	strace $0x80000048  }
0xb4: {  	_ =	swait.ge [sflag:s29], $0x1  }
0xb5: {  	[sflag:s29] =	ssyncadd.s32 $0xFFFFFFFF  }
0xb6: {  	_ =	strace $0x90000048  }
0xb7: {  	_ =	sfence  }
0xb8: {  	s30 =	sld [smem:$0x0];
	_ =	sdelay $0x2  }
0xb9: {  	s31 =	sshll.u32 s1, $0xD;
	s1 =	sshrl.u32 s1, $0x2  }
0xba: {  	s3 =	sand.u32 $0x4000, s31;
	s1 =	sadd.s32 s1, s30  }
0xbb: {  	s0 =	sor.u32 s3, s0;
	s1 =	sshll.u32 s1, $0x11  }
0xbc: {  	s0 =	sor.u32 s1, s0  }
0xbd: {  	s0 =	sadd.s32 $0x8F2B, s0  }
0xbe: {  	[sflag:s0] =	ssyncadd.remote.s32 $0x1  }
0xbf: {  	_ =	sfence.sel $0xFFFF  }
0xc0: {  	[dreg:$0x0] =	wrdreg $0xFFFFFFFF;
	(pc) =	sbr.abs _section_cstart, $3  }
0xc1: {  	[dreg:$0x1] =	wrdreg $0xFFFFFFFF  }
0xc2: {  	_ =	task.clear_ibuf [dreg:s7], $0x2FFFF;
	_ =	strace $0x9FFFFFFF  }
0xc3: {  	(tm) =	ssettm $0x7FFFFFFF  }
tec
execute0_lowered:
.L_overlay_start_1:
0x0: {  	(tag) =	ssettag $0x1  }
0x1: {  	s0 =	rddreg [dreg:$0x0]  }
0x2: {  	s1 =	rddreg [dreg:$0x1]  }
0x3: {  	s3 =	rddreg [dreg:$0x2];
	s4 =	simm.s32 $0x0;
	s15 =	stileid.u32  }
0x4: {  	s5 =	srdreg.scid;
	s18 =	simm.s32 $0x5;
	s19 =	simm.s32 $0x80  }
0x5: {  	s28 =	simm.s32 $0x3;
	s29 =	simm.s32 $0x10400;
	s30 =	simm.s32 $0x2  }
0x6: {  	s31 =	simm.s32 $0x4;
	[smem:$0x7FF] =	sst s4;
	s2 =	smul.u32 $0x9C40, s15  }
0x7: {  	s17 =	sand.u32 $0x1, s5;
	s11 =	sadd.s32 $0x1400, s0;
	s26 =	smul.u32 $0x1C, s15  }
0x8: {  	s12 =	sadd.s32 $0x32800, s0;
	s5 =	sadd.s32 $0xB400, s0;
	s10 =	smul.u32 $0x84, s15  }
0x9: {  	s9 =	sshll.u32 s15, $0x6;
	s15 =	smul.u32 $0x840, s15;
	_ =	strace $0x80000047  }
0xa: {  	s6 =	ssub.s32 $0x2, s17;
	p0 =	seq.s32 s17, $0x0;
	s24 =	sshrl.u32 s2, $0x3  }
0xb: {  	s8 =	sshrl.u32 s6, $0x1;
	s2 =	sadd.s32 s2, s3;
	s13 =	sadd.s32 $0x840, s26  }
0xc: {  	s26 =	simm.s32 $0x1;
	s7 =	sadd.s32 s24, s0;
	s25 =	ssub.s32 s6, s8  }
0xd: {  	s14 =	sshll.u32 s13, $0x4;
	s8 =	sor.u32 $0x1C05, s9;
	s13 =	smov.u32 @p0 s10  }
0xe: {  	s0 =	simm.s32 $0x0;
	s6 =	sadd.s32 $0x1EE00, s7;
	s7 =	simm.s32 $0x84  }
0xf: {  	s9 =	sadd.s32 s11, s14;
	s10 =	sadd.s32 s12, s14;
	s11 =	sadd.s32 s11, s15  }
0x10: {  	s12 =	sadd.s32 s12, s15;
	s13 =	sshll.u32 s13, $0x8;
	s16 =	smax.u32 s25, $0x1  }
0x11: {  	s25 =	simm.s32 $0xE400;
	s7 =	simm.s32 @!p0 $0x1C;
	s15 =	sor.u32 $0x100, s13  }
0x12: {  	p0 =	sne.s32 s17, $0x0;
	s17 =	sshrl.u32 s2, $0x3;
	s14 =	sshrl.u32 s7, $0x1  }
.LBB2_1:
0x13: {  	[spmem:s17], [sflag:s8] =	dma.local [hbm:s6], $0x1388  }
0x14: {  	_ =	swait.ge [sflag:s18], $0x1388  }
0x15: {  	[sflag:s18] =	ssyncset.done $0x0  }
0x16: {  	s2 =	simm.s32 @p0 $0x0;
	s20 =	simm.s32 @p0 $0x5;
	[sflag:s18] =	ssyncadd.s32 $0xFFFFEC78  }
0x17: {  	[tilespmem:s2], [sflag:$0x5] =	stream.linear.gather @p0 [hbm4b:s9+s2], $0xE00, $0x38;
	[tilespmem:$0x1A140] =	vst v63  }
0x18: {  	_ =	swait.ge @p0 [sflag:s20], $0xE00  }
0x19: {  	[sflag:s20] =	ssyncset.done @p0 $0x0  }
0x1a: {  	s21 =	simm.s32 @p0 $0x4200;
	[sflag:s20] =	ssyncadd.s32 @p0 $0xFFFFF200  }
0x1b: {  	[tilespmem:s21], [sflag:$0x5] =	stream.linear.gather @p0 [hbm4b:s10+s2], $0xE00, $0x38;
	[tilespmem:$0x1A140] =	vst v63  }
0x1c: {  	_ =	swait.ge @p0 [sflag:s20], $0xE00  }
0x1d: {  	[sflag:s20] =	ssyncset.done @p0 $0x0  }
0x1e: {  	s2 =	simm.s32 @!p0 $0x0;
	[sflag:s20] =	ssyncadd.s32 @p0 $0xFFFFF200;
	s20 =	simm.s32 @!p0 $0x5  }
0x1f: {  	[tilespmem:s2], [sflag:$0x5] =	stream.linear.gather @!p0 [hbm4b:s11+s2], $0x4200, $0x38;
	[tilespmem:$0x1A140] =	vst v63  }
0x20: {  	_ =	swait.ge @!p0 [sflag:s20], $0x4200  }
0x21: {  	[sflag:s20] =	ssyncset.done @!p0 $0x0  }
0x22: {  	s21 =	simm.s32 @!p0 $0x4200;
	[sflag:s20] =	ssyncadd.s32 @!p0 $0xFFFFBE00  }
0x23: {  	[tilespmem:s21], [sflag:$0x5] =	stream.linear.gather @!p0 [hbm4b:s12+s2], $0x4200, $0x38;
	[tilespmem:$0x1A140] =	vst v63  }
0x24: {  	_ =	swait.ge @!p0 [sflag:s20], $0x4200  }
0x25: {  	[sflag:s20] =	ssyncset.done @!p0 $0x0  }
0x26: {  	[sflag:s20] =	ssyncadd.s32 @!p0 $0xFFFFBE00  }
0x27: {  	s20 =	simm.s32 $0x8400;
	[bflag:$0x0] =	sbarrier.arrive $0xFFFF  }
0x28: {  	[tilespmem:s20], [sflag:$0x1] =	stream.indirect.gather [spmem:s3], $0x40, s4, s19, $0xb8;
	[tilespmem:$0x1A140] =	vst v63  }
0x29: {  	s22 =	simm.s32 $0xC400;
	s21 =	simm.s32 $0x4200  }
0x2a: {  	[tilespmem:s22], [sflag:$0x3] =	stream.indirect.gather [hbm4b:s5+s19], $0x40, s21, s19, $0xb8;
	[tilespmem:$0x1A140] =	vst v63  }
0x2b: {  	s23 =	simm.s32 $0xA400  }
0x2c: {  	[tilespmem:s23], [sflag:$0x2] =	stream.indirect.gather [spmem:s3], $0x40, s19, s19, $0xb8;
	[tilespmem:$0x1A140] =	vst v63  }
0x2d: {  	s24 =	simm.s32 $0x4280;
	s2 =	simm.s32 $0x0  }
0x2e: {  	[tilespmem:s25], [sflag:$0x4] =	stream.indirect.gather [hbm4b:s5+s19], $0x40, s24, s19, $0xb8;
	[tilespmem:$0x1A140] =	vst v63  }
.LBB2_2:
0x2f: {  	_ =	swait.ge [sflag:s26], $0x2000  }
0x30: {  	[sflag:s26] =	ssyncset.done $0x0  }
0x31: {  	[sflag:s26] =	ssyncadd.s32 $0xFFFFE000  }
0x32: {  	_ =	swait.ge [sflag:s28], $0x2000  }
0x33: {  	[sflag:s28] =	ssyncset.done $0x0  }
0x34: {  	s20 =	simm.s32 $0x0;
	[sflag:s28] =	ssyncadd.s32 $0xFFFFE000  }
0x35: {  	v0 =	vld [tilespmem:s20+$0x8430]  }
0x36: {  	v2 =	vld [tilespmem:s20+$0xC430]  }
0x37: {  	v3 =	vld [tilespmem:s20+$0x8400]  }
0x38: {  	v5 =	vld [tilespmem:s20+$0x8410]  }
0x39: {  	v4 =	vld [tilespmem:s20+$0xC400]  }
0x3a: {  	v6 =	vld [tilespmem:s20+$0xC410]  }
0x3b: {  	v1 =	vimm.f32 $-Inf;
	v9 =	vld [tilespmem:s20+$0x8420];
	v7 =	vshll.u32 v0, $0x10  }
0x3c: {  	v0 =	vand.u32 $0xFFFF0000, v0;
	v8 =	vshll.u32 v2, $0x10;
	v2 =	vand.u32 $0xFFFF0000, v2  }
0x3d: {  	v11 =	vshll.u32 v3, $0x10;
	v3 =	vand.u32 $0xFFFF0000, v3;
	v15 =	vshll.u32 v5, $0x10  }
0x3e: {  	v10 =	vand.u32 $0xFFFF0000, v5;
	v0 =	vadd.f32 v2, v0;
	v2 =	vshll.u32 v4, $0x10  }
0x3f: {  	v18 =	vshll.u32 v6, $0x10;
	v16 =	vand.u32 $0xFFFF0000, v6;
	v12 =	vadd.f32 v2, v11;
	v11 =	vld [tilespmem:s20+$0xC420]  }
0x40: {  	v17 =	vshll.u32 v9, $0x10;
	v14 =	vand.u32 $0xFFFF0000, v9;
	v5 =	vimm.f32 $-Inf  }
0x41: {  	v6 =	vimm.f32 $-Inf;
	v4 =	vand.u32 $0xFFFF0000, v4;
	v8 =	vadd.f32 v8, v7  }
0x42: {  	v7 =	vimm.f32 $-Inf;
	v13 =	vadd.f32 v4, v3;
	s20 =	simm.s32 $0x40;
	v4 =	vimm.f32 $-Inf  }
0x43: {  	s21 =	simm.s32 $0x200;
	v2 =	vimm.f32 $-Inf;
	v3 =	vimm.f32 $-Inf;
	v0 =	vmax.f32 v1, v0;
	v9 =	vld [tilespmem:s20+$0x8430]  }
.LBB2_3:
0x44: {  	p1 =	sne.s32 s21, $0x1F00;
	v19 =	vld [tilespmem:s20+$0xC430];
	v15 =	vadd.f32 v18, v15;
	v18 =	vshll.u32 v11, $0x10;
	v11 =	vand.u32 $0xFFFF0000, v11  }
0x45: {  	v1 =	vmax.f32 v1, v12;
	v10 =	vadd.f32 v16, v10;
	v20 =	vld [tilespmem:s20+$0x8400];
	v12 =	vadd.f32 v18, v17  }
0x46: {  	v4 =	vmax.f32 v4, v13;
	v11 =	vadd.f32 v11, v14;
	v16 =	vld [tilespmem:s20+$0xC400];
	v5 =	vmax.f32 v5, v15  }
0x47: {  	v7 =	vmax.f32 v7, v8;
	v2 =	vmax.f32 v2, v10;
	v13 =	vld [tilespmem:s20+$0x8410];
	v6 =	vmax.f32 v6, v12  }
0x48: {  	v3 =	vmax.f32 v3, v11;
	v14 =	vld [tilespmem:s20+$0xC410];
	v8 =	vshll.u32 v9, $0x10  }
0x49: {  	v9 =	vand.u32 $0xFFFF0000, v9;
	v21 =	vld [tilespmem:s20+$0x8420];
	v10 =	vshll.u32 v19, $0x10;
	v12 =	vand.u32 $0xFFFF0000, v19  }
.Ltmp0:
0x4a: {  	v17 =	vshll.u32 v20, $0x10;
	v19 =	vand.u32 $0xFFFF0000, v20;
	v11 =	vld [tilespmem:s20+$0xC420];
	v9 =	vadd.f32 v12, v9;
	(pc) =	sbr.rel @p1 .LBB2_3-.Ltmp0, $4  }
0x4b: {  	v8 =	vadd.f32 v10, v8;
	v12 =	vshll.u32 v16, $0x10;
	v20 =	vand.u32 $0xFFFF0000, v16  }
0x4c: {  	v15 =	vshll.u32 v13, $0x10;
	v10 =	vand.u32 $0xFFFF0000, v13;
	v0 =	vmax.f32 v0, v9  }
0x4d: {  	s20 =	sshra.s32 s21, $0x2;
	v12 =	vadd.f32 v12, v17;
	v18 =	vshll.u32 v14, $0x10;
	v16 =	vand.u32 $0xFFFF0000, v14  }
0x4e: {  	s21 =	sadd.s32 $0x100, s21;
	v13 =	vadd.f32 v20, v19;
	v9 =	vld [tilespmem:s20+$0x8430];
	v17 =	vshll.u32 v21, $0x10;
	v14 =	vand.u32 $0xFFFF0000, v21  }
0x4f: {  	v19 =	vld [tilespmem:s20+$0xC430]  }
0x50: {  	v15 =	vadd.f32 v18, v15;
	v18 =	vshll.u32 v11, $0x10;
	v11 =	vand.u32 $0xFFFF0000, v11;
	v20 =	vld [tilespmem:s20+$0x8400]  }
0x51: {  	v1 =	vmax.f32 v1, v12;
	v10 =	vadd.f32 v16, v10;
	v16 =	vld [tilespmem:s20+$0xC400];
	v12 =	vadd.f32 v18, v17  }
0x52: {  	v7 =	vmax.f32 v7, v8;
	v4 =	vmax.f32 v4, v13;
	v11 =	vadd.f32 v11, v14;
	v13 =	vld [tilespmem:s20+$0x8410]  }
0x53: {  	v8 =	vld [tilespmem:s20+$0xC410];
	v5 =	vmax.f32 v5, v15;
	v2 =	vmax.f32 v2, v10;
	v6 =	vmax.f32 v6, v12  }
0x54: {  	v18 =	vld [tilespmem:s20+$0xC420];
	v3 =	vmax.f32 v3, v11;
	v10 =	vshll.u32 v9, $0x10;
	v9 =	vand.u32 $0xFFFF0000, v9  }
0x55: {  	v11 =	vld [tilespmem:s20+$0x8420];
	v12 =	vshll.u32 v19, $0x10;
	v14 =	vand.u32 $0xFFFF0000, v19;
	v15 =	vshll.u32 v20, $0x10  }
0x56: {  	v17 =	vand.u32 $0xFFFF0000, v20;
	v9 =	vadd.f32 v14, v9;
	v14 =	vshll.u32 v16, $0x10  }
0x57: {  	v16 =	vand.u32 $0xFFFF0000, v16;
	v10 =	vadd.f32 v12, v10;
	v12 =	vshll.u32 v13, $0x10  }
0x58: {  	v13 =	vand.u32 $0xFFFF0000, v13;
	v0 =	vmax.f32 v0, v9;
	v9 =	vadd.f32 v14, v15  }
0x59: {  	v14 =	vshll.u32 v8, $0x10;
	v8 =	vand.u32 $0xFFFF0000, v8;
	v15 =	vadd.f32 v16, v17  }
0x5a: {  	v16 =	vshll.u32 v11, $0x10;
	v11 =	vand.u32 $0xFFFF0000, v11;
	v17 =	vand.u32 $0xFFFF0000, v18  }
0x5b: {  	v7 =	vmax.f32 v7, v10;
	v12 =	vadd.f32 v14, v12;
	v14 =	vshll.u32 v18, $0x10  }
0x5c: {  	v8 =	vadd.f32 v8, v13;
	v11 =	vadd.f32 v17, v11;
	v0 =	vmax.f32 v0, $0.0e+00  }
0x5d: {  	v1 =	vmax.f32 v1, v9;
	v9 =	vadd.f32 v14, v16;
	v4 =	vmax.f32 v4, v15  }
0x5e: {  	v5 =	vmax.f32 v5, v12;
	v2 =	vmax.f32 v2, v8;
	v1 =	vmax.f32 v1, $0.0e+00  }
0x5f: {  	v4 =	vmax.f32 v4, $0.0e+00;
	v3 =	vmax.f32 v3, v11;
	v6 =	vmax.f32 v6, v9  }
0x60: {  	v1 =	vadd.s32 $0x8000, v1;
	v4 =	vadd.s32 $0x8000, v4;
	v2 =	vmax.f32 v2, $0.0e+00  }
0x61: {  	v3 =	vmax.f32 v3, $0.0e+00;
	v1 =	vshrl.u32 v1, $0x10;
	v4 =	vand.u32 $0xFFFF0000, v4  }
0x62: {  	v2 =	vadd.s32 $0x8000, v2;
	v1 =	vor.u32 v1, v4;
	v4 =	vmax.f32 v5, $0.0e+00  }
0x63: {  	v3 =	vadd.s32 $0x8000, v3;
	v5 =	vmax.f32 v6, $0.0e+00;
	v4 =	vadd.s32 $0x8000, v4  }
0x64: {  	v2 =	vand.u32 $0xFFFF0000, v2;
	v5 =	vadd.s32 $0x8000, v5;
	v4 =	vshrl.u32 v4, $0x10  }
0x65: {  	v2 =	vor.u32 v4, v2;
	v4 =	vshrl.u32 v5, $0x10;
	v5 =	vmax.f32 v7, $0.0e+00  }
0x66: {  	v0 =	vadd.s32 $0x8000, v0;
	[tilespmem:$0x10400] =	vst v1;
	v1 =	vand.u32 $0xFFFF0000, v3;
	v3 =	vadd.s32 $0x8000, v5  }
0x67: {  	v0 =	vand.u32 $0xFFFF0000, v0;
	[tilespmem:$0x10410] =	vst v2;
	v1 =	vor.u32 v4, v1;
	v2 =	vshrl.u32 v3, $0x10  }
0x68: {  	[tilespmem:$0x10420] =	vst v1;
	v0 =	vor.u32 v2, v0  }
0x69: {  	s24 =	simm.s32 $0x0;
	[tilespmem:$0x10430] =	vst v0  }
0x6a: {  	v0 =	vld [tilespmem:s24+$0x8C30]  }
0x6b: {  	v2 =	vld [tilespmem:s24+$0xCC30]  }
0x6c: {  	v3 =	vld [tilespmem:s24+$0x8C00]  }
0x6d: {  	v5 =	vld [tilespmem:s24+$0x8C10]  }
0x6e: {  	v4 =	vld [tilespmem:s24+$0xCC00]  }
0x6f: {  	v6 =	vld [tilespmem:s24+$0xCC10]  }
0x70: {  	v1 =	vimm.f32 $-Inf;
	v9 =	vld [tilespmem:s24+$0x8C20];
	v7 =	vshll.u32 v0, $0x10  }
0x71: {  	v0 =	vand.u32 $0xFFFF0000, v0;
	v8 =	vshll.u32 v2, $0x10;
	v2 =	vand.u32 $0xFFFF0000, v2  }
0x72: {  	v11 =	vshll.u32 v3, $0x10;
	v3 =	vand.u32 $0xFFFF0000, v3;
	v15 =	vshll.u32 v5, $0x10  }
0x73: {  	v10 =	vand.u32 $0xFFFF0000, v5;
	v0 =	vadd.f32 v2, v0;
	v2 =	vshll.u32 v4, $0x10  }
0x74: {  	v18 =	vshll.u32 v6, $0x10;
	v16 =	vand.u32 $0xFFFF0000, v6;
	v12 =	vadd.f32 v2, v11;
	v11 =	vld [tilespmem:s24+$0xCC20]  }
0x75: {  	v17 =	vshll.u32 v9, $0x10;
	v14 =	vand.u32 $0xFFFF0000, v9;
	v5 =	vimm.f32 $-Inf  }
0x76: {  	v6 =	vimm.f32 $-Inf;
	v4 =	vand.u32 $0xFFFF0000, v4;
	v8 =	vadd.f32 v8, v7  }
0x77: {  	s20 =	simm.s32 $0x40;
	v7 =	vimm.f32 $-Inf;
	v13 =	vadd.f32 v4, v3;
	v4 =	vimm.f32 $-Inf  }
0x78: {  	s21 =	simm.s32 $0x200;
	v9 =	vld [tilespmem:s20+$0x8C30];
	v2 =	vimm.f32 $-Inf;
	v3 =	vimm.f32 $-Inf;
	v0 =	vmax.f32 v1, v0  }
.LBB2_5:
0x79: {  	p1 =	sne.s32 s21, $0x1F00;
	v19 =	vld [tilespmem:s20+$0xCC30];
	v15 =	vadd.f32 v18, v15;
	v18 =	vshll.u32 v11, $0x10;
	v11 =	vand.u32 $0xFFFF0000, v11  }
0x7a: {  	v1 =	vmax.f32 v1, v12;
	v10 =	vadd.f32 v16, v10;
	v20 =	vld [tilespmem:s20+$0x8C00];
	v12 =	vadd.f32 v18, v17  }
0x7b: {  	v4 =	vmax.f32 v4, v13;
	v11 =	vadd.f32 v11, v14;
	v16 =	vld [tilespmem:s20+$0xCC00];
	v5 =	vmax.f32 v5, v15  }
0x7c: {  	v7 =	vmax.f32 v7, v8;
	v2 =	vmax.f32 v2, v10;
	v13 =	vld [tilespmem:s20+$0x8C10];
	v6 =	vmax.f32 v6, v12  }
0x7d: {  	v3 =	vmax.f32 v3, v11;
	v14 =	vld [tilespmem:s20+$0xCC10];
	v8 =	vshll.u32 v9, $0x10  }
0x7e: {  	v9 =	vand.u32 $0xFFFF0000, v9;
	v21 =	vld [tilespmem:s20+$0x8C20];
	v10 =	vshll.u32 v19, $0x10;
	v12 =	vand.u32 $0xFFFF0000, v19  }
.Ltmp1:
0x7f: {  	v17 =	vshll.u32 v20, $0x10;
	v19 =	vand.u32 $0xFFFF0000, v20;
	v11 =	vld [tilespmem:s20+$0xCC20];
	v9 =	vadd.f32 v12, v9;
	(pc) =	sbr.rel @p1 .LBB2_5-.Ltmp1, $4  }
0x80: {  	v8 =	vadd.f32 v10, v8;
	v12 =	vshll.u32 v16, $0x10;
	v20 =	vand.u32 $0xFFFF0000, v16  }
0x81: {  	v15 =	vshll.u32 v13, $0x10;
	v10 =	vand.u32 $0xFFFF0000, v13;
	v0 =	vmax.f32 v0, v9  }
0x82: {  	s20 =	sshra.s32 s21, $0x2;
	v12 =	vadd.f32 v12, v17;
	v18 =	vshll.u32 v14, $0x10;
	v16 =	vand.u32 $0xFFFF0000, v14  }
0x83: {  	s21 =	sadd.s32 $0x100, s21;
	v13 =	vadd.f32 v20, v19;
	v9 =	vld [tilespmem:s20+$0x8C30];
	v17 =	vshll.u32 v21, $0x10;
	v14 =	vand.u32 $0xFFFF0000, v21  }
0x84: {  	v19 =	vld [tilespmem:s20+$0xCC30]  }
0x85: {  	v15 =	vadd.f32 v18, v15;
	v18 =	vshll.u32 v11, $0x10;
	v11 =	vand.u32 $0xFFFF0000, v11;
	v20 =	vld [tilespmem:s20+$0x8C00]  }
0x86: {  	v1 =	vmax.f32 v1, v12;
	v10 =	vadd.f32 v16, v10;
	v16 =	vld [tilespmem:s20+$0xCC00];
	v12 =	vadd.f32 v18, v17  }
0x87: {  	v7 =	vmax.f32 v7, v8;
	v4 =	vmax.f32 v4, v13;
	v11 =	vadd.f32 v11, v14;
	v13 =	vld [tilespmem:s20+$0x8C10]  }
0x88: {  	v8 =	vld [tilespmem:s20+$0xCC10];
	v5 =	vmax.f32 v5, v15;
	v2 =	vmax.f32 v2, v10;
	v6 =	vmax.f32 v6, v12  }
0x89: {  	v18 =	vld [tilespmem:s20+$0xCC20];
	v3 =	vmax.f32 v3, v11;
	v10 =	vshll.u32 v9, $0x10;
	v9 =	vand.u32 $0xFFFF0000, v9  }
0x8a: {  	v11 =	vld [tilespmem:s20+$0x8C20];
	v12 =	vshll.u32 v19, $0x10;
	v14 =	vand.u32 $0xFFFF0000, v19;
	v15 =	vshll.u32 v20, $0x10  }
0x8b: {  	v17 =	vand.u32 $0xFFFF0000, v20;
	v9 =	vadd.f32 v14, v9;
	v14 =	vshll.u32 v16, $0x10  }
0x8c: {  	v16 =	vand.u32 $0xFFFF0000, v16;
	v10 =	vadd.f32 v12, v10;
	v12 =	vshll.u32 v13, $0x10  }
0x8d: {  	v13 =	vand.u32 $0xFFFF0000, v13;
	v0 =	vmax.f32 v0, v9;
	v9 =	vadd.f32 v14, v15  }
0x8e: {  	v14 =	vshll.u32 v8, $0x10;
	v8 =	vand.u32 $0xFFFF0000, v8;
	v15 =	vadd.f32 v16, v17  }
0x8f: {  	v16 =	vshll.u32 v11, $0x10;
	v11 =	vand.u32 $0xFFFF0000, v11;
	v17 =	vand.u32 $0xFFFF0000, v18  }
0x90: {  	v7 =	vmax.f32 v7, v10;
	v12 =	vadd.f32 v14, v12;
	v14 =	vshll.u32 v18, $0x10  }
0x91: {  	v8 =	vadd.f32 v8, v13;
	v11 =	vadd.f32 v17, v11;
	v0 =	vmax.f32 v0, $0.0e+00  }
0x92: {  	v1 =	vmax.f32 v1, v9;
	v9 =	vadd.f32 v14, v16;
	v4 =	vmax.f32 v4, v15  }
0x93: {  	v5 =	vmax.f32 v5, v12;
	v2 =	vmax.f32 v2, v8;
	v1 =	vmax.f32 v1, $0.0e+00  }
0x94: {  	v4 =	vmax.f32 v4, $0.0e+00;
	v3 =	vmax.f32 v3, v11;
	v6 =	vmax.f32 v6, v9  }
0x95: {  	v1 =	vadd.s32 $0x8000, v1;
	v4 =	vadd.s32 $0x8000, v4;
	v2 =	vmax.f32 v2, $0.0e+00  }
0x96: {  	v3 =	vmax.f32 v3, $0.0e+00;
	v1 =	vshrl.u32 v1, $0x10;
	v4 =	vand.u32 $0xFFFF0000, v4  }
0x97: {  	v2 =	vadd.s32 $0x8000, v2;
	v1 =	vor.u32 v1, v4;
	v4 =	vmax.f32 v5, $0.0e+00  }
0x98: {  	v3 =	vadd.s32 $0x8000, v3;
	v5 =	vmax.f32 v6, $0.0e+00;
	v4 =	vadd.s32 $0x8000, v4  }
0x99: {  	v2 =	vand.u32 $0xFFFF0000, v2;
	v5 =	vadd.s32 $0x8000, v5;
	v4 =	vshrl.u32 v4, $0x10  }
0x9a: {  	v2 =	vor.u32 v4, v2;
	v4 =	vshrl.u32 v5, $0x10;
	v5 =	vmax.f32 v7, $0.0e+00  }
0x9b: {  	v0 =	vadd.s32 $0x8000, v0;
	[tilespmem:$0x10440] =	vst v1;
	v1 =	vand.u32 $0xFFFF0000, v3;
	v3 =	vadd.s32 $0x8000, v5  }
0x9c: {  	v0 =	vand.u32 $0xFFFF0000, v0;
	[tilespmem:$0x10450] =	vst v2;
	v1 =	vor.u32 v4, v1;
	v2 =	vshrl.u32 v3, $0x10  }
0x9d: {  	[tilespmem:$0x10460] =	vst v1;
	v0 =	vor.u32 v2, v0  }
0x9e: {  	s24 =	simm.s32 $0x0;
	[tilespmem:$0x10470] =	vst v0  }
0x9f: {  	v0 =	vld [tilespmem:s24+$0x9430]  }
0xa0: {  	v2 =	vld [tilespmem:s24+$0xD430]  }
0xa1: {  	v3 =	vld [tilespmem:s24+$0x9400]  }
0xa2: {  	v5 =	vld [tilespmem:s24+$0x9410]  }
0xa3: {  	v4 =	vld [tilespmem:s24+$0xD400]  }
0xa4: {  	v6 =	vld [tilespmem:s24+$0xD410]  }
0xa5: {  	v1 =	vimm.f32 $-Inf;
	v9 =	vld [tilespmem:s24+$0x9420];
	v7 =	vshll.u32 v0, $0x10  }
0xa6: {  	v0 =	vand.u32 $0xFFFF0000, v0;
	v8 =	vshll.u32 v2, $0x10;
	v2 =	vand.u32 $0xFFFF0000, v2  }
0xa7: {  	v11 =	vshll.u32 v3, $0x10;
	v3 =	vand.u32 $0xFFFF0000, v3;
	v15 =	vshll.u32 v5, $0x10  }
0xa8: {  	v10 =	vand.u32 $0xFFFF0000, v5;
	v0 =	vadd.f32 v2, v0;
	v2 =	vshll.u32 v4, $0x10  }
0xa9: {  	v18 =	vshll.u32 v6, $0x10;
	v16 =	vand.u32 $0xFFFF0000, v6;
	v12 =	vadd.f32 v2, v11;
	v11 =	vld [tilespmem:s24+$0xD420]  }
0xaa: {  	v17 =	vshll.u32 v9, $0x10;
	v14 =	vand.u32 $0xFFFF0000, v9;
	v5 =	vimm.f32 $-Inf  }
0xab: {  	v6 =	vimm.f32 $-Inf;
	v4 =	vand.u32 $0xFFFF0000, v4;
	v8 =	vadd.f32 v8, v7  }
0xac: {  	s20 =	simm.s32 $0x40;
	v7 =	vimm.f32 $-Inf;
	v13 =	vadd.f32 v4, v3;
	v4 =	vimm.f32 $-Inf  }
0xad: {  	s21 =	simm.s32 $0x200;
	v9 =	vld [tilespmem:s20+$0x9430];
	v2 =	vimm.f32 $-Inf;
	v3 =	vimm.f32 $-Inf;
	v0 =	vmax.f32 v1, v0  }
.LBB2_7:
0xae: {  	p1 =	sne.s32 s21, $0x1F00;
	v19 =	vld [tilespmem:s20+$0xD430];
	v15 =	vadd.f32 v18, v15;
	v18 =	vshll.u32 v11, $0x10;
	v11 =	vand.u32 $0xFFFF0000, v11  }
0xaf: {  	v1 =	vmax.f32 v1, v12;
	v10 =	vadd.f32 v16, v10;
	v20 =	vld [tilespmem:s20+$0x9400];
	v12 =	vadd.f32 v18, v17  }
0xb0: {  	v4 =	vmax.f32 v4, v13;
	v11 =	vadd.f32 v11, v14;
	v16 =	vld [tilespmem:s20+$0xD400];
	v5 =	vmax.f32 v5, v15  }
0xb1: {  	v7 =	vmax.f32 v7, v8;
	v2 =	vmax.f32 v2, v10;
	v13 =	vld [tilespmem:s20+$0x9410];
	v6 =	vmax.f32 v6, v12  }
0xb2: {  	v3 =	vmax.f32 v3, v11;
	v14 =	vld [tilespmem:s20+$0xD410];
	v8 =	vshll.u32 v9, $0x10  }
0xb3: {  	v9 =	vand.u32 $0xFFFF0000, v9;
	v21 =	vld [tilespmem:s20+$0x9420];
	v10 =	vshll.u32 v19, $0x10;
	v12 =	vand.u32 $0xFFFF0000, v19  }
.Ltmp2:
0xb4: {  	v17 =	vshll.u32 v20, $0x10;
	v19 =	vand.u32 $0xFFFF0000, v20;
	v11 =	vld [tilespmem:s20+$0xD420];
	v9 =	vadd.f32 v12, v9;
	(pc) =	sbr.rel @p1 .LBB2_7-.Ltmp2, $4  }
0xb5: {  	v8 =	vadd.f32 v10, v8;
	v12 =	vshll.u32 v16, $0x10;
	v20 =	vand.u32 $0xFFFF0000, v16  }
0xb6: {  	v15 =	vshll.u32 v13, $0x10;
	v10 =	vand.u32 $0xFFFF0000, v13;
	v0 =	vmax.f32 v0, v9  }
0xb7: {  	s20 =	sshra.s32 s21, $0x2;
	v12 =	vadd.f32 v12, v17;
	v18 =	vshll.u32 v14, $0x10;
	v16 =	vand.u32 $0xFFFF0000, v14  }
0xb8: {  	s21 =	sadd.s32 $0x100, s21;
	v13 =	vadd.f32 v20, v19;
	v9 =	vld [tilespmem:s20+$0x9430];
	v17 =	vshll.u32 v21, $0x10;
	v14 =	vand.u32 $0xFFFF0000, v21  }
0xb9: {  	v19 =	vld [tilespmem:s20+$0xD430]  }
0xba: {  	v15 =	vadd.f32 v18, v15;
	v18 =	vshll.u32 v11, $0x10;
	v11 =	vand.u32 $0xFFFF0000, v11;
	v20 =	vld [tilespmem:s20+$0x9400]  }
0xbb: {  	v1 =	vmax.f32 v1, v12;
	v10 =	vadd.f32 v16, v10;
	v16 =	vld [tilespmem:s20+$0xD400];
	v12 =	vadd.f32 v18, v17  }
0xbc: {  	v7 =	vmax.f32 v7, v8;
	v4 =	vmax.f32 v4, v13;
	v11 =	vadd.f32 v11, v14;
	v13 =	vld [tilespmem:s20+$0x9410]  }
0xbd: {  	v8 =	vld [tilespmem:s20+$0xD410];
	v5 =	vmax.f32 v5, v15;
	v2 =	vmax.f32 v2, v10;
	v6 =	vmax.f32 v6, v12  }
0xbe: {  	v18 =	vld [tilespmem:s20+$0xD420];
	v3 =	vmax.f32 v3, v11;
	v10 =	vshll.u32 v9, $0x10;
	v9 =	vand.u32 $0xFFFF0000, v9  }
0xbf: {  	v11 =	vld [tilespmem:s20+$0x9420];
	v12 =	vshll.u32 v19, $0x10;
	v14 =	vand.u32 $0xFFFF0000, v19;
	v15 =	vshll.u32 v20, $0x10  }
0xc0: {  	v17 =	vand.u32 $0xFFFF0000, v20;
	v9 =	vadd.f32 v14, v9;
	v14 =	vshll.u32 v16, $0x10  }
0xc1: {  	v16 =	vand.u32 $0xFFFF0000, v16;
	v10 =	vadd.f32 v12, v10;
	v12 =	vshll.u32 v13, $0x10  }
0xc2: {  	v13 =	vand.u32 $0xFFFF0000, v13;
	v0 =	vmax.f32 v0, v9;
	v9 =	vadd.f32 v14, v15  }
0xc3: {  	v14 =	vshll.u32 v8, $0x10;
	v8 =	vand.u32 $0xFFFF0000, v8;
	v15 =	vadd.f32 v16, v17  }
0xc4: {  	v16 =	vshll.u32 v11, $0x10;
	v11 =	vand.u32 $0xFFFF0000, v11;
	v17 =	vand.u32 $0xFFFF0000, v18  }
0xc5: {  	v7 =	vmax.f32 v7, v10;
	v12 =	vadd.f32 v14, v12;
	v14 =	vshll.u32 v18, $0x10  }
0xc6: {  	v8 =	vadd.f32 v8, v13;
	v11 =	vadd.f32 v17, v11;
	v0 =	vmax.f32 v0, $0.0e+00  }
0xc7: {  	v1 =	vmax.f32 v1, v9;
	v9 =	vadd.f32 v14, v16;
	v4 =	vmax.f32 v4, v15  }
0xc8: {  	v5 =	vmax.f32 v5, v12;
	v2 =	vmax.f32 v2, v8;
	v1 =	vmax.f32 v1, $0.0e+00  }
0xc9: {  	v4 =	vmax.f32 v4, $0.0e+00;
	v3 =	vmax.f32 v3, v11;
	v6 =	vmax.f32 v6, v9  }
0xca: {  	v1 =	vadd.s32 $0x8000, v1;
	v4 =	vadd.s32 $0x8000, v4;
	v2 =	vmax.f32 v2, $0.0e+00  }
0xcb: {  	v3 =	vmax.f32 v3, $0.0e+00;
	v1 =	vshrl.u32 v1, $0x10;
	v4 =	vand.u32 $0xFFFF0000, v4  }
0xcc: {  	v2 =	vadd.s32 $0x8000, v2;
	v1 =	vor.u32 v1, v4;
	v4 =	vmax.f32 v5, $0.0e+00  }
0xcd: {  	v3 =	vadd.s32 $0x8000, v3;
	v5 =	vmax.f32 v6, $0.0e+00;
	v4 =	vadd.s32 $0x8000, v4  }
0xce: {  	v2 =	vand.u32 $0xFFFF0000, v2;
	v5 =	vadd.s32 $0x8000, v5;
	v4 =	vshrl.u32 v4, $0x10  }
0xcf: {  	v2 =	vor.u32 v4, v2;
	v4 =	vshrl.u32 v5, $0x10;
	v5 =	vmax.f32 v7, $0.0e+00  }
0xd0: {  	v0 =	vadd.s32 $0x8000, v0;
	[tilespmem:$0x10480] =	vst v1;
	v1 =	vand.u32 $0xFFFF0000, v3;
	v3 =	vadd.s32 $0x8000, v5  }
0xd1: {  	v0 =	vand.u32 $0xFFFF0000, v0;
	[tilespmem:$0x10490] =	vst v2;
	v1 =	vor.u32 v4, v1;
	v2 =	vshrl.u32 v3, $0x10  }
0xd2: {  	[tilespmem:$0x104A0] =	vst v1;
	v0 =	vor.u32 v2, v0  }
0xd3: {  	s24 =	simm.s32 $0x0;
	[tilespmem:$0x104B0] =	vst v0  }
0xd4: {  	v0 =	vld [tilespmem:s24+$0x9C30]  }
0xd5: {  	v2 =	vld [tilespmem:s24+$0xDC30]  }
0xd6: {  	v3 =	vld [tilespmem:s24+$0x9C00]  }
0xd7: {  	v5 =	vld [tilespmem:s24+$0x9C10]  }
0xd8: {  	v4 =	vld [tilespmem:s24+$0xDC00]  }
0xd9: {  	v6 =	vld [tilespmem:s24+$0xDC10]  }
0xda: {  	v1 =	vimm.f32 $-Inf;
	v9 =	vld [tilespmem:s24+$0x9C20];
	v7 =	vshll.u32 v0, $0x10  }
0xdb: {  	v0 =	vand.u32 $0xFFFF0000, v0;
	v8 =	vshll.u32 v2, $0x10;
	v2 =	vand.u32 $0xFFFF0000, v2  }
0xdc: {  	v11 =	vshll.u32 v3, $0x10;
	v3 =	vand.u32 $0xFFFF0000, v3;
	v15 =	vshll.u32 v5, $0x10  }
0xdd: {  	v10 =	vand.u32 $0xFFFF0000, v5;
	v0 =	vadd.f32 v2, v0;
	v2 =	vshll.u32 v4, $0x10  }
0xde: {  	v18 =	vshll.u32 v6, $0x10;
	v16 =	vand.u32 $0xFFFF0000, v6;
	v12 =	vadd.f32 v2, v11;
	v11 =	vld [tilespmem:s24+$0xDC20]  }
0xdf: {  	v17 =	vshll.u32 v9, $0x10;
	v14 =	vand.u32 $0xFFFF0000, v9;
	v5 =	vimm.f32 $-Inf  }
0xe0: {  	v6 =	vimm.f32 $-Inf;
	v4 =	vand.u32 $0xFFFF0000, v4;
	v8 =	vadd.f32 v8, v7  }
0xe1: {  	s20 =	simm.s32 $0x40;
	v7 =	vimm.f32 $-Inf;
	v13 =	vadd.f32 v4, v3;
	v4 =	vimm.f32 $-Inf  }
0xe2: {  	s21 =	simm.s32 $0x200;
	v9 =	vld [tilespmem:s20+$0x9C30];
	v2 =	vimm.f32 $-Inf;
	v3 =	vimm.f32 $-Inf;
	v0 =	vmax.f32 v1, v0  }
.LBB2_9:
0xe3: {  	p1 =	sne.s32 s21, $0x1F00;
	v19 =	vld [tilespmem:s20+$0xDC30];
	v15 =	vadd.f32 v18, v15;
	v18 =	vshll.u32 v11, $0x10;
	v11 =	vand.u32 $0xFFFF0000, v11  }
0xe4: {  	v1 =	vmax.f32 v1, v12;
	v10 =	vadd.f32 v16, v10;
	v20 =	vld [tilespmem:s20+$0x9C00];
	v12 =	vadd.f32 v18, v17  }
0xe5: {  	v4 =	vmax.f32 v4, v13;
	v11 =	vadd.f32 v11, v14;
	v16 =	vld [tilespmem:s20+$0xDC00];
	v5 =	vmax.f32 v5, v15  }
0xe6: {  	v7 =	vmax.f32 v7, v8;
	v2 =	vmax.f32 v2, v10;
	v13 =	vld [tilespmem:s20+$0x9C10];
	v6 =	vmax.f32 v6, v12  }
0xe7: {  	v3 =	vmax.f32 v3, v11;
	v14 =	vld [tilespmem:s20+$0xDC10];
	v8 =	vshll.u32 v9, $0x10  }
0xe8: {  	v9 =	vand.u32 $0xFFFF0000, v9;
	v21 =	vld [tilespmem:s20+$0x9C20];
	v10 =	vshll.u32 v19, $0x10;
	v12 =	vand.u32 $0xFFFF0000, v19  }
.Ltmp3:
0xe9: {  	v17 =	vshll.u32 v20, $0x10;
	v19 =	vand.u32 $0xFFFF0000, v20;
	v11 =	vld [tilespmem:s20+$0xDC20];
	v9 =	vadd.f32 v12, v9;
	(pc) =	sbr.rel @p1 .LBB2_9-.Ltmp3, $4  }
0xea: {  	v8 =	vadd.f32 v10, v8;
	v12 =	vshll.u32 v16, $0x10;
	v20 =	vand.u32 $0xFFFF0000, v16  }
0xeb: {  	v15 =	vshll.u32 v13, $0x10;
	v10 =	vand.u32 $0xFFFF0000, v13;
	v0 =	vmax.f32 v0, v9  }
0xec: {  	s20 =	sshra.s32 s21, $0x2;
	v12 =	vadd.f32 v12, v17;
	v18 =	vshll.u32 v14, $0x10;
	v16 =	vand.u32 $0xFFFF0000, v14  }
0xed: {  	s21 =	sadd.s32 $0x100, s21;
	v13 =	vadd.f32 v20, v19;
	v9 =	vld [tilespmem:s20+$0x9C30];
	v17 =	vshll.u32 v21, $0x10;
	v14 =	vand.u32 $0xFFFF0000, v21  }
0xee: {  	v19 =	vld [tilespmem:s20+$0xDC30]  }
0xef: {  	v15 =	vadd.f32 v18, v15;
	v18 =	vshll.u32 v11, $0x10;
	v11 =	vand.u32 $0xFFFF0000, v11;
	v20 =	vld [tilespmem:s20+$0x9C00]  }
0xf0: {  	v1 =	vmax.f32 v1, v12;
	v10 =	vadd.f32 v16, v10;
	v16 =	vld [tilespmem:s20+$0xDC00];
	v12 =	vadd.f32 v18, v17  }
0xf1: {  	v7 =	vmax.f32 v7, v8;
	v4 =	vmax.f32 v4, v13;
	v11 =	vadd.f32 v11, v14;
	v13 =	vld [tilespmem:s20+$0x9C10]  }
0xf2: {  	v8 =	vld [tilespmem:s20+$0xDC10];
	v5 =	vmax.f32 v5, v15;
	v2 =	vmax.f32 v2, v10;
	v6 =	vmax.f32 v6, v12  }
0xf3: {  	v18 =	vld [tilespmem:s20+$0xDC20];
	v3 =	vmax.f32 v3, v11;
	v10 =	vshll.u32 v9, $0x10;
	v9 =	vand.u32 $0xFFFF0000, v9  }
0xf4: {  	v11 =	vld [tilespmem:s20+$0x9C20];
	v12 =	vshll.u32 v19, $0x10;
	v14 =	vand.u32 $0xFFFF0000, v19;
	v15 =	vshll.u32 v20, $0x10  }
0xf5: {  	v17 =	vand.u32 $0xFFFF0000, v20;
	v9 =	vadd.f32 v14, v9;
	v14 =	vshll.u32 v16, $0x10  }
0xf6: {  	v16 =	vand.u32 $0xFFFF0000, v16;
	v10 =	vadd.f32 v12, v10;
	v12 =	vshll.u32 v13, $0x10  }
0xf7: {  	v13 =	vand.u32 $0xFFFF0000, v13;
	v0 =	vmax.f32 v0, v9;
	v9 =	vadd.f32 v14, v15  }
0xf8: {  	v14 =	vshll.u32 v8, $0x10;
	v8 =	vand.u32 $0xFFFF0000, v8;
	v15 =	vadd.f32 v16, v17  }
0xf9: {  	v16 =	vshll.u32 v11, $0x10;
	v11 =	vand.u32 $0xFFFF0000, v11;
	v17 =	vand.u32 $0xFFFF0000, v18  }
0xfa: {  	v7 =	vmax.f32 v7, v10;
	v12 =	vadd.f32 v14, v12;
	v14 =	vshll.u32 v18, $0x10  }
0xfb: {  	v8 =	vadd.f32 v8, v13;
	v11 =	vadd.f32 v17, v11;
	v0 =	vmax.f32 v0, $0.0e+00  }
0xfc: {  	v1 =	vmax.f32 v1, v9;
	v9 =	vadd.f32 v14, v16;
	v4 =	vmax.f32 v4, v15  }
0xfd: {  	v5 =	vmax.f32 v5, v12;
	v2 =	vmax.f32 v2, v8;
	v1 =	vmax.f32 v1, $0.0e+00  }
0xfe: {  	v4 =	vmax.f32 v4, $0.0e+00;
	v3 =	vmax.f32 v3, v11;
	v6 =	vmax.f32 v6, v9  }
0xff: {  	v1 =	vadd.s32 $0x8000, v1;
	v4 =	vadd.s32 $0x8000, v4;
	v2 =	vmax.f32 v2, $0.0e+00  }
0x100: {  	v3 =	vmax.f32 v3, $0.0e+00;
	v1 =	vshrl.u32 v1, $0x10;
	v4 =	vand.u32 $0xFFFF0000, v4  }
0x101: {  	v2 =	vadd.s32 $0x8000, v2;
	v1 =	vor.u32 v1, v4;
	v4 =	vmax.f32 v5, $0.0e+00  }
0x102: {  	v3 =	vadd.s32 $0x8000, v3;
	v5 =	vmax.f32 v6, $0.0e+00;
	v4 =	vadd.s32 $0x8000, v4  }
0x103: {  	v2 =	vand.u32 $0xFFFF0000, v2;
	v5 =	vadd.s32 $0x8000, v5;
	v4 =	vshrl.u32 v4, $0x10  }
0x104: {  	v2 =	vor.u32 v4, v2;
	v4 =	vshrl.u32 v5, $0x10;
	v5 =	vmax.f32 v7, $0.0e+00  }
0x105: {  	s20 =	sshll.u32 s2, $0x9;
	v0 =	vadd.s32 $0x8000, v0;
	[tilespmem:$0x104C0] =	vst v1;
	v1 =	vand.u32 $0xFFFF0000, v3;
	v3 =	vadd.s32 $0x8000, v5  }
0x106: {  	s21 =	sadd.s32 s13, s20;
	v0 =	vand.u32 $0xFFFF0000, v0;
	[tilespmem:$0x104D0] =	vst v2;
	v1 =	vor.u32 v4, v1;
	v2 =	vshrl.u32 v3, $0x10  }
0x107: {  	s21 =	sshrl.u32 s21, $0x3;
	[tilespmem:$0x104E0] =	vst v1;
	v0 =	vor.u32 v2, v0  }
0x108: {  	s21 =	sadd.s32 s1, s21;
	[tilespmem:$0x104F0] =	vst v0  }
0x109: {  	[hbm4b:s21+s4] =	stream.linear.scatter [tilespmem:s29], [sflag:$0x5], $0x100, $0x38;
	[tilespmem:$0x1A140] =	vst v63  }
0x10a: {  	s21 =	sshll.u32 s2, $0x1;
	_ =	swait.ge [sflag:s18], $0x100  }
0x10b: {  	s22 =	sadd.s32 $0x2, s21;
	[sflag:s18] =	ssyncset.done $0x0  }
0x10c: {  	p1 =	sge.u32 s22, s7;
	[sflag:s18] =	ssyncadd.s32 $0xFFFFFF00  }
0x10d: {  	s22 =	sshll.u32 @!p1 s22, $0x7;
	s23 =	simm.s32 @!p1 $0x80;
	s24 =	simm.s32 @!p1 $0x8400  }
0x10e: {  	[tilespmem:s24], [sflag:$0x1] =	stream.indirect.gather @!p1 [spmem:s3], $0x40, s22, s23, $0xb8;
	[tilespmem:$0x1A140] =	vst v63  }
0x10f: {  	s22 =	sadd.s32 @!p1 $0x4200, s22;
	s24 =	simm.s32 @!p1 $0xC400  }
0x110: {  	[tilespmem:s24], [sflag:$0x3] =	stream.indirect.gather @!p1 [hbm4b:s5+s23], $0x40, s22, s23, $0xb8;
	[tilespmem:$0x1A140] =	vst v63  }
0x111: {  	_ =	swait.ge [sflag:s30], $0x2000  }
0x112: {  	[sflag:s30] =	ssyncset.done $0x0  }
0x113: {  	[sflag:s30] =	ssyncadd.s32 $0xFFFFE000  }
0x114: {  	_ =	swait.ge [sflag:s31], $0x2000  }
0x115: {  	[sflag:s31] =	ssyncset.done $0x0  }
0x116: {  	s24 =	simm.s32 $0x0;
	[sflag:s31] =	ssyncadd.s32 $0xFFFFE000  }
0x117: {  	v0 =	vld [tilespmem:s24+$0xA430]  }
0x118: {  	v2 =	vld [tilespmem:s24+$0xE430]  }
0x119: {  	v3 =	vld [tilespmem:s24+$0xA400]  }
0x11a: {  	v5 =	vld [tilespmem:s24+$0xA410]  }
0x11b: {  	v4 =	vld [tilespmem:s24+$0xE400]  }
0x11c: {  	v6 =	vld [tilespmem:s24+$0xE410]  }
0x11d: {  	v1 =	vimm.f32 $-Inf;
	v9 =	vld [tilespmem:s24+$0xA420];
	v7 =	vshll.u32 v0, $0x10  }
0x11e: {  	v0 =	vand.u32 $0xFFFF0000, v0;
	v8 =	vshll.u32 v2, $0x10;
	v2 =	vand.u32 $0xFFFF0000, v2  }
0x11f: {  	v11 =	vshll.u32 v3, $0x10;
	v3 =	vand.u32 $0xFFFF0000, v3;
	v15 =	vshll.u32 v5, $0x10  }
0x120: {  	v10 =	vand.u32 $0xFFFF0000, v5;
	v0 =	vadd.f32 v2, v0;
	v2 =	vshll.u32 v4, $0x10  }
0x121: {  	v18 =	vshll.u32 v6, $0x10;
	v16 =	vand.u32 $0xFFFF0000, v6;
	v12 =	vadd.f32 v2, v11;
	v11 =	vld [tilespmem:s24+$0xE420]  }
0x122: {  	v17 =	vshll.u32 v9, $0x10;
	v14 =	vand.u32 $0xFFFF0000, v9;
	v5 =	vimm.f32 $-Inf  }
0x123: {  	v6 =	vimm.f32 $-Inf;
	v4 =	vand.u32 $0xFFFF0000, v4;
	v8 =	vadd.f32 v8, v7  }
0x124: {  	s22 =	simm.s32 $0x40;
	v7 =	vimm.f32 $-Inf;
	v13 =	vadd.f32 v4, v3;
	v4 =	vimm.f32 $-Inf  }
0x125: {  	s23 =	simm.s32 $0x200;
	v9 =	vld [tilespmem:s22+$0xA430];
	v2 =	vimm.f32 $-Inf;
	v3 =	vimm.f32 $-Inf;
	v0 =	vmax.f32 v1, v0  }
.LBB2_11:
0x126: {  	p1 =	sne.s32 s23, $0x1F00;
	v19 =	vld [tilespmem:s22+$0xE430];
	v15 =	vadd.f32 v18, v15;
	v18 =	vshll.u32 v11, $0x10;
	v11 =	vand.u32 $0xFFFF0000, v11  }
0x127: {  	v1 =	vmax.f32 v1, v12;
	v10 =	vadd.f32 v16, v10;
	v20 =	vld [tilespmem:s22+$0xA400];
	v12 =	vadd.f32 v18, v17  }
0x128: {  	v4 =	vmax.f32 v4, v13;
	v11 =	vadd.f32 v11, v14;
	v16 =	vld [tilespmem:s22+$0xE400];
	v5 =	vmax.f32 v5, v15  }
0x129: {  	v7 =	vmax.f32 v7, v8;
	v2 =	vmax.f32 v2, v10;
	v13 =	vld [tilespmem:s22+$0xA410];
	v6 =	vmax.f32 v6, v12  }
0x12a: {  	v3 =	vmax.f32 v3, v11;
	v14 =	vld [tilespmem:s22+$0xE410];
	v8 =	vshll.u32 v9, $0x10  }
0x12b: {  	v9 =	vand.u32 $0xFFFF0000, v9;
	v21 =	vld [tilespmem:s22+$0xA420];
	v10 =	vshll.u32 v19, $0x10;
	v12 =	vand.u32 $0xFFFF0000, v19  }
.Ltmp4:
0x12c: {  	v17 =	vshll.u32 v20, $0x10;
	v19 =	vand.u32 $0xFFFF0000, v20;
	v11 =	vld [tilespmem:s22+$0xE420];
	v9 =	vadd.f32 v12, v9;
	(pc) =	sbr.rel @p1 .LBB2_11-.Ltmp4, $4  }
0x12d: {  	v8 =	vadd.f32 v10, v8;
	v12 =	vshll.u32 v16, $0x10;
	v20 =	vand.u32 $0xFFFF0000, v16  }
0x12e: {  	v15 =	vshll.u32 v13, $0x10;
	v10 =	vand.u32 $0xFFFF0000, v13;
	v0 =	vmax.f32 v0, v9  }
0x12f: {  	s22 =	sshra.s32 s23, $0x2;
	v12 =	vadd.f32 v12, v17;
	v18 =	vshll.u32 v14, $0x10;
	v16 =	vand.u32 $0xFFFF0000, v14  }
0x130: {  	s23 =	sadd.s32 $0x100, s23;
	v13 =	vadd.f32 v20, v19;
	v9 =	vld [tilespmem:s22+$0xA430];
	v17 =	vshll.u32 v21, $0x10;
	v14 =	vand.u32 $0xFFFF0000, v21  }
0x131: {  	v19 =	vld [tilespmem:s22+$0xE430]  }
0x132: {  	v15 =	vadd.f32 v18, v15;
	v18 =	vshll.u32 v11, $0x10;
	v11 =	vand.u32 $0xFFFF0000, v11;
	v20 =	vld [tilespmem:s22+$0xA400]  }
0x133: {  	v1 =	vmax.f32 v1, v12;
	v10 =	vadd.f32 v16, v10;
	v16 =	vld [tilespmem:s22+$0xE400];
	v12 =	vadd.f32 v18, v17  }
0x134: {  	v7 =	vmax.f32 v7, v8;
	v4 =	vmax.f32 v4, v13;
	v11 =	vadd.f32 v11, v14;
	v13 =	vld [tilespmem:s22+$0xA410]  }
0x135: {  	v8 =	vld [tilespmem:s22+$0xE410];
	v5 =	vmax.f32 v5, v15;
	v2 =	vmax.f32 v2, v10;
	v6 =	vmax.f32 v6, v12  }
0x136: {  	v18 =	vld [tilespmem:s22+$0xE420];
	v3 =	vmax.f32 v3, v11;
	v10 =	vshll.u32 v9, $0x10;
	v9 =	vand.u32 $0xFFFF0000, v9  }
0x137: {  	v11 =	vld [tilespmem:s22+$0xA420];
	v12 =	vshll.u32 v19, $0x10;
	v14 =	vand.u32 $0xFFFF0000, v19;
	v15 =	vshll.u32 v20, $0x10  }
0x138: {  	v17 =	vand.u32 $0xFFFF0000, v20;
	v9 =	vadd.f32 v14, v9;
	v14 =	vshll.u32 v16, $0x10  }
0x139: {  	v16 =	vand.u32 $0xFFFF0000, v16;
	v10 =	vadd.f32 v12, v10;
	v12 =	vshll.u32 v13, $0x10  }
0x13a: {  	v13 =	vand.u32 $0xFFFF0000, v13;
	v0 =	vmax.f32 v0, v9;
	v9 =	vadd.f32 v14, v15  }
0x13b: {  	v14 =	vshll.u32 v8, $0x10;
	v8 =	vand.u32 $0xFFFF0000, v8;
	v15 =	vadd.f32 v16, v17  }
0x13c: {  	v16 =	vshll.u32 v11, $0x10;
	v11 =	vand.u32 $0xFFFF0000, v11;
	v17 =	vand.u32 $0xFFFF0000, v18  }
0x13d: {  	v7 =	vmax.f32 v7, v10;
	v12 =	vadd.f32 v14, v12;
	v14 =	vshll.u32 v18, $0x10  }
0x13e: {  	v8 =	vadd.f32 v8, v13;
	v11 =	vadd.f32 v17, v11;
	v0 =	vmax.f32 v0, $0.0e+00  }
0x13f: {  	v1 =	vmax.f32 v1, v9;
	v9 =	vadd.f32 v14, v16;
	v4 =	vmax.f32 v4, v15  }
0x140: {  	v5 =	vmax.f32 v5, v12;
	v2 =	vmax.f32 v2, v8;
	v1 =	vmax.f32 v1, $0.0e+00  }
0x141: {  	v4 =	vmax.f32 v4, $0.0e+00;
	v3 =	vmax.f32 v3, v11;
	v6 =	vmax.f32 v6, v9  }
0x142: {  	v1 =	vadd.s32 $0x8000, v1;
	v4 =	vadd.s32 $0x8000, v4;
	v2 =	vmax.f32 v2, $0.0e+00  }
0x143: {  	v3 =	vmax.f32 v3, $0.0e+00;
	v1 =	vshrl.u32 v1, $0x10;
	v4 =	vand.u32 $0xFFFF0000, v4  }
0x144: {  	v2 =	vadd.s32 $0x8000, v2;
	v1 =	vor.u32 v1, v4;
	v4 =	vmax.f32 v5, $0.0e+00  }
0x145: {  	v3 =	vadd.s32 $0x8000, v3;
	v5 =	vmax.f32 v6, $0.0e+00;
	v4 =	vadd.s32 $0x8000, v4  }
0x146: {  	v2 =	vand.u32 $0xFFFF0000, v2;
	v5 =	vadd.s32 $0x8000, v5;
	v4 =	vshrl.u32 v4, $0x10  }
0x147: {  	v2 =	vor.u32 v4, v2;
	v4 =	vshrl.u32 v5, $0x10;
	v5 =	vmax.f32 v7, $0.0e+00  }
0x148: {  	v0 =	vadd.s32 $0x8000, v0;
	[tilespmem:$0x10400] =	vst v1;
	v1 =	vand.u32 $0xFFFF0000, v3;
	v3 =	vadd.s32 $0x8000, v5  }
0x149: {  	v0 =	vand.u32 $0xFFFF0000, v0;
	[tilespmem:$0x10410] =	vst v2;
	v1 =	vor.u32 v4, v1;
	v2 =	vshrl.u32 v3, $0x10  }
0x14a: {  	[tilespmem:$0x10420] =	vst v1;
	v0 =	vor.u32 v2, v0  }
0x14b: {  	s24 =	simm.s32 $0x0;
	[tilespmem:$0x10430] =	vst v0  }
0x14c: {  	v0 =	vld [tilespmem:s24+$0xAC30]  }
0x14d: {  	v2 =	vld [tilespmem:s24+$0xEC30]  }
0x14e: {  	v3 =	vld [tilespmem:s24+$0xAC00]  }
0x14f: {  	v5 =	vld [tilespmem:s24+$0xAC10]  }
0x150: {  	v4 =	vld [tilespmem:s24+$0xEC00]  }
0x151: {  	v6 =	vld [tilespmem:s24+$0xEC10]  }
0x152: {  	v1 =	vimm.f32 $-Inf;
	v9 =	vld [tilespmem:s24+$0xAC20];
	v7 =	vshll.u32 v0, $0x10  }
0x153: {  	v0 =	vand.u32 $0xFFFF0000, v0;
	v8 =	vshll.u32 v2, $0x10;
	v2 =	vand.u32 $0xFFFF0000, v2  }
0x154: {  	v11 =	vshll.u32 v3, $0x10;
	v3 =	vand.u32 $0xFFFF0000, v3;
	v15 =	vshll.u32 v5, $0x10  }
0x155: {  	v10 =	vand.u32 $0xFFFF0000, v5;
	v0 =	vadd.f32 v2, v0;
	v2 =	vshll.u32 v4, $0x10  }
0x156: {  	v18 =	vshll.u32 v6, $0x10;
	v16 =	vand.u32 $0xFFFF0000, v6;
	v12 =	vadd.f32 v2, v11;
	v11 =	vld [tilespmem:s24+$0xEC20]  }
0x157: {  	v17 =	vshll.u32 v9, $0x10;
	v14 =	vand.u32 $0xFFFF0000, v9;
	v5 =	vimm.f32 $-Inf  }
0x158: {  	v6 =	vimm.f32 $-Inf;
	v4 =	vand.u32 $0xFFFF0000, v4;
	v8 =	vadd.f32 v8, v7  }
0x159: {  	s22 =	simm.s32 $0x40;
	v7 =	vimm.f32 $-Inf;
	v13 =	vadd.f32 v4, v3;
	v4 =	vimm.f32 $-Inf  }
0x15a: {  	s23 =	simm.s32 $0x200;
	v9 =	vld [tilespmem:s22+$0xAC30];
	v2 =	vimm.f32 $-Inf;
	v3 =	vimm.f32 $-Inf;
	v0 =	vmax.f32 v1, v0  }
.LBB2_13:
0x15b: {  	p1 =	sne.s32 s23, $0x1F00;
	v19 =	vld [tilespmem:s22+$0xEC30];
	v15 =	vadd.f32 v18, v15;
	v18 =	vshll.u32 v11, $0x10;
	v11 =	vand.u32 $0xFFFF0000, v11  }
0x15c: {  	v1 =	vmax.f32 v1, v12;
	v10 =	vadd.f32 v16, v10;
	v20 =	vld [tilespmem:s22+$0xAC00];
	v12 =	vadd.f32 v18, v17  }
0x15d: {  	v4 =	vmax.f32 v4, v13;
	v11 =	vadd.f32 v11, v14;
	v16 =	vld [tilespmem:s22+$0xEC00];
	v5 =	vmax.f32 v5, v15  }
0x15e: {  	v7 =	vmax.f32 v7, v8;
	v2 =	vmax.f32 v2, v10;
	v13 =	vld [tilespmem:s22+$0xAC10];
	v6 =	vmax.f32 v6, v12  }
0x15f: {  	v3 =	vmax.f32 v3, v11;
	v14 =	vld [tilespmem:s22+$0xEC10];
	v8 =	vshll.u32 v9, $0x10  }
0x160: {  	v9 =	vand.u32 $0xFFFF0000, v9;
	v21 =	vld [tilespmem:s22+$0xAC20];
	v10 =	vshll.u32 v19, $0x10;
	v12 =	vand.u32 $0xFFFF0000, v19  }
.Ltmp5:
0x161: {  	v17 =	vshll.u32 v20, $0x10;
	v19 =	vand.u32 $0xFFFF0000, v20;
	v11 =	vld [tilespmem:s22+$0xEC20];
	v9 =	vadd.f32 v12, v9;
	(pc) =	sbr.rel @p1 .LBB2_13-.Ltmp5, $4  }
0x162: {  	v8 =	vadd.f32 v10, v8;
	v12 =	vshll.u32 v16, $0x10;
	v20 =	vand.u32 $0xFFFF0000, v16  }
0x163: {  	v15 =	vshll.u32 v13, $0x10;
	v10 =	vand.u32 $0xFFFF0000, v13;
	v0 =	vmax.f32 v0, v9  }
0x164: {  	s22 =	sshra.s32 s23, $0x2;
	v12 =	vadd.f32 v12, v17;
	v18 =	vshll.u32 v14, $0x10;
	v16 =	vand.u32 $0xFFFF0000, v14  }
0x165: {  	s23 =	sadd.s32 $0x100, s23;
	v13 =	vadd.f32 v20, v19;
	v9 =	vld [tilespmem:s22+$0xAC30];
	v17 =	vshll.u32 v21, $0x10;
	v14 =	vand.u32 $0xFFFF0000, v21  }
0x166: {  	v19 =	vld [tilespmem:s22+$0xEC30]  }
0x167: {  	v15 =	vadd.f32 v18, v15;
	v18 =	vshll.u32 v11, $0x10;
	v11 =	vand.u32 $0xFFFF0000, v11;
	v20 =	vld [tilespmem:s22+$0xAC00]  }
0x168: {  	v1 =	vmax.f32 v1, v12;
	v10 =	vadd.f32 v16, v10;
	v16 =	vld [tilespmem:s22+$0xEC00];
	v12 =	vadd.f32 v18, v17  }
0x169: {  	v7 =	vmax.f32 v7, v8;
	v4 =	vmax.f32 v4, v13;
	v11 =	vadd.f32 v11, v14;
	v13 =	vld [tilespmem:s22+$0xAC10]  }
0x16a: {  	v8 =	vld [tilespmem:s22+$0xEC10];
	v5 =	vmax.f32 v5, v15;
	v2 =	vmax.f32 v2, v10;
	v6 =	vmax.f32 v6, v12  }
0x16b: {  	v18 =	vld [tilespmem:s22+$0xEC20];
	v3 =	vmax.f32 v3, v11;
	v10 =	vshll.u32 v9, $0x10;
	v9 =	vand.u32 $0xFFFF0000, v9  }
0x16c: {  	v11 =	vld [tilespmem:s22+$0xAC20];
	v12 =	vshll.u32 v19, $0x10;
	v14 =	vand.u32 $0xFFFF0000, v19;
	v15 =	vshll.u32 v20, $0x10  }
0x16d: {  	v17 =	vand.u32 $0xFFFF0000, v20;
	v9 =	vadd.f32 v14, v9;
	v14 =	vshll.u32 v16, $0x10  }
0x16e: {  	v16 =	vand.u32 $0xFFFF0000, v16;
	v10 =	vadd.f32 v12, v10;
	v12 =	vshll.u32 v13, $0x10  }
0x16f: {  	v13 =	vand.u32 $0xFFFF0000, v13;
	v0 =	vmax.f32 v0, v9;
	v9 =	vadd.f32 v14, v15  }
0x170: {  	v14 =	vshll.u32 v8, $0x10;
	v8 =	vand.u32 $0xFFFF0000, v8;
	v15 =	vadd.f32 v16, v17  }
0x171: {  	v16 =	vshll.u32 v11, $0x10;
	v11 =	vand.u32 $0xFFFF0000, v11;
	v17 =	vand.u32 $0xFFFF0000, v18  }
0x172: {  	v7 =	vmax.f32 v7, v10;
	v12 =	vadd.f32 v14, v12;
	v14 =	vshll.u32 v18, $0x10  }
0x173: {  	v8 =	vadd.f32 v8, v13;
	v11 =	vadd.f32 v17, v11;
	v0 =	vmax.f32 v0, $0.0e+00  }
0x174: {  	v1 =	vmax.f32 v1, v9;
	v9 =	vadd.f32 v14, v16;
	v4 =	vmax.f32 v4, v15  }
0x175: {  	v5 =	vmax.f32 v5, v12;
	v2 =	vmax.f32 v2, v8;
	v1 =	vmax.f32 v1, $0.0e+00  }
0x176: {  	v4 =	vmax.f32 v4, $0.0e+00;
	v3 =	vmax.f32 v3, v11;
	v6 =	vmax.f32 v6, v9  }
0x177: {  	v1 =	vadd.s32 $0x8000, v1;
	v4 =	vadd.s32 $0x8000, v4;
	v2 =	vmax.f32 v2, $0.0e+00  }
0x178: {  	v3 =	vmax.f32 v3, $0.0e+00;
	v1 =	vshrl.u32 v1, $0x10;
	v4 =	vand.u32 $0xFFFF0000, v4  }
0x179: {  	v2 =	vadd.s32 $0x8000, v2;
	v1 =	vor.u32 v1, v4;
	v4 =	vmax.f32 v5, $0.0e+00  }
0x17a: {  	v3 =	vadd.s32 $0x8000, v3;
	v5 =	vmax.f32 v6, $0.0e+00;
	v4 =	vadd.s32 $0x8000, v4  }
0x17b: {  	v2 =	vand.u32 $0xFFFF0000, v2;
	v5 =	vadd.s32 $0x8000, v5;
	v4 =	vshrl.u32 v4, $0x10  }
0x17c: {  	v2 =	vor.u32 v4, v2;
	v4 =	vshrl.u32 v5, $0x10;
	v5 =	vmax.f32 v7, $0.0e+00  }
0x17d: {  	v0 =	vadd.s32 $0x8000, v0;
	[tilespmem:$0x10440] =	vst v1;
	v1 =	vand.u32 $0xFFFF0000, v3;
	v3 =	vadd.s32 $0x8000, v5  }
0x17e: {  	v0 =	vand.u32 $0xFFFF0000, v0;
	[tilespmem:$0x10450] =	vst v2;
	v1 =	vor.u32 v4, v1;
	v2 =	vshrl.u32 v3, $0x10  }
0x17f: {  	[tilespmem:$0x10460] =	vst v1;
	v0 =	vor.u32 v2, v0  }
0x180: {  	s24 =	simm.s32 $0x0;
	[tilespmem:$0x10470] =	vst v0  }
0x181: {  	v0 =	vld [tilespmem:s24+$0xB430]  }
0x182: {  	v2 =	vld [tilespmem:s24+$0xF430]  }
0x183: {  	v3 =	vld [tilespmem:s24+$0xB400]  }
0x184: {  	v5 =	vld [tilespmem:s24+$0xB410]  }
0x185: {  	v4 =	vld [tilespmem:s24+$0xF400]  }
0x186: {  	v6 =	vld [tilespmem:s24+$0xF410]  }
0x187: {  	v1 =	vimm.f32 $-Inf;
	v9 =	vld [tilespmem:s24+$0xB420];
	v7 =	vshll.u32 v0, $0x10  }
0x188: {  	v0 =	vand.u32 $0xFFFF0000, v0;
	v8 =	vshll.u32 v2, $0x10;
	v2 =	vand.u32 $0xFFFF0000, v2  }
0x189: {  	v11 =	vshll.u32 v3, $0x10;
	v3 =	vand.u32 $0xFFFF0000, v3;
	v15 =	vshll.u32 v5, $0x10  }
0x18a: {  	v10 =	vand.u32 $0xFFFF0000, v5;
	v0 =	vadd.f32 v2, v0;
	v2 =	vshll.u32 v4, $0x10  }
0x18b: {  	v18 =	vshll.u32 v6, $0x10;
	v16 =	vand.u32 $0xFFFF0000, v6;
	v12 =	vadd.f32 v2, v11;
	v11 =	vld [tilespmem:s24+$0xF420]  }
0x18c: {  	v17 =	vshll.u32 v9, $0x10;
	v14 =	vand.u32 $0xFFFF0000, v9;
	v5 =	vimm.f32 $-Inf  }
0x18d: {  	v6 =	vimm.f32 $-Inf;
	v4 =	vand.u32 $0xFFFF0000, v4;
	v8 =	vadd.f32 v8, v7  }
0x18e: {  	s22 =	simm.s32 $0x40;
	v7 =	vimm.f32 $-Inf;
	v13 =	vadd.f32 v4, v3;
	v4 =	vimm.f32 $-Inf  }
0x18f: {  	s23 =	simm.s32 $0x200;
	v9 =	vld [tilespmem:s22+$0xB430];
	v2 =	vimm.f32 $-Inf;
	v3 =	vimm.f32 $-Inf;
	v0 =	vmax.f32 v1, v0  }
.LBB2_15:
0x190: {  	p1 =	sne.s32 s23, $0x1F00;
	v19 =	vld [tilespmem:s22+$0xF430];
	v15 =	vadd.f32 v18, v15;
	v18 =	vshll.u32 v11, $0x10;
	v11 =	vand.u32 $0xFFFF0000, v11  }
0x191: {  	v1 =	vmax.f32 v1, v12;
	v10 =	vadd.f32 v16, v10;
	v20 =	vld [tilespmem:s22+$0xB400];
	v12 =	vadd.f32 v18, v17  }
0x192: {  	v4 =	vmax.f32 v4, v13;
	v11 =	vadd.f32 v11, v14;
	v16 =	vld [tilespmem:s22+$0xF400];
	v5 =	vmax.f32 v5, v15  }
0x193: {  	v7 =	vmax.f32 v7, v8;
	v2 =	vmax.f32 v2, v10;
	v13 =	vld [tilespmem:s22+$0xB410];
	v6 =	vmax.f32 v6, v12  }
0x194: {  	v3 =	vmax.f32 v3, v11;
	v14 =	vld [tilespmem:s22+$0xF410];
	v8 =	vshll.u32 v9, $0x10  }
0x195: {  	v9 =	vand.u32 $0xFFFF0000, v9;
	v21 =	vld [tilespmem:s22+$0xB420];
	v10 =	vshll.u32 v19, $0x10;
	v12 =	vand.u32 $0xFFFF0000, v19  }
.Ltmp6:
0x196: {  	v17 =	vshll.u32 v20, $0x10;
	v19 =	vand.u32 $0xFFFF0000, v20;
	v11 =	vld [tilespmem:s22+$0xF420];
	v9 =	vadd.f32 v12, v9;
	(pc) =	sbr.rel @p1 .LBB2_15-.Ltmp6, $4  }
0x197: {  	v8 =	vadd.f32 v10, v8;
	v12 =	vshll.u32 v16, $0x10;
	v20 =	vand.u32 $0xFFFF0000, v16  }
0x198: {  	v15 =	vshll.u32 v13, $0x10;
	v10 =	vand.u32 $0xFFFF0000, v13;
	v0 =	vmax.f32 v0, v9  }
0x199: {  	s22 =	sshra.s32 s23, $0x2;
	v12 =	vadd.f32 v12, v17;
	v18 =	vshll.u32 v14, $0x10;
	v16 =	vand.u32 $0xFFFF0000, v14  }
0x19a: {  	s23 =	sadd.s32 $0x100, s23;
	v13 =	vadd.f32 v20, v19;
	v9 =	vld [tilespmem:s22+$0xB430];
	v17 =	vshll.u32 v21, $0x10;
	v14 =	vand.u32 $0xFFFF0000, v21  }
0x19b: {  	v19 =	vld [tilespmem:s22+$0xF430]  }
0x19c: {  	v15 =	vadd.f32 v18, v15;
	v18 =	vshll.u32 v11, $0x10;
	v11 =	vand.u32 $0xFFFF0000, v11;
	v20 =	vld [tilespmem:s22+$0xB400]  }
0x19d: {  	v1 =	vmax.f32 v1, v12;
	v10 =	vadd.f32 v16, v10;
	v16 =	vld [tilespmem:s22+$0xF400];
	v12 =	vadd.f32 v18, v17  }
0x19e: {  	v7 =	vmax.f32 v7, v8;
	v4 =	vmax.f32 v4, v13;
	v11 =	vadd.f32 v11, v14;
	v13 =	vld [tilespmem:s22+$0xB410]  }
0x19f: {  	v8 =	vld [tilespmem:s22+$0xF410];
	v5 =	vmax.f32 v5, v15;
	v2 =	vmax.f32 v2, v10;
	v6 =	vmax.f32 v6, v12  }
0x1a0: {  	v18 =	vld [tilespmem:s22+$0xF420];
	v3 =	vmax.f32 v3, v11;
	v10 =	vshll.u32 v9, $0x10;
	v9 =	vand.u32 $0xFFFF0000, v9  }
0x1a1: {  	v11 =	vld [tilespmem:s22+$0xB420];
	v12 =	vshll.u32 v19, $0x10;
	v14 =	vand.u32 $0xFFFF0000, v19;
	v15 =	vshll.u32 v20, $0x10  }
0x1a2: {  	v17 =	vand.u32 $0xFFFF0000, v20;
	v9 =	vadd.f32 v14, v9;
	v14 =	vshll.u32 v16, $0x10  }
0x1a3: {  	v16 =	vand.u32 $0xFFFF0000, v16;
	v10 =	vadd.f32 v12, v10;
	v12 =	vshll.u32 v13, $0x10  }
0x1a4: {  	v13 =	vand.u32 $0xFFFF0000, v13;
	v0 =	vmax.f32 v0, v9;
	v9 =	vadd.f32 v14, v15  }
0x1a5: {  	v14 =	vshll.u32 v8, $0x10;
	v8 =	vand.u32 $0xFFFF0000, v8;
	v15 =	vadd.f32 v16, v17  }
0x1a6: {  	v16 =	vshll.u32 v11, $0x10;
	v11 =	vand.u32 $0xFFFF0000, v11;
	v17 =	vand.u32 $0xFFFF0000, v18  }
0x1a7: {  	v7 =	vmax.f32 v7, v10;
	v12 =	vadd.f32 v14, v12;
	v14 =	vshll.u32 v18, $0x10  }
0x1a8: {  	v8 =	vadd.f32 v8, v13;
	v11 =	vadd.f32 v17, v11;
	v0 =	vmax.f32 v0, $0.0e+00  }
0x1a9: {  	v1 =	vmax.f32 v1, v9;
	v9 =	vadd.f32 v14, v16;
	v4 =	vmax.f32 v4, v15  }
0x1aa: {  	v5 =	vmax.f32 v5, v12;
	v2 =	vmax.f32 v2, v8;
	v1 =	vmax.f32 v1, $0.0e+00  }
0x1ab: {  	v4 =	vmax.f32 v4, $0.0e+00;
	v3 =	vmax.f32 v3, v11;
	v6 =	vmax.f32 v6, v9  }
0x1ac: {  	v1 =	vadd.s32 $0x8000, v1;
	v4 =	vadd.s32 $0x8000, v4;
	v2 =	vmax.f32 v2, $0.0e+00  }
0x1ad: {  	v3 =	vmax.f32 v3, $0.0e+00;
	v1 =	vshrl.u32 v1, $0x10;
	v4 =	vand.u32 $0xFFFF0000, v4  }
0x1ae: {  	v2 =	vadd.s32 $0x8000, v2;
	v1 =	vor.u32 v1, v4;
	v4 =	vmax.f32 v5, $0.0e+00  }
0x1af: {  	v3 =	vadd.s32 $0x8000, v3;
	v5 =	vmax.f32 v6, $0.0e+00;
	v4 =	vadd.s32 $0x8000, v4  }
0x1b0: {  	v2 =	vand.u32 $0xFFFF0000, v2;
	v5 =	vadd.s32 $0x8000, v5;
	v4 =	vshrl.u32 v4, $0x10  }
0x1b1: {  	v2 =	vor.u32 v4, v2;
	v4 =	vshrl.u32 v5, $0x10;
	v5 =	vmax.f32 v7, $0.0e+00  }
0x1b2: {  	v0 =	vadd.s32 $0x8000, v0;
	[tilespmem:$0x10480] =	vst v1;
	v1 =	vand.u32 $0xFFFF0000, v3;
	v3 =	vadd.s32 $0x8000, v5  }
0x1b3: {  	v0 =	vand.u32 $0xFFFF0000, v0;
	[tilespmem:$0x10490] =	vst v2;
	v1 =	vor.u32 v4, v1;
	v2 =	vshrl.u32 v3, $0x10  }
0x1b4: {  	[tilespmem:$0x104A0] =	vst v1;
	v0 =	vor.u32 v2, v0  }
0x1b5: {  	s24 =	simm.s32 $0x0;
	[tilespmem:$0x104B0] =	vst v0  }
0x1b6: {  	v0 =	vld [tilespmem:s24+$0xBC30]  }
0x1b7: {  	v2 =	vld [tilespmem:s24+$0xFC30]  }
0x1b8: {  	v3 =	vld [tilespmem:s24+$0xBC00]  }
0x1b9: {  	v5 =	vld [tilespmem:s24+$0xBC10]  }
0x1ba: {  	v4 =	vld [tilespmem:s24+$0xFC00]  }
0x1bb: {  	v6 =	vld [tilespmem:s24+$0xFC10]  }
0x1bc: {  	v1 =	vimm.f32 $-Inf;
	v9 =	vld [tilespmem:s24+$0xBC20];
	v7 =	vshll.u32 v0, $0x10  }
0x1bd: {  	v0 =	vand.u32 $0xFFFF0000, v0;
	v8 =	vshll.u32 v2, $0x10;
	v2 =	vand.u32 $0xFFFF0000, v2  }
0x1be: {  	v11 =	vshll.u32 v3, $0x10;
	v3 =	vand.u32 $0xFFFF0000, v3;
	v15 =	vshll.u32 v5, $0x10  }
0x1bf: {  	v10 =	vand.u32 $0xFFFF0000, v5;
	v0 =	vadd.f32 v2, v0;
	v2 =	vshll.u32 v4, $0x10  }
0x1c0: {  	v18 =	vshll.u32 v6, $0x10;
	v16 =	vand.u32 $0xFFFF0000, v6;
	v12 =	vadd.f32 v2, v11;
	v11 =	vld [tilespmem:s24+$0xFC20]  }
0x1c1: {  	v17 =	vshll.u32 v9, $0x10;
	v14 =	vand.u32 $0xFFFF0000, v9;
	v5 =	vimm.f32 $-Inf  }
0x1c2: {  	v6 =	vimm.f32 $-Inf;
	v4 =	vand.u32 $0xFFFF0000, v4;
	v8 =	vadd.f32 v8, v7  }
0x1c3: {  	s22 =	simm.s32 $0x40;
	v7 =	vimm.f32 $-Inf;
	v13 =	vadd.f32 v4, v3;
	v4 =	vimm.f32 $-Inf  }
0x1c4: {  	s23 =	simm.s32 $0x200;
	v9 =	vld [tilespmem:s22+$0xBC30];
	v2 =	vimm.f32 $-Inf;
	v3 =	vimm.f32 $-Inf;
	v0 =	vmax.f32 v1, v0  }
.LBB2_17:
0x1c5: {  	p1 =	sne.s32 s23, $0x1F00;
	v19 =	vld [tilespmem:s22+$0xFC30];
	v15 =	vadd.f32 v18, v15;
	v18 =	vshll.u32 v11, $0x10;
	v11 =	vand.u32 $0xFFFF0000, v11  }
0x1c6: {  	v1 =	vmax.f32 v1, v12;
	v10 =	vadd.f32 v16, v10;
	v20 =	vld [tilespmem:s22+$0xBC00];
	v12 =	vadd.f32 v18, v17  }
0x1c7: {  	v4 =	vmax.f32 v4, v13;
	v11 =	vadd.f32 v11, v14;
	v16 =	vld [tilespmem:s22+$0xFC00];
	v5 =	vmax.f32 v5, v15  }
0x1c8: {  	v7 =	vmax.f32 v7, v8;
	v2 =	vmax.f32 v2, v10;
	v13 =	vld [tilespmem:s22+$0xBC10];
	v6 =	vmax.f32 v6, v12  }
0x1c9: {  	v3 =	vmax.f32 v3, v11;
	v14 =	vld [tilespmem:s22+$0xFC10];
	v8 =	vshll.u32 v9, $0x10  }
0x1ca: {  	v9 =	vand.u32 $0xFFFF0000, v9;
	v21 =	vld [tilespmem:s22+$0xBC20];
	v10 =	vshll.u32 v19, $0x10;
	v12 =	vand.u32 $0xFFFF0000, v19  }
.Ltmp7:
0x1cb: {  	v17 =	vshll.u32 v20, $0x10;
	v19 =	vand.u32 $0xFFFF0000, v20;
	v11 =	vld [tilespmem:s22+$0xFC20];
	v9 =	vadd.f32 v12, v9;
	(pc) =	sbr.rel @p1 .LBB2_17-.Ltmp7, $4  }
0x1cc: {  	v8 =	vadd.f32 v10, v8;
	v12 =	vshll.u32 v16, $0x10;
	v20 =	vand.u32 $0xFFFF0000, v16  }
0x1cd: {  	v15 =	vshll.u32 v13, $0x10;
	v10 =	vand.u32 $0xFFFF0000, v13;
	v0 =	vmax.f32 v0, v9  }
0x1ce: {  	s22 =	sshra.s32 s23, $0x2;
	v12 =	vadd.f32 v12, v17;
	v18 =	vshll.u32 v14, $0x10;
	v16 =	vand.u32 $0xFFFF0000, v14  }
0x1cf: {  	s23 =	sadd.s32 $0x100, s23;
	v13 =	vadd.f32 v20, v19;
	v9 =	vld [tilespmem:s22+$0xBC30];
	v17 =	vshll.u32 v21, $0x10;
	v14 =	vand.u32 $0xFFFF0000, v21  }
0x1d0: {  	v19 =	vld [tilespmem:s22+$0xFC30]  }
0x1d1: {  	v20 =	vld [tilespmem:s22+$0xBC00]  }
0x1d2: {  	v15 =	vadd.f32 v18, v15;
	v34 =	vshll.u32 v11, $0x10;
	v35 =	vand.u32 $0xFFFF0000, v11;
	v37 =	vld [tilespmem:s22+$0xFC00]  }
0x1d3: {  	v1 =	vmax.f32 v1, v12;
	v10 =	vadd.f32 v16, v10;
	v38 =	vld [tilespmem:s22+$0xBC10];
	v36 =	vadd.f32 v34, v17  }
0x1d4: {  	v7 =	vmax.f32 v7, v8;
	v39 =	vld [tilespmem:s22+$0xFC10];
	v4 =	vmax.f32 v4, v13;
	v11 =	vadd.f32 v35, v14  }
0x1d5: {  	v42 =	vld [tilespmem:s22+$0xBC20];
	v5 =	vmax.f32 v5, v15;
	v2 =	vmax.f32 v2, v10;
	v6 =	vmax.f32 v6, v36  }
0x1d6: {  	v3 =	vmax.f32 v3, v11;
	v40 =	vshll.u32 v9, $0x10;
	v41 =	vand.u32 $0xFFFF0000, v9  }
0x1d7: {  	v47 =	vld [tilespmem:s22+$0xFC20];
	v43 =	vshll.u32 v19, $0x10;
	v44 =	vand.u32 $0xFFFF0000, v19;
	v45 =	vshll.u32 v20, $0x10  }
0x1d8: {  	v46 =	vand.u32 $0xFFFF0000, v20;
	v48 =	vshll.u32 v37, $0x10;
	v16 =	vand.u32 $0xFFFF0000, v37  }
0x1d9: {  	v49 =	vshll.u32 v38, $0x10;
	v13 =	vand.u32 $0xFFFF0000, v38;
	v51 =	vshll.u32 v39, $0x10  }
0x1da: {  	v8 =	vand.u32 $0xFFFF0000, v39;
	v53 =	vshll.u32 v42, $0x10;
	v9 =	vadd.f32 v44, v41  }
0x1db: {  	v11 =	vand.u32 $0xFFFF0000, v42;
	v10 =	vadd.f32 v43, v40;
	v50 =	vadd.f32 v48, v45  }
0x1dc: {  	v54 =	vshll.u32 v47, $0x10;
	v52 =	vadd.f32 v16, v46;
	v12 =	vadd.f32 v51, v49  }
0x1dd: {  	v55 =	vand.u32 $0xFFFF0000, v47;
	v8 =	vadd.f32 v8, v13;
	v56 =	vadd.f32 v54, v53  }
0x1de: {  	v11 =	vadd.f32 v55, v11;
	v0 =	vmax.f32 v0, v9;
	v1 =	vmax.f32 v1, v50  }
0x1df: {  	v4 =	vmax.f32 v4, v52;
	v5 =	vmax.f32 v5, v12;
	v2 =	vmax.f32 v2, v8  }
0x1e0: {  	v6 =	vmax.f32 v6, v56;
	v7 =	vmax.f32 v7, v10;
	v3 =	vmax.f32 v3, v11  }
0x1e1: {  	v1 =	vmax.f32 v1, $0.0e+00;
	v4 =	vmax.f32 v4, $0.0e+00;
	v57 =	vmax.f32 v5, $0.0e+00  }
0x1e2: {  	v2 =	vmax.f32 v2, $0.0e+00;
	v58 =	vmax.f32 v6, $0.0e+00;
	v3 =	vmax.f32 v3, $0.0e+00  }
0x1e3: {  	v60 =	vmax.f32 v7, $0.0e+00;
	v0 =	vmax.f32 v0, $0.0e+00;
	v1 =	vadd.s32 $0x8000, v1  }
0x1e4: {  	v4 =	vadd.s32 $0x8000, v4;
	v2 =	vadd.s32 $0x8000, v2;
	v5 =	vadd.s32 $0x8000, v58  }
0x1e5: {  	v3 =	vadd.s32 $0x8000, v3;
	v62 =	vadd.s32 $0x8000, v60;
	v0 =	vadd.s32 $0x8000, v0  }
0x1e6: {  	v1 =	vshrl.u32 v1, $0x10;
	v4 =	vand.u32 $0xFFFF0000, v4;
	v59 =	vshrl.u32 v5, $0x10  }
0x1e7: {  	v63 =	vshrl.u32 v62, $0x10;
	v0 =	vand.u32 $0xFFFF0000, v0;
	v1 =	vor.u32 v1, v4  }
0x1e8: {  	v61 =	vand.u32 $0xFFFF0000, v3;
	v4 =	vadd.s32 $0x8000, v57;
	v0 =	vor.u32 v63, v0;
	[tilespmem:$0x104C0] =	vst v1  }
0x1e9: {  	s20 =	sadd.s32 s20, s15;
	v2 =	vand.u32 $0xFFFF0000, v2;
	v4 =	vshrl.u32 v4, $0x10;
	v1 =	vor.u32 v59, v61;
	[tilespmem:$0x104F0] =	vst v0  }
0x1ea: {  	s20 =	sshrl.u32 s20, $0x3;
	v2 =	vor.u32 v4, v2;
	[tilespmem:$0x104E0] =	vst v1  }
0x1eb: {  	s20 =	sadd.s32 s1, s20;
	[tilespmem:$0x104D0] =	vst v2  }
0x1ec: {  	[hbm4b:s20+s4] =	stream.linear.scatter [tilespmem:s29], [sflag:$0x5], $0x100, $0x38;
	[tilespmem:$0x1A140] =	vst v63  }
0x1ed: {  	s20 =	sadd.s32 $0x3, s21  }
0x1ee: {  	_ =	swait.ge [sflag:s18], $0x100;
	p1 =	sge.u32 s20, s7  }
0x1ef: {  	[sflag:s18] =	ssyncset.done $0x0;
	s20 =	sshll.u32 @!p1 s20, $0x7  }
0x1f0: {  	s21 =	simm.s32 @!p1 $0x80;
	s22 =	simm.s32 @!p1 $0xA400;
	[sflag:s18] =	ssyncadd.s32 $0xFFFFFF00  }
0x1f1: {  	[tilespmem:s22], [sflag:$0x2] =	stream.indirect.gather @!p1 [spmem:s3], $0x40, s20, s21, $0xb8;
	[tilespmem:$0x1A140] =	vst v63  }
0x1f2: {  	s2 =	sadd.s32 $0x1, s2;
	s20 =	sadd.s32 @!p1 $0x4200, s20;
	s22 =	simm.s32 @!p1 $0xE400  }
0x1f3: {  	[tilespmem:s22], [sflag:$0x4] =	stream.indirect.gather @!p1 [hbm4b:s5+s21], $0x40, s20, s21, $0xb8;
	[tilespmem:$0x1A140] =	vst v63  }
0x1f4: {  	p1 =	sne.s32 s2, s14  }
.Ltmp8:
0x1f5: {  	_ = 	snop;
	(pc) =	sbr.rel @p1 .LBB2_2-.Ltmp8, $1  }
0x1f6: {  	_ =	sdelay $0x3  }
0x1f7: {  	s0 =	sadd.s32 $0x1, s0  }
0x1f8: {  	p1 =	sne.s32 s0, s16  }
.Ltmp9:
0x1f9: {  	_ = 	snop;
	(pc) =	sbr.rel @p1 .LBB2_1-.Ltmp9, $1  }
0x1fa: {  	_ =	sdelay $0x3  }
0x1fb: {  	_ =	sfence.sel $0x180000  }
0x1fc: {  	[bflag:$0x0] =	sbarrier.arrive $0xFFFF  }
0x1fd: {  	_ =	strace $0x90000047  }
0x1fe: {  	s0 =	stileid.u32;
	[bflag:$0x2] =	sbarrier.arrive $0xFFFF  }
0x1ff: {  	p0 =	sne.s32 s0, $0x0;
	s0 =	rddreg [dreg:$0x3]  }
0x200: {  	s0 =	sadd.s32 @!p0 $0x100000, s0  }
0x201: {  	[sflag:s0] =	ssyncadd.tile.s32 @!p0 $0x1;
	_ =	shalt  }
.Lfunc_end2:
_tile_overlayer_lowered:
.L_overlay_start_2:
0x202: {  	(tag) =	ssettag $0x2  }
0x203: {  	s0 =	rddreg [dreg:$0x0];
	s2 =	stileid.u32  }
0x204: {  	s1 =	rddreg [dreg:$0x1];
	p0 =	sne.s32 s2, $0x0  }
0x205: {  	s3 =	rddreg [dreg:$0x2];
	[bflag:$0x3] =	sbarrier.arrive $0xFFFF;
	s2 =	simm.s32 @!p0 $0x1C05  }
0x206: {  	[timem:s3], [sflag:s2] =	dma.local @!p0 [hbm:s0], s1  }
0x207: {  	s0 =	simm.s32 @!p0 $0x5  }
0x208: {  	_ =	swait.ge @!p0 [sflag:s0], s1  }
0x209: {  	s1 =	ssub.s32 @!p0 $0x0, s1;
	[sflag:s0] =	ssyncset.done @!p0 $0x0  }
0x20a: {  	[sflag:s0] =	ssyncadd.s32 @!p0 s1  }
0x20b: {  	[bflag:$0x3] =	sbarrier.arrive $0xFFFF  }
0x20c: {  	_ =	shalt  }

</sc_bundles>
